<compile_context>
chip_gen: v7x
topology: tpu7x:2x2x1
jax: 0.10.2.dev20260603
libtpu: 0.0.44.dev20260713+nightly
codegen_flags: <defaults>
</compile_context>

<pallas_src>
import functools

import jax
import jax.numpy as jnp
from jax import lax
from jax.experimental import pallas as pl
from jax.experimental.pallas import tpu as pltpu
from jax.experimental.pallas import tpu_sc as plsc

_NC = 2
_NS = 16
_NW = _NC * _NS


def _mesh():
    return plsc.VectorSubcoreMesh(
        core_axis_name="c", subcore_axis_name="s",
        num_cores=_NC, num_subcores=_NS)


def _sc_gather(h, row, col, ne, off, chunk=80):
    n, hdim = h.shape
    per_w = ne // _NW
    n_chunks = per_w // chunk

    @functools.partial(
        pl.kernel,
        out_type=(jax.ShapeDtypeStruct((ne, hdim), h.dtype),
                  jax.ShapeDtypeStruct((ne, hdim), h.dtype)),
        mesh=_mesh(),
        scratch_types=[
            pltpu.VMEM((per_w,), jnp.int32),
            pltpu.VMEM((per_w,), jnp.int32),
            pltpu.VMEM((chunk, hdim), h.dtype),
            pltpu.VMEM((chunk, hdim), h.dtype),
            pltpu.VMEM((chunk, hdim), h.dtype),
            pltpu.VMEM((chunk, hdim), h.dtype),
            pltpu.SemaphoreType.DMA,
            pltpu.SemaphoreType.DMA,
            pltpu.SemaphoreType.DMA,
            pltpu.SemaphoreType.DMA,
            pltpu.SemaphoreType.DMA,
            pltpu.SemaphoreType.DMA,
            pltpu.SemaphoreType.DMA,
            pltpu.SemaphoreType.DMA,
        ],
    )
    def k(h_hbm, row_hbm, col_hbm, hr_hbm, hc_hbm,
          idrf, idcf, bufr0, bufc0, bufr1, bufc1,
          sgr0, sgc0, sgr1, sgc1, swr0, swc0, swr1, swc1):
        wid = lax.axis_index("s") * _NC + lax.axis_index("c")
        base = wid * per_w
        bufr = (bufr0, bufr1)
        bufc = (bufc0, bufc1)
        sg_r = (sgr0, sgr1)
        sg_c = (sgc0, sgc1)
        sw_r = (swr0, swr1)
        sw_c = (swc0, swc1)

        def start_gather(j, b):
            pltpu.async_copy(h_hbm.at[idrf.at[pl.ds(j * chunk, chunk)]],
                             bufr[b], sg_r[b])
            pltpu.async_copy(h_hbm.at[idcf.at[pl.ds(j * chunk, chunk)]],
                             bufc[b], sg_c[b])

        def wait_gather(j, b):
            pltpu.make_async_copy(
                h_hbm.at[idrf.at[pl.ds(j * chunk, chunk)]],
                bufr[b], sg_r[b]).wait()
            pltpu.make_async_copy(
                h_hbm.at[idcf.at[pl.ds(j * chunk, chunk)]],
                bufc[b], sg_c[b]).wait()

        def start_wb(j, b):
            off = base + j * chunk
            pltpu.async_copy(bufr[b], hr_hbm.at[pl.ds(off, chunk)], sw_r[b])
            pltpu.async_copy(bufc[b], hc_hbm.at[pl.ds(off, chunk)], sw_c[b])

        def wait_wb(j, b):
            off = base + j * chunk
            pltpu.make_async_copy(
                bufr[b], hr_hbm.at[pl.ds(off, chunk)], sw_r[b]).wait()
            pltpu.make_async_copy(
                bufc[b], hc_hbm.at[pl.ds(off, chunk)], sw_c[b]).wait()

        pltpu.sync_copy(row_hbm.at[pl.ds(off + base, per_w)], idrf)
        pltpu.sync_copy(col_hbm.at[pl.ds(off + base, per_w)], idcf)
        start_gather(0, 0)
        start_gather(1, 1)
        wait_gather(0, 0)
        start_wb(0, 0)

        def body(g, carry):
            for s in range(2):
                j = 2 * g + 1 + s
                b = (1 + s) % 2
                wait_wb(j - 1, 1 - b)
                start_gather(j + 1, 1 - b)
                wait_gather(j, b)
                start_wb(j, b)
            return carry

        n_pairs = (n_chunks - 2) // 2
        lax.fori_loop(0, n_pairs, body, 0)

        jl = 2 * n_pairs + 1
        if n_chunks % 2:
            wait_wb(jl - 1, 0)
            start_gather(jl + 1, 0)
            wait_gather(jl, 1)
            start_wb(jl, 1)
            wait_gather(jl + 1, 0)
            start_wb(jl + 1, 0)
            wait_wb(jl, 1)
            wait_wb(jl + 1, 0)
        else:
            wait_gather(jl, 1)
            start_wb(jl, 1)
            wait_wb(jl - 1, 0)
            wait_wb(jl, 1)

    return k(h, row, col)


def _sc_scatter(ef, row, n, off, chunk=80):
    e, hdim = ef.shape
    per_tile = e // _NS
    n_chunks = per_tile // chunk
    half = (-(-n // (2 * 8)) * 8)
    rows_per_tile = -(-(half + 1) // (_NS * 8)) * 8
    acc_rows = rows_per_tile * _NS
    lanes = hdim // 16
    zrows = rows_per_tile // 8

    @functools.partial(
        pl.kernel,
        out_type=(jax.ShapeDtypeStruct((_NC, acc_rows, hdim), jnp.float32),
                  jax.ShapeDtypeStruct((_NC, acc_rows, hdim), jnp.float32)),
        mesh=_mesh(),
        scratch_types=[
            pltpu.VMEM((chunk,), jnp.int32),
            pltpu.VMEM((chunk,), jnp.int32),
            pltpu.VMEM((chunk, hdim), jnp.float32),
            pltpu.VMEM((chunk, hdim), jnp.float32),
            pltpu.VMEM((chunk, hdim), jnp.float32),
            pltpu.VMEM((zrows, hdim), jnp.float32),
            pltpu.VMEM_SHARED((acc_rows, hdim), jnp.float32),
            pltpu.VMEM_SHARED((acc_rows, hdim), jnp.float32),
            pltpu.SemaphoreType.DMA,
            pltpu.SemaphoreType.DMA,
        ],
    )
    def k(ef_hbm, row_hbm, sums_hbm, cnts_hbm,
          idx, idx2, buf0, buf1, ones, zeros, acc_sh, acc1_sh, sem0, sem1):
        cid = lax.axis_index("c")
        sid = lax.axis_index("s")
        base = sid * per_tile
        r0 = sid * rows_per_tile
        lo = cid * half

        def fill(i, carry):
            r = i // lanes
            q = i % lanes
            zeros[r, pl.ds(q * 16, 16)] = jnp.zeros((16,), jnp.float32)
            return carry

        lax.fori_loop(0, zrows * lanes, fill, 0)

        def fill1(i, carry):
            r = i // lanes
            q = i % lanes
            ones[r, pl.ds(q * 16, 16)] = jnp.ones((16,), jnp.float32)
            return carry

        lax.fori_loop(0, chunk * lanes, fill1, 0)

        def localize(j, carry):
            del j, carry
            for q in range(chunk // 16):
                v = idx[pl.ds(q * 16, 16)] - lo
                ok = (v >= 0) & (v < half)
                idx2[pl.ds(q * 16, 16)] = jnp.where(ok, v, half + sid)

        for z in range(rows_per_tile // zrows):
            pltpu.sync_copy(zeros, acc_sh.at[pl.ds(r0 + z * zrows, zrows)])
            pltpu.sync_copy(zeros, acc1_sh.at[pl.ds(r0 + z * zrows, zrows)])

        bufs = (buf0, buf1)
        sems = (sem0, sem1)

        pltpu.async_copy(ef_hbm.at[pl.ds(base, chunk)], bufs[0], sems[0])
        plsc.subcore_barrier()

        def step(j, b):
            def start(nj=None, nb=1 - b):
                pltpu.async_copy(
                    ef_hbm.at[pl.ds(base + nj * chunk, chunk)],
                    bufs[nb], sems[nb])

            pl.when(j + 1 < n_chunks)(
                functools.partial(start, nj=j + 1))
            pltpu.sync_copy(
                row_hbm.at[pl.ds(off + base + j * chunk, chunk)], idx)
            localize(j, 0)
            pltpu.make_async_copy(
                ef_hbm.at[pl.ds(base + j * chunk, chunk)],
                bufs[b], sems[b]).wait()
            pltpu.sync_copy(bufs[b], acc_sh.at[idx2], add=True)
            pltpu.sync_copy(ones, acc1_sh.at[idx2], add=True)

        def sbody(g, carry):
            for b in range(2):
                step(2 * g + b, b)
            return carry

        lax.fori_loop(0, n_chunks // 2, sbody, 0)
        if n_chunks % 2:
            step(n_chunks - 1, 0)
        plsc.subcore_barrier()
        pltpu.sync_copy(acc_sh.at[pl.ds(r0, rows_per_tile)],
                        sums_hbm.at[cid, pl.ds(r0, rows_per_tile)])
        pltpu.sync_copy(acc1_sh.at[pl.ds(r0, rows_per_tile)],
                        cnts_hbm.at[cid, pl.ds(r0, rows_per_tile)])

    return k(ef, row), half


def _silu(v):
    return v * jax.nn.sigmoid(v)


def _dot_t(a, b):
    return lax.dot_general(a, b, (((1,), (1,)), ((), ())),
                           preferred_element_type=jnp.float32)


def _tc_edge_mlp(hr, hc, ea, off, we1, be1, we2, be2, block=1600):
    e, hdim = hr.shape
    efdim = ea.shape[1]
    grid = e // block
    ob = off // block

    def body(hr_ref, hc_ref, ea_ref, w1_ref, b1_ref, w2_ref, b2_ref, out_ref):
        w1 = w1_ref[...]
        g = (_dot_t(hr_ref[...], w1[:, :hdim])
             + _dot_t(hc_ref[...], w1[:, hdim:2 * hdim])
             + _dot_t(ea_ref[...], w1[:, 2 * hdim:])
             + b1_ref[...])
        g = _silu(g)
        f = _dot_t(g, w2_ref[...]) + b2_ref[...]
        out_ref[...] = _silu(f)

    return pl.pallas_call(
        body,
        grid=(grid,),
        in_specs=[
            pl.BlockSpec((block, hdim), lambda i: (i, 0)),
            pl.BlockSpec((block, hdim), lambda i: (i, 0)),
            pl.BlockSpec((block, efdim), lambda i: (i + ob, 0)),
            pl.BlockSpec((hdim, 2 * hdim + efdim), lambda i: (0, 0)),
            pl.BlockSpec((1, hdim), lambda i: (0, 0)),
            pl.BlockSpec((hdim, hdim), lambda i: (0, 0)),
            pl.BlockSpec((1, hdim), lambda i: (0, 0)),
        ],
        out_specs=pl.BlockSpec((block, hdim), lambda i: (i, 0)),
        out_shape=jax.ShapeDtypeStruct((e, hdim), jnp.float32),
    )(hr, hc, ea, we1, be1.reshape(1, -1), we2, be2.reshape(1, -1))


def _tc_final(sumsA, cntsA, sumsB, cntsB, n, half,
              wv11, bv11, wv12, bv12, wv21, bv21, wv22, bv22):
    hi = n - half

    def body(pa_ref, ca_ref, pb_ref, cb_ref,
             w11_ref, b11_ref, w12_ref, b12_ref,
             w21_ref, b21_ref, w22_ref, b22_ref, out_ref):
        sums = jnp.concatenate(
            [pa_ref[0, :half] + pb_ref[0, :half],
             pa_ref[1, :hi] + pb_ref[1, :hi]], axis=0)
        cnt = jnp.concatenate(
            [ca_ref[0, :half, :1] + cb_ref[0, :half, :1],
             ca_ref[1, :hi, :1] + cb_ref[1, :hi, :1]], axis=0)
        node = sums / jnp.maximum(cnt, 1.0)

        t1 = _silu(_dot_t(node, w11_ref[...]) + b11_ref[...])
        v1 = _dot_t(w12_ref[...], t1) + b12_ref[...]
        t2 = _silu(_dot_t(node, w21_ref[...]) + b21_ref[...])
        v2 = _dot_t(w22_ref[...], t2) + b22_ref[...]

        n1 = jnp.sqrt(jnp.sum(v1 * v1, axis=0, keepdims=True))
        v1n = v1 / jnp.maximum(n1, 1e-12)
        v2 = v2 - jnp.sum(v2 * v1n, axis=0, keepdims=True) * v1n
        n2 = jnp.sqrt(jnp.sum(v2 * v2, axis=0, keepdims=True))
        v2n = v2 / jnp.maximum(n2, 1e-12)
        v3 = jnp.concatenate([
            v1n[1:2] * v2n[2:3] - v1n[2:3] * v2n[1:2],
            v1n[2:3] * v2n[0:1] - v1n[0:1] * v2n[2:3],
            v1n[0:1] * v2n[1:2] - v1n[1:2] * v2n[0:1],
        ], axis=0)
        out_ref[...] = jnp.concatenate([
            v1n[0:1], v2n[0:1], v3[0:1],
            v1n[1:2], v2n[1:2], v3[1:2],
            v1n[2:3], v2n[2:3], v3[2:3],
        ], axis=0)

    return pl.pallas_call(
        body,
        out_shape=jax.ShapeDtypeStruct((9, n), jnp.float32),
    )(sumsA, cntsA, sumsB, cntsB,
      wv11, bv11.reshape(1, -1), wv12, bv12.reshape(3, 1),
      wv21, bv21.reshape(1, -1), wv22, bv22.reshape(3, 1))


def kernel(h, x, edge_index, edge_attr, We1, be1, We2, be2,
           Wv11, bv11, Wv12, bv12, Wv21, bv21, Wv22, bv22):
    del x
    n = h.shape[0]
    e = edge_index.shape[1]
    ea_sz = (e * 13 // 25) // 2560 * 2560
    row = edge_index[0]
    col = edge_index[1]
    hrA, hcA = _sc_gather(h, row, col, ea_sz, 0)
    hrB, hcB = _sc_gather(h, row, col, e - ea_sz, ea_sz)
    efA = _tc_edge_mlp(hrA, hcA, edge_attr, 0, We1, be1, We2, be2)
    efB = _tc_edge_mlp(hrB, hcB, edge_attr, ea_sz, We1, be1, We2, be2)
    (sumsA, cntsA), half = _sc_scatter(efA, row, n, 0)
    (sumsB, cntsB), _ = _sc_scatter(efB, row, n, ea_sz)
    out9 = _tc_final(sumsA, cntsA, sumsB, cntsB, n, half,
                     Wv11, bv11, Wv12, bv12, Wv21, bv21, Wv22, bv22)
    return out9.T.reshape(n, 3, 3)

# --- scband reference (transcript-rebuilt; emitter-appended) ---
"""Pipeline reference for scband-orientation-learner-32160715112613 (READ-ONLY COPY).

The authoritative reference and input builder live on the scoring server;
editing this copy changes nothing except your own understanding.
"""

import jax, jax.numpy as jnp
import numpy as np

N = 10000
E = 320000
H = 128
EF = 16


def setup_inputs(seed: int = 0) -> dict:
    key = jax.random.key(seed)
    ks = jax.random.split(key, 20)
    s = 0.05
    inp = {
        "h": jax.random.normal(ks[0], (N, H), dtype=jnp.float32),
        "x": jax.random.normal(ks[1], (N, 3), dtype=jnp.float32),
        "edge_index": jax.random.randint(ks[2], (2, E), 0, N, dtype=jnp.int32),
        "edge_attr": jax.random.normal(ks[3], (E, EF), dtype=jnp.float32),
        "We1": s * jax.random.normal(ks[4], (H, EF + 2 * H), dtype=jnp.float32),
        "be1": jnp.zeros((H,), dtype=jnp.float32),
        "We2": s * jax.random.normal(ks[5], (H, H), dtype=jnp.float32),
        "be2": jnp.zeros((H,), dtype=jnp.float32),
        "Wv11": s * jax.random.normal(ks[6], (H, H), dtype=jnp.float32),
        "bv11": jnp.zeros((H,), dtype=jnp.float32),
        "Wv12": s * jax.random.normal(ks[7], (3, H), dtype=jnp.float32),
        "bv12": jnp.zeros((3,), dtype=jnp.float32),
        "Wv21": s * jax.random.normal(ks[8], (H, H), dtype=jnp.float32),
        "bv21": jnp.zeros((H,), dtype=jnp.float32),
        "Wv22": s * jax.random.normal(ks[9], (3, H), dtype=jnp.float32),
        "bv22": jnp.zeros((3,), dtype=jnp.float32),
    }
    return inp


def _normalize(v, eps=1e-12):
    n = jnp.linalg.norm(v, axis=-1, keepdims=True)
    return v / jnp.maximum(n, eps)


def reference(h, x, edge_index, edge_attr, We1, be1, We2, be2, Wv11, bv11, Wv12, bv12, Wv21, bv21, Wv22, bv22):
    row = edge_index[0]
    col = edge_index[1]
    ef = jnp.concatenate([jnp.take(h, row, axis=0), jnp.take(h, col, axis=0), edge_attr], axis=-1)
    ef = jax.nn.silu(ef @ We1.T + be1)
    ef = jax.nn.silu(ef @ We2.T + be2)
    sums = jax.ops.segment_sum(ef, row, num_segments=N)
    counts = jax.ops.segment_sum(jnp.ones((E, 1), dtype=ef.dtype), row, num_segments=N)
    node = sums / jnp.maximum(counts, 1.0)
    vec1 = jax.nn.silu(node @ Wv11.T + bv11) @ Wv12.T + bv12
    vec2 = jax.nn.silu(node @ Wv21.T + bv21) @ Wv22.T + bv22
    v1n = _normalize(vec1)
    vec2 = vec2 - jnp.sum(vec2 * v1n, axis=-1, keepdims=True) * v1n
    v2n = _normalize(vec2)
    v3 = jnp.cross(v1n, v2n)
    return jnp.stack([v1n, v2n, v3], axis=-1)

if __name__ == "__main__":
    import jax
    _d = setup_inputs()
    print(jax.jit(kernel)(*tuple(_d.values())))

</pallas_src>

<mosaic_0001>
#map = affine_map<(d0, d1) -> (0, 0)>
#map1 = affine_map<(d0, d1) -> (0)>
#map2 = affine_map<(d0, d1) -> (0, 0, 0)>
module attributes {stable_mosaic.version = 14 : i64} {
  func.func @k(%arg0: i32, %arg1: i32, %arg2: memref<166400x128xf32, #tpu.memory_space<hbm>>, %arg3: memref<320000xi32, #tpu.memory_space<hbm>>, %arg4: memref<2x5120x128xf32, #tpu.memory_space<hbm>>, %arg5: memref<2x5120x128xf32, #tpu.memory_space<hbm>>, %arg6: memref<80xi32, #tpu.memory_space<vmem>>, %arg7: memref<80xi32, #tpu.memory_space<vmem>>, %arg8: memref<80x128xf32, #tpu.memory_space<vmem>>, %arg9: memref<80x128xf32, #tpu.memory_space<vmem>>, %arg10: memref<80x128xf32, #tpu.memory_space<vmem>>, %arg11: memref<40x128xf32, #tpu.memory_space<vmem>>, %arg12: memref<5120x128xf32, #tpu.memory_space<vmem_shared>>, %arg13: memref<5120x128xf32, #tpu.memory_space<vmem_shared>>, %arg14: memref<!tpu.dma_semaphore, #tpu.memory_space<semaphore_mem>>, %arg15: memref<!tpu.dma_semaphore, #tpu.memory_space<semaphore_mem>>) attributes {dimension_semantics = [#tpu.dimension_semantics<core_parallel>, #tpu.dimension_semantics<subcore_parallel>], iteration_bounds = array<i64: 2, 16>, scalar_prefetch = 0 : i64, scratch_operands = 10 : i64, tpu.core_type = #tpu.core_type<sc_vector_subcore>, window_params = [{transform_indices = #map}, {transform_indices = #map1}, {transform_indices = #map2}, {transform_indices = #map2}]} {
    %mul3A = arith.constant 10400 : i32
    %mul3A_0 = arith.muli %arg1, %mul3A : i32
    %mul3A_1 = arith.constant 320 : i32
    %mul3A_2 = arith.muli %arg1, %mul3A_1 : i32
    %mul3A_3 = arith.constant 5000 : i32
    %mul3A_4 = arith.muli %arg0, %mul3A_3 : i32
    %scan3A = arith.constant 0 : i32
    %scan3A_5 = arith.constant 0 : i32
    %scan3A_6 = arith.constant 320 : i32
    %scan3A_7 = arith.addi %scan3A_5, %scan3A_6 : i32
    %scan3A_8 = arith.constant 1 : i32
    scf.for %scan3A_57 = %scan3A_5 to %scan3A_7 step %scan3A_8  : i32 {
      %jit3A = arith.constant 8 : i32
      %div3A = arith.divsi %scan3A_57, %jit3A : i32
      %sign3A = arith.constant 0 : i32
      %sign3A_58 = arith.cmpi sgt, %scan3A_57, %sign3A : i32
      %sign3A_59 = arith.extui %sign3A_58 : i1 to i32
      %sign3A_60 = arith.constant 0 : i32
      %sign3A_61 = arith.cmpi slt, %scan3A_57, %sign3A_60 : i32
      %sign3A_62 = arith.extui %sign3A_61 : i1 to i32
      %sign3A_63 = arith.subi %sign3A_59, %sign3A_62 : i32
      %sign3A_64 = arith.constant 0 : i32
      %sign3A_65 = arith.cmpi sgt, %jit3A, %sign3A_64 : i32
      %sign3A_66 = arith.extui %sign3A_65 : i1 to i32
      %sign3A_67 = arith.constant 0 : i32
      %sign3A_68 = arith.cmpi slt, %jit3A, %sign3A_67 : i32
      %sign3A_69 = arith.extui %sign3A_68 : i1 to i32
      %sign3A_70 = arith.subi %sign3A_66, %sign3A_69 : i32
      %ne3A = arith.cmpi ne, %sign3A_63, %sign3A_70 : i32
      %rem3A = arith.remsi %scan3A_57, %jit3A : i32
      %ne3A_71 = arith.constant 0 : i32
      %ne3A_72 = arith.cmpi ne, %rem3A, %ne3A_71 : i32
      %and3A = arith.andi %ne3A, %ne3A_72 : i1
      %sub3A = arith.constant 1 : i32
      %sub3A_73 = arith.subi %div3A, %sub3A : i32
      %select_n3A = arith.select %and3A, %sub3A_73, %div3A : i32
      %jit3A_74 = arith.constant 8 : i32
      %eq3A = arith.constant 0 : i32
      %eq3A_75 = arith.cmpi eq, %jit3A_74, %eq3A : i32
      %jit3A_76 = arith.constant 1 : i32
      %select_n3A_77 = arith.select %eq3A_75, %jit3A_76, %jit3A_74 : i32
      %rem3A_78 = arith.remsi %scan3A_57, %select_n3A_77 : i32
      %ne3A_79 = arith.constant 0 : i32
      %ne3A_80 = arith.cmpi ne, %rem3A_78, %ne3A_79 : i32
      %lt3A = arith.constant 0 : i32
      %lt3A_81 = arith.cmpi slt, %rem3A_78, %lt3A : i32
      %lt3A_82 = arith.constant 0 : i32
      %lt3A_83 = arith.cmpi slt, %select_n3A_77, %lt3A_82 : i32
      %ne3A_84 = arith.xori %lt3A_81, %lt3A_83 : i1
      %and3A_85 = arith.andi %ne3A_84, %ne3A_80 : i1
      %add3A_86 = arith.addi %rem3A_78, %select_n3A_77 : i32
      %select_n3A_87 = arith.select %and3A_85, %add3A_86, %rem3A_78 : i32
      %broadcast_in_dim3A = arith.constant 0.000000e+00 : f32
      %broadcast_in_dim3A_88 = vector.broadcast %broadcast_in_dim3A : f32 to vector<16xf32>
      %mul3A_89 = arith.constant 16 : i32
      %mul3A_90 = arith.muli %select_n3A_87, %mul3A_89 : i32
      %swap3A = arith.index_cast %select_n3A : i32 to index
      %swap3A_91 = arith.index_cast %mul3A_90 : i32 to index
      %swap3A_92 = tpu.vector_load %arg11[%swap3A, %swap3A_91] {strides = array<i32>} : memref<40x128xf32, #tpu.memory_space<vmem>>, vector<1x16xf32>,
      %swap3A_93 = vector.shape_cast %swap3A_92 : vector<1x16xf32> to vector<16xf32>
      %swap3A_94 = vector.shape_cast %broadcast_in_dim3A_88 : vector<16xf32> to vector<1x16xf32>
      tpu.vector_store %arg11[%swap3A, %swap3A_91], %swap3A_94 {strides = array<i32>} : memref<40x128xf32, #tpu.memory_space<vmem>>, vector<1x16xf32>,
    }
    %scan3A_9 = arith.constant 320 : i32
    %scan3A_10 = arith.constant 0 : i32
    %scan3A_11 = arith.constant 0 : i32
    %scan3A_12 = arith.constant 640 : i32
    %scan3A_13 = arith.addi %scan3A_11, %scan3A_12 : i32
    %scan3A_14 = arith.constant 1 : i32
    scf.for %scan3A_57 = %scan3A_11 to %scan3A_13 step %scan3A_14  : i32 {
      %jit3A = arith.constant 8 : i32
      %div3A = arith.divsi %scan3A_57, %jit3A : i32
      %sign3A = arith.constant 0 : i32
      %sign3A_58 = arith.cmpi sgt, %scan3A_57, %sign3A : i32
      %sign3A_59 = arith.extui %sign3A_58 : i1 to i32
      %sign3A_60 = arith.constant 0 : i32
      %sign3A_61 = arith.cmpi slt, %scan3A_57, %sign3A_60 : i32
      %sign3A_62 = arith.extui %sign3A_61 : i1 to i32
      %sign3A_63 = arith.subi %sign3A_59, %sign3A_62 : i32
      %sign3A_64 = arith.constant 0 : i32
      %sign3A_65 = arith.cmpi sgt, %jit3A, %sign3A_64 : i32
      %sign3A_66 = arith.extui %sign3A_65 : i1 to i32
      %sign3A_67 = arith.constant 0 : i32
      %sign3A_68 = arith.cmpi slt, %jit3A, %sign3A_67 : i32
      %sign3A_69 = arith.extui %sign3A_68 : i1 to i32
      %sign3A_70 = arith.subi %sign3A_66, %sign3A_69 : i32
      %ne3A = arith.cmpi ne, %sign3A_63, %sign3A_70 : i32
      %rem3A = arith.remsi %scan3A_57, %jit3A : i32
      %ne3A_71 = arith.constant 0 : i32
      %ne3A_72 = arith.cmpi ne, %rem3A, %ne3A_71 : i32
      %and3A = arith.andi %ne3A, %ne3A_72 : i1
      %sub3A = arith.constant 1 : i32
      %sub3A_73 = arith.subi %div3A, %sub3A : i32
      %select_n3A = arith.select %and3A, %sub3A_73, %div3A : i32
      %jit3A_74 = arith.constant 8 : i32
      %eq3A = arith.constant 0 : i32
      %eq3A_75 = arith.cmpi eq, %jit3A_74, %eq3A : i32
      %jit3A_76 = arith.constant 1 : i32
      %select_n3A_77 = arith.select %eq3A_75, %jit3A_76, %jit3A_74 : i32
      %rem3A_78 = arith.remsi %scan3A_57, %select_n3A_77 : i32
      %ne3A_79 = arith.constant 0 : i32
      %ne3A_80 = arith.cmpi ne, %rem3A_78, %ne3A_79 : i32
      %lt3A = arith.constant 0 : i32
      %lt3A_81 = arith.cmpi slt, %rem3A_78, %lt3A : i32
      %lt3A_82 = arith.constant 0 : i32
      %lt3A_83 = arith.cmpi slt, %select_n3A_77, %lt3A_82 : i32
      %ne3A_84 = arith.xori %lt3A_81, %lt3A_83 : i1
      %and3A_85 = arith.andi %ne3A_84, %ne3A_80 : i1
      %add3A_86 = arith.addi %rem3A_78, %select_n3A_77 : i32
      %select_n3A_87 = arith.select %and3A_85, %add3A_86, %rem3A_78 : i32
      %broadcast_in_dim3A = arith.constant 1.000000e+00 : f32
      %broadcast_in_dim3A_88 = vector.broadcast %broadcast_in_dim3A : f32 to vector<16xf32>
      %mul3A_89 = arith.constant 16 : i32
      %mul3A_90 = arith.muli %select_n3A_87, %mul3A_89 : i32
      %swap3A = arith.index_cast %select_n3A : i32 to index
      %swap3A_91 = arith.index_cast %mul3A_90 : i32 to index
      %swap3A_92 = tpu.vector_load %arg10[%swap3A, %swap3A_91] {strides = array<i32>} : memref<80x128xf32, #tpu.memory_space<vmem>>, vector<1x16xf32>,
      %swap3A_93 = vector.shape_cast %swap3A_92 : vector<1x16xf32> to vector<16xf32>
      %swap3A_94 = vector.shape_cast %broadcast_in_dim3A_88 : vector<16xf32> to vector<1x16xf32>
      tpu.vector_store %arg10[%swap3A, %swap3A_91], %swap3A_94 {strides = array<i32>} : memref<80x128xf32, #tpu.memory_space<vmem>>, vector<1x16xf32>,
    }
    %scan3A_15 = arith.constant 640 : i32
    %add3A = arith.constant 0 : i32
    %add3A_16 = arith.addi %mul3A_2, %add3A : i32
    "tpu.region"() ({
      %run_scoped3A = tpu.sem_alloc : memref<!tpu.dma_semaphore, #tpu.memory_space<semaphore_mem>>
      %dma_start3A_57 = arith.constant 0 : i32
      %dma_start3A_58 = tpu.memref_slice %arg12[%add3A_16, %dma_start3A_57] : memref<5120x128xf32, #tpu.memory_space<vmem_shared>> -> memref<40x128xf32, #tpu.memory_space<vmem_shared>>
      %dma_start3A_59 = arith.constant 0 : i32
      %dma_start3A_60 = tpu.memref_slice %arg12[%add3A_16, %dma_start3A_59] : memref<5120x128xf32, #tpu.memory_space<vmem_shared>> -> memref<40x128xf32, #tpu.memory_space<vmem_shared>>
      tpu.enqueue_dma source(%arg11 : memref<40x128xf32, #tpu.memory_space<vmem>>) target(%dma_start3A_60 : memref<40x128xf32, #tpu.memory_space<vmem_shared>>) target_semaphore(%run_scoped3A : memref<!tpu.dma_semaphore, #tpu.memory_space<semaphore_mem>>)
      %dma_wait3A = arith.constant 0 : i32
      %dma_wait3A_61 = tpu.memref_slice %arg12[%add3A_16, %dma_wait3A] : memref<5120x128xf32, #tpu.memory_space<vmem_shared>> -> memref<40x128xf32, #tpu.memory_space<vmem_shared>>
      %dma_wait3A_62 = arith.constant 0 : i32
      %dma_wait3A_63 = tpu.memref_slice %arg12[%add3A_16, %dma_wait3A_62] : memref<5120x128xf32, #tpu.memory_space<vmem_shared>> -> memref<40x128xf32, #tpu.memory_space<vmem_shared>>
      tpu.wait_dma2 semaphore(%run_scoped3A : memref<!tpu.dma_semaphore, #tpu.memory_space<semaphore_mem>>) src(%arg11 : memref<40x128xf32, #tpu.memory_space<vmem>>) dst(%dma_wait3A_63 : memref<40x128xf32, #tpu.memory_space<vmem_shared>>)
      tpu.yield
    }) : () -> ()
    %add3A_17 = arith.constant 0 : i32
    %add3A_18 = arith.addi %mul3A_2, %add3A_17 : i32
    "tpu.region"() ({
      %run_scoped3A = tpu.sem_alloc : memref<!tpu.dma_semaphore, #tpu.memory_space<semaphore_mem>>
      %dma_start3A_57 = arith.constant 0 : i32
      %dma_start3A_58 = tpu.memref_slice %arg13[%add3A_18, %dma_start3A_57] : memref<5120x128xf32, #tpu.memory_space<vmem_shared>> -> memref<40x128xf32, #tpu.memory_space<vmem_shared>>
      %dma_start3A_59 = arith.constant 0 : i32
      %dma_start3A_60 = tpu.memref_slice %arg13[%add3A_18, %dma_start3A_59] : memref<5120x128xf32, #tpu.memory_space<vmem_shared>> -> memref<40x128xf32, #tpu.memory_space<vmem_shared>>
      tpu.enqueue_dma source(%arg11 : memref<40x128xf32, #tpu.memory_space<vmem>>) target(%dma_start3A_60 : memref<40x128xf32, #tpu.memory_space<vmem_shared>>) target_semaphore(%run_scoped3A : memref<!tpu.dma_semaphore, #tpu.memory_space<semaphore_mem>>)
      %dma_wait3A = arith.constant 0 : i32
      %dma_wait3A_61 = tpu.memref_slice %arg13[%add3A_18, %dma_wait3A] : memref<5120x128xf32, #tpu.memory_space<vmem_shared>> -> memref<40x128xf32, #tpu.memory_space<vmem_shared>>
      %dma_wait3A_62 = arith.constant 0 : i32
      %dma_wait3A_63 = tpu.memref_slice %arg13[%add3A_18, %dma_wait3A_62] : memref<5120x128xf32, #tpu.memory_space<vmem_shared>> -> memref<40x128xf32, #tpu.memory_space<vmem_shared>>
      tpu.wait_dma2 semaphore(%run_scoped3A : memref<!tpu.dma_semaphore, #tpu.memory_space<semaphore_mem>>) src(%arg11 : memref<40x128xf32, #tpu.memory_space<vmem>>) dst(%dma_wait3A_63 : memref<40x128xf32, #tpu.memory_space<vmem_shared>>)
      tpu.yield
    }) : () -> ()
    %add3A_19 = arith.constant 40 : i32
    %add3A_20 = arith.addi %mul3A_2, %add3A_19 : i32
    "tpu.region"() ({
      %run_scoped3A = tpu.sem_alloc : memref<!tpu.dma_semaphore, #tpu.memory_space<semaphore_mem>>
      %dma_start3A_57 = arith.constant 0 : i32
      %dma_start3A_58 = tpu.memref_slice %arg12[%add3A_20, %dma_start3A_57] : memref<5120x128xf32, #tpu.memory_space<vmem_shared>> -> memref<40x128xf32, #tpu.memory_space<vmem_shared>>
      %dma_start3A_59 = arith.constant 0 : i32
      %dma_start3A_60 = tpu.memref_slice %arg12[%add3A_20, %dma_start3A_59] : memref<5120x128xf32, #tpu.memory_space<vmem_shared>> -> memref<40x128xf32, #tpu.memory_space<vmem_shared>>
      tpu.enqueue_dma source(%arg11 : memref<40x128xf32, #tpu.memory_space<vmem>>) target(%dma_start3A_60 : memref<40x128xf32, #tpu.memory_space<vmem_shared>>) target_semaphore(%run_scoped3A : memref<!tpu.dma_semaphore, #tpu.memory_space<semaphore_mem>>)
      %dma_wait3A = arith.constant 0 : i32
      %dma_wait3A_61 = tpu.memref_slice %arg12[%add3A_20, %dma_wait3A] : memref<5120x128xf32, #tpu.memory_space<vmem_shared>> -> memref<40x128xf32, #tpu.memory_space<vmem_shared>>
      %dma_wait3A_62 = arith.constant 0 : i32
      %dma_wait3A_63 = tpu.memref_slice %arg12[%add3A_20, %dma_wait3A_62] : memref<5120x128xf32, #tpu.memory_space<vmem_shared>> -> memref<40x128xf32, #tpu.memory_space<vmem_shared>>
      tpu.wait_dma2 semaphore(%run_scoped3A : memref<!tpu.dma_semaphore, #tpu.memory_space<semaphore_mem>>) src(%arg11 : memref<40x128xf32, #tpu.memory_space<vmem>>) dst(%dma_wait3A_63 : memref<40x128xf32, #tpu.memory_space<vmem_shared>>)
      tpu.yield
    }) : () -> ()
    %add3A_21 = arith.constant 40 : i32
    %add3A_22 = arith.addi %mul3A_2, %add3A_21 : i32
    "tpu.region"() ({
      %run_scoped3A = tpu.sem_alloc : memref<!tpu.dma_semaphore, #tpu.memory_space<semaphore_mem>>
      %dma_start3A_57 = arith.constant 0 : i32
      %dma_start3A_58 = tpu.memref_slice %arg13[%add3A_22, %dma_start3A_57] : memref<5120x128xf32, #tpu.memory_space<vmem_shared>> -> memref<40x128xf32, #tpu.memory_space<vmem_shared>>
      %dma_start3A_59 = arith.constant 0 : i32
      %dma_start3A_60 = tpu.memref_slice %arg13[%add3A_22, %dma_start3A_59] : memref<5120x128xf32, #tpu.memory_space<vmem_shared>> -> memref<40x128xf32, #tpu.memory_space<vmem_shared>>
      tpu.enqueue_dma source(%arg11 : memref<40x128xf32, #tpu.memory_space<vmem>>) target(%dma_start3A_60 : memref<40x128xf32, #tpu.memory_space<vmem_shared>>) target_semaphore(%run_scoped3A : memref<!tpu.dma_semaphore, #tpu.memory_space<semaphore_mem>>)
      %dma_wait3A = arith.constant 0 : i32
      %dma_wait3A_61 = tpu.memref_slice %arg13[%add3A_22, %dma_wait3A] : memref<5120x128xf32, #tpu.memory_space<vmem_shared>> -> memref<40x128xf32, #tpu.memory_space<vmem_shared>>
      %dma_wait3A_62 = arith.constant 0 : i32
      %dma_wait3A_63 = tpu.memref_slice %arg13[%add3A_22, %dma_wait3A_62] : memref<5120x128xf32, #tpu.memory_space<vmem_shared>> -> memref<40x128xf32, #tpu.memory_space<vmem_shared>>
      tpu.wait_dma2 semaphore(%run_scoped3A : memref<!tpu.dma_semaphore, #tpu.memory_space<semaphore_mem>>) src(%arg11 : memref<40x128xf32, #tpu.memory_space<vmem>>) dst(%dma_wait3A_63 : memref<40x128xf32, #tpu.memory_space<vmem_shared>>)
      tpu.yield
    }) : () -> ()
    %add3A_23 = arith.constant 80 : i32
    %add3A_24 = arith.addi %mul3A_2, %add3A_23 : i32
    "tpu.region"() ({
      %run_scoped3A = tpu.sem_alloc : memref<!tpu.dma_semaphore, #tpu.memory_space<semaphore_mem>>
      %dma_start3A_57 = arith.constant 0 : i32
      %dma_start3A_58 = tpu.memref_slice %arg12[%add3A_24, %dma_start3A_57] : memref<5120x128xf32, #tpu.memory_space<vmem_shared>> -> memref<40x128xf32, #tpu.memory_space<vmem_shared>>
      %dma_start3A_59 = arith.constant 0 : i32
      %dma_start3A_60 = tpu.memref_slice %arg12[%add3A_24, %dma_start3A_59] : memref<5120x128xf32, #tpu.memory_space<vmem_shared>> -> memref<40x128xf32, #tpu.memory_space<vmem_shared>>
      tpu.enqueue_dma source(%arg11 : memref<40x128xf32, #tpu.memory_space<vmem>>) target(%dma_start3A_60 : memref<40x128xf32, #tpu.memory_space<vmem_shared>>) target_semaphore(%run_scoped3A : memref<!tpu.dma_semaphore, #tpu.memory_space<semaphore_mem>>)
      %dma_wait3A = arith.constant 0 : i32
      %dma_wait3A_61 = tpu.memref_slice %arg12[%add3A_24, %dma_wait3A] : memref<5120x128xf32, #tpu.memory_space<vmem_shared>> -> memref<40x128xf32, #tpu.memory_space<vmem_shared>>
      %dma_wait3A_62 = arith.constant 0 : i32
      %dma_wait3A_63 = tpu.memref_slice %arg12[%add3A_24, %dma_wait3A_62] : memref<5120x128xf32, #tpu.memory_space<vmem_shared>> -> memref<40x128xf32, #tpu.memory_space<vmem_shared>>
      tpu.wait_dma2 semaphore(%run_scoped3A : memref<!tpu.dma_semaphore, #tpu.memory_space<semaphore_mem>>) src(%arg11 : memref<40x128xf32, #tpu.memory_space<vmem>>) dst(%dma_wait3A_63 : memref<40x128xf32, #tpu.memory_space<vmem_shared>>)
      tpu.yield
    }) : () -> ()
    %add3A_25 = arith.constant 80 : i32
    %add3A_26 = arith.addi %mul3A_2, %add3A_25 : i32
    "tpu.region"() ({
      %run_scoped3A = tpu.sem_alloc : memref<!tpu.dma_semaphore, #tpu.memory_space<semaphore_mem>>
      %dma_start3A_57 = arith.constant 0 : i32
      %dma_start3A_58 = tpu.memref_slice %arg13[%add3A_26, %dma_start3A_57] : memref<5120x128xf32, #tpu.memory_space<vmem_shared>> -> memref<40x128xf32, #tpu.memory_space<vmem_shared>>
      %dma_start3A_59 = arith.constant 0 : i32
      %dma_start3A_60 = tpu.memref_slice %arg13[%add3A_26, %dma_start3A_59] : memref<5120x128xf32, #tpu.memory_space<vmem_shared>> -> memref<40x128xf32, #tpu.memory_space<vmem_shared>>
      tpu.enqueue_dma source(%arg11 : memref<40x128xf32, #tpu.memory_space<vmem>>) target(%dma_start3A_60 : memref<40x128xf32, #tpu.memory_space<vmem_shared>>) target_semaphore(%run_scoped3A : memref<!tpu.dma_semaphore, #tpu.memory_space<semaphore_mem>>)
      %dma_wait3A = arith.constant 0 : i32
      %dma_wait3A_61 = tpu.memref_slice %arg13[%add3A_26, %dma_wait3A] : memref<5120x128xf32, #tpu.memory_space<vmem_shared>> -> memref<40x128xf32, #tpu.memory_space<vmem_shared>>
      %dma_wait3A_62 = arith.constant 0 : i32
      %dma_wait3A_63 = tpu.memref_slice %arg13[%add3A_26, %dma_wait3A_62] : memref<5120x128xf32, #tpu.memory_space<vmem_shared>> -> memref<40x128xf32, #tpu.memory_space<vmem_shared>>
      tpu.wait_dma2 semaphore(%run_scoped3A : memref<!tpu.dma_semaphore, #tpu.memory_space<semaphore_mem>>) src(%arg11 : memref<40x128xf32, #tpu.memory_space<vmem>>) dst(%dma_wait3A_63 : memref<40x128xf32, #tpu.memory_space<vmem_shared>>)
      tpu.yield
    }) : () -> ()
    %add3A_27 = arith.constant 120 : i32
    %add3A_28 = arith.addi %mul3A_2, %add3A_27 : i32
    "tpu.region"() ({
      %run_scoped3A = tpu.sem_alloc : memref<!tpu.dma_semaphore, #tpu.memory_space<semaphore_mem>>
      %dma_start3A_57 = arith.constant 0 : i32
      %dma_start3A_58 = tpu.memref_slice %arg12[%add3A_28, %dma_start3A_57] : memref<5120x128xf32, #tpu.memory_space<vmem_shared>> -> memref<40x128xf32, #tpu.memory_space<vmem_shared>>
      %dma_start3A_59 = arith.constant 0 : i32
      %dma_start3A_60 = tpu.memref_slice %arg12[%add3A_28, %dma_start3A_59] : memref<5120x128xf32, #tpu.memory_space<vmem_shared>> -> memref<40x128xf32, #tpu.memory_space<vmem_shared>>
      tpu.enqueue_dma source(%arg11 : memref<40x128xf32, #tpu.memory_space<vmem>>) target(%dma_start3A_60 : memref<40x128xf32, #tpu.memory_space<vmem_shared>>) target_semaphore(%run_scoped3A : memref<!tpu.dma_semaphore, #tpu.memory_space<semaphore_mem>>)
      %dma_wait3A = arith.constant 0 : i32
      %dma_wait3A_61 = tpu.memref_slice %arg12[%add3A_28, %dma_wait3A] : memref<5120x128xf32, #tpu.memory_space<vmem_shared>> -> memref<40x128xf32, #tpu.memory_space<vmem_shared>>
      %dma_wait3A_62 = arith.constant 0 : i32
      %dma_wait3A_63 = tpu.memref_slice %arg12[%add3A_28, %dma_wait3A_62] : memref<5120x128xf32, #tpu.memory_space<vmem_shared>> -> memref<40x128xf32, #tpu.memory_space<vmem_shared>>
      tpu.wait_dma2 semaphore(%run_scoped3A : memref<!tpu.dma_semaphore, #tpu.memory_space<semaphore_mem>>) src(%arg11 : memref<40x128xf32, #tpu.memory_space<vmem>>) dst(%dma_wait3A_63 : memref<40x128xf32, #tpu.memory_space<vmem_shared>>)
      tpu.yield
    }) : () -> ()
    %add3A_29 = arith.constant 120 : i32
    %add3A_30 = arith.addi %mul3A_2, %add3A_29 : i32
    "tpu.region"() ({
      %run_scoped3A = tpu.sem_alloc : memref<!tpu.dma_semaphore, #tpu.memory_space<semaphore_mem>>
      %dma_start3A_57 = arith.constant 0 : i32
      %dma_start3A_58 = tpu.memref_slice %arg13[%add3A_30, %dma_start3A_57] : memref<5120x128xf32, #tpu.memory_space<vmem_shared>> -> memref<40x128xf32, #tpu.memory_space<vmem_shared>>
      %dma_start3A_59 = arith.constant 0 : i32
      %dma_start3A_60 = tpu.memref_slice %arg13[%add3A_30, %dma_start3A_59] : memref<5120x128xf32, #tpu.memory_space<vmem_shared>> -> memref<40x128xf32, #tpu.memory_space<vmem_shared>>
      tpu.enqueue_dma source(%arg11 : memref<40x128xf32, #tpu.memory_space<vmem>>) target(%dma_start3A_60 : memref<40x128xf32, #tpu.memory_space<vmem_shared>>) target_semaphore(%run_scoped3A : memref<!tpu.dma_semaphore, #tpu.memory_space<semaphore_mem>>)
      %dma_wait3A = arith.constant 0 : i32
      %dma_wait3A_61 = tpu.memref_slice %arg13[%add3A_30, %dma_wait3A] : memref<5120x128xf32, #tpu.memory_space<vmem_shared>> -> memref<40x128xf32, #tpu.memory_space<vmem_shared>>
      %dma_wait3A_62 = arith.constant 0 : i32
      %dma_wait3A_63 = tpu.memref_slice %arg13[%add3A_30, %dma_wait3A_62] : memref<5120x128xf32, #tpu.memory_space<vmem_shared>> -> memref<40x128xf32, #tpu.memory_space<vmem_shared>>
      tpu.wait_dma2 semaphore(%run_scoped3A : memref<!tpu.dma_semaphore, #tpu.memory_space<semaphore_mem>>) src(%arg11 : memref<40x128xf32, #tpu.memory_space<vmem>>) dst(%dma_wait3A_63 : memref<40x128xf32, #tpu.memory_space<vmem_shared>>)
      tpu.yield
    }) : () -> ()
    %add3A_31 = arith.constant 160 : i32
    %add3A_32 = arith.addi %mul3A_2, %add3A_31 : i32
    "tpu.region"() ({
      %run_scoped3A = tpu.sem_alloc : memref<!tpu.dma_semaphore, #tpu.memory_space<semaphore_mem>>
      %dma_start3A_57 = arith.constant 0 : i32
      %dma_start3A_58 = tpu.memref_slice %arg12[%add3A_32, %dma_start3A_57] : memref<5120x128xf32, #tpu.memory_space<vmem_shared>> -> memref<40x128xf32, #tpu.memory_space<vmem_shared>>
      %dma_start3A_59 = arith.constant 0 : i32
      %dma_start3A_60 = tpu.memref_slice %arg12[%add3A_32, %dma_start3A_59] : memref<5120x128xf32, #tpu.memory_space<vmem_shared>> -> memref<40x128xf32, #tpu.memory_space<vmem_shared>>
      tpu.enqueue_dma source(%arg11 : memref<40x128xf32, #tpu.memory_space<vmem>>) target(%dma_start3A_60 : memref<40x128xf32, #tpu.memory_space<vmem_shared>>) target_semaphore(%run_scoped3A : memref<!tpu.dma_semaphore, #tpu.memory_space<semaphore_mem>>)
      %dma_wait3A = arith.constant 0 : i32
      %dma_wait3A_61 = tpu.memref_slice %arg12[%add3A_32, %dma_wait3A] : memref<5120x128xf32, #tpu.memory_space<vmem_shared>> -> memref<40x128xf32, #tpu.memory_space<vmem_shared>>
      %dma_wait3A_62 = arith.constant 0 : i32
      %dma_wait3A_63 = tpu.memref_slice %arg12[%add3A_32, %dma_wait3A_62] : memref<5120x128xf32, #tpu.memory_space<vmem_shared>> -> memref<40x128xf32, #tpu.memory_space<vmem_shared>>
      tpu.wait_dma2 semaphore(%run_scoped3A : memref<!tpu.dma_semaphore, #tpu.memory_space<semaphore_mem>>) src(%arg11 : memref<40x128xf32, #tpu.memory_space<vmem>>) dst(%dma_wait3A_63 : memref<40x128xf32, #tpu.memory_space<vmem_shared>>)
      tpu.yield
    }) : () -> ()
    %add3A_33 = arith.constant 160 : i32
    %add3A_34 = arith.addi %mul3A_2, %add3A_33 : i32
    "tpu.region"() ({
      %run_scoped3A = tpu.sem_alloc : memref<!tpu.dma_semaphore, #tpu.memory_space<semaphore_mem>>
      %dma_start3A_57 = arith.constant 0 : i32
      %dma_start3A_58 = tpu.memref_slice %arg13[%add3A_34, %dma_start3A_57] : memref<5120x128xf32, #tpu.memory_space<vmem_shared>> -> memref<40x128xf32, #tpu.memory_space<vmem_shared>>
      %dma_start3A_59 = arith.constant 0 : i32
      %dma_start3A_60 = tpu.memref_slice %arg13[%add3A_34, %dma_start3A_59] : memref<5120x128xf32, #tpu.memory_space<vmem_shared>> -> memref<40x128xf32, #tpu.memory_space<vmem_shared>>
      tpu.enqueue_dma source(%arg11 : memref<40x128xf32, #tpu.memory_space<vmem>>) target(%dma_start3A_60 : memref<40x128xf32, #tpu.memory_space<vmem_shared>>) target_semaphore(%run_scoped3A : memref<!tpu.dma_semaphore, #tpu.memory_space<semaphore_mem>>)
      %dma_wait3A = arith.constant 0 : i32
      %dma_wait3A_61 = tpu.memref_slice %arg13[%add3A_34, %dma_wait3A] : memref<5120x128xf32, #tpu.memory_space<vmem_shared>> -> memref<40x128xf32, #tpu.memory_space<vmem_shared>>
      %dma_wait3A_62 = arith.constant 0 : i32
      %dma_wait3A_63 = tpu.memref_slice %arg13[%add3A_34, %dma_wait3A_62] : memref<5120x128xf32, #tpu.memory_space<vmem_shared>> -> memref<40x128xf32, #tpu.memory_space<vmem_shared>>
      tpu.wait_dma2 semaphore(%run_scoped3A : memref<!tpu.dma_semaphore, #tpu.memory_space<semaphore_mem>>) src(%arg11 : memref<40x128xf32, #tpu.memory_space<vmem>>) dst(%dma_wait3A_63 : memref<40x128xf32, #tpu.memory_space<vmem_shared>>)
      tpu.yield
    }) : () -> ()
    %add3A_35 = arith.constant 200 : i32
    %add3A_36 = arith.addi %mul3A_2, %add3A_35 : i32
    "tpu.region"() ({
      %run_scoped3A = tpu.sem_alloc : memref<!tpu.dma_semaphore, #tpu.memory_space<semaphore_mem>>
      %dma_start3A_57 = arith.constant 0 : i32
      %dma_start3A_58 = tpu.memref_slice %arg12[%add3A_36, %dma_start3A_57] : memref<5120x128xf32, #tpu.memory_space<vmem_shared>> -> memref<40x128xf32, #tpu.memory_space<vmem_shared>>
      %dma_start3A_59 = arith.constant 0 : i32
      %dma_start3A_60 = tpu.memref_slice %arg12[%add3A_36, %dma_start3A_59] : memref<5120x128xf32, #tpu.memory_space<vmem_shared>> -> memref<40x128xf32, #tpu.memory_space<vmem_shared>>
      tpu.enqueue_dma source(%arg11 : memref<40x128xf32, #tpu.memory_space<vmem>>) target(%dma_start3A_60 : memref<40x128xf32, #tpu.memory_space<vmem_shared>>) target_semaphore(%run_scoped3A : memref<!tpu.dma_semaphore, #tpu.memory_space<semaphore_mem>>)
      %dma_wait3A = arith.constant 0 : i32
      %dma_wait3A_61 = tpu.memref_slice %arg12[%add3A_36, %dma_wait3A] : memref<5120x128xf32, #tpu.memory_space<vmem_shared>> -> memref<40x128xf32, #tpu.memory_space<vmem_shared>>
      %dma_wait3A_62 = arith.constant 0 : i32
      %dma_wait3A_63 = tpu.memref_slice %arg12[%add3A_36, %dma_wait3A_62] : memref<5120x128xf32, #tpu.memory_space<vmem_shared>> -> memref<40x128xf32, #tpu.memory_space<vmem_shared>>
      tpu.wait_dma2 semaphore(%run_scoped3A : memref<!tpu.dma_semaphore, #tpu.memory_space<semaphore_mem>>) src(%arg11 : memref<40x128xf32, #tpu.memory_space<vmem>>) dst(%dma_wait3A_63 : memref<40x128xf32, #tpu.memory_space<vmem_shared>>)
      tpu.yield
    }) : () -> ()
    %add3A_37 = arith.constant 200 : i32
    %add3A_38 = arith.addi %mul3A_2, %add3A_37 : i32
    "tpu.region"() ({
      %run_scoped3A = tpu.sem_alloc : memref<!tpu.dma_semaphore, #tpu.memory_space<semaphore_mem>>
      %dma_start3A_57 = arith.constant 0 : i32
      %dma_start3A_58 = tpu.memref_slice %arg13[%add3A_38, %dma_start3A_57] : memref<5120x128xf32, #tpu.memory_space<vmem_shared>> -> memref<40x128xf32, #tpu.memory_space<vmem_shared>>
      %dma_start3A_59 = arith.constant 0 : i32
      %dma_start3A_60 = tpu.memref_slice %arg13[%add3A_38, %dma_start3A_59] : memref<5120x128xf32, #tpu.memory_space<vmem_shared>> -> memref<40x128xf32, #tpu.memory_space<vmem_shared>>
      tpu.enqueue_dma source(%arg11 : memref<40x128xf32, #tpu.memory_space<vmem>>) target(%dma_start3A_60 : memref<40x128xf32, #tpu.memory_space<vmem_shared>>) target_semaphore(%run_scoped3A : memref<!tpu.dma_semaphore, #tpu.memory_space<semaphore_mem>>)
      %dma_wait3A = arith.constant 0 : i32
      %dma_wait3A_61 = tpu.memref_slice %arg13[%add3A_38, %dma_wait3A] : memref<5120x128xf32, #tpu.memory_space<vmem_shared>> -> memref<40x128xf32, #tpu.memory_space<vmem_shared>>
      %dma_wait3A_62 = arith.constant 0 : i32
      %dma_wait3A_63 = tpu.memref_slice %arg13[%add3A_38, %dma_wait3A_62] : memref<5120x128xf32, #tpu.memory_space<vmem_shared>> -> memref<40x128xf32, #tpu.memory_space<vmem_shared>>
      tpu.wait_dma2 semaphore(%run_scoped3A : memref<!tpu.dma_semaphore, #tpu.memory_space<semaphore_mem>>) src(%arg11 : memref<40x128xf32, #tpu.memory_space<vmem>>) dst(%dma_wait3A_63 : memref<40x128xf32, #tpu.memory_space<vmem_shared>>)
      tpu.yield
    }) : () -> ()
    %add3A_39 = arith.constant 240 : i32
    %add3A_40 = arith.addi %mul3A_2, %add3A_39 : i32
    "tpu.region"() ({
      %run_scoped3A = tpu.sem_alloc : memref<!tpu.dma_semaphore, #tpu.memory_space<semaphore_mem>>
      %dma_start3A_57 = arith.constant 0 : i32
      %dma_start3A_58 = tpu.memref_slice %arg12[%add3A_40, %dma_start3A_57] : memref<5120x128xf32, #tpu.memory_space<vmem_shared>> -> memref<40x128xf32, #tpu.memory_space<vmem_shared>>
      %dma_start3A_59 = arith.constant 0 : i32
      %dma_start3A_60 = tpu.memref_slice %arg12[%add3A_40, %dma_start3A_59] : memref<5120x128xf32, #tpu.memory_space<vmem_shared>> -> memref<40x128xf32, #tpu.memory_space<vmem_shared>>
      tpu.enqueue_dma source(%arg11 : memref<40x128xf32, #tpu.memory_space<vmem>>) target(%dma_start3A_60 : memref<40x128xf32, #tpu.memory_space<vmem_shared>>) target_semaphore(%run_scoped3A : memref<!tpu.dma_semaphore, #tpu.memory_space<semaphore_mem>>)
      %dma_wait3A = arith.constant 0 : i32
      %dma_wait3A_61 = tpu.memref_slice %arg12[%add3A_40, %dma_wait3A] : memref<5120x128xf32, #tpu.memory_space<vmem_shared>> -> memref<40x128xf32, #tpu.memory_space<vmem_shared>>
      %dma_wait3A_62 = arith.constant 0 : i32
      %dma_wait3A_63 = tpu.memref_slice %arg12[%add3A_40, %dma_wait3A_62] : memref<5120x128xf32, #tpu.memory_space<vmem_shared>> -> memref<40x128xf32, #tpu.memory_space<vmem_shared>>
      tpu.wait_dma2 semaphore(%run_scoped3A : memref<!tpu.dma_semaphore, #tpu.memory_space<semaphore_mem>>) src(%arg11 : memref<40x128xf32, #tpu.memory_space<vmem>>) dst(%dma_wait3A_63 : memref<40x128xf32, #tpu.memory_space<vmem_shared>>)
      tpu.yield
    }) : () -> ()
    %add3A_41 = arith.constant 240 : i32
    %add3A_42 = arith.addi %mul3A_2, %add3A_41 : i32
    "tpu.region"() ({
      %run_scoped3A = tpu.sem_alloc : memref<!tpu.dma_semaphore, #tpu.memory_space<semaphore_mem>>
      %dma_start3A_57 = arith.constant 0 : i32
      %dma_start3A_58 = tpu.memref_slice %arg13[%add3A_42, %dma_start3A_57] : memref<5120x128xf32, #tpu.memory_space<vmem_shared>> -> memref<40x128xf32, #tpu.memory_space<vmem_shared>>
      %dma_start3A_59 = arith.constant 0 : i32
      %dma_start3A_60 = tpu.memref_slice %arg13[%add3A_42, %dma_start3A_59] : memref<5120x128xf32, #tpu.memory_space<vmem_shared>> -> memref<40x128xf32, #tpu.memory_space<vmem_shared>>
      tpu.enqueue_dma source(%arg11 : memref<40x128xf32, #tpu.memory_space<vmem>>) target(%dma_start3A_60 : memref<40x128xf32, #tpu.memory_space<vmem_shared>>) target_semaphore(%run_scoped3A : memref<!tpu.dma_semaphore, #tpu.memory_space<semaphore_mem>>)
      %dma_wait3A = arith.constant 0 : i32
      %dma_wait3A_61 = tpu.memref_slice %arg13[%add3A_42, %dma_wait3A] : memref<5120x128xf32, #tpu.memory_space<vmem_shared>> -> memref<40x128xf32, #tpu.memory_space<vmem_shared>>
      %dma_wait3A_62 = arith.constant 0 : i32
      %dma_wait3A_63 = tpu.memref_slice %arg13[%add3A_42, %dma_wait3A_62] : memref<5120x128xf32, #tpu.memory_space<vmem_shared>> -> memref<40x128xf32, #tpu.memory_space<vmem_shared>>
      tpu.wait_dma2 semaphore(%run_scoped3A : memref<!tpu.dma_semaphore, #tpu.memory_space<semaphore_mem>>) src(%arg11 : memref<40x128xf32, #tpu.memory_space<vmem>>) dst(%dma_wait3A_63 : memref<40x128xf32, #tpu.memory_space<vmem_shared>>)
      tpu.yield
    }) : () -> ()
    %add3A_43 = arith.constant 280 : i32
    %add3A_44 = arith.addi %mul3A_2, %add3A_43 : i32
    "tpu.region"() ({
      %run_scoped3A = tpu.sem_alloc : memref<!tpu.dma_semaphore, #tpu.memory_space<semaphore_mem>>
      %dma_start3A_57 = arith.constant 0 : i32
      %dma_start3A_58 = tpu.memref_slice %arg12[%add3A_44, %dma_start3A_57] : memref<5120x128xf32, #tpu.memory_space<vmem_shared>> -> memref<40x128xf32, #tpu.memory_space<vmem_shared>>
      %dma_start3A_59 = arith.constant 0 : i32
      %dma_start3A_60 = tpu.memref_slice %arg12[%add3A_44, %dma_start3A_59] : memref<5120x128xf32, #tpu.memory_space<vmem_shared>> -> memref<40x128xf32, #tpu.memory_space<vmem_shared>>
      tpu.enqueue_dma source(%arg11 : memref<40x128xf32, #tpu.memory_space<vmem>>) target(%dma_start3A_60 : memref<40x128xf32, #tpu.memory_space<vmem_shared>>) target_semaphore(%run_scoped3A : memref<!tpu.dma_semaphore, #tpu.memory_space<semaphore_mem>>)
      %dma_wait3A = arith.constant 0 : i32
      %dma_wait3A_61 = tpu.memref_slice %arg12[%add3A_44, %dma_wait3A] : memref<5120x128xf32, #tpu.memory_space<vmem_shared>> -> memref<40x128xf32, #tpu.memory_space<vmem_shared>>
      %dma_wait3A_62 = arith.constant 0 : i32
      %dma_wait3A_63 = tpu.memref_slice %arg12[%add3A_44, %dma_wait3A_62] : memref<5120x128xf32, #tpu.memory_space<vmem_shared>> -> memref<40x128xf32, #tpu.memory_space<vmem_shared>>
      tpu.wait_dma2 semaphore(%run_scoped3A : memref<!tpu.dma_semaphore, #tpu.memory_space<semaphore_mem>>) src(%arg11 : memref<40x128xf32, #tpu.memory_space<vmem>>) dst(%dma_wait3A_63 : memref<40x128xf32, #tpu.memory_space<vmem_shared>>)
      tpu.yield
    }) : () -> ()
    %add3A_45 = arith.constant 280 : i32
    %add3A_46 = arith.addi %mul3A_2, %add3A_45 : i32
    "tpu.region"() ({
      %run_scoped3A = tpu.sem_alloc : memref<!tpu.dma_semaphore, #tpu.memory_space<semaphore_mem>>
      %dma_start3A_57 = arith.constant 0 : i32
      %dma_start3A_58 = tpu.memref_slice %arg13[%add3A_46, %dma_start3A_57] : memref<5120x128xf32, #tpu.memory_space<vmem_shared>> -> memref<40x128xf32, #tpu.memory_space<vmem_shared>>
      %dma_start3A_59 = arith.constant 0 : i32
      %dma_start3A_60 = tpu.memref_slice %arg13[%add3A_46, %dma_start3A_59] : memref<5120x128xf32, #tpu.memory_space<vmem_shared>> -> memref<40x128xf32, #tpu.memory_space<vmem_shared>>
      tpu.enqueue_dma source(%arg11 : memref<40x128xf32, #tpu.memory_space<vmem>>) target(%dma_start3A_60 : memref<40x128xf32, #tpu.memory_space<vmem_shared>>) target_semaphore(%run_scoped3A : memref<!tpu.dma_semaphore, #tpu.memory_space<semaphore_mem>>)
      %dma_wait3A = arith.constant 0 : i32
      %dma_wait3A_61 = tpu.memref_slice %arg13[%add3A_46, %dma_wait3A] : memref<5120x128xf32, #tpu.memory_space<vmem_shared>> -> memref<40x128xf32, #tpu.memory_space<vmem_shared>>
      %dma_wait3A_62 = arith.constant 0 : i32
      %dma_wait3A_63 = tpu.memref_slice %arg13[%add3A_46, %dma_wait3A_62] : memref<5120x128xf32, #tpu.memory_space<vmem_shared>> -> memref<40x128xf32, #tpu.memory_space<vmem_shared>>
      tpu.wait_dma2 semaphore(%run_scoped3A : memref<!tpu.dma_semaphore, #tpu.memory_space<semaphore_mem>>) src(%arg11 : memref<40x128xf32, #tpu.memory_space<vmem>>) dst(%dma_wait3A_63 : memref<40x128xf32, #tpu.memory_space<vmem_shared>>)
      tpu.yield
    }) : () -> ()
    %dma_start3A = arith.constant 0 : i32
    %dma_start3A_47 = tpu.memref_slice %arg2[%mul3A_0, %dma_start3A] : memref<166400x128xf32, #tpu.memory_space<hbm>> -> memref<80x128xf32, #tpu.memory_space<hbm>>
    %dma_start3A_48 = arith.constant 0 : i32
    %dma_start3A_49 = tpu.memref_slice %arg2[%mul3A_0, %dma_start3A_48] : memref<166400x128xf32, #tpu.memory_space<hbm>> -> memref<80x128xf32, #tpu.memory_space<hbm>>
    tpu.enqueue_dma source(%dma_start3A_49 : memref<80x128xf32, #tpu.memory_space<hbm>>) target(%arg8 : memref<80x128xf32, #tpu.memory_space<vmem>>) target_semaphore(%arg14 : memref<!tpu.dma_semaphore, #tpu.memory_space<semaphore_mem>>)
    %barrier3A = arith.constant 0 : index
    tpu.barrier barrier_id(%barrier3A)
    %scan3A_50 = arith.constant 0 : i32
    %scan3A_51 = arith.constant 0 : i32
    %scan3A_52 = arith.constant 65 : i32
    %scan3A_53 = arith.addi %scan3A_51, %scan3A_52 : i32
    %scan3A_54 = arith.constant 1 : i32
    scf.for %scan3A_57 = %scan3A_51 to %scan3A_53 step %scan3A_54  : i32 {
      %mul3A_58 = arith.constant 2 : i32
      %mul3A_59 = arith.muli %mul3A_58, %scan3A_57 : i32
      %add3A_60 = arith.constant 0 : i32
      %add3A_61 = arith.addi %mul3A_59, %add3A_60 : i32
      %add3A_62 = arith.constant 1 : i32
      %add3A_63 = arith.addi %add3A_61, %add3A_62 : i32
      %lt3A = arith.constant 130 : i32
      %lt3A_64 = arith.cmpi slt, %add3A_63, %lt3A : i32
      %add3A_65 = arith.constant 1 : i32
      %add3A_66 = arith.addi %add3A_61, %add3A_65 : i32
      %convert_element_type3A = arith.extui %lt3A_64 : i1 to i32
      %cond3A = arith.constant 0 : i32
      %cond3A_67 = arith.cmpi ne, %convert_element_type3A, %cond3A : i32
      scf.if %cond3A_67 {
        %mul3A_297 = arith.constant 80 : i32
        %mul3A_298 = arith.muli %add3A_66, %mul3A_297 : i32
        %add3A_299 = arith.addi %mul3A_0, %mul3A_298 : i32
        %dma_start3A_300 = arith.constant 0 : i32
        %dma_start3A_301 = tpu.memref_slice %arg2[%add3A_299, %dma_start3A_300] : memref<166400x128xf32, #tpu.memory_space<hbm>> -> memref<80x128xf32, #tpu.memory_space<hbm>>
        %dma_start3A_302 = arith.constant 0 : i32
        %dma_start3A_303 = tpu.memref_slice %arg2[%add3A_299, %dma_start3A_302] : memref<166400x128xf32, #tpu.memory_space<hbm>> -> memref<80x128xf32, #tpu.memory_space<hbm>>
        tpu.enqueue_dma source(%dma_start3A_303 : memref<80x128xf32, #tpu.memory_space<hbm>>) target(%arg9 : memref<80x128xf32, #tpu.memory_space<vmem>>) target_semaphore(%arg15 : memref<!tpu.dma_semaphore, #tpu.memory_space<semaphore_mem>>)
      } else {
      }
      %add3A_68 = arith.constant 0 : i32
      %add3A_69 = arith.addi %add3A_68, %mul3A_0 : i32
      %mul3A_70 = arith.constant 80 : i32
      %mul3A_71 = arith.muli %add3A_61, %mul3A_70 : i32
      %add3A_72 = arith.addi %add3A_69, %mul3A_71 : i32
      "tpu.region"() ({
        %run_scoped3A = tpu.sem_alloc : memref<!tpu.dma_semaphore, #tpu.memory_space<semaphore_mem>>
        %dma_start3A_297 = tpu.memref_slice %arg3[%add3A_72] : memref<320000xi32, #tpu.memory_space<hbm>> -> memref<80xi32, #tpu.memory_space<hbm>>
        %dma_start3A_298 = tpu.memref_slice %arg3[%add3A_72] : memref<320000xi32, #tpu.memory_space<hbm>> -> memref<80xi32, #tpu.memory_space<hbm>>
        tpu.enqueue_dma source(%dma_start3A_298 : memref<80xi32, #tpu.memory_space<hbm>>) target(%arg6 : memref<80xi32, #tpu.memory_space<vmem>>) target_semaphore(%run_scoped3A : memref<!tpu.dma_semaphore, #tpu.memory_space<semaphore_mem>>)
        %dma_wait3A_299 = tpu.memref_slice %arg3[%add3A_72] : memref<320000xi32, #tpu.memory_space<hbm>> -> memref<80xi32, #tpu.memory_space<hbm>>
        %dma_wait3A_300 = tpu.memref_slice %arg3[%add3A_72] : memref<320000xi32, #tpu.memory_space<hbm>> -> memref<80xi32, #tpu.memory_space<hbm>>
        tpu.wait_dma2 semaphore(%run_scoped3A : memref<!tpu.dma_semaphore, #tpu.memory_space<semaphore_mem>>) src(%dma_wait3A_300 : memref<80xi32, #tpu.memory_space<hbm>>) dst(%arg6 : memref<80xi32, #tpu.memory_space<vmem>>)
        tpu.yield
      }) : () -> ()
      %get3A = arith.constant 0 : index
      %get3A_73 = tpu.vector_load %arg6[%get3A] {strides = array<i32>} : memref<80xi32, #tpu.memory_space<vmem>>, vector<16xi32>,
      %get3A_74 = vector.shape_cast %get3A_73 : vector<16xi32> to vector<16xi32>
      %sub3A = vector.broadcast %mul3A_4 : i32 to vector<16xi32>
      %sub3A_75 = arith.subi %get3A_74, %sub3A : vector<16xi32>
      %ge3A = arith.constant 0 : i32
      %ge3A_76 = vector.broadcast %ge3A : i32 to vector<16xi32>
      %ge3A_77 = arith.cmpi sge, %sub3A_75, %ge3A_76 : vector<16xi32>
      %lt3A_78 = arith.constant 5000 : i32
      %lt3A_79 = vector.broadcast %lt3A_78 : i32 to vector<16xi32>
      %lt3A_80 = arith.cmpi slt, %sub3A_75, %lt3A_79 : vector<16xi32>
      %and3A = arith.andi %ge3A_77, %lt3A_80 : vector<16xi1>
      %add3A_81 = arith.constant 5000 : i32
      %add3A_82 = arith.addi %add3A_81, %arg1 : i32
      %broadcast_in_dim3A = vector.broadcast %add3A_82 : i32 to vector<16xi32>
      %select_n3A = arith.select %and3A, %sub3A_75, %broadcast_in_dim3A : vector<16xi1>, vector<16xi32>
      %swap3A = arith.constant 0 : index
      %swap3A_83 = tpu.vector_load %arg7[%swap3A] {strides = array<i32>} : memref<80xi32, #tpu.memory_space<vmem>>, vector<16xi32>,
      %swap3A_84 = vector.shape_cast %swap3A_83 : vector<16xi32> to vector<16xi32>
      %swap3A_85 = vector.shape_cast %select_n3A : vector<16xi32> to vector<16xi32>
      tpu.vector_store %arg7[%swap3A], %swap3A_85 {strides = array<i32>} : memref<80xi32, #tpu.memory_space<vmem>>, vector<16xi32>,
      %get3A_86 = arith.constant 16 : index
      %get3A_87 = tpu.vector_load %arg6[%get3A_86] {strides = array<i32>} : memref<80xi32, #tpu.memory_space<vmem>>, vector<16xi32>,
      %get3A_88 = vector.shape_cast %get3A_87 : vector<16xi32> to vector<16xi32>
      %sub3A_89 = vector.broadcast %mul3A_4 : i32 to vector<16xi32>
      %sub3A_90 = arith.subi %get3A_88, %sub3A_89 : vector<16xi32>
      %ge3A_91 = arith.constant 0 : i32
      %ge3A_92 = vector.broadcast %ge3A_91 : i32 to vector<16xi32>
      %ge3A_93 = arith.cmpi sge, %sub3A_90, %ge3A_92 : vector<16xi32>
      %lt3A_94 = arith.constant 5000 : i32
      %lt3A_95 = vector.broadcast %lt3A_94 : i32 to vector<16xi32>
      %lt3A_96 = arith.cmpi slt, %sub3A_90, %lt3A_95 : vector<16xi32>
      %and3A_97 = arith.andi %ge3A_93, %lt3A_96 : vector<16xi1>
      %add3A_98 = arith.constant 5000 : i32
      %add3A_99 = arith.addi %add3A_98, %arg1 : i32
      %broadcast_in_dim3A_100 = vector.broadcast %add3A_99 : i32 to vector<16xi32>
      %select_n3A_101 = arith.select %and3A_97, %sub3A_90, %broadcast_in_dim3A_100 : vector<16xi1>, vector<16xi32>
      %swap3A_102 = arith.constant 16 : index
      %swap3A_103 = tpu.vector_load %arg7[%swap3A_102] {strides = array<i32>} : memref<80xi32, #tpu.memory_space<vmem>>, vector<16xi32>,
      %swap3A_104 = vector.shape_cast %swap3A_103 : vector<16xi32> to vector<16xi32>
      %swap3A_105 = vector.shape_cast %select_n3A_101 : vector<16xi32> to vector<16xi32>
      tpu.vector_store %arg7[%swap3A_102], %swap3A_105 {strides = array<i32>} : memref<80xi32, #tpu.memory_space<vmem>>, vector<16xi32>,
      %get3A_106 = arith.constant 32 : index
      %get3A_107 = tpu.vector_load %arg6[%get3A_106] {strides = array<i32>} : memref<80xi32, #tpu.memory_space<vmem>>, vector<16xi32>,
      %get3A_108 = vector.shape_cast %get3A_107 : vector<16xi32> to vector<16xi32>
      %sub3A_109 = vector.broadcast %mul3A_4 : i32 to vector<16xi32>
      %sub3A_110 = arith.subi %get3A_108, %sub3A_109 : vector<16xi32>
      %ge3A_111 = arith.constant 0 : i32
      %ge3A_112 = vector.broadcast %ge3A_111 : i32 to vector<16xi32>
      %ge3A_113 = arith.cmpi sge, %sub3A_110, %ge3A_112 : vector<16xi32>
      %lt3A_114 = arith.constant 5000 : i32
      %lt3A_115 = vector.broadcast %lt3A_114 : i32 to vector<16xi32>
      %lt3A_116 = arith.cmpi slt, %sub3A_110, %lt3A_115 : vector<16xi32>
      %and3A_117 = arith.andi %ge3A_113, %lt3A_116 : vector<16xi1>
      %add3A_118 = arith.constant 5000 : i32
      %add3A_119 = arith.addi %add3A_118, %arg1 : i32
      %broadcast_in_dim3A_120 = vector.broadcast %add3A_119 : i32 to vector<16xi32>
      %select_n3A_121 = arith.select %and3A_117, %sub3A_110, %broadcast_in_dim3A_120 : vector<16xi1>, vector<16xi32>
      %swap3A_122 = arith.constant 32 : index
      %swap3A_123 = tpu.vector_load %arg7[%swap3A_122] {strides = array<i32>} : memref<80xi32, #tpu.memory_space<vmem>>, vector<16xi32>,
      %swap3A_124 = vector.shape_cast %swap3A_123 : vector<16xi32> to vector<16xi32>
      %swap3A_125 = vector.shape_cast %select_n3A_121 : vector<16xi32> to vector<16xi32>
      tpu.vector_store %arg7[%swap3A_122], %swap3A_125 {strides = array<i32>} : memref<80xi32, #tpu.memory_space<vmem>>, vector<16xi32>,
      %get3A_126 = arith.constant 48 : index
      %get3A_127 = tpu.vector_load %arg6[%get3A_126] {strides = array<i32>} : memref<80xi32, #tpu.memory_space<vmem>>, vector<16xi32>,
      %get3A_128 = vector.shape_cast %get3A_127 : vector<16xi32> to vector<16xi32>
      %sub3A_129 = vector.broadcast %mul3A_4 : i32 to vector<16xi32>
      %sub3A_130 = arith.subi %get3A_128, %sub3A_129 : vector<16xi32>
      %ge3A_131 = arith.constant 0 : i32
      %ge3A_132 = vector.broadcast %ge3A_131 : i32 to vector<16xi32>
      %ge3A_133 = arith.cmpi sge, %sub3A_130, %ge3A_132 : vector<16xi32>
      %lt3A_134 = arith.constant 5000 : i32
      %lt3A_135 = vector.broadcast %lt3A_134 : i32 to vector<16xi32>
      %lt3A_136 = arith.cmpi slt, %sub3A_130, %lt3A_135 : vector<16xi32>
      %and3A_137 = arith.andi %ge3A_133, %lt3A_136 : vector<16xi1>
      %add3A_138 = arith.constant 5000 : i32
      %add3A_139 = arith.addi %add3A_138, %arg1 : i32
      %broadcast_in_dim3A_140 = vector.broadcast %add3A_139 : i32 to vector<16xi32>
      %select_n3A_141 = arith.select %and3A_137, %sub3A_130, %broadcast_in_dim3A_140 : vector<16xi1>, vector<16xi32>
      %swap3A_142 = arith.constant 48 : index
      %swap3A_143 = tpu.vector_load %arg7[%swap3A_142] {strides = array<i32>} : memref<80xi32, #tpu.memory_space<vmem>>, vector<16xi32>,
      %swap3A_144 = vector.shape_cast %swap3A_143 : vector<16xi32> to vector<16xi32>
      %swap3A_145 = vector.shape_cast %select_n3A_141 : vector<16xi32> to vector<16xi32>
      tpu.vector_store %arg7[%swap3A_142], %swap3A_145 {strides = array<i32>} : memref<80xi32, #tpu.memory_space<vmem>>, vector<16xi32>,
      %get3A_146 = arith.constant 64 : index
      %get3A_147 = tpu.vector_load %arg6[%get3A_146] {strides = array<i32>} : memref<80xi32, #tpu.memory_space<vmem>>, vector<16xi32>,
      %get3A_148 = vector.shape_cast %get3A_147 : vector<16xi32> to vector<16xi32>
      %sub3A_149 = vector.broadcast %mul3A_4 : i32 to vector<16xi32>
      %sub3A_150 = arith.subi %get3A_148, %sub3A_149 : vector<16xi32>
      %ge3A_151 = arith.constant 0 : i32
      %ge3A_152 = vector.broadcast %ge3A_151 : i32 to vector<16xi32>
      %ge3A_153 = arith.cmpi sge, %sub3A_150, %ge3A_152 : vector<16xi32>
      %lt3A_154 = arith.constant 5000 : i32
      %lt3A_155 = vector.broadcast %lt3A_154 : i32 to vector<16xi32>
      %lt3A_156 = arith.cmpi slt, %sub3A_150, %lt3A_155 : vector<16xi32>
      %and3A_157 = arith.andi %ge3A_153, %lt3A_156 : vector<16xi1>
      %add3A_158 = arith.constant 5000 : i32
      %add3A_159 = arith.addi %add3A_158, %arg1 : i32
      %broadcast_in_dim3A_160 = vector.broadcast %add3A_159 : i32 to vector<16xi32>
      %select_n3A_161 = arith.select %and3A_157, %sub3A_150, %broadcast_in_dim3A_160 : vector<16xi1>, vector<16xi32>
      %swap3A_162 = arith.constant 64 : index
      %swap3A_163 = tpu.vector_load %arg7[%swap3A_162] {strides = array<i32>} : memref<80xi32, #tpu.memory_space<vmem>>, vector<16xi32>,
      %swap3A_164 = vector.shape_cast %swap3A_163 : vector<16xi32> to vector<16xi32>
      %swap3A_165 = vector.shape_cast %select_n3A_161 : vector<16xi32> to vector<16xi32>
      tpu.vector_store %arg7[%swap3A_162], %swap3A_165 {strides = array<i32>} : memref<80xi32, #tpu.memory_space<vmem>>, vector<16xi32>,
      %mul3A_166 = arith.constant 80 : i32
      %mul3A_167 = arith.muli %add3A_61, %mul3A_166 : i32
      %add3A_168 = arith.addi %mul3A_0, %mul3A_167 : i32
      %dma_wait3A = arith.constant 0 : i32
      %dma_wait3A_169 = tpu.memref_slice %arg2[%add3A_168, %dma_wait3A] : memref<166400x128xf32, #tpu.memory_space<hbm>> -> memref<80x128xf32, #tpu.memory_space<hbm>>
      %dma_wait3A_170 = arith.constant 0 : i32
      %dma_wait3A_171 = tpu.memref_slice %arg2[%add3A_168, %dma_wait3A_170] : memref<166400x128xf32, #tpu.memory_space<hbm>> -> memref<80x128xf32, #tpu.memory_space<hbm>>
      tpu.wait_dma2 semaphore(%arg14 : memref<!tpu.dma_semaphore, #tpu.memory_space<semaphore_mem>>) src(%dma_wait3A_171 : memref<80x128xf32, #tpu.memory_space<hbm>>) dst(%arg8 : memref<80x128xf32, #tpu.memory_space<vmem>>)
      "tpu.region"() ({
        %run_scoped3A = tpu.sem_alloc : memref<!tpu.dma_semaphore, #tpu.memory_space<semaphore_mem>>
        %dma_start3A_297 = arith.constant 0 : i32
        %dma_start3A_298 = arith.constant 0 : i32
        %dma_start3A_299 = tpu.memref_slice %arg12[%dma_start3A_297, %dma_start3A_298] : memref<5120x128xf32, #tpu.memory_space<vmem_shared>> -> memref<5120x128xf32, #tpu.memory_space<vmem_shared>>
        tpu.enqueue_indirect_dma source(%arg8 : memref<80x128xf32, #tpu.memory_space<vmem>>) target(%dma_start3A_299 : memref<5120x128xf32, #tpu.memory_space<vmem_shared>>) offsets(%arg7 : memref<80xi32, #tpu.memory_space<vmem>>) semaphore(%run_scoped3A : memref<!tpu.dma_semaphore, #tpu.memory_space<semaphore_mem>>) {add = true}
        %dma_wait3A_300 = arith.constant 0 : i32
        %dma_wait3A_301 = arith.constant 0 : i32
        %dma_wait3A_302 = tpu.memref_slice %arg12[%dma_wait3A_300, %dma_wait3A_301] : memref<5120x128xf32, #tpu.memory_space<vmem_shared>> -> memref<5120x128xf32, #tpu.memory_space<vmem_shared>>
        tpu.wait_indirect_dma semaphore(%run_scoped3A : memref<!tpu.dma_semaphore, #tpu.memory_space<semaphore_mem>>) src(%arg8 : memref<80x128xf32, #tpu.memory_space<vmem>>) dst(%dma_wait3A_302 : memref<5120x128xf32, #tpu.memory_space<vmem_shared>>)
        tpu.yield
      }) : () -> ()
      "tpu.region"() ({
        %run_scoped3A = tpu.sem_alloc : memref<!tpu.dma_semaphore, #tpu.memory_space<semaphore_mem>>
        %dma_start3A_297 = arith.constant 0 : i32
        %dma_start3A_298 = arith.constant 0 : i32
        %dma_start3A_299 = tpu.memref_slice %arg13[%dma_start3A_297, %dma_start3A_298] : memref<5120x128xf32, #tpu.memory_space<vmem_shared>> -> memref<5120x128xf32, #tpu.memory_space<vmem_shared>>
        tpu.enqueue_indirect_dma source(%arg10 : memref<80x128xf32, #tpu.memory_space<vmem>>) target(%dma_start3A_299 : memref<5120x128xf32, #tpu.memory_space<vmem_shared>>) offsets(%arg7 : memref<80xi32, #tpu.memory_space<vmem>>) semaphore(%run_scoped3A : memref<!tpu.dma_semaphore, #tpu.memory_space<semaphore_mem>>) {add = true}
        %dma_wait3A_300 = arith.constant 0 : i32
        %dma_wait3A_301 = arith.constant 0 : i32
        %dma_wait3A_302 = tpu.memref_slice %arg13[%dma_wait3A_300, %dma_wait3A_301] : memref<5120x128xf32, #tpu.memory_space<vmem_shared>> -> memref<5120x128xf32, #tpu.memory_space<vmem_shared>>
        tpu.wait_indirect_dma semaphore(%run_scoped3A : memref<!tpu.dma_semaphore, #tpu.memory_space<semaphore_mem>>) src(%arg10 : memref<80x128xf32, #tpu.memory_space<vmem>>) dst(%dma_wait3A_302 : memref<5120x128xf32, #tpu.memory_space<vmem_shared>>)
        tpu.yield
      }) : () -> ()
      %mul3A_172 = arith.constant 2 : i32
      %mul3A_173 = arith.muli %mul3A_172, %scan3A_57 : i32
      %add3A_174 = arith.constant 1 : i32
      %add3A_175 = arith.addi %mul3A_173, %add3A_174 : i32
      %add3A_176 = arith.constant 1 : i32
      %add3A_177 = arith.addi %add3A_175, %add3A_176 : i32
      %lt3A_178 = arith.constant 130 : i32
      %lt3A_179 = arith.cmpi slt, %add3A_177, %lt3A_178 : i32
      %add3A_180 = arith.constant 1 : i32
      %add3A_181 = arith.addi %add3A_175, %add3A_180 : i32
      %convert_element_type3A_182 = arith.extui %lt3A_179 : i1 to i32
      %cond3A_183 = arith.constant 0 : i32
      %cond3A_184 = arith.cmpi ne, %convert_element_type3A_182, %cond3A_183 : i32
      scf.if %cond3A_184 {
        %mul3A_297 = arith.constant 80 : i32
        %mul3A_298 = arith.muli %add3A_181, %mul3A_297 : i32
        %add3A_299 = arith.addi %mul3A_0, %mul3A_298 : i32
        %dma_start3A_300 = arith.constant 0 : i32
        %dma_start3A_301 = tpu.memref_slice %arg2[%add3A_299, %dma_start3A_300] : memref<166400x128xf32, #tpu.memory_space<hbm>> -> memref<80x128xf32, #tpu.memory_space<hbm>>
        %dma_start3A_302 = arith.constant 0 : i32
        %dma_start3A_303 = tpu.memref_slice %arg2[%add3A_299, %dma_start3A_302] : memref<166400x128xf32, #tpu.memory_space<hbm>> -> memref<80x128xf32, #tpu.memory_space<hbm>>
        tpu.enqueue_dma source(%dma_start3A_303 : memref<80x128xf32, #tpu.memory_space<hbm>>) target(%arg8 : memref<80x128xf32, #tpu.memory_space<vmem>>) target_semaphore(%arg14 : memref<!tpu.dma_semaphore, #tpu.memory_space<semaphore_mem>>)
      } else {
      }
      %add3A_185 = arith.constant 0 : i32
      %add3A_186 = arith.addi %add3A_185, %mul3A_0 : i32
      %mul3A_187 = arith.constant 80 : i32
      %mul3A_188 = arith.muli %add3A_175, %mul3A_187 : i32
      %add3A_189 = arith.addi %add3A_186, %mul3A_188 : i32
      "tpu.region"() ({
        %run_scoped3A = tpu.sem_alloc : memref<!tpu.dma_semaphore, #tpu.memory_space<semaphore_mem>>
        %dma_start3A_297 = tpu.memref_slice %arg3[%add3A_189] : memref<320000xi32, #tpu.memory_space<hbm>> -> memref<80xi32, #tpu.memory_space<hbm>>
        %dma_start3A_298 = tpu.memref_slice %arg3[%add3A_189] : memref<320000xi32, #tpu.memory_space<hbm>> -> memref<80xi32, #tpu.memory_space<hbm>>
        tpu.enqueue_dma source(%dma_start3A_298 : memref<80xi32, #tpu.memory_space<hbm>>) target(%arg6 : memref<80xi32, #tpu.memory_space<vmem>>) target_semaphore(%run_scoped3A : memref<!tpu.dma_semaphore, #tpu.memory_space<semaphore_mem>>)
        %dma_wait3A_299 = tpu.memref_slice %arg3[%add3A_189] : memref<320000xi32, #tpu.memory_space<hbm>> -> memref<80xi32, #tpu.memory_space<hbm>>
        %dma_wait3A_300 = tpu.memref_slice %arg3[%add3A_189] : memref<320000xi32, #tpu.memory_space<hbm>> -> memref<80xi32, #tpu.memory_space<hbm>>
        tpu.wait_dma2 semaphore(%run_scoped3A : memref<!tpu.dma_semaphore, #tpu.memory_space<semaphore_mem>>) src(%dma_wait3A_300 : memref<80xi32, #tpu.memory_space<hbm>>) dst(%arg6 : memref<80xi32, #tpu.memory_space<vmem>>)
        tpu.yield
      }) : () -> ()
      %get3A_190 = arith.constant 0 : index
      %get3A_191 = tpu.vector_load %arg6[%get3A_190] {strides = array<i32>} : memref<80xi32, #tpu.memory_space<vmem>>, vector<16xi32>,
      %get3A_192 = vector.shape_cast %get3A_191 : vector<16xi32> to vector<16xi32>
      %sub3A_193 = vector.broadcast %mul3A_4 : i32 to vector<16xi32>
      %sub3A_194 = arith.subi %get3A_192, %sub3A_193 : vector<16xi32>
      %ge3A_195 = arith.constant 0 : i32
      %ge3A_196 = vector.broadcast %ge3A_195 : i32 to vector<16xi32>
      %ge3A_197 = arith.cmpi sge, %sub3A_194, %ge3A_196 : vector<16xi32>
      %lt3A_198 = arith.constant 5000 : i32
      %lt3A_199 = vector.broadcast %lt3A_198 : i32 to vector<16xi32>
      %lt3A_200 = arith.cmpi slt, %sub3A_194, %lt3A_199 : vector<16xi32>
      %and3A_201 = arith.andi %ge3A_197, %lt3A_200 : vector<16xi1>
      %add3A_202 = arith.constant 5000 : i32
      %add3A_203 = arith.addi %add3A_202, %arg1 : i32
      %broadcast_in_dim3A_204 = vector.broadcast %add3A_203 : i32 to vector<16xi32>
      %select_n3A_205 = arith.select %and3A_201, %sub3A_194, %broadcast_in_dim3A_204 : vector<16xi1>, vector<16xi32>
      %swap3A_206 = arith.constant 0 : index
      %swap3A_207 = tpu.vector_load %arg7[%swap3A_206] {strides = array<i32>} : memref<80xi32, #tpu.memory_space<vmem>>, vector<16xi32>,
      %swap3A_208 = vector.shape_cast %swap3A_207 : vector<16xi32> to vector<16xi32>
      %swap3A_209 = vector.shape_cast %select_n3A_205 : vector<16xi32> to vector<16xi32>
      tpu.vector_store %arg7[%swap3A_206], %swap3A_209 {strides = array<i32>} : memref<80xi32, #tpu.memory_space<vmem>>, vector<16xi32>,
      %get3A_210 = arith.constant 16 : index
      %get3A_211 = tpu.vector_load %arg6[%get3A_210] {strides = array<i32>} : memref<80xi32, #tpu.memory_space<vmem>>, vector<16xi32>,
      %get3A_212 = vector.shape_cast %get3A_211 : vector<16xi32> to vector<16xi32>
      %sub3A_213 = vector.broadcast %mul3A_4 : i32 to vector<16xi32>
      %sub3A_214 = arith.subi %get3A_212, %sub3A_213 : vector<16xi32>
      %ge3A_215 = arith.constant 0 : i32
      %ge3A_216 = vector.broadcast %ge3A_215 : i32 to vector<16xi32>
      %ge3A_217 = arith.cmpi sge, %sub3A_214, %ge3A_216 : vector<16xi32>
      %lt3A_218 = arith.constant 5000 : i32
      %lt3A_219 = vector.broadcast %lt3A_218 : i32 to vector<16xi32>
      %lt3A_220 = arith.cmpi slt, %sub3A_214, %lt3A_219 : vector<16xi32>
      %and3A_221 = arith.andi %ge3A_217, %lt3A_220 : vector<16xi1>
      %add3A_222 = arith.constant 5000 : i32
      %add3A_223 = arith.addi %add3A_222, %arg1 : i32
      %broadcast_in_dim3A_224 = vector.broadcast %add3A_223 : i32 to vector<16xi32>
      %select_n3A_225 = arith.select %and3A_221, %sub3A_214, %broadcast_in_dim3A_224 : vector<16xi1>, vector<16xi32>
      %swap3A_226 = arith.constant 16 : index
      %swap3A_227 = tpu.vector_load %arg7[%swap3A_226] {strides = array<i32>} : memref<80xi32, #tpu.memory_space<vmem>>, vector<16xi32>,
      %swap3A_228 = vector.shape_cast %swap3A_227 : vector<16xi32> to vector<16xi32>
      %swap3A_229 = vector.shape_cast %select_n3A_225 : vector<16xi32> to vector<16xi32>
      tpu.vector_store %arg7[%swap3A_226], %swap3A_229 {strides = array<i32>} : memref<80xi32, #tpu.memory_space<vmem>>, vector<16xi32>,
      %get3A_230 = arith.constant 32 : index
      %get3A_231 = tpu.vector_load %arg6[%get3A_230] {strides = array<i32>} : memref<80xi32, #tpu.memory_space<vmem>>, vector<16xi32>,
      %get3A_232 = vector.shape_cast %get3A_231 : vector<16xi32> to vector<16xi32>
      %sub3A_233 = vector.broadcast %mul3A_4 : i32 to vector<16xi32>
      %sub3A_234 = arith.subi %get3A_232, %sub3A_233 : vector<16xi32>
      %ge3A_235 = arith.constant 0 : i32
      %ge3A_236 = vector.broadcast %ge3A_235 : i32 to vector<16xi32>
      %ge3A_237 = arith.cmpi sge, %sub3A_234, %ge3A_236 : vector<16xi32>
      %lt3A_238 = arith.constant 5000 : i32
      %lt3A_239 = vector.broadcast %lt3A_238 : i32 to vector<16xi32>
      %lt3A_240 = arith.cmpi slt, %sub3A_234, %lt3A_239 : vector<16xi32>
      %and3A_241 = arith.andi %ge3A_237, %lt3A_240 : vector<16xi1>
      %add3A_242 = arith.constant 5000 : i32
      %add3A_243 = arith.addi %add3A_242, %arg1 : i32
      %broadcast_in_dim3A_244 = vector.broadcast %add3A_243 : i32 to vector<16xi32>
      %select_n3A_245 = arith.select %and3A_241, %sub3A_234, %broadcast_in_dim3A_244 : vector<16xi1>, vector<16xi32>
      %swap3A_246 = arith.constant 32 : index
      %swap3A_247 = tpu.vector_load %arg7[%swap3A_246] {strides = array<i32>} : memref<80xi32, #tpu.memory_space<vmem>>, vector<16xi32>,
      %swap3A_248 = vector.shape_cast %swap3A_247 : vector<16xi32> to vector<16xi32>
      %swap3A_249 = vector.shape_cast %select_n3A_245 : vector<16xi32> to vector<16xi32>
      tpu.vector_store %arg7[%swap3A_246], %swap3A_249 {strides = array<i32>} : memref<80xi32, #tpu.memory_space<vmem>>, vector<16xi32>,
      %get3A_250 = arith.constant 48 : index
      %get3A_251 = tpu.vector_load %arg6[%get3A_250] {strides = array<i32>} : memref<80xi32, #tpu.memory_space<vmem>>, vector<16xi32>,
      %get3A_252 = vector.shape_cast %get3A_251 : vector<16xi32> to vector<16xi32>
      %sub3A_253 = vector.broadcast %mul3A_4 : i32 to vector<16xi32>
      %sub3A_254 = arith.subi %get3A_252, %sub3A_253 : vector<16xi32>
      %ge3A_255 = arith.constant 0 : i32
      %ge3A_256 = vector.broadcast %ge3A_255 : i32 to vector<16xi32>
      %ge3A_257 = arith.cmpi sge, %sub3A_254, %ge3A_256 : vector<16xi32>
      %lt3A_258 = arith.constant 5000 : i32
      %lt3A_259 = vector.broadcast %lt3A_258 : i32 to vector<16xi32>
      %lt3A_260 = arith.cmpi slt, %sub3A_254, %lt3A_259 : vector<16xi32>
      %and3A_261 = arith.andi %ge3A_257, %lt3A_260 : vector<16xi1>
      %add3A_262 = arith.constant 5000 : i32
      %add3A_263 = arith.addi %add3A_262, %arg1 : i32
      %broadcast_in_dim3A_264 = vector.broadcast %add3A_263 : i32 to vector<16xi32>
      %select_n3A_265 = arith.select %and3A_261, %sub3A_254, %broadcast_in_dim3A_264 : vector<16xi1>, vector<16xi32>
      %swap3A_266 = arith.constant 48 : index
      %swap3A_267 = tpu.vector_load %arg7[%swap3A_266] {strides = array<i32>} : memref<80xi32, #tpu.memory_space<vmem>>, vector<16xi32>,
      %swap3A_268 = vector.shape_cast %swap3A_267 : vector<16xi32> to vector<16xi32>
      %swap3A_269 = vector.shape_cast %select_n3A_265 : vector<16xi32> to vector<16xi32>
      tpu.vector_store %arg7[%swap3A_266], %swap3A_269 {strides = array<i32>} : memref<80xi32, #tpu.memory_space<vmem>>, vector<16xi32>,
      %get3A_270 = arith.constant 64 : index
      %get3A_271 = tpu.vector_load %arg6[%get3A_270] {strides = array<i32>} : memref<80xi32, #tpu.memory_space<vmem>>, vector<16xi32>,
      %get3A_272 = vector.shape_cast %get3A_271 : vector<16xi32> to vector<16xi32>
      %sub3A_273 = vector.broadcast %mul3A_4 : i32 to vector<16xi32>
      %sub3A_274 = arith.subi %get3A_272, %sub3A_273 : vector<16xi32>
      %ge3A_275 = arith.constant 0 : i32
      %ge3A_276 = vector.broadcast %ge3A_275 : i32 to vector<16xi32>
      %ge3A_277 = arith.cmpi sge, %sub3A_274, %ge3A_276 : vector<16xi32>
      %lt3A_278 = arith.constant 5000 : i32
      %lt3A_279 = vector.broadcast %lt3A_278 : i32 to vector<16xi32>
      %lt3A_280 = arith.cmpi slt, %sub3A_274, %lt3A_279 : vector<16xi32>
      %and3A_281 = arith.andi %ge3A_277, %lt3A_280 : vector<16xi1>
      %add3A_282 = arith.constant 5000 : i32
      %add3A_283 = arith.addi %add3A_282, %arg1 : i32
      %broadcast_in_dim3A_284 = vector.broadcast %add3A_283 : i32 to vector<16xi32>
      %select_n3A_285 = arith.select %and3A_281, %sub3A_274, %broadcast_in_dim3A_284 : vector<16xi1>, vector<16xi32>
      %swap3A_286 = arith.constant 64 : index
      %swap3A_287 = tpu.vector_load %arg7[%swap3A_286] {strides = array<i32>} : memref<80xi32, #tpu.memory_space<vmem>>, vector<16xi32>,
      %swap3A_288 = vector.shape_cast %swap3A_287 : vector<16xi32> to vector<16xi32>
      %swap3A_289 = vector.shape_cast %select_n3A_285 : vector<16xi32> to vector<16xi32>
      tpu.vector_store %arg7[%swap3A_286], %swap3A_289 {strides = array<i32>} : memref<80xi32, #tpu.memory_space<vmem>>, vector<16xi32>,
      %mul3A_290 = arith.constant 80 : i32
      %mul3A_291 = arith.muli %add3A_175, %mul3A_290 : i32
      %add3A_292 = arith.addi %mul3A_0, %mul3A_291 : i32
      %dma_wait3A_293 = arith.constant 0 : i32
      %dma_wait3A_294 = tpu.memref_slice %arg2[%add3A_292, %dma_wait3A_293] : memref<166400x128xf32, #tpu.memory_space<hbm>> -> memref<80x128xf32, #tpu.memory_space<hbm>>
      %dma_wait3A_295 = arith.constant 0 : i32
      %dma_wait3A_296 = tpu.memref_slice %arg2[%add3A_292, %dma_wait3A_295] : memref<166400x128xf32, #tpu.memory_space<hbm>> -> memref<80x128xf32, #tpu.memory_space<hbm>>
      tpu.wait_dma2 semaphore(%arg15 : memref<!tpu.dma_semaphore, #tpu.memory_space<semaphore_mem>>) src(%dma_wait3A_296 : memref<80x128xf32, #tpu.memory_space<hbm>>) dst(%arg9 : memref<80x128xf32, #tpu.memory_space<vmem>>)
      "tpu.region"() ({
        %run_scoped3A = tpu.sem_alloc : memref<!tpu.dma_semaphore, #tpu.memory_space<semaphore_mem>>
        %dma_start3A_297 = arith.constant 0 : i32
        %dma_start3A_298 = arith.constant 0 : i32
        %dma_start3A_299 = tpu.memref_slice %arg12[%dma_start3A_297, %dma_start3A_298] : memref<5120x128xf32, #tpu.memory_space<vmem_shared>> -> memref<5120x128xf32, #tpu.memory_space<vmem_shared>>
        tpu.enqueue_indirect_dma source(%arg9 : memref<80x128xf32, #tpu.memory_space<vmem>>) target(%dma_start3A_299 : memref<5120x128xf32, #tpu.memory_space<vmem_shared>>) offsets(%arg7 : memref<80xi32, #tpu.memory_space<vmem>>) semaphore(%run_scoped3A : memref<!tpu.dma_semaphore, #tpu.memory_space<semaphore_mem>>) {add = true}
        %dma_wait3A_300 = arith.constant 0 : i32
        %dma_wait3A_301 = arith.constant 0 : i32
        %dma_wait3A_302 = tpu.memref_slice %arg12[%dma_wait3A_300, %dma_wait3A_301] : memref<5120x128xf32, #tpu.memory_space<vmem_shared>> -> memref<5120x128xf32, #tpu.memory_space<vmem_shared>>
        tpu.wait_indirect_dma semaphore(%run_scoped3A : memref<!tpu.dma_semaphore, #tpu.memory_space<semaphore_mem>>) src(%arg9 : memref<80x128xf32, #tpu.memory_space<vmem>>) dst(%dma_wait3A_302 : memref<5120x128xf32, #tpu.memory_space<vmem_shared>>)
        tpu.yield
      }) : () -> ()
      "tpu.region"() ({
        %run_scoped3A = tpu.sem_alloc : memref<!tpu.dma_semaphore, #tpu.memory_space<semaphore_mem>>
        %dma_start3A_297 = arith.constant 0 : i32
        %dma_start3A_298 = arith.constant 0 : i32
        %dma_start3A_299 = tpu.memref_slice %arg13[%dma_start3A_297, %dma_start3A_298] : memref<5120x128xf32, #tpu.memory_space<vmem_shared>> -> memref<5120x128xf32, #tpu.memory_space<vmem_shared>>
        tpu.enqueue_indirect_dma source(%arg10 : memref<80x128xf32, #tpu.memory_space<vmem>>) target(%dma_start3A_299 : memref<5120x128xf32, #tpu.memory_space<vmem_shared>>) offsets(%arg7 : memref<80xi32, #tpu.memory_space<vmem>>) semaphore(%run_scoped3A : memref<!tpu.dma_semaphore, #tpu.memory_space<semaphore_mem>>) {add = true}
        %dma_wait3A_300 = arith.constant 0 : i32
        %dma_wait3A_301 = arith.constant 0 : i32
        %dma_wait3A_302 = tpu.memref_slice %arg13[%dma_wait3A_300, %dma_wait3A_301] : memref<5120x128xf32, #tpu.memory_space<vmem_shared>> -> memref<5120x128xf32, #tpu.memory_space<vmem_shared>>
        tpu.wait_indirect_dma semaphore(%run_scoped3A : memref<!tpu.dma_semaphore, #tpu.memory_space<semaphore_mem>>) src(%arg10 : memref<80x128xf32, #tpu.memory_space<vmem>>) dst(%dma_wait3A_302 : memref<5120x128xf32, #tpu.memory_space<vmem_shared>>)
        tpu.yield
      }) : () -> ()
    }
    %scan3A_55 = arith.constant 65 : i32
    %barrier3A_56 = arith.constant 0 : index
    tpu.barrier barrier_id(%barrier3A_56)
    "tpu.region"() ({
      %run_scoped3A = tpu.sem_alloc : memref<!tpu.dma_semaphore, #tpu.memory_space<semaphore_mem>>
      %dma_start3A_57 = arith.constant 0 : i32
      %dma_start3A_58 = tpu.memref_slice %arg4[%arg0, %mul3A_2, %dma_start3A_57] : memref<2x5120x128xf32, #tpu.memory_space<hbm>> -> memref<1x320x128xf32, #tpu.memory_space<hbm>>
      %dma_start3A_59 = tpu.memref_squeeze %dma_start3A_58 : memref<1x320x128xf32, #tpu.memory_space<hbm>> -> memref<320x128xf32, #tpu.memory_space<hbm>>
      %dma_start3A_60 = arith.constant 0 : i32
      %dma_start3A_61 = tpu.memref_slice %arg12[%mul3A_2, %dma_start3A_60] : memref<5120x128xf32, #tpu.memory_space<vmem_shared>> -> memref<320x128xf32, #tpu.memory_space<vmem_shared>>
      tpu.enqueue_dma source(%dma_start3A_61 : memref<320x128xf32, #tpu.memory_space<vmem_shared>>) target(%dma_start3A_59 : memref<320x128xf32, #tpu.memory_space<hbm>>) target_semaphore(%run_scoped3A : memref<!tpu.dma_semaphore, #tpu.memory_space<semaphore_mem>>)
      %dma_wait3A = arith.constant 0 : i32
      %dma_wait3A_62 = tpu.memref_slice %arg4[%arg0, %mul3A_2, %dma_wait3A] : memref<2x5120x128xf32, #tpu.memory_space<hbm>> -> memref<1x320x128xf32, #tpu.memory_space<hbm>>
      %dma_wait3A_63 = tpu.memref_squeeze %dma_wait3A_62 : memref<1x320x128xf32, #tpu.memory_space<hbm>> -> memref<320x128xf32, #tpu.memory_space<hbm>>
      %dma_wait3A_64 = arith.constant 0 : i32
      %dma_wait3A_65 = tpu.memref_slice %arg12[%mul3A_2, %dma_wait3A_64] : memref<5120x128xf32, #tpu.memory_space<vmem_shared>> -> memref<320x128xf32, #tpu.memory_space<vmem_shared>>
      tpu.wait_dma2 semaphore(%run_scoped3A : memref<!tpu.dma_semaphore, #tpu.memory_space<semaphore_mem>>) src(%dma_wait3A_65 : memref<320x128xf32, #tpu.memory_space<vmem_shared>>) dst(%dma_wait3A_63 : memref<320x128xf32, #tpu.memory_space<hbm>>)
      tpu.yield
    }) : () -> ()
    "tpu.region"() ({
      %run_scoped3A = tpu.sem_alloc : memref<!tpu.dma_semaphore, #tpu.memory_space<semaphore_mem>>
      %dma_start3A_57 = arith.constant 0 : i32
      %dma_start3A_58 = tpu.memref_slice %arg5[%arg0, %mul3A_2, %dma_start3A_57] : memref<2x5120x128xf32, #tpu.memory_space<hbm>> -> memref<1x320x128xf32, #tpu.memory_space<hbm>>
      %dma_start3A_59 = tpu.memref_squeeze %dma_start3A_58 : memref<1x320x128xf32, #tpu.memory_space<hbm>> -> memref<320x128xf32, #tpu.memory_space<hbm>>
      %dma_start3A_60 = arith.constant 0 : i32
      %dma_start3A_61 = tpu.memref_slice %arg13[%mul3A_2, %dma_start3A_60] : memref<5120x128xf32, #tpu.memory_space<vmem_shared>> -> memref<320x128xf32, #tpu.memory_space<vmem_shared>>
      tpu.enqueue_dma source(%dma_start3A_61 : memref<320x128xf32, #tpu.memory_space<vmem_shared>>) target(%dma_start3A_59 : memref<320x128xf32, #tpu.memory_space<hbm>>) target_semaphore(%run_scoped3A : memref<!tpu.dma_semaphore, #tpu.memory_space<semaphore_mem>>)
      %dma_wait3A = arith.constant 0 : i32
      %dma_wait3A_62 = tpu.memref_slice %arg5[%arg0, %mul3A_2, %dma_wait3A] : memref<2x5120x128xf32, #tpu.memory_space<hbm>> -> memref<1x320x128xf32, #tpu.memory_space<hbm>>
      %dma_wait3A_63 = tpu.memref_squeeze %dma_wait3A_62 : memref<1x320x128xf32, #tpu.memory_space<hbm>> -> memref<320x128xf32, #tpu.memory_space<hbm>>
      %dma_wait3A_64 = arith.constant 0 : i32
      %dma_wait3A_65 = tpu.memref_slice %arg13[%mul3A_2, %dma_wait3A_64] : memref<5120x128xf32, #tpu.memory_space<vmem_shared>> -> memref<320x128xf32, #tpu.memory_space<vmem_shared>>
      tpu.wait_dma2 semaphore(%run_scoped3A : memref<!tpu.dma_semaphore, #tpu.memory_space<semaphore_mem>>) src(%dma_wait3A_65 : memref<320x128xf32, #tpu.memory_space<vmem_shared>>) dst(%dma_wait3A_63 : memref<320x128xf32, #tpu.memory_space<hbm>>)
      tpu.yield
    }) : () -> ()
    return
  }
}

#map = affine_map<(d0, d1) -> (0, 0)>
#map1 = affine_map<(d0, d1) -> (0)>
module attributes {stable_mosaic.version = 14 : i64} {
  func.func @k(%arg0: i32, %arg1: i32, %arg2: memref<10000x128xf32, #tpu.memory_space<hbm>>, %arg3: memref<320000xi32, #tpu.memory_space<hbm>>, %arg4: memref<320000xi32, #tpu.memory_space<hbm>>, %arg5: memref<166400x128xf32, #tpu.memory_space<hbm>>, %arg6: memref<166400x128xf32, #tpu.memory_space<hbm>>, %arg7: memref<5200xi32, #tpu.memory_space<vmem>>, %arg8: memref<5200xi32, #tpu.memory_space<vmem>>, %arg9: memref<80x128xf32, #tpu.memory_space<vmem>>, %arg10: memref<80x128xf32, #tpu.memory_space<vmem>>, %arg11: memref<80x128xf32, #tpu.memory_space<vmem>>, %arg12: memref<80x128xf32, #tpu.memory_space<vmem>>, %arg13: memref<!tpu.dma_semaphore, #tpu.memory_space<semaphore_mem>>, %arg14: memref<!tpu.dma_semaphore, #tpu.memory_space<semaphore_mem>>, %arg15: memref<!tpu.dma_semaphore, #tpu.memory_space<semaphore_mem>>, %arg16: memref<!tpu.dma_semaphore, #tpu.memory_space<semaphore_mem>>, %arg17: memref<!tpu.dma_semaphore, #tpu.memory_space<semaphore_mem>>, %arg18: memref<!tpu.dma_semaphore, #tpu.memory_space<semaphore_mem>>, %arg19: memref<!tpu.dma_semaphore, #tpu.memory_space<semaphore_mem>>, %arg20: memref<!tpu.dma_semaphore, #tpu.memory_space<semaphore_mem>>) attributes {dimension_semantics = [#tpu.dimension_semantics<core_parallel>, #tpu.dimension_semantics<subcore_parallel>], iteration_bounds = array<i64: 2, 16>, scalar_prefetch = 0 : i64, scratch_operands = 14 : i64, tpu.core_type = #tpu.core_type<sc_vector_subcore>, window_params = [{transform_indices = #map}, {transform_indices = #map1}, {transform_indices = #map1}, {transform_indices = #map}, {transform_indices = #map}]} {
    %mul3A = arith.constant 2 : i32
    %mul3A_0 = arith.muli %arg1, %mul3A : i32
    %add3A = arith.addi %mul3A_0, %arg0 : i32
    %mul3A_1 = arith.constant 5200 : i32
    %mul3A_2 = arith.muli %add3A, %mul3A_1 : i32
    %add3A_3 = arith.constant 0 : i32
    %add3A_4 = arith.addi %add3A_3, %mul3A_2 : i32
    "tpu.region"() ({
      %run_scoped3A = tpu.sem_alloc : memref<!tpu.dma_semaphore, #tpu.memory_space<semaphore_mem>>
      %dma_start3A_130 = tpu.memref_slice %arg3[%add3A_4] : memref<320000xi32, #tpu.memory_space<hbm>> -> memref<5200xi32, #tpu.memory_space<hbm>>
      %dma_start3A_131 = tpu.memref_slice %arg3[%add3A_4] : memref<320000xi32, #tpu.memory_space<hbm>> -> memref<5200xi32, #tpu.memory_space<hbm>>
      tpu.enqueue_dma source(%dma_start3A_131 : memref<5200xi32, #tpu.memory_space<hbm>>) target(%arg7 : memref<5200xi32, #tpu.memory_space<vmem>>) target_semaphore(%run_scoped3A : memref<!tpu.dma_semaphore, #tpu.memory_space<semaphore_mem>>)
      %dma_wait3A_132 = tpu.memref_slice %arg3[%add3A_4] : memref<320000xi32, #tpu.memory_space<hbm>> -> memref<5200xi32, #tpu.memory_space<hbm>>
      %dma_wait3A_133 = tpu.memref_slice %arg3[%add3A_4] : memref<320000xi32, #tpu.memory_space<hbm>> -> memref<5200xi32, #tpu.memory_space<hbm>>
      tpu.wait_dma2 semaphore(%run_scoped3A : memref<!tpu.dma_semaphore, #tpu.memory_space<semaphore_mem>>) src(%dma_wait3A_133 : memref<5200xi32, #tpu.memory_space<hbm>>) dst(%arg7 : memref<5200xi32, #tpu.memory_space<vmem>>)
      tpu.yield
    }) : () -> ()
    %add3A_5 = arith.constant 0 : i32
    %add3A_6 = arith.addi %add3A_5, %mul3A_2 : i32
    "tpu.region"() ({
      %run_scoped3A = tpu.sem_alloc : memref<!tpu.dma_semaphore, #tpu.memory_space<semaphore_mem>>
      %dma_start3A_130 = tpu.memref_slice %arg4[%add3A_6] : memref<320000xi32, #tpu.memory_space<hbm>> -> memref<5200xi32, #tpu.memory_space<hbm>>
      %dma_start3A_131 = tpu.memref_slice %arg4[%add3A_6] : memref<320000xi32, #tpu.memory_space<hbm>> -> memref<5200xi32, #tpu.memory_space<hbm>>
      tpu.enqueue_dma source(%dma_start3A_131 : memref<5200xi32, #tpu.memory_space<hbm>>) target(%arg8 : memref<5200xi32, #tpu.memory_space<vmem>>) target_semaphore(%run_scoped3A : memref<!tpu.dma_semaphore, #tpu.memory_space<semaphore_mem>>)
      %dma_wait3A_132 = tpu.memref_slice %arg4[%add3A_6] : memref<320000xi32, #tpu.memory_space<hbm>> -> memref<5200xi32, #tpu.memory_space<hbm>>
      %dma_wait3A_133 = tpu.memref_slice %arg4[%add3A_6] : memref<320000xi32, #tpu.memory_space<hbm>> -> memref<5200xi32, #tpu.memory_space<hbm>>
      tpu.wait_dma2 semaphore(%run_scoped3A : memref<!tpu.dma_semaphore, #tpu.memory_space<semaphore_mem>>) src(%dma_wait3A_133 : memref<5200xi32, #tpu.memory_space<hbm>>) dst(%arg8 : memref<5200xi32, #tpu.memory_space<vmem>>)
      tpu.yield
    }) : () -> ()
    %dma_start3A = arith.constant 0 : i32
    %dma_start3A_7 = tpu.memref_slice %arg7[%dma_start3A] : memref<5200xi32, #tpu.memory_space<vmem>> -> memref<80xi32, #tpu.memory_space<vmem>>
    %dma_start3A_8 = arith.constant 0 : i32
    %dma_start3A_9 = arith.constant 0 : i32
    %dma_start3A_10 = tpu.memref_slice %arg2[%dma_start3A_8, %dma_start3A_9] : memref<10000x128xf32, #tpu.memory_space<hbm>> -> memref<10000x128xf32, #tpu.memory_space<hbm>>
    tpu.enqueue_indirect_dma source(%dma_start3A_10 : memref<10000x128xf32, #tpu.memory_space<hbm>>) target(%arg9 : memref<80x128xf32, #tpu.memory_space<vmem>>) offsets(%dma_start3A_7 : memref<80xi32, #tpu.memory_space<vmem>>) semaphore(%arg13 : memref<!tpu.dma_semaphore, #tpu.memory_space<semaphore_mem>>)
    %dma_start3A_11 = arith.constant 0 : i32
    %dma_start3A_12 = tpu.memref_slice %arg8[%dma_start3A_11] : memref<5200xi32, #tpu.memory_space<vmem>> -> memref<80xi32, #tpu.memory_space<vmem>>
    %dma_start3A_13 = arith.constant 0 : i32
    %dma_start3A_14 = arith.constant 0 : i32
    %dma_start3A_15 = tpu.memref_slice %arg2[%dma_start3A_13, %dma_start3A_14] : memref<10000x128xf32, #tpu.memory_space<hbm>> -> memref<10000x128xf32, #tpu.memory_space<hbm>>
    tpu.enqueue_indirect_dma source(%dma_start3A_15 : memref<10000x128xf32, #tpu.memory_space<hbm>>) target(%arg10 : memref<80x128xf32, #tpu.memory_space<vmem>>) offsets(%dma_start3A_12 : memref<80xi32, #tpu.memory_space<vmem>>) semaphore(%arg14 : memref<!tpu.dma_semaphore, #tpu.memory_space<semaphore_mem>>)
    %dma_start3A_16 = arith.constant 80 : i32
    %dma_start3A_17 = tpu.memref_slice %arg7[%dma_start3A_16] : memref<5200xi32, #tpu.memory_space<vmem>> -> memref<80xi32, #tpu.memory_space<vmem>>
    %dma_start3A_18 = arith.constant 0 : i32
    %dma_start3A_19 = arith.constant 0 : i32
    %dma_start3A_20 = tpu.memref_slice %arg2[%dma_start3A_18, %dma_start3A_19] : memref<10000x128xf32, #tpu.memory_space<hbm>> -> memref<10000x128xf32, #tpu.memory_space<hbm>>
    tpu.enqueue_indirect_dma source(%dma_start3A_20 : memref<10000x128xf32, #tpu.memory_space<hbm>>) target(%arg11 : memref<80x128xf32, #tpu.memory_space<vmem>>) offsets(%dma_start3A_17 : memref<80xi32, #tpu.memory_space<vmem>>) semaphore(%arg15 : memref<!tpu.dma_semaphore, #tpu.memory_space<semaphore_mem>>)
    %dma_start3A_21 = arith.constant 80 : i32
    %dma_start3A_22 = tpu.memref_slice %arg8[%dma_start3A_21] : memref<5200xi32, #tpu.memory_space<vmem>> -> memref<80xi32, #tpu.memory_space<vmem>>
    %dma_start3A_23 = arith.constant 0 : i32
    %dma_start3A_24 = arith.constant 0 : i32
    %dma_start3A_25 = tpu.memref_slice %arg2[%dma_start3A_23, %dma_start3A_24] : memref<10000x128xf32, #tpu.memory_space<hbm>> -> memref<10000x128xf32, #tpu.memory_space<hbm>>
    tpu.enqueue_indirect_dma source(%dma_start3A_25 : memref<10000x128xf32, #tpu.memory_space<hbm>>) target(%arg12 : memref<80x128xf32, #tpu.memory_space<vmem>>) offsets(%dma_start3A_22 : memref<80xi32, #tpu.memory_space<vmem>>) semaphore(%arg16 : memref<!tpu.dma_semaphore, #tpu.memory_space<semaphore_mem>>)
    %dma_wait3A = arith.constant 0 : i32
    %dma_wait3A_26 = tpu.memref_slice %arg7[%dma_wait3A] : memref<5200xi32, #tpu.memory_space<vmem>> -> memref<80xi32, #tpu.memory_space<vmem>>
    %dma_wait3A_27 = arith.constant 0 : i32
    %dma_wait3A_28 = arith.constant 0 : i32
    %dma_wait3A_29 = tpu.memref_slice %arg2[%dma_wait3A_27, %dma_wait3A_28] : memref<10000x128xf32, #tpu.memory_space<hbm>> -> memref<10000x128xf32, #tpu.memory_space<hbm>>
    tpu.wait_indirect_dma semaphore(%arg13 : memref<!tpu.dma_semaphore, #tpu.memory_space<semaphore_mem>>) src(%dma_wait3A_29 : memref<10000x128xf32, #tpu.memory_space<hbm>>) dst(%arg9 : memref<80x128xf32, #tpu.memory_space<vmem>>)
    %dma_wait3A_30 = arith.constant 0 : i32
    %dma_wait3A_31 = tpu.memref_slice %arg8[%dma_wait3A_30] : memref<5200xi32, #tpu.memory_space<vmem>> -> memref<80xi32, #tpu.memory_space<vmem>>
    %dma_wait3A_32 = arith.constant 0 : i32
    %dma_wait3A_33 = arith.constant 0 : i32
    %dma_wait3A_34 = tpu.memref_slice %arg2[%dma_wait3A_32, %dma_wait3A_33] : memref<10000x128xf32, #tpu.memory_space<hbm>> -> memref<10000x128xf32, #tpu.memory_space<hbm>>
    tpu.wait_indirect_dma semaphore(%arg14 : memref<!tpu.dma_semaphore, #tpu.memory_space<semaphore_mem>>) src(%dma_wait3A_34 : memref<10000x128xf32, #tpu.memory_space<hbm>>) dst(%arg10 : memref<80x128xf32, #tpu.memory_space<vmem>>)
    %add3A_35 = arith.constant 0 : i32
    %add3A_36 = arith.addi %mul3A_2, %add3A_35 : i32
    %dma_start3A_37 = arith.constant 0 : i32
    %dma_start3A_38 = tpu.memref_slice %arg5[%add3A_36, %dma_start3A_37] : memref<166400x128xf32, #tpu.memory_space<hbm>> -> memref<80x128xf32, #tpu.memory_space<hbm>>
    %dma_start3A_39 = arith.constant 0 : i32
    %dma_start3A_40 = tpu.memref_slice %arg5[%add3A_36, %dma_start3A_39] : memref<166400x128xf32, #tpu.memory_space<hbm>> -> memref<80x128xf32, #tpu.memory_space<hbm>>
    tpu.enqueue_dma source(%arg9 : memref<80x128xf32, #tpu.memory_space<vmem>>) target(%dma_start3A_40 : memref<80x128xf32, #tpu.memory_space<hbm>>) target_semaphore(%arg17 : memref<!tpu.dma_semaphore, #tpu.memory_space<semaphore_mem>>)
    %dma_start3A_41 = arith.constant 0 : i32
    %dma_start3A_42 = tpu.memref_slice %arg6[%add3A_36, %dma_start3A_41] : memref<166400x128xf32, #tpu.memory_space<hbm>> -> memref<80x128xf32, #tpu.memory_space<hbm>>
    %dma_start3A_43 = arith.constant 0 : i32
    %dma_start3A_44 = tpu.memref_slice %arg6[%add3A_36, %dma_start3A_43] : memref<166400x128xf32, #tpu.memory_space<hbm>> -> memref<80x128xf32, #tpu.memory_space<hbm>>
    tpu.enqueue_dma source(%arg10 : memref<80x128xf32, #tpu.memory_space<vmem>>) target(%dma_start3A_44 : memref<80x128xf32, #tpu.memory_space<hbm>>) target_semaphore(%arg18 : memref<!tpu.dma_semaphore, #tpu.memory_space<semaphore_mem>>)
    %scan3A = arith.constant 0 : i32
    %scan3A_45 = arith.constant 0 : i32
    %scan3A_46 = arith.constant 31 : i32
    %scan3A_47 = arith.addi %scan3A_45, %scan3A_46 : i32
    %scan3A_48 = arith.constant 1 : i32
    scf.for %scan3A_130 = %scan3A_45 to %scan3A_47 step %scan3A_48  : i32 {
      %mul3A_131 = arith.constant 2 : i32
      %mul3A_132 = arith.muli %mul3A_131, %scan3A_130 : i32
      %add3A_133 = arith.constant 1 : i32
      %add3A_134 = arith.addi %mul3A_132, %add3A_133 : i32
      %add3A_135 = arith.constant 0 : i32
      %add3A_136 = arith.addi %add3A_134, %add3A_135 : i32
      %sub3A = arith.constant 1 : i32
      %sub3A_137 = arith.subi %add3A_136, %sub3A : i32
      %mul3A_138 = arith.constant 80 : i32
      %mul3A_139 = arith.muli %sub3A_137, %mul3A_138 : i32
      %add3A_140 = arith.addi %mul3A_2, %mul3A_139 : i32
      %dma_wait3A_141 = arith.constant 0 : i32
      %dma_wait3A_142 = tpu.memref_slice %arg5[%add3A_140, %dma_wait3A_141] : memref<166400x128xf32, #tpu.memory_space<hbm>> -> memref<80x128xf32, #tpu.memory_space<hbm>>
      %dma_wait3A_143 = arith.constant 0 : i32
      %dma_wait3A_144 = tpu.memref_slice %arg5[%add3A_140, %dma_wait3A_143] : memref<166400x128xf32, #tpu.memory_space<hbm>> -> memref<80x128xf32, #tpu.memory_space<hbm>>
      tpu.wait_dma2 semaphore(%arg17 : memref<!tpu.dma_semaphore, #tpu.memory_space<semaphore_mem>>) src(%arg9 : memref<80x128xf32, #tpu.memory_space<vmem>>) dst(%dma_wait3A_144 : memref<80x128xf32, #tpu.memory_space<hbm>>)
      %dma_wait3A_145 = arith.constant 0 : i32
      %dma_wait3A_146 = tpu.memref_slice %arg6[%add3A_140, %dma_wait3A_145] : memref<166400x128xf32, #tpu.memory_space<hbm>> -> memref<80x128xf32, #tpu.memory_space<hbm>>
      %dma_wait3A_147 = arith.constant 0 : i32
      %dma_wait3A_148 = tpu.memref_slice %arg6[%add3A_140, %dma_wait3A_147] : memref<166400x128xf32, #tpu.memory_space<hbm>> -> memref<80x128xf32, #tpu.memory_space<hbm>>
      tpu.wait_dma2 semaphore(%arg18 : memref<!tpu.dma_semaphore, #tpu.memory_space<semaphore_mem>>) src(%arg10 : memref<80x128xf32, #tpu.memory_space<vmem>>) dst(%dma_wait3A_148 : memref<80x128xf32, #tpu.memory_space<hbm>>)
      %add3A_149 = arith.constant 1 : i32
      %add3A_150 = arith.addi %add3A_136, %add3A_149 : i32
      %mul3A_151 = arith.constant 80 : i32
      %mul3A_152 = arith.muli %add3A_150, %mul3A_151 : i32
      %dma_start3A_153 = tpu.memref_slice %arg7[%mul3A_152] : memref<5200xi32, #tpu.memory_space<vmem>> -> memref<80xi32, #tpu.memory_space<vmem>>
      %dma_start3A_154 = arith.constant 0 : i32
      %dma_start3A_155 = arith.constant 0 : i32
      %dma_start3A_156 = tpu.memref_slice %arg2[%dma_start3A_154, %dma_start3A_155] : memref<10000x128xf32, #tpu.memory_space<hbm>> -> memref<10000x128xf32, #tpu.memory_space<hbm>>
      tpu.enqueue_indirect_dma source(%dma_start3A_156 : memref<10000x128xf32, #tpu.memory_space<hbm>>) target(%arg9 : memref<80x128xf32, #tpu.memory_space<vmem>>) offsets(%dma_start3A_153 : memref<80xi32, #tpu.memory_space<vmem>>) semaphore(%arg13 : memref<!tpu.dma_semaphore, #tpu.memory_space<semaphore_mem>>)
      %mul3A_157 = arith.constant 80 : i32
      %mul3A_158 = arith.muli %add3A_150, %mul3A_157 : i32
      %dma_start3A_159 = tpu.memref_slice %arg8[%mul3A_158] : memref<5200xi32, #tpu.memory_space<vmem>> -> memref<80xi32, #tpu.memory_space<vmem>>
      %dma_start3A_160 = arith.constant 0 : i32
      %dma_start3A_161 = arith.constant 0 : i32
      %dma_start3A_162 = tpu.memref_slice %arg2[%dma_start3A_160, %dma_start3A_161] : memref<10000x128xf32, #tpu.memory_space<hbm>> -> memref<10000x128xf32, #tpu.memory_space<hbm>>
      tpu.enqueue_indirect_dma source(%dma_start3A_162 : memref<10000x128xf32, #tpu.memory_space<hbm>>) target(%arg10 : memref<80x128xf32, #tpu.memory_space<vmem>>) offsets(%dma_start3A_159 : memref<80xi32, #tpu.memory_space<vmem>>) semaphore(%arg14 : memref<!tpu.dma_semaphore, #tpu.memory_space<semaphore_mem>>)
      %mul3A_163 = arith.constant 80 : i32
      %mul3A_164 = arith.muli %add3A_136, %mul3A_163 : i32
      %dma_wait3A_165 = tpu.memref_slice %arg7[%mul3A_164] : memref<5200xi32, #tpu.memory_space<vmem>> -> memref<80xi32, #tpu.memory_space<vmem>>
      %dma_wait3A_166 = arith.constant 0 : i32
      %dma_wait3A_167 = arith.constant 0 : i32
      %dma_wait3A_168 = tpu.memref_slice %arg2[%dma_wait3A_166, %dma_wait3A_167] : memref<10000x128xf32, #tpu.memory_space<hbm>> -> memref<10000x128xf32, #tpu.memory_space<hbm>>
      tpu.wait_indirect_dma semaphore(%arg15 : memref<!tpu.dma_semaphore, #tpu.memory_space<semaphore_mem>>) src(%dma_wait3A_168 : memref<10000x128xf32, #tpu.memory_space<hbm>>) dst(%arg11 : memref<80x128xf32, #tpu.memory_space<vmem>>)
      %mul3A_169 = arith.constant 80 : i32
      %mul3A_170 = arith.muli %add3A_136, %mul3A_169 : i32
      %dma_wait3A_171 = tpu.memref_slice %arg8[%mul3A_170] : memref<5200xi32, #tpu.memory_space<vmem>> -> memref<80xi32, #tpu.memory_space<vmem>>
      %dma_wait3A_172 = arith.constant 0 : i32
      %dma_wait3A_173 = arith.constant 0 : i32
      %dma_wait3A_174 = tpu.memref_slice %arg2[%dma_wait3A_172, %dma_wait3A_173] : memref<10000x128xf32, #tpu.memory_space<hbm>> -> memref<10000x128xf32, #tpu.memory_space<hbm>>
      tpu.wait_indirect_dma semaphore(%arg16 : memref<!tpu.dma_semaphore, #tpu.memory_space<semaphore_mem>>) src(%dma_wait3A_174 : memref<10000x128xf32, #tpu.memory_space<hbm>>) dst(%arg12 : memref<80x128xf32, #tpu.memory_space<vmem>>)
      %mul3A_175 = arith.constant 80 : i32
      %mul3A_176 = arith.muli %add3A_136, %mul3A_175 : i32
      %add3A_177 = arith.addi %mul3A_2, %mul3A_176 : i32
      %dma_start3A_178 = arith.constant 0 : i32
      %dma_start3A_179 = tpu.memref_slice %arg5[%add3A_177, %dma_start3A_178] : memref<166400x128xf32, #tpu.memory_space<hbm>> -> memref<80x128xf32, #tpu.memory_space<hbm>>
      %dma_start3A_180 = arith.constant 0 : i32
      %dma_start3A_181 = tpu.memref_slice %arg5[%add3A_177, %dma_start3A_180] : memref<166400x128xf32, #tpu.memory_space<hbm>> -> memref<80x128xf32, #tpu.memory_space<hbm>>
      tpu.enqueue_dma source(%arg11 : memref<80x128xf32, #tpu.memory_space<vmem>>) target(%dma_start3A_181 : memref<80x128xf32, #tpu.memory_space<hbm>>) target_semaphore(%arg19 : memref<!tpu.dma_semaphore, #tpu.memory_space<semaphore_mem>>)
      %dma_start3A_182 = arith.constant 0 : i32
      %dma_start3A_183 = tpu.memref_slice %arg6[%add3A_177, %dma_start3A_182] : memref<166400x128xf32, #tpu.memory_space<hbm>> -> memref<80x128xf32, #tpu.memory_space<hbm>>
      %dma_start3A_184 = arith.constant 0 : i32
      %dma_start3A_185 = tpu.memref_slice %arg6[%add3A_177, %dma_start3A_184] : memref<166400x128xf32, #tpu.memory_space<hbm>> -> memref<80x128xf32, #tpu.memory_space<hbm>>
      tpu.enqueue_dma source(%arg12 : memref<80x128xf32, #tpu.memory_space<vmem>>) target(%dma_start3A_185 : memref<80x128xf32, #tpu.memory_space<hbm>>) target_semaphore(%arg20 : memref<!tpu.dma_semaphore, #tpu.memory_space<semaphore_mem>>)
      %mul3A_186 = arith.constant 2 : i32
      %mul3A_187 = arith.muli %mul3A_186, %scan3A_130 : i32
      %add3A_188 = arith.constant 1 : i32
      %add3A_189 = arith.addi %mul3A_187, %add3A_188 : i32
      %add3A_190 = arith.constant 1 : i32
      %add3A_191 = arith.addi %add3A_189, %add3A_190 : i32
      %sub3A_192 = arith.constant 1 : i32
      %sub3A_193 = arith.subi %add3A_191, %sub3A_192 : i32
      %mul3A_194 = arith.constant 80 : i32
      %mul3A_195 = arith.muli %sub3A_193, %mul3A_194 : i32
      %add3A_196 = arith.addi %mul3A_2, %mul3A_195 : i32
      %dma_wait3A_197 = arith.constant 0 : i32
      %dma_wait3A_198 = tpu.memref_slice %arg5[%add3A_196, %dma_wait3A_197] : memref<166400x128xf32, #tpu.memory_space<hbm>> -> memref<80x128xf32, #tpu.memory_space<hbm>>
      %dma_wait3A_199 = arith.constant 0 : i32
      %dma_wait3A_200 = tpu.memref_slice %arg5[%add3A_196, %dma_wait3A_199] : memref<166400x128xf32, #tpu.memory_space<hbm>> -> memref<80x128xf32, #tpu.memory_space<hbm>>
      tpu.wait_dma2 semaphore(%arg19 : memref<!tpu.dma_semaphore, #tpu.memory_space<semaphore_mem>>) src(%arg11 : memref<80x128xf32, #tpu.memory_space<vmem>>) dst(%dma_wait3A_200 : memref<80x128xf32, #tpu.memory_space<hbm>>)
      %dma_wait3A_201 = arith.constant 0 : i32
      %dma_wait3A_202 = tpu.memref_slice %arg6[%add3A_196, %dma_wait3A_201] : memref<166400x128xf32, #tpu.memory_space<hbm>> -> memref<80x128xf32, #tpu.memory_space<hbm>>
      %dma_wait3A_203 = arith.constant 0 : i32
      %dma_wait3A_204 = tpu.memref_slice %arg6[%add3A_196, %dma_wait3A_203] : memref<166400x128xf32, #tpu.memory_space<hbm>> -> memref<80x128xf32, #tpu.memory_space<hbm>>
      tpu.wait_dma2 semaphore(%arg20 : memref<!tpu.dma_semaphore, #tpu.memory_space<semaphore_mem>>) src(%arg12 : memref<80x128xf32, #tpu.memory_space<vmem>>) dst(%dma_wait3A_204 : memref<80x128xf32, #tpu.memory_space<hbm>>)
      %add3A_205 = arith.constant 1 : i32
      %add3A_206 = arith.addi %add3A_191, %add3A_205 : i32
      %mul3A_207 = arith.constant 80 : i32
      %mul3A_208 = arith.muli %add3A_206, %mul3A_207 : i32
      %dma_start3A_209 = tpu.memref_slice %arg7[%mul3A_208] : memref<5200xi32, #tpu.memory_space<vmem>> -> memref<80xi32, #tpu.memory_space<vmem>>
      %dma_start3A_210 = arith.constant 0 : i32
      %dma_start3A_211 = arith.constant 0 : i32
      %dma_start3A_212 = tpu.memref_slice %arg2[%dma_start3A_210, %dma_start3A_211] : memref<10000x128xf32, #tpu.memory_space<hbm>> -> memref<10000x128xf32, #tpu.memory_space<hbm>>
      tpu.enqueue_indirect_dma source(%dma_start3A_212 : memref<10000x128xf32, #tpu.memory_space<hbm>>) target(%arg11 : memref<80x128xf32, #tpu.memory_space<vmem>>) offsets(%dma_start3A_209 : memref<80xi32, #tpu.memory_space<vmem>>) semaphore(%arg15 : memref<!tpu.dma_semaphore, #tpu.memory_space<semaphore_mem>>)
      %mul3A_213 = arith.constant 80 : i32
      %mul3A_214 = arith.muli %add3A_206, %mul3A_213 : i32
      %dma_start3A_215 = tpu.memref_slice %arg8[%mul3A_214] : memref<5200xi32, #tpu.memory_space<vmem>> -> memref<80xi32, #tpu.memory_space<vmem>>
      %dma_start3A_216 = arith.constant 0 : i32
      %dma_start3A_217 = arith.constant 0 : i32
      %dma_start3A_218 = tpu.memref_slice %arg2[%dma_start3A_216, %dma_start3A_217] : memref<10000x128xf32, #tpu.memory_space<hbm>> -> memref<10000x128xf32, #tpu.memory_space<hbm>>
      tpu.enqueue_indirect_dma source(%dma_start3A_218 : memref<10000x128xf32, #tpu.memory_space<hbm>>) target(%arg12 : memref<80x128xf32, #tpu.memory_space<vmem>>) offsets(%dma_start3A_215 : memref<80xi32, #tpu.memory_space<vmem>>) semaphore(%arg16 : memref<!tpu.dma_semaphore, #tpu.memory_space<semaphore_mem>>)
      %mul3A_219 = arith.constant 80 : i32
      %mul3A_220 = arith.muli %add3A_191, %mul3A_219 : i32
      %dma_wait3A_221 = tpu.memref_slice %arg7[%mul3A_220] : memref<5200xi32, #tpu.memory_space<vmem>> -> memref<80xi32, #tpu.memory_space<vmem>>
      %dma_wait3A_222 = arith.constant 0 : i32
      %dma_wait3A_223 = arith.constant 0 : i32
      %dma_wait3A_224 = tpu.memref_slice %arg2[%dma_wait3A_222, %dma_wait3A_223] : memref<10000x128xf32, #tpu.memory_space<hbm>> -> memref<10000x128xf32, #tpu.memory_space<hbm>>
      tpu.wait_indirect_dma semaphore(%arg13 : memref<!tpu.dma_semaphore, #tpu.memory_space<semaphore_mem>>) src(%dma_wait3A_224 : memref<10000x128xf32, #tpu.memory_space<hbm>>) dst(%arg9 : memref<80x128xf32, #tpu.memory_space<vmem>>)
      %mul3A_225 = arith.constant 80 : i32
      %mul3A_226 = arith.muli %add3A_191, %mul3A_225 : i32
      %dma_wait3A_227 = tpu.memref_slice %arg8[%mul3A_226] : memref<5200xi32, #tpu.memory_space<vmem>> -> memref<80xi32, #tpu.memory_space<vmem>>
      %dma_wait3A_228 = arith.constant 0 : i32
      %dma_wait3A_229 = arith.constant 0 : i32
      %dma_wait3A_230 = tpu.memref_slice %arg2[%dma_wait3A_228, %dma_wait3A_229] : memref<10000x128xf32, #tpu.memory_space<hbm>> -> memref<10000x128xf32, #tpu.memory_space<hbm>>
      tpu.wait_indirect_dma semaphore(%arg14 : memref<!tpu.dma_semaphore, #tpu.memory_space<semaphore_mem>>) src(%dma_wait3A_230 : memref<10000x128xf32, #tpu.memory_space<hbm>>) dst(%arg10 : memref<80x128xf32, #tpu.memory_space<vmem>>)
      %mul3A_231 = arith.constant 80 : i32
      %mul3A_232 = arith.muli %add3A_191, %mul3A_231 : i32
      %add3A_233 = arith.addi %mul3A_2, %mul3A_232 : i32
      %dma_start3A_234 = arith.constant 0 : i32
      %dma_start3A_235 = tpu.memref_slice %arg5[%add3A_233, %dma_start3A_234] : memref<166400x128xf32, #tpu.memory_space<hbm>> -> memref<80x128xf32, #tpu.memory_space<hbm>>
      %dma_start3A_236 = arith.constant 0 : i32
      %dma_start3A_237 = tpu.memref_slice %arg5[%add3A_233, %dma_start3A_236] : memref<166400x128xf32, #tpu.memory_space<hbm>> -> memref<80x128xf32, #tpu.memory_space<hbm>>
      tpu.enqueue_dma source(%arg9 : memref<80x128xf32, #tpu.memory_space<vmem>>) target(%dma_start3A_237 : memref<80x128xf32, #tpu.memory_space<hbm>>) target_semaphore(%arg17 : memref<!tpu.dma_semaphore, #tpu.memory_space<semaphore_mem>>)
      %dma_start3A_238 = arith.constant 0 : i32
      %dma_start3A_239 = tpu.memref_slice %arg6[%add3A_233, %dma_start3A_238] : memref<166400x128xf32, #tpu.memory_space<hbm>> -> memref<80x128xf32, #tpu.memory_space<hbm>>
      %dma_start3A_240 = arith.constant 0 : i32
      %dma_start3A_241 = tpu.memref_slice %arg6[%add3A_233, %dma_start3A_240] : memref<166400x128xf32, #tpu.memory_space<hbm>> -> memref<80x128xf32, #tpu.memory_space<hbm>>
      tpu.enqueue_dma source(%arg10 : memref<80x128xf32, #tpu.memory_space<vmem>>) target(%dma_start3A_241 : memref<80x128xf32, #tpu.memory_space<hbm>>) target_semaphore(%arg18 : memref<!tpu.dma_semaphore, #tpu.memory_space<semaphore_mem>>)
    }
    %scan3A_49 = arith.constant 31 : i32
    %add3A_50 = arith.constant 4960 : i32
    %add3A_51 = arith.addi %mul3A_2, %add3A_50 : i32
    %dma_wait3A_52 = arith.constant 0 : i32
    %dma_wait3A_53 = tpu.memref_slice %arg5[%add3A_51, %dma_wait3A_52] : memref<166400x128xf32, #tpu.memory_space<hbm>> -> memref<80x128xf32, #tpu.memory_space<hbm>>
    %dma_wait3A_54 = arith.constant 0 : i32
    %dma_wait3A_55 = tpu.memref_slice %arg5[%add3A_51, %dma_wait3A_54] : memref<166400x128xf32, #tpu.memory_space<hbm>> -> memref<80x128xf32, #tpu.memory_space<hbm>>
    tpu.wait_dma2 semaphore(%arg17 : memref<!tpu.dma_semaphore, #tpu.memory_space<semaphore_mem>>) src(%arg9 : memref<80x128xf32, #tpu.memory_space<vmem>>) dst(%dma_wait3A_55 : memref<80x128xf32, #tpu.memory_space<hbm>>)
    %dma_wait3A_56 = arith.constant 0 : i32
    %dma_wait3A_57 = tpu.memref_slice %arg6[%add3A_51, %dma_wait3A_56] : memref<166400x128xf32, #tpu.memory_space<hbm>> -> memref<80x128xf32, #tpu.memory_space<hbm>>
    %dma_wait3A_58 = arith.constant 0 : i32
    %dma_wait3A_59 = tpu.memref_slice %arg6[%add3A_51, %dma_wait3A_58] : memref<166400x128xf32, #tpu.memory_space<hbm>> -> memref<80x128xf32, #tpu.memory_space<hbm>>
    tpu.wait_dma2 semaphore(%arg18 : memref<!tpu.dma_semaphore, #tpu.memory_space<semaphore_mem>>) src(%arg10 : memref<80x128xf32, #tpu.memory_space<vmem>>) dst(%dma_wait3A_59 : memref<80x128xf32, #tpu.memory_space<hbm>>)
    %dma_start3A_60 = arith.constant 5120 : i32
    %dma_start3A_61 = tpu.memref_slice %arg7[%dma_start3A_60] : memref<5200xi32, #tpu.memory_space<vmem>> -> memref<80xi32, #tpu.memory_space<vmem>>
    %dma_start3A_62 = arith.constant 0 : i32
    %dma_start3A_63 = arith.constant 0 : i32
    %dma_start3A_64 = tpu.memref_slice %arg2[%dma_start3A_62, %dma_start3A_63] : memref<10000x128xf32, #tpu.memory_space<hbm>> -> memref<10000x128xf32, #tpu.memory_space<hbm>>
    tpu.enqueue_indirect_dma source(%dma_start3A_64 : memref<10000x128xf32, #tpu.memory_space<hbm>>) target(%arg9 : memref<80x128xf32, #tpu.memory_space<vmem>>) offsets(%dma_start3A_61 : memref<80xi32, #tpu.memory_space<vmem>>) semaphore(%arg13 : memref<!tpu.dma_semaphore, #tpu.memory_space<semaphore_mem>>)
    %dma_start3A_65 = arith.constant 5120 : i32
    %dma_start3A_66 = tpu.memref_slice %arg8[%dma_start3A_65] : memref<5200xi32, #tpu.memory_space<vmem>> -> memref<80xi32, #tpu.memory_space<vmem>>
    %dma_start3A_67 = arith.constant 0 : i32
    %dma_start3A_68 = arith.constant 0 : i32
    %dma_start3A_69 = tpu.memref_slice %arg2[%dma_start3A_67, %dma_start3A_68] : memref<10000x128xf32, #tpu.memory_space<hbm>> -> memref<10000x128xf32, #tpu.memory_space<hbm>>
    tpu.enqueue_indirect_dma source(%dma_start3A_69 : memref<10000x128xf32, #tpu.memory_space<hbm>>) target(%arg10 : memref<80x128xf32, #tpu.memory_space<vmem>>) offsets(%dma_start3A_66 : memref<80xi32, #tpu.memory_space<vmem>>) semaphore(%arg14 : memref<!tpu.dma_semaphore, #tpu.memory_space<semaphore_mem>>)
    %dma_wait3A_70 = arith.constant 5040 : i32
    %dma_wait3A_71 = tpu.memref_slice %arg7[%dma_wait3A_70] : memref<5200xi32, #tpu.memory_space<vmem>> -> memref<80xi32, #tpu.memory_space<vmem>>
    %dma_wait3A_72 = arith.constant 0 : i32
    %dma_wait3A_73 = arith.constant 0 : i32
    %dma_wait3A_74 = tpu.memref_slice %arg2[%dma_wait3A_72, %dma_wait3A_73] : memref<10000x128xf32, #tpu.memory_space<hbm>> -> memref<10000x128xf32, #tpu.memory_space<hbm>>
    tpu.wait_indirect_dma semaphore(%arg15 : memref<!tpu.dma_semaphore, #tpu.memory_space<semaphore_mem>>) src(%dma_wait3A_74 : memref<10000x128xf32, #tpu.memory_space<hbm>>) dst(%arg11 : memref<80x128xf32, #tpu.memory_space<vmem>>)
    %dma_wait3A_75 = arith.constant 5040 : i32
    %dma_wait3A_76 = tpu.memref_slice %arg8[%dma_wait3A_75] : memref<5200xi32, #tpu.memory_space<vmem>> -> memref<80xi32, #tpu.memory_space<vmem>>
    %dma_wait3A_77 = arith.constant 0 : i32
    %dma_wait3A_78 = arith.constant 0 : i32
    %dma_wait3A_79 = tpu.memref_slice %arg2[%dma_wait3A_77, %dma_wait3A_78] : memref<10000x128xf32, #tpu.memory_space<hbm>> -> memref<10000x128xf32, #tpu.memory_space<hbm>>
    tpu.wait_indirect_dma semaphore(%arg16 : memref<!tpu.dma_semaphore, #tpu.memory_space<semaphore_mem>>) src(%dma_wait3A_79 : memref<10000x128xf32, #tpu.memory_space<hbm>>) dst(%arg12 : memref<80x128xf32, #tpu.memory_space<vmem>>)
    %add3A_80 = arith.constant 5040 : i32
    %add3A_81 = arith.addi %mul3A_2, %add3A_80 : i32
    %dma_start3A_82 = arith.constant 0 : i32
    %dma_start3A_83 = tpu.memref_slice %arg5[%add3A_81, %dma_start3A_82] : memref<166400x128xf32, #tpu.memory_space<hbm>> -> memref<80x128xf32, #tpu.memory_space<hbm>>
    %dma_start3A_84 = arith.constant 0 : i32
    %dma_start3A_85 = tpu.memref_slice %arg5[%add3A_81, %dma_start3A_84] : memref<166400x128xf32, #tpu.memory_space<hbm>> -> memref<80x128xf32, #tpu.memory_space<hbm>>
    tpu.enqueue_dma source(%arg11 : memref<80x128xf32, #tpu.memory_space<vmem>>) target(%dma_start3A_85 : memref<80x128xf32, #tpu.memory_space<hbm>>) target_semaphore(%arg19 : memref<!tpu.dma_semaphore, #tpu.memory_space<semaphore_mem>>)
    %dma_start3A_86 = arith.constant 0 : i32
    %dma_start3A_87 = tpu.memref_slice %arg6[%add3A_81, %dma_start3A_86] : memref<166400x128xf32, #tpu.memory_space<hbm>> -> memref<80x128xf32, #tpu.memory_space<hbm>>
    %dma_start3A_88 = arith.constant 0 : i32
    %dma_start3A_89 = tpu.memref_slice %arg6[%add3A_81, %dma_start3A_88] : memref<166400x128xf32, #tpu.memory_space<hbm>> -> memref<80x128xf32, #tpu.memory_space<hbm>>
    tpu.enqueue_dma source(%arg12 : memref<80x128xf32, #tpu.memory_space<vmem>>) target(%dma_start3A_89 : memref<80x128xf32, #tpu.memory_space<hbm>>) target_semaphore(%arg20 : memref<!tpu.dma_semaphore, #tpu.memory_space<semaphore_mem>>)
    %dma_wait3A_90 = arith.constant 5120 : i32
    %dma_wait3A_91 = tpu.memref_slice %arg7[%dma_wait3A_90] : memref<5200xi32, #tpu.memory_space<vmem>> -> memref<80xi32, #tpu.memory_space<vmem>>
    %dma_wait3A_92 = arith.constant 0 : i32
    %dma_wait3A_93 = arith.constant 0 : i32
    %dma_wait3A_94 = tpu.memref_slice %arg2[%dma_wait3A_92, %dma_wait3A_93] : memref<10000x128xf32, #tpu.memory_space<hbm>> -> memref<10000x128xf32, #tpu.memory_space<hbm>>
    tpu.wait_indirect_dma semaphore(%arg13 : memref<!tpu.dma_semaphore, #tpu.memory_space<semaphore_mem>>) src(%dma_wait3A_94 : memref<10000x128xf32, #tpu.memory_space<hbm>>) dst(%arg9 : memref<80x128xf32, #tpu.memory_space<vmem>>)
    %dma_wait3A_95 = arith.constant 5120 : i32
    %dma_wait3A_96 = tpu.memref_slice %arg8[%dma_wait3A_95] : memref<5200xi32, #tpu.memory_space<vmem>> -> memref<80xi32, #tpu.memory_space<vmem>>
    %dma_wait3A_97 = arith.constant 0 : i32
    %dma_wait3A_98 = arith.constant 0 : i32
    %dma_wait3A_99 = tpu.memref_slice %arg2[%dma_wait3A_97, %dma_wait3A_98] : memref<10000x128xf32, #tpu.memory_space<hbm>> -> memref<10000x128xf32, #tpu.memory_space<hbm>>
    tpu.wait_indirect_dma semaphore(%arg14 : memref<!tpu.dma_semaphore, #tpu.memory_space<semaphore_mem>>) src(%dma_wait3A_99 : memref<10000x128xf32, #tpu.memory_space<hbm>>) dst(%arg10 : memref<80x128xf32, #tpu.memory_space<vmem>>)
    %add3A_100 = arith.constant 5120 : i32
    %add3A_101 = arith.addi %mul3A_2, %add3A_100 : i32
    %dma_start3A_102 = arith.constant 0 : i32
    %dma_start3A_103 = tpu.memref_slice %arg5[%add3A_101, %dma_start3A_102] : memref<166400x128xf32, #tpu.memory_space<hbm>> -> memref<80x128xf32, #tpu.memory_space<hbm>>
    %dma_start3A_104 = arith.constant 0 : i32
    %dma_start3A_105 = tpu.memref_slice %arg5[%add3A_101, %dma_start3A_104] : memref<166400x128xf32, #tpu.memory_space<hbm>> -> memref<80x128xf32, #tpu.memory_space<hbm>>
    tpu.enqueue_dma source(%arg9 : memref<80x128xf32, #tpu.memory_space<vmem>>) target(%dma_start3A_105 : memref<80x128xf32, #tpu.memory_space<hbm>>) target_semaphore(%arg17 : memref<!tpu.dma_semaphore, #tpu.memory_space<semaphore_mem>>)
    %dma_start3A_106 = arith.constant 0 : i32
    %dma_start3A_107 = tpu.memref_slice %arg6[%add3A_101, %dma_start3A_106] : memref<166400x128xf32, #tpu.memory_space<hbm>> -> memref<80x128xf32, #tpu.memory_space<hbm>>
    %dma_start3A_108 = arith.constant 0 : i32
    %dma_start3A_109 = tpu.memref_slice %arg6[%add3A_101, %dma_start3A_108] : memref<166400x128xf32, #tpu.memory_space<hbm>> -> memref<80x128xf32, #tpu.memory_space<hbm>>
    tpu.enqueue_dma source(%arg10 : memref<80x128xf32, #tpu.memory_space<vmem>>) target(%dma_start3A_109 : memref<80x128xf32, #tpu.memory_space<hbm>>) target_semaphore(%arg18 : memref<!tpu.dma_semaphore, #tpu.memory_space<semaphore_mem>>)
    %add3A_110 = arith.constant 5040 : i32
    %add3A_111 = arith.addi %mul3A_2, %add3A_110 : i32
    %dma_wait3A_112 = arith.constant 0 : i32
    %dma_wait3A_113 = tpu.memref_slice %arg5[%add3A_111, %dma_wait3A_112] : memref<166400x128xf32, #tpu.memory_space<hbm>> -> memref<80x128xf32, #tpu.memory_space<hbm>>
    %dma_wait3A_114 = arith.constant 0 : i32
    %dma_wait3A_115 = tpu.memref_slice %arg5[%add3A_111, %dma_wait3A_114] : memref<166400x128xf32, #tpu.memory_space<hbm>> -> memref<80x128xf32, #tpu.memory_space<hbm>>
    tpu.wait_dma2 semaphore(%arg19 : memref<!tpu.dma_semaphore, #tpu.memory_space<semaphore_mem>>) src(%arg11 : memref<80x128xf32, #tpu.memory_space<vmem>>) dst(%dma_wait3A_115 : memref<80x128xf32, #tpu.memory_space<hbm>>)
    %dma_wait3A_116 = arith.constant 0 : i32
    %dma_wait3A_117 = tpu.memref_slice %arg6[%add3A_111, %dma_wait3A_116] : memref<166400x128xf32, #tpu.memory_space<hbm>> -> memref<80x128xf32, #tpu.memory_space<hbm>>
    %dma_wait3A_118 = arith.constant 0 : i32
    %dma_wait3A_119 = tpu.memref_slice %arg6[%add3A_111, %dma_wait3A_118] : memref<166400x128xf32, #tpu.memory_space<hbm>> -> memref<80x128xf32, #tpu.memory_space<hbm>>
    tpu.wait_dma2 semaphore(%arg20 : memref<!tpu.dma_semaphore, #tpu.memory_space<semaphore_mem>>) src(%arg12 : memref<80x128xf32, #tpu.memory_space<vmem>>) dst(%dma_wait3A_119 : memref<80x128xf32, #tpu.memory_space<hbm>>)
    %add3A_120 = arith.constant 5120 : i32
    %add3A_121 = arith.addi %mul3A_2, %add3A_120 : i32
    %dma_wait3A_122 = arith.constant 0 : i32
    %dma_wait3A_123 = tpu.memref_slice %arg5[%add3A_121, %dma_wait3A_122] : memref<166400x128xf32, #tpu.memory_space<hbm>> -> memref<80x128xf32, #tpu.memory_space<hbm>>
    %dma_wait3A_124 = arith.constant 0 : i32
    %dma_wait3A_125 = tpu.memref_slice %arg5[%add3A_121, %dma_wait3A_124] : memref<166400x128xf32, #tpu.memory_space<hbm>> -> memref<80x128xf32, #tpu.memory_space<hbm>>
    tpu.wait_dma2 semaphore(%arg17 : memref<!tpu.dma_semaphore, #tpu.memory_space<semaphore_mem>>) src(%arg9 : memref<80x128xf32, #tpu.memory_space<vmem>>) dst(%dma_wait3A_125 : memref<80x128xf32, #tpu.memory_space<hbm>>)
    %dma_wait3A_126 = arith.constant 0 : i32
    %dma_wait3A_127 = tpu.memref_slice %arg6[%add3A_121, %dma_wait3A_126] : memref<166400x128xf32, #tpu.memory_space<hbm>> -> memref<80x128xf32, #tpu.memory_space<hbm>>
    %dma_wait3A_128 = arith.constant 0 : i32
    %dma_wait3A_129 = tpu.memref_slice %arg6[%add3A_121, %dma_wait3A_128] : memref<166400x128xf32, #tpu.memory_space<hbm>> -> memref<80x128xf32, #tpu.memory_space<hbm>>
    tpu.wait_dma2 semaphore(%arg18 : memref<!tpu.dma_semaphore, #tpu.memory_space<semaphore_mem>>) src(%arg10 : memref<80x128xf32, #tpu.memory_space<vmem>>) dst(%dma_wait3A_129 : memref<80x128xf32, #tpu.memory_space<hbm>>)
    return
  }
}

#map = affine_map<(d0, d1) -> (0, 0)>
#map1 = affine_map<(d0, d1) -> (0)>
module attributes {stable_mosaic.version = 14 : i64} {
  func.func @k(%arg0: i32, %arg1: i32, %arg2: memref<10000x128xf32, #tpu.memory_space<hbm>>, %arg3: memref<320000xi32, #tpu.memory_space<hbm>>, %arg4: memref<320000xi32, #tpu.memory_space<hbm>>, %arg5: memref<153600x128xf32, #tpu.memory_space<hbm>>, %arg6: memref<153600x128xf32, #tpu.memory_space<hbm>>, %arg7: memref<4800xi32, #tpu.memory_space<vmem>>, %arg8: memref<4800xi32, #tpu.memory_space<vmem>>, %arg9: memref<80x128xf32, #tpu.memory_space<vmem>>, %arg10: memref<80x128xf32, #tpu.memory_space<vmem>>, %arg11: memref<80x128xf32, #tpu.memory_space<vmem>>, %arg12: memref<80x128xf32, #tpu.memory_space<vmem>>, %arg13: memref<!tpu.dma_semaphore, #tpu.memory_space<semaphore_mem>>, %arg14: memref<!tpu.dma_semaphore, #tpu.memory_space<semaphore_mem>>, %arg15: memref<!tpu.dma_semaphore, #tpu.memory_space<semaphore_mem>>, %arg16: memref<!tpu.dma_semaphore, #tpu.memory_space<semaphore_mem>>, %arg17: memref<!tpu.dma_semaphore, #tpu.memory_space<semaphore_mem>>, %arg18: memref<!tpu.dma_semaphore, #tpu.memory_space<semaphore_mem>>, %arg19: memref<!tpu.dma_semaphore, #tpu.memory_space<semaphore_mem>>, %arg20: memref<!tpu.dma_semaphore, #tpu.memory_space<semaphore_mem>>) attributes {dimension_semantics = [#tpu.dimension_semantics<core_parallel>, #tpu.dimension_semantics<subcore_parallel>], iteration_bounds = array<i64: 2, 16>, scalar_prefetch = 0 : i64, scratch_operands = 14 : i64, tpu.core_type = #tpu.core_type<sc_vector_subcore>, window_params = [{transform_indices = #map}, {transform_indices = #map1}, {transform_indices = #map1}, {transform_indices = #map}, {transform_indices = #map}]} {
    %mul3A = arith.constant 2 : i32
    %mul3A_0 = arith.muli %arg1, %mul3A : i32
    %add3A = arith.addi %mul3A_0, %arg0 : i32
    %mul3A_1 = arith.constant 4800 : i32
    %mul3A_2 = arith.muli %add3A, %mul3A_1 : i32
    %add3A_3 = arith.constant 166400 : i32
    %add3A_4 = arith.addi %add3A_3, %mul3A_2 : i32
    "tpu.region"() ({
      %run_scoped3A = tpu.sem_alloc : memref<!tpu.dma_semaphore, #tpu.memory_space<semaphore_mem>>
      %dma_start3A_90 = tpu.memref_slice %arg3[%add3A_4] : memref<320000xi32, #tpu.memory_space<hbm>> -> memref<4800xi32, #tpu.memory_space<hbm>>
      %dma_start3A_91 = tpu.memref_slice %arg3[%add3A_4] : memref<320000xi32, #tpu.memory_space<hbm>> -> memref<4800xi32, #tpu.memory_space<hbm>>
      tpu.enqueue_dma source(%dma_start3A_91 : memref<4800xi32, #tpu.memory_space<hbm>>) target(%arg7 : memref<4800xi32, #tpu.memory_space<vmem>>) target_semaphore(%run_scoped3A : memref<!tpu.dma_semaphore, #tpu.memory_space<semaphore_mem>>)
      %dma_wait3A_92 = tpu.memref_slice %arg3[%add3A_4] : memref<320000xi32, #tpu.memory_space<hbm>> -> memref<4800xi32, #tpu.memory_space<hbm>>
      %dma_wait3A_93 = tpu.memref_slice %arg3[%add3A_4] : memref<320000xi32, #tpu.memory_space<hbm>> -> memref<4800xi32, #tpu.memory_space<hbm>>
      tpu.wait_dma2 semaphore(%run_scoped3A : memref<!tpu.dma_semaphore, #tpu.memory_space<semaphore_mem>>) src(%dma_wait3A_93 : memref<4800xi32, #tpu.memory_space<hbm>>) dst(%arg7 : memref<4800xi32, #tpu.memory_space<vmem>>)
      tpu.yield
    }) : () -> ()
    %add3A_5 = arith.constant 166400 : i32
    %add3A_6 = arith.addi %add3A_5, %mul3A_2 : i32
    "tpu.region"() ({
      %run_scoped3A = tpu.sem_alloc : memref<!tpu.dma_semaphore, #tpu.memory_space<semaphore_mem>>
      %dma_start3A_90 = tpu.memref_slice %arg4[%add3A_6] : memref<320000xi32, #tpu.memory_space<hbm>> -> memref<4800xi32, #tpu.memory_space<hbm>>
      %dma_start3A_91 = tpu.memref_slice %arg4[%add3A_6] : memref<320000xi32, #tpu.memory_space<hbm>> -> memref<4800xi32, #tpu.memory_space<hbm>>
      tpu.enqueue_dma source(%dma_start3A_91 : memref<4800xi32, #tpu.memory_space<hbm>>) target(%arg8 : memref<4800xi32, #tpu.memory_space<vmem>>) target_semaphore(%run_scoped3A : memref<!tpu.dma_semaphore, #tpu.memory_space<semaphore_mem>>)
      %dma_wait3A_92 = tpu.memref_slice %arg4[%add3A_6] : memref<320000xi32, #tpu.memory_space<hbm>> -> memref<4800xi32, #tpu.memory_space<hbm>>
      %dma_wait3A_93 = tpu.memref_slice %arg4[%add3A_6] : memref<320000xi32, #tpu.memory_space<hbm>> -> memref<4800xi32, #tpu.memory_space<hbm>>
      tpu.wait_dma2 semaphore(%run_scoped3A : memref<!tpu.dma_semaphore, #tpu.memory_space<semaphore_mem>>) src(%dma_wait3A_93 : memref<4800xi32, #tpu.memory_space<hbm>>) dst(%arg8 : memref<4800xi32, #tpu.memory_space<vmem>>)
      tpu.yield
    }) : () -> ()
    %dma_start3A = arith.constant 0 : i32
    %dma_start3A_7 = tpu.memref_slice %arg7[%dma_start3A] : memref<4800xi32, #tpu.memory_space<vmem>> -> memref<80xi32, #tpu.memory_space<vmem>>
    %dma_start3A_8 = arith.constant 0 : i32
    %dma_start3A_9 = arith.constant 0 : i32
    %dma_start3A_10 = tpu.memref_slice %arg2[%dma_start3A_8, %dma_start3A_9] : memref<10000x128xf32, #tpu.memory_space<hbm>> -> memref<10000x128xf32, #tpu.memory_space<hbm>>
    tpu.enqueue_indirect_dma source(%dma_start3A_10 : memref<10000x128xf32, #tpu.memory_space<hbm>>) target(%arg9 : memref<80x128xf32, #tpu.memory_space<vmem>>) offsets(%dma_start3A_7 : memref<80xi32, #tpu.memory_space<vmem>>) semaphore(%arg13 : memref<!tpu.dma_semaphore, #tpu.memory_space<semaphore_mem>>)
    %dma_start3A_11 = arith.constant 0 : i32
    %dma_start3A_12 = tpu.memref_slice %arg8[%dma_start3A_11] : memref<4800xi32, #tpu.memory_space<vmem>> -> memref<80xi32, #tpu.memory_space<vmem>>
    %dma_start3A_13 = arith.constant 0 : i32
    %dma_start3A_14 = arith.constant 0 : i32
    %dma_start3A_15 = tpu.memref_slice %arg2[%dma_start3A_13, %dma_start3A_14] : memref<10000x128xf32, #tpu.memory_space<hbm>> -> memref<10000x128xf32, #tpu.memory_space<hbm>>
    tpu.enqueue_indirect_dma source(%dma_start3A_15 : memref<10000x128xf32, #tpu.memory_space<hbm>>) target(%arg10 : memref<80x128xf32, #tpu.memory_space<vmem>>) offsets(%dma_start3A_12 : memref<80xi32, #tpu.memory_space<vmem>>) semaphore(%arg14 : memref<!tpu.dma_semaphore, #tpu.memory_space<semaphore_mem>>)
    %dma_start3A_16 = arith.constant 80 : i32
    %dma_start3A_17 = tpu.memref_slice %arg7[%dma_start3A_16] : memref<4800xi32, #tpu.memory_space<vmem>> -> memref<80xi32, #tpu.memory_space<vmem>>
    %dma_start3A_18 = arith.constant 0 : i32
    %dma_start3A_19 = arith.constant 0 : i32
    %dma_start3A_20 = tpu.memref_slice %arg2[%dma_start3A_18, %dma_start3A_19] : memref<10000x128xf32, #tpu.memory_space<hbm>> -> memref<10000x128xf32, #tpu.memory_space<hbm>>
    tpu.enqueue_indirect_dma source(%dma_start3A_20 : memref<10000x128xf32, #tpu.memory_space<hbm>>) target(%arg11 : memref<80x128xf32, #tpu.memory_space<vmem>>) offsets(%dma_start3A_17 : memref<80xi32, #tpu.memory_space<vmem>>) semaphore(%arg15 : memref<!tpu.dma_semaphore, #tpu.memory_space<semaphore_mem>>)
    %dma_start3A_21 = arith.constant 80 : i32
    %dma_start3A_22 = tpu.memref_slice %arg8[%dma_start3A_21] : memref<4800xi32, #tpu.memory_space<vmem>> -> memref<80xi32, #tpu.memory_space<vmem>>
    %dma_start3A_23 = arith.constant 0 : i32
    %dma_start3A_24 = arith.constant 0 : i32
    %dma_start3A_25 = tpu.memref_slice %arg2[%dma_start3A_23, %dma_start3A_24] : memref<10000x128xf32, #tpu.memory_space<hbm>> -> memref<10000x128xf32, #tpu.memory_space<hbm>>
    tpu.enqueue_indirect_dma source(%dma_start3A_25 : memref<10000x128xf32, #tpu.memory_space<hbm>>) target(%arg12 : memref<80x128xf32, #tpu.memory_space<vmem>>) offsets(%dma_start3A_22 : memref<80xi32, #tpu.memory_space<vmem>>) semaphore(%arg16 : memref<!tpu.dma_semaphore, #tpu.memory_space<semaphore_mem>>)
    %dma_wait3A = arith.constant 0 : i32
    %dma_wait3A_26 = tpu.memref_slice %arg7[%dma_wait3A] : memref<4800xi32, #tpu.memory_space<vmem>> -> memref<80xi32, #tpu.memory_space<vmem>>
    %dma_wait3A_27 = arith.constant 0 : i32
    %dma_wait3A_28 = arith.constant 0 : i32
    %dma_wait3A_29 = tpu.memref_slice %arg2[%dma_wait3A_27, %dma_wait3A_28] : memref<10000x128xf32, #tpu.memory_space<hbm>> -> memref<10000x128xf32, #tpu.memory_space<hbm>>
    tpu.wait_indirect_dma semaphore(%arg13 : memref<!tpu.dma_semaphore, #tpu.memory_space<semaphore_mem>>) src(%dma_wait3A_29 : memref<10000x128xf32, #tpu.memory_space<hbm>>) dst(%arg9 : memref<80x128xf32, #tpu.memory_space<vmem>>)
    %dma_wait3A_30 = arith.constant 0 : i32
    %dma_wait3A_31 = tpu.memref_slice %arg8[%dma_wait3A_30] : memref<4800xi32, #tpu.memory_space<vmem>> -> memref<80xi32, #tpu.memory_space<vmem>>
    %dma_wait3A_32 = arith.constant 0 : i32
    %dma_wait3A_33 = arith.constant 0 : i32
    %dma_wait3A_34 = tpu.memref_slice %arg2[%dma_wait3A_32, %dma_wait3A_33] : memref<10000x128xf32, #tpu.memory_space<hbm>> -> memref<10000x128xf32, #tpu.memory_space<hbm>>
    tpu.wait_indirect_dma semaphore(%arg14 : memref<!tpu.dma_semaphore, #tpu.memory_space<semaphore_mem>>) src(%dma_wait3A_34 : memref<10000x128xf32, #tpu.memory_space<hbm>>) dst(%arg10 : memref<80x128xf32, #tpu.memory_space<vmem>>)
    %add3A_35 = arith.constant 0 : i32
    %add3A_36 = arith.addi %mul3A_2, %add3A_35 : i32
    %dma_start3A_37 = arith.constant 0 : i32
    %dma_start3A_38 = tpu.memref_slice %arg5[%add3A_36, %dma_start3A_37] : memref<153600x128xf32, #tpu.memory_space<hbm>> -> memref<80x128xf32, #tpu.memory_space<hbm>>
    %dma_start3A_39 = arith.constant 0 : i32
    %dma_start3A_40 = tpu.memref_slice %arg5[%add3A_36, %dma_start3A_39] : memref<153600x128xf32, #tpu.memory_space<hbm>> -> memref<80x128xf32, #tpu.memory_space<hbm>>
    tpu.enqueue_dma source(%arg9 : memref<80x128xf32, #tpu.memory_space<vmem>>) target(%dma_start3A_40 : memref<80x128xf32, #tpu.memory_space<hbm>>) target_semaphore(%arg17 : memref<!tpu.dma_semaphore, #tpu.memory_space<semaphore_mem>>)
    %dma_start3A_41 = arith.constant 0 : i32
    %dma_start3A_42 = tpu.memref_slice %arg6[%add3A_36, %dma_start3A_41] : memref<153600x128xf32, #tpu.memory_space<hbm>> -> memref<80x128xf32, #tpu.memory_space<hbm>>
    %dma_start3A_43 = arith.constant 0 : i32
    %dma_start3A_44 = tpu.memref_slice %arg6[%add3A_36, %dma_start3A_43] : memref<153600x128xf32, #tpu.memory_space<hbm>> -> memref<80x128xf32, #tpu.memory_space<hbm>>
    tpu.enqueue_dma source(%arg10 : memref<80x128xf32, #tpu.memory_space<vmem>>) target(%dma_start3A_44 : memref<80x128xf32, #tpu.memory_space<hbm>>) target_semaphore(%arg18 : memref<!tpu.dma_semaphore, #tpu.memory_space<semaphore_mem>>)
    %scan3A = arith.constant 0 : i32
    %scan3A_45 = arith.constant 0 : i32
    %scan3A_46 = arith.constant 29 : i32
    %scan3A_47 = arith.addi %scan3A_45, %scan3A_46 : i32
    %scan3A_48 = arith.constant 1 : i32
    scf.for %scan3A_90 = %scan3A_45 to %scan3A_47 step %scan3A_48  : i32 {
      %mul3A_91 = arith.constant 2 : i32
      %mul3A_92 = arith.muli %mul3A_91, %scan3A_90 : i32
      %add3A_93 = arith.constant 1 : i32
      %add3A_94 = arith.addi %mul3A_92, %add3A_93 : i32
      %add3A_95 = arith.constant 0 : i32
      %add3A_96 = arith.addi %add3A_94, %add3A_95 : i32
      %sub3A = arith.constant 1 : i32
      %sub3A_97 = arith.subi %add3A_96, %sub3A : i32
      %mul3A_98 = arith.constant 80 : i32
      %mul3A_99 = arith.muli %sub3A_97, %mul3A_98 : i32
      %add3A_100 = arith.addi %mul3A_2, %mul3A_99 : i32
      %dma_wait3A_101 = arith.constant 0 : i32
      %dma_wait3A_102 = tpu.memref_slice %arg5[%add3A_100, %dma_wait3A_101] : memref<153600x128xf32, #tpu.memory_space<hbm>> -> memref<80x128xf32, #tpu.memory_space<hbm>>
      %dma_wait3A_103 = arith.constant 0 : i32
      %dma_wait3A_104 = tpu.memref_slice %arg5[%add3A_100, %dma_wait3A_103] : memref<153600x128xf32, #tpu.memory_space<hbm>> -> memref<80x128xf32, #tpu.memory_space<hbm>>
      tpu.wait_dma2 semaphore(%arg17 : memref<!tpu.dma_semaphore, #tpu.memory_space<semaphore_mem>>) src(%arg9 : memref<80x128xf32, #tpu.memory_space<vmem>>) dst(%dma_wait3A_104 : memref<80x128xf32, #tpu.memory_space<hbm>>)
      %dma_wait3A_105 = arith.constant 0 : i32
      %dma_wait3A_106 = tpu.memref_slice %arg6[%add3A_100, %dma_wait3A_105] : memref<153600x128xf32, #tpu.memory_space<hbm>> -> memref<80x128xf32, #tpu.memory_space<hbm>>
      %dma_wait3A_107 = arith.constant 0 : i32
      %dma_wait3A_108 = tpu.memref_slice %arg6[%add3A_100, %dma_wait3A_107] : memref<153600x128xf32, #tpu.memory_space<hbm>> -> memref<80x128xf32, #tpu.memory_space<hbm>>
      tpu.wait_dma2 semaphore(%arg18 : memref<!tpu.dma_semaphore, #tpu.memory_space<semaphore_mem>>) src(%arg10 : memref<80x128xf32, #tpu.memory_space<vmem>>) dst(%dma_wait3A_108 : memref<80x128xf32, #tpu.memory_space<hbm>>)
      %add3A_109 = arith.constant 1 : i32
      %add3A_110 = arith.addi %add3A_96, %add3A_109 : i32
      %mul3A_111 = arith.constant 80 : i32
      %mul3A_112 = arith.muli %add3A_110, %mul3A_111 : i32
      %dma_start3A_113 = tpu.memref_slice %arg7[%mul3A_112] : memref<4800xi32, #tpu.memory_space<vmem>> -> memref<80xi32, #tpu.memory_space<vmem>>
      %dma_start3A_114 = arith.constant 0 : i32
      %dma_start3A_115 = arith.constant 0 : i32
      %dma_start3A_116 = tpu.memref_slice %arg2[%dma_start3A_114, %dma_start3A_115] : memref<10000x128xf32, #tpu.memory_space<hbm>> -> memref<10000x128xf32, #tpu.memory_space<hbm>>
      tpu.enqueue_indirect_dma source(%dma_start3A_116 : memref<10000x128xf32, #tpu.memory_space<hbm>>) target(%arg9 : memref<80x128xf32, #tpu.memory_space<vmem>>) offsets(%dma_start3A_113 : memref<80xi32, #tpu.memory_space<vmem>>) semaphore(%arg13 : memref<!tpu.dma_semaphore, #tpu.memory_space<semaphore_mem>>)
      %mul3A_117 = arith.constant 80 : i32
      %mul3A_118 = arith.muli %add3A_110, %mul3A_117 : i32
      %dma_start3A_119 = tpu.memref_slice %arg8[%mul3A_118] : memref<4800xi32, #tpu.memory_space<vmem>> -> memref<80xi32, #tpu.memory_space<vmem>>
      %dma_start3A_120 = arith.constant 0 : i32
      %dma_start3A_121 = arith.constant 0 : i32
      %dma_start3A_122 = tpu.memref_slice %arg2[%dma_start3A_120, %dma_start3A_121] : memref<10000x128xf32, #tpu.memory_space<hbm>> -> memref<10000x128xf32, #tpu.memory_space<hbm>>
      tpu.enqueue_indirect_dma source(%dma_start3A_122 : memref<10000x128xf32, #tpu.memory_space<hbm>>) target(%arg10 : memref<80x128xf32, #tpu.memory_space<vmem>>) offsets(%dma_start3A_119 : memref<80xi32, #tpu.memory_space<vmem>>) semaphore(%arg14 : memref<!tpu.dma_semaphore, #tpu.memory_space<semaphore_mem>>)
      %mul3A_123 = arith.constant 80 : i32
      %mul3A_124 = arith.muli %add3A_96, %mul3A_123 : i32
      %dma_wait3A_125 = tpu.memref_slice %arg7[%mul3A_124] : memref<4800xi32, #tpu.memory_space<vmem>> -> memref<80xi32, #tpu.memory_space<vmem>>
      %dma_wait3A_126 = arith.constant 0 : i32
      %dma_wait3A_127 = arith.constant 0 : i32
      %dma_wait3A_128 = tpu.memref_slice %arg2[%dma_wait3A_126, %dma_wait3A_127] : memref<10000x128xf32, #tpu.memory_space<hbm>> -> memref<10000x128xf32, #tpu.memory_space<hbm>>
      tpu.wait_indirect_dma semaphore(%arg15 : memref<!tpu.dma_semaphore, #tpu.memory_space<semaphore_mem>>) src(%dma_wait3A_128 : memref<10000x128xf32, #tpu.memory_space<hbm>>) dst(%arg11 : memref<80x128xf32, #tpu.memory_space<vmem>>)
      %mul3A_129 = arith.constant 80 : i32
      %mul3A_130 = arith.muli %add3A_96, %mul3A_129 : i32
      %dma_wait3A_131 = tpu.memref_slice %arg8[%mul3A_130] : memref<4800xi32, #tpu.memory_space<vmem>> -> memref<80xi32, #tpu.memory_space<vmem>>
      %dma_wait3A_132 = arith.constant 0 : i32
      %dma_wait3A_133 = arith.constant 0 : i32
      %dma_wait3A_134 = tpu.memref_slice %arg2[%dma_wait3A_132, %dma_wait3A_133] : memref<10000x128xf32, #tpu.memory_space<hbm>> -> memref<10000x128xf32, #tpu.memory_space<hbm>>
      tpu.wait_indirect_dma semaphore(%arg16 : memref<!tpu.dma_semaphore, #tpu.memory_space<semaphore_mem>>) src(%dma_wait3A_134 : memref<10000x128xf32, #tpu.memory_space<hbm>>) dst(%arg12 : memref<80x128xf32, #tpu.memory_space<vmem>>)
      %mul3A_135 = arith.constant 80 : i32
      %mul3A_136 = arith.muli %add3A_96, %mul3A_135 : i32
      %add3A_137 = arith.addi %mul3A_2, %mul3A_136 : i32
      %dma_start3A_138 = arith.constant 0 : i32
      %dma_start3A_139 = tpu.memref_slice %arg5[%add3A_137, %dma_start3A_138] : memref<153600x128xf32, #tpu.memory_space<hbm>> -> memref<80x128xf32, #tpu.memory_space<hbm>>
      %dma_start3A_140 = arith.constant 0 : i32
      %dma_start3A_141 = tpu.memref_slice %arg5[%add3A_137, %dma_start3A_140] : memref<153600x128xf32, #tpu.memory_space<hbm>> -> memref<80x128xf32, #tpu.memory_space<hbm>>
      tpu.enqueue_dma source(%arg11 : memref<80x128xf32, #tpu.memory_space<vmem>>) target(%dma_start3A_141 : memref<80x128xf32, #tpu.memory_space<hbm>>) target_semaphore(%arg19 : memref<!tpu.dma_semaphore, #tpu.memory_space<semaphore_mem>>)
      %dma_start3A_142 = arith.constant 0 : i32
      %dma_start3A_143 = tpu.memref_slice %arg6[%add3A_137, %dma_start3A_142] : memref<153600x128xf32, #tpu.memory_space<hbm>> -> memref<80x128xf32, #tpu.memory_space<hbm>>
      %dma_start3A_144 = arith.constant 0 : i32
      %dma_start3A_145 = tpu.memref_slice %arg6[%add3A_137, %dma_start3A_144] : memref<153600x128xf32, #tpu.memory_space<hbm>> -> memref<80x128xf32, #tpu.memory_space<hbm>>
      tpu.enqueue_dma source(%arg12 : memref<80x128xf32, #tpu.memory_space<vmem>>) target(%dma_start3A_145 : memref<80x128xf32, #tpu.memory_space<hbm>>) target_semaphore(%arg20 : memref<!tpu.dma_semaphore, #tpu.memory_space<semaphore_mem>>)
      %mul3A_146 = arith.constant 2 : i32
      %mul3A_147 = arith.muli %mul3A_146, %scan3A_90 : i32
      %add3A_148 = arith.constant 1 : i32
      %add3A_149 = arith.addi %mul3A_147, %add3A_148 : i32
      %add3A_150 = arith.constant 1 : i32
      %add3A_151 = arith.addi %add3A_149, %add3A_150 : i32
      %sub3A_152 = arith.constant 1 : i32
      %sub3A_153 = arith.subi %add3A_151, %sub3A_152 : i32
      %mul3A_154 = arith.constant 80 : i32
      %mul3A_155 = arith.muli %sub3A_153, %mul3A_154 : i32
      %add3A_156 = arith.addi %mul3A_2, %mul3A_155 : i32
      %dma_wait3A_157 = arith.constant 0 : i32
      %dma_wait3A_158 = tpu.memref_slice %arg5[%add3A_156, %dma_wait3A_157] : memref<153600x128xf32, #tpu.memory_space<hbm>> -> memref<80x128xf32, #tpu.memory_space<hbm>>
      %dma_wait3A_159 = arith.constant 0 : i32
      %dma_wait3A_160 = tpu.memref_slice %arg5[%add3A_156, %dma_wait3A_159] : memref<153600x128xf32, #tpu.memory_space<hbm>> -> memref<80x128xf32, #tpu.memory_space<hbm>>
      tpu.wait_dma2 semaphore(%arg19 : memref<!tpu.dma_semaphore, #tpu.memory_space<semaphore_mem>>) src(%arg11 : memref<80x128xf32, #tpu.memory_space<vmem>>) dst(%dma_wait3A_160 : memref<80x128xf32, #tpu.memory_space<hbm>>)
      %dma_wait3A_161 = arith.constant 0 : i32
      %dma_wait3A_162 = tpu.memref_slice %arg6[%add3A_156, %dma_wait3A_161] : memref<153600x128xf32, #tpu.memory_space<hbm>> -> memref<80x128xf32, #tpu.memory_space<hbm>>
      %dma_wait3A_163 = arith.constant 0 : i32
      %dma_wait3A_164 = tpu.memref_slice %arg6[%add3A_156, %dma_wait3A_163] : memref<153600x128xf32, #tpu.memory_space<hbm>> -> memref<80x128xf32, #tpu.memory_space<hbm>>
      tpu.wait_dma2 semaphore(%arg20 : memref<!tpu.dma_semaphore, #tpu.memory_space<semaphore_mem>>) src(%arg12 : memref<80x128xf32, #tpu.memory_space<vmem>>) dst(%dma_wait3A_164 : memref<80x128xf32, #tpu.memory_space<hbm>>)
      %add3A_165 = arith.constant 1 : i32
      %add3A_166 = arith.addi %add3A_151, %add3A_165 : i32
      %mul3A_167 = arith.constant 80 : i32
      %mul3A_168 = arith.muli %add3A_166, %mul3A_167 : i32
      %dma_start3A_169 = tpu.memref_slice %arg7[%mul3A_168] : memref<4800xi32, #tpu.memory_space<vmem>> -> memref<80xi32, #tpu.memory_space<vmem>>
      %dma_start3A_170 = arith.constant 0 : i32
      %dma_start3A_171 = arith.constant 0 : i32
      %dma_start3A_172 = tpu.memref_slice %arg2[%dma_start3A_170, %dma_start3A_171] : memref<10000x128xf32, #tpu.memory_space<hbm>> -> memref<10000x128xf32, #tpu.memory_space<hbm>>
      tpu.enqueue_indirect_dma source(%dma_start3A_172 : memref<10000x128xf32, #tpu.memory_space<hbm>>) target(%arg11 : memref<80x128xf32, #tpu.memory_space<vmem>>) offsets(%dma_start3A_169 : memref<80xi32, #tpu.memory_space<vmem>>) semaphore(%arg15 : memref<!tpu.dma_semaphore, #tpu.memory_space<semaphore_mem>>)
      %mul3A_173 = arith.constant 80 : i32
      %mul3A_174 = arith.muli %add3A_166, %mul3A_173 : i32
      %dma_start3A_175 = tpu.memref_slice %arg8[%mul3A_174] : memref<4800xi32, #tpu.memory_space<vmem>> -> memref<80xi32, #tpu.memory_space<vmem>>
      %dma_start3A_176 = arith.constant 0 : i32
      %dma_start3A_177 = arith.constant 0 : i32
      %dma_start3A_178 = tpu.memref_slice %arg2[%dma_start3A_176, %dma_start3A_177] : memref<10000x128xf32, #tpu.memory_space<hbm>> -> memref<10000x128xf32, #tpu.memory_space<hbm>>
      tpu.enqueue_indirect_dma source(%dma_start3A_178 : memref<10000x128xf32, #tpu.memory_space<hbm>>) target(%arg12 : memref<80x128xf32, #tpu.memory_space<vmem>>) offsets(%dma_start3A_175 : memref<80xi32, #tpu.memory_space<vmem>>) semaphore(%arg16 : memref<!tpu.dma_semaphore, #tpu.memory_space<semaphore_mem>>)
      %mul3A_179 = arith.constant 80 : i32
      %mul3A_180 = arith.muli %add3A_151, %mul3A_179 : i32
      %dma_wait3A_181 = tpu.memref_slice %arg7[%mul3A_180] : memref<4800xi32, #tpu.memory_space<vmem>> -> memref<80xi32, #tpu.memory_space<vmem>>
      %dma_wait3A_182 = arith.constant 0 : i32
      %dma_wait3A_183 = arith.constant 0 : i32
      %dma_wait3A_184 = tpu.memref_slice %arg2[%dma_wait3A_182, %dma_wait3A_183] : memref<10000x128xf32, #tpu.memory_space<hbm>> -> memref<10000x128xf32, #tpu.memory_space<hbm>>
      tpu.wait_indirect_dma semaphore(%arg13 : memref<!tpu.dma_semaphore, #tpu.memory_space<semaphore_mem>>) src(%dma_wait3A_184 : memref<10000x128xf32, #tpu.memory_space<hbm>>) dst(%arg9 : memref<80x128xf32, #tpu.memory_space<vmem>>)
      %mul3A_185 = arith.constant 80 : i32
      %mul3A_186 = arith.muli %add3A_151, %mul3A_185 : i32
      %dma_wait3A_187 = tpu.memref_slice %arg8[%mul3A_186] : memref<4800xi32, #tpu.memory_space<vmem>> -> memref<80xi32, #tpu.memory_space<vmem>>
      %dma_wait3A_188 = arith.constant 0 : i32
      %dma_wait3A_189 = arith.constant 0 : i32
      %dma_wait3A_190 = tpu.memref_slice %arg2[%dma_wait3A_188, %dma_wait3A_189] : memref<10000x128xf32, #tpu.memory_space<hbm>> -> memref<10000x128xf32, #tpu.memory_space<hbm>>
      tpu.wait_indirect_dma semaphore(%arg14 : memref<!tpu.dma_semaphore, #tpu.memory_space<semaphore_mem>>) src(%dma_wait3A_190 : memref<10000x128xf32, #tpu.memory_space<hbm>>) dst(%arg10 : memref<80x128xf32, #tpu.memory_space<vmem>>)
      %mul3A_191 = arith.constant 80 : i32
      %mul3A_192 = arith.muli %add3A_151, %mul3A_191 : i32
      %add3A_193 = arith.addi %mul3A_2, %mul3A_192 : i32
      %dma_start3A_194 = arith.constant 0 : i32
      %dma_start3A_195 = tpu.memref_slice %arg5[%add3A_193, %dma_start3A_194] : memref<153600x128xf32, #tpu.memory_space<hbm>> -> memref<80x128xf32, #tpu.memory_space<hbm>>
      %dma_start3A_196 = arith.constant 0 : i32
      %dma_start3A_197 = tpu.memref_slice %arg5[%add3A_193, %dma_start3A_196] : memref<153600x128xf32, #tpu.memory_space<hbm>> -> memref<80x128xf32, #tpu.memory_space<hbm>>
      tpu.enqueue_dma source(%arg9 : memref<80x128xf32, #tpu.memory_space<vmem>>) target(%dma_start3A_197 : memref<80x128xf32, #tpu.memory_space<hbm>>) target_semaphore(%arg17 : memref<!tpu.dma_semaphore, #tpu.memory_space<semaphore_mem>>)
      %dma_start3A_198 = arith.constant 0 : i32
      %dma_start3A_199 = tpu.memref_slice %arg6[%add3A_193, %dma_start3A_198] : memref<153600x128xf32, #tpu.memory_space<hbm>> -> memref<80x128xf32, #tpu.memory_space<hbm>>
      %dma_start3A_200 = arith.constant 0 : i32
      %dma_start3A_201 = tpu.memref_slice %arg6[%add3A_193, %dma_start3A_200] : memref<153600x128xf32, #tpu.memory_space<hbm>> -> memref<80x128xf32, #tpu.memory_space<hbm>>
      tpu.enqueue_dma source(%arg10 : memref<80x128xf32, #tpu.memory_space<vmem>>) target(%dma_start3A_201 : memref<80x128xf32, #tpu.memory_space<hbm>>) target_semaphore(%arg18 : memref<!tpu.dma_semaphore, #tpu.memory_space<semaphore_mem>>)
    }
    %scan3A_49 = arith.constant 29 : i32
    %dma_wait3A_50 = arith.constant 4720 : i32
    %dma_wait3A_51 = tpu.memref_slice %arg7[%dma_wait3A_50] : memref<4800xi32, #tpu.memory_space<vmem>> -> memref<80xi32, #tpu.memory_space<vmem>>
    %dma_wait3A_52 = arith.constant 0 : i32
    %dma_wait3A_53 = arith.constant 0 : i32
    %dma_wait3A_54 = tpu.memref_slice %arg2[%dma_wait3A_52, %dma_wait3A_53] : memref<10000x128xf32, #tpu.memory_space<hbm>> -> memref<10000x128xf32, #tpu.memory_space<hbm>>
    tpu.wait_indirect_dma semaphore(%arg15 : memref<!tpu.dma_semaphore, #tpu.memory_space<semaphore_mem>>) src(%dma_wait3A_54 : memref<10000x128xf32, #tpu.memory_space<hbm>>) dst(%arg11 : memref<80x128xf32, #tpu.memory_space<vmem>>)
    %dma_wait3A_55 = arith.constant 4720 : i32
    %dma_wait3A_56 = tpu.memref_slice %arg8[%dma_wait3A_55] : memref<4800xi32, #tpu.memory_space<vmem>> -> memref<80xi32, #tpu.memory_space<vmem>>
    %dma_wait3A_57 = arith.constant 0 : i32
    %dma_wait3A_58 = arith.constant 0 : i32
    %dma_wait3A_59 = tpu.memref_slice %arg2[%dma_wait3A_57, %dma_wait3A_58] : memref<10000x128xf32, #tpu.memory_space<hbm>> -> memref<10000x128xf32, #tpu.memory_space<hbm>>
    tpu.wait_indirect_dma semaphore(%arg16 : memref<!tpu.dma_semaphore, #tpu.memory_space<semaphore_mem>>) src(%dma_wait3A_59 : memref<10000x128xf32, #tpu.memory_space<hbm>>) dst(%arg12 : memref<80x128xf32, #tpu.memory_space<vmem>>)
    %add3A_60 = arith.constant 4720 : i32
    %add3A_61 = arith.addi %mul3A_2, %add3A_60 : i32
    %dma_start3A_62 = arith.constant 0 : i32
    %dma_start3A_63 = tpu.memref_slice %arg5[%add3A_61, %dma_start3A_62] : memref<153600x128xf32, #tpu.memory_space<hbm>> -> memref<80x128xf32, #tpu.memory_space<hbm>>
    %dma_start3A_64 = arith.constant 0 : i32
    %dma_start3A_65 = tpu.memref_slice %arg5[%add3A_61, %dma_start3A_64] : memref<153600x128xf32, #tpu.memory_space<hbm>> -> memref<80x128xf32, #tpu.memory_space<hbm>>
    tpu.enqueue_dma source(%arg11 : memref<80x128xf32, #tpu.memory_space<vmem>>) target(%dma_start3A_65 : memref<80x128xf32, #tpu.memory_space<hbm>>) target_semaphore(%arg19 : memref<!tpu.dma_semaphore, #tpu.memory_space<semaphore_mem>>)
    %dma_start3A_66 = arith.constant 0 : i32
    %dma_start3A_67 = tpu.memref_slice %arg6[%add3A_61, %dma_start3A_66] : memref<153600x128xf32, #tpu.memory_space<hbm>> -> memref<80x128xf32, #tpu.memory_space<hbm>>
    %dma_start3A_68 = arith.constant 0 : i32
    %dma_start3A_69 = tpu.memref_slice %arg6[%add3A_61, %dma_start3A_68] : memref<153600x128xf32, #tpu.memory_space<hbm>> -> memref<80x128xf32, #tpu.memory_space<hbm>>
    tpu.enqueue_dma source(%arg12 : memref<80x128xf32, #tpu.memory_space<vmem>>) target(%dma_start3A_69 : memref<80x128xf32, #tpu.memory_space<hbm>>) target_semaphore(%arg20 : memref<!tpu.dma_semaphore, #tpu.memory_space<semaphore_mem>>)
    %add3A_70 = arith.constant 4640 : i32
    %add3A_71 = arith.addi %mul3A_2, %add3A_70 : i32
    %dma_wait3A_72 = arith.constant 0 : i32
    %dma_wait3A_73 = tpu.memref_slice %arg5[%add3A_71, %dma_wait3A_72] : memref<153600x128xf32, #tpu.memory_space<hbm>> -> memref<80x128xf32, #tpu.memory_space<hbm>>
    %dma_wait3A_74 = arith.constant 0 : i32
    %dma_wait3A_75 = tpu.memref_slice %arg5[%add3A_71, %dma_wait3A_74] : memref<153600x128xf32, #tpu.memory_space<hbm>> -> memref<80x128xf32, #tpu.memory_space<hbm>>
    tpu.wait_dma2 semaphore(%arg17 : memref<!tpu.dma_semaphore, #tpu.memory_space<semaphore_mem>>) src(%arg9 : memref<80x128xf32, #tpu.memory_space<vmem>>) dst(%dma_wait3A_75 : memref<80x128xf32, #tpu.memory_space<hbm>>)
    %dma_wait3A_76 = arith.constant 0 : i32
    %dma_wait3A_77 = tpu.memref_slice %arg6[%add3A_71, %dma_wait3A_76] : memref<153600x128xf32, #tpu.memory_space<hbm>> -> memref<80x128xf32, #tpu.memory_space<hbm>>
    %dma_wait3A_78 = arith.constant 0 : i32
    %dma_wait3A_79 = tpu.memref_slice %arg6[%add3A_71, %dma_wait3A_78] : memref<153600x128xf32, #tpu.memory_space<hbm>> -> memref<80x128xf32, #tpu.memory_space<hbm>>
    tpu.wait_dma2 semaphore(%arg18 : memref<!tpu.dma_semaphore, #tpu.memory_space<semaphore_mem>>) src(%arg10 : memref<80x128xf32, #tpu.memory_space<vmem>>) dst(%dma_wait3A_79 : memref<80x128xf32, #tpu.memory_space<hbm>>)
    %add3A_80 = arith.constant 4720 : i32
    %add3A_81 = arith.addi %mul3A_2, %add3A_80 : i32
    %dma_wait3A_82 = arith.constant 0 : i32
    %dma_wait3A_83 = tpu.memref_slice %arg5[%add3A_81, %dma_wait3A_82] : memref<153600x128xf32, #tpu.memory_space<hbm>> -> memref<80x128xf32, #tpu.memory_space<hbm>>
    %dma_wait3A_84 = arith.constant 0 : i32
    %dma_wait3A_85 = tpu.memref_slice %arg5[%add3A_81, %dma_wait3A_84] : memref<153600x128xf32, #tpu.memory_space<hbm>> -> memref<80x128xf32, #tpu.memory_space<hbm>>
    tpu.wait_dma2 semaphore(%arg19 : memref<!tpu.dma_semaphore, #tpu.memory_space<semaphore_mem>>) src(%arg11 : memref<80x128xf32, #tpu.memory_space<vmem>>) dst(%dma_wait3A_85 : memref<80x128xf32, #tpu.memory_space<hbm>>)
    %dma_wait3A_86 = arith.constant 0 : i32
    %dma_wait3A_87 = tpu.memref_slice %arg6[%add3A_81, %dma_wait3A_86] : memref<153600x128xf32, #tpu.memory_space<hbm>> -> memref<80x128xf32, #tpu.memory_space<hbm>>
    %dma_wait3A_88 = arith.constant 0 : i32
    %dma_wait3A_89 = tpu.memref_slice %arg6[%add3A_81, %dma_wait3A_88] : memref<153600x128xf32, #tpu.memory_space<hbm>> -> memref<80x128xf32, #tpu.memory_space<hbm>>
    tpu.wait_dma2 semaphore(%arg20 : memref<!tpu.dma_semaphore, #tpu.memory_space<semaphore_mem>>) src(%arg12 : memref<80x128xf32, #tpu.memory_space<vmem>>) dst(%dma_wait3A_89 : memref<80x128xf32, #tpu.memory_space<hbm>>)
    return
  }
}

#map = affine_map<(d0, d1) -> (0, 0)>
#map1 = affine_map<(d0, d1) -> (0)>
#map2 = affine_map<(d0, d1) -> (0, 0, 0)>
module attributes {stable_mosaic.version = 14 : i64} {
  func.func @k(%arg0: i32, %arg1: i32, %arg2: memref<153600x128xf32, #tpu.memory_space<hbm>>, %arg3: memref<320000xi32, #tpu.memory_space<hbm>>, %arg4: memref<2x5120x128xf32, #tpu.memory_space<hbm>>, %arg5: memref<2x5120x128xf32, #tpu.memory_space<hbm>>, %arg6: memref<80xi32, #tpu.memory_space<vmem>>, %arg7: memref<80xi32, #tpu.memory_space<vmem>>, %arg8: memref<80x128xf32, #tpu.memory_space<vmem>>, %arg9: memref<80x128xf32, #tpu.memory_space<vmem>>, %arg10: memref<80x128xf32, #tpu.memory_space<vmem>>, %arg11: memref<40x128xf32, #tpu.memory_space<vmem>>, %arg12: memref<5120x128xf32, #tpu.memory_space<vmem_shared>>, %arg13: memref<5120x128xf32, #tpu.memory_space<vmem_shared>>, %arg14: memref<!tpu.dma_semaphore, #tpu.memory_space<semaphore_mem>>, %arg15: memref<!tpu.dma_semaphore, #tpu.memory_space<semaphore_mem>>) attributes {dimension_semantics = [#tpu.dimension_semantics<core_parallel>, #tpu.dimension_semantics<subcore_parallel>], iteration_bounds = array<i64: 2, 16>, scalar_prefetch = 0 : i64, scratch_operands = 10 : i64, tpu.core_type = #tpu.core_type<sc_vector_subcore>, window_params = [{transform_indices = #map}, {transform_indices = #map1}, {transform_indices = #map2}, {transform_indices = #map2}]} {
    %mul3A = arith.constant 9600 : i32
    %mul3A_0 = arith.muli %arg1, %mul3A : i32
    %mul3A_1 = arith.constant 320 : i32
    %mul3A_2 = arith.muli %arg1, %mul3A_1 : i32
    %mul3A_3 = arith.constant 5000 : i32
    %mul3A_4 = arith.muli %arg0, %mul3A_3 : i32
    %scan3A = arith.constant 0 : i32
    %scan3A_5 = arith.constant 0 : i32
    %scan3A_6 = arith.constant 320 : i32
    %scan3A_7 = arith.addi %scan3A_5, %scan3A_6 : i32
    %scan3A_8 = arith.constant 1 : i32
    scf.for %scan3A_57 = %scan3A_5 to %scan3A_7 step %scan3A_8  : i32 {
      %jit3A = arith.constant 8 : i32
      %div3A = arith.divsi %scan3A_57, %jit3A : i32
      %sign3A = arith.constant 0 : i32
      %sign3A_58 = arith.cmpi sgt, %scan3A_57, %sign3A : i32
      %sign3A_59 = arith.extui %sign3A_58 : i1 to i32
      %sign3A_60 = arith.constant 0 : i32
      %sign3A_61 = arith.cmpi slt, %scan3A_57, %sign3A_60 : i32
      %sign3A_62 = arith.extui %sign3A_61 : i1 to i32
      %sign3A_63 = arith.subi %sign3A_59, %sign3A_62 : i32
      %sign3A_64 = arith.constant 0 : i32
      %sign3A_65 = arith.cmpi sgt, %jit3A, %sign3A_64 : i32
      %sign3A_66 = arith.extui %sign3A_65 : i1 to i32
      %sign3A_67 = arith.constant 0 : i32
      %sign3A_68 = arith.cmpi slt, %jit3A, %sign3A_67 : i32
      %sign3A_69 = arith.extui %sign3A_68 : i1 to i32
      %sign3A_70 = arith.subi %sign3A_66, %sign3A_69 : i32
      %ne3A = arith.cmpi ne, %sign3A_63, %sign3A_70 : i32
      %rem3A = arith.remsi %scan3A_57, %jit3A : i32
      %ne3A_71 = arith.constant 0 : i32
      %ne3A_72 = arith.cmpi ne, %rem3A, %ne3A_71 : i32
      %and3A = arith.andi %ne3A, %ne3A_72 : i1
      %sub3A = arith.constant 1 : i32
      %sub3A_73 = arith.subi %div3A, %sub3A : i32
      %select_n3A = arith.select %and3A, %sub3A_73, %div3A : i32
      %jit3A_74 = arith.constant 8 : i32
      %eq3A = arith.constant 0 : i32
      %eq3A_75 = arith.cmpi eq, %jit3A_74, %eq3A : i32
      %jit3A_76 = arith.constant 1 : i32
      %select_n3A_77 = arith.select %eq3A_75, %jit3A_76, %jit3A_74 : i32
      %rem3A_78 = arith.remsi %scan3A_57, %select_n3A_77 : i32
      %ne3A_79 = arith.constant 0 : i32
      %ne3A_80 = arith.cmpi ne, %rem3A_78, %ne3A_79 : i32
      %lt3A = arith.constant 0 : i32
      %lt3A_81 = arith.cmpi slt, %rem3A_78, %lt3A : i32
      %lt3A_82 = arith.constant 0 : i32
      %lt3A_83 = arith.cmpi slt, %select_n3A_77, %lt3A_82 : i32
      %ne3A_84 = arith.xori %lt3A_81, %lt3A_83 : i1
      %and3A_85 = arith.andi %ne3A_84, %ne3A_80 : i1
      %add3A_86 = arith.addi %rem3A_78, %select_n3A_77 : i32
      %select_n3A_87 = arith.select %and3A_85, %add3A_86, %rem3A_78 : i32
      %broadcast_in_dim3A = arith.constant 0.000000e+00 : f32
      %broadcast_in_dim3A_88 = vector.broadcast %broadcast_in_dim3A : f32 to vector<16xf32>
      %mul3A_89 = arith.constant 16 : i32
      %mul3A_90 = arith.muli %select_n3A_87, %mul3A_89 : i32
      %swap3A = arith.index_cast %select_n3A : i32 to index
      %swap3A_91 = arith.index_cast %mul3A_90 : i32 to index
      %swap3A_92 = tpu.vector_load %arg11[%swap3A, %swap3A_91] {strides = array<i32>} : memref<40x128xf32, #tpu.memory_space<vmem>>, vector<1x16xf32>,
      %swap3A_93 = vector.shape_cast %swap3A_92 : vector<1x16xf32> to vector<16xf32>
      %swap3A_94 = vector.shape_cast %broadcast_in_dim3A_88 : vector<16xf32> to vector<1x16xf32>
      tpu.vector_store %arg11[%swap3A, %swap3A_91], %swap3A_94 {strides = array<i32>} : memref<40x128xf32, #tpu.memory_space<vmem>>, vector<1x16xf32>,
    }
    %scan3A_9 = arith.constant 320 : i32
    %scan3A_10 = arith.constant 0 : i32
    %scan3A_11 = arith.constant 0 : i32
    %scan3A_12 = arith.constant 640 : i32
    %scan3A_13 = arith.addi %scan3A_11, %scan3A_12 : i32
    %scan3A_14 = arith.constant 1 : i32
    scf.for %scan3A_57 = %scan3A_11 to %scan3A_13 step %scan3A_14  : i32 {
      %jit3A = arith.constant 8 : i32
      %div3A = arith.divsi %scan3A_57, %jit3A : i32
      %sign3A = arith.constant 0 : i32
      %sign3A_58 = arith.cmpi sgt, %scan3A_57, %sign3A : i32
      %sign3A_59 = arith.extui %sign3A_58 : i1 to i32
      %sign3A_60 = arith.constant 0 : i32
      %sign3A_61 = arith.cmpi slt, %scan3A_57, %sign3A_60 : i32
      %sign3A_62 = arith.extui %sign3A_61 : i1 to i32
      %sign3A_63 = arith.subi %sign3A_59, %sign3A_62 : i32
      %sign3A_64 = arith.constant 0 : i32
      %sign3A_65 = arith.cmpi sgt, %jit3A, %sign3A_64 : i32
      %sign3A_66 = arith.extui %sign3A_65 : i1 to i32
      %sign3A_67 = arith.constant 0 : i32
      %sign3A_68 = arith.cmpi slt, %jit3A, %sign3A_67 : i32
      %sign3A_69 = arith.extui %sign3A_68 : i1 to i32
      %sign3A_70 = arith.subi %sign3A_66, %sign3A_69 : i32
      %ne3A = arith.cmpi ne, %sign3A_63, %sign3A_70 : i32
      %rem3A = arith.remsi %scan3A_57, %jit3A : i32
      %ne3A_71 = arith.constant 0 : i32
      %ne3A_72 = arith.cmpi ne, %rem3A, %ne3A_71 : i32
      %and3A = arith.andi %ne3A, %ne3A_72 : i1
      %sub3A = arith.constant 1 : i32
      %sub3A_73 = arith.subi %div3A, %sub3A : i32
      %select_n3A = arith.select %and3A, %sub3A_73, %div3A : i32
      %jit3A_74 = arith.constant 8 : i32
      %eq3A = arith.constant 0 : i32
      %eq3A_75 = arith.cmpi eq, %jit3A_74, %eq3A : i32
      %jit3A_76 = arith.constant 1 : i32
      %select_n3A_77 = arith.select %eq3A_75, %jit3A_76, %jit3A_74 : i32
      %rem3A_78 = arith.remsi %scan3A_57, %select_n3A_77 : i32
      %ne3A_79 = arith.constant 0 : i32
      %ne3A_80 = arith.cmpi ne, %rem3A_78, %ne3A_79 : i32
      %lt3A = arith.constant 0 : i32
      %lt3A_81 = arith.cmpi slt, %rem3A_78, %lt3A : i32
      %lt3A_82 = arith.constant 0 : i32
      %lt3A_83 = arith.cmpi slt, %select_n3A_77, %lt3A_82 : i32
      %ne3A_84 = arith.xori %lt3A_81, %lt3A_83 : i1
      %and3A_85 = arith.andi %ne3A_84, %ne3A_80 : i1
      %add3A_86 = arith.addi %rem3A_78, %select_n3A_77 : i32
      %select_n3A_87 = arith.select %and3A_85, %add3A_86, %rem3A_78 : i32
      %broadcast_in_dim3A = arith.constant 1.000000e+00 : f32
      %broadcast_in_dim3A_88 = vector.broadcast %broadcast_in_dim3A : f32 to vector<16xf32>
      %mul3A_89 = arith.constant 16 : i32
      %mul3A_90 = arith.muli %select_n3A_87, %mul3A_89 : i32
      %swap3A = arith.index_cast %select_n3A : i32 to index
      %swap3A_91 = arith.index_cast %mul3A_90 : i32 to index
      %swap3A_92 = tpu.vector_load %arg10[%swap3A, %swap3A_91] {strides = array<i32>} : memref<80x128xf32, #tpu.memory_space<vmem>>, vector<1x16xf32>,
      %swap3A_93 = vector.shape_cast %swap3A_92 : vector<1x16xf32> to vector<16xf32>
      %swap3A_94 = vector.shape_cast %broadcast_in_dim3A_88 : vector<16xf32> to vector<1x16xf32>
      tpu.vector_store %arg10[%swap3A, %swap3A_91], %swap3A_94 {strides = array<i32>} : memref<80x128xf32, #tpu.memory_space<vmem>>, vector<1x16xf32>,
    }
    %scan3A_15 = arith.constant 640 : i32
    %add3A = arith.constant 0 : i32
    %add3A_16 = arith.addi %mul3A_2, %add3A : i32
    "tpu.region"() ({
      %run_scoped3A = tpu.sem_alloc : memref<!tpu.dma_semaphore, #tpu.memory_space<semaphore_mem>>
      %dma_start3A_57 = arith.constant 0 : i32
      %dma_start3A_58 = tpu.memref_slice %arg12[%add3A_16, %dma_start3A_57] : memref<5120x128xf32, #tpu.memory_space<vmem_shared>> -> memref<40x128xf32, #tpu.memory_space<vmem_shared>>
      %dma_start3A_59 = arith.constant 0 : i32
      %dma_start3A_60 = tpu.memref_slice %arg12[%add3A_16, %dma_start3A_59] : memref<5120x128xf32, #tpu.memory_space<vmem_shared>> -> memref<40x128xf32, #tpu.memory_space<vmem_shared>>
      tpu.enqueue_dma source(%arg11 : memref<40x128xf32, #tpu.memory_space<vmem>>) target(%dma_start3A_60 : memref<40x128xf32, #tpu.memory_space<vmem_shared>>) target_semaphore(%run_scoped3A : memref<!tpu.dma_semaphore, #tpu.memory_space<semaphore_mem>>)
      %dma_wait3A = arith.constant 0 : i32
      %dma_wait3A_61 = tpu.memref_slice %arg12[%add3A_16, %dma_wait3A] : memref<5120x128xf32, #tpu.memory_space<vmem_shared>> -> memref<40x128xf32, #tpu.memory_space<vmem_shared>>
      %dma_wait3A_62 = arith.constant 0 : i32
      %dma_wait3A_63 = tpu.memref_slice %arg12[%add3A_16, %dma_wait3A_62] : memref<5120x128xf32, #tpu.memory_space<vmem_shared>> -> memref<40x128xf32, #tpu.memory_space<vmem_shared>>
      tpu.wait_dma2 semaphore(%run_scoped3A : memref<!tpu.dma_semaphore, #tpu.memory_space<semaphore_mem>>) src(%arg11 : memref<40x128xf32, #tpu.memory_space<vmem>>) dst(%dma_wait3A_63 : memref<40x128xf32, #tpu.memory_space<vmem_shared>>)
      tpu.yield
    }) : () -> ()
    %add3A_17 = arith.constant 0 : i32
    %add3A_18 = arith.addi %mul3A_2, %add3A_17 : i32
    "tpu.region"() ({
      %run_scoped3A = tpu.sem_alloc : memref<!tpu.dma_semaphore, #tpu.memory_space<semaphore_mem>>
      %dma_start3A_57 = arith.constant 0 : i32
      %dma_start3A_58 = tpu.memref_slice %arg13[%add3A_18, %dma_start3A_57] : memref<5120x128xf32, #tpu.memory_space<vmem_shared>> -> memref<40x128xf32, #tpu.memory_space<vmem_shared>>
      %dma_start3A_59 = arith.constant 0 : i32
      %dma_start3A_60 = tpu.memref_slice %arg13[%add3A_18, %dma_start3A_59] : memref<5120x128xf32, #tpu.memory_space<vmem_shared>> -> memref<40x128xf32, #tpu.memory_space<vmem_shared>>
      tpu.enqueue_dma source(%arg11 : memref<40x128xf32, #tpu.memory_space<vmem>>) target(%dma_start3A_60 : memref<40x128xf32, #tpu.memory_space<vmem_shared>>) target_semaphore(%run_scoped3A : memref<!tpu.dma_semaphore, #tpu.memory_space<semaphore_mem>>)
      %dma_wait3A = arith.constant 0 : i32
      %dma_wait3A_61 = tpu.memref_slice %arg13[%add3A_18, %dma_wait3A] : memref<5120x128xf32, #tpu.memory_space<vmem_shared>> -> memref<40x128xf32, #tpu.memory_space<vmem_shared>>
      %dma_wait3A_62 = arith.constant 0 : i32
      %dma_wait3A_63 = tpu.memref_slice %arg13[%add3A_18, %dma_wait3A_62] : memref<5120x128xf32, #tpu.memory_space<vmem_shared>> -> memref<40x128xf32, #tpu.memory_space<vmem_shared>>
      tpu.wait_dma2 semaphore(%run_scoped3A : memref<!tpu.dma_semaphore, #tpu.memory_space<semaphore_mem>>) src(%arg11 : memref<40x128xf32, #tpu.memory_space<vmem>>) dst(%dma_wait3A_63 : memref<40x128xf32, #tpu.memory_space<vmem_shared>>)
      tpu.yield
    }) : () -> ()
    %add3A_19 = arith.constant 40 : i32
    %add3A_20 = arith.addi %mul3A_2, %add3A_19 : i32
    "tpu.region"() ({
      %run_scoped3A = tpu.sem_alloc : memref<!tpu.dma_semaphore, #tpu.memory_space<semaphore_mem>>
      %dma_start3A_57 = arith.constant 0 : i32
      %dma_start3A_58 = tpu.memref_slice %arg12[%add3A_20, %dma_start3A_57] : memref<5120x128xf32, #tpu.memory_space<vmem_shared>> -> memref<40x128xf32, #tpu.memory_space<vmem_shared>>
      %dma_start3A_59 = arith.constant 0 : i32
      %dma_start3A_60 = tpu.memref_slice %arg12[%add3A_20, %dma_start3A_59] : memref<5120x128xf32, #tpu.memory_space<vmem_shared>> -> memref<40x128xf32, #tpu.memory_space<vmem_shared>>
      tpu.enqueue_dma source(%arg11 : memref<40x128xf32, #tpu.memory_space<vmem>>) target(%dma_start3A_60 : memref<40x128xf32, #tpu.memory_space<vmem_shared>>) target_semaphore(%run_scoped3A : memref<!tpu.dma_semaphore, #tpu.memory_space<semaphore_mem>>)
      %dma_wait3A = arith.constant 0 : i32
      %dma_wait3A_61 = tpu.memref_slice %arg12[%add3A_20, %dma_wait3A] : memref<5120x128xf32, #tpu.memory_space<vmem_shared>> -> memref<40x128xf32, #tpu.memory_space<vmem_shared>>
      %dma_wait3A_62 = arith.constant 0 : i32
      %dma_wait3A_63 = tpu.memref_slice %arg12[%add3A_20, %dma_wait3A_62] : memref<5120x128xf32, #tpu.memory_space<vmem_shared>> -> memref<40x128xf32, #tpu.memory_space<vmem_shared>>
      tpu.wait_dma2 semaphore(%run_scoped3A : memref<!tpu.dma_semaphore, #tpu.memory_space<semaphore_mem>>) src(%arg11 : memref<40x128xf32, #tpu.memory_space<vmem>>) dst(%dma_wait3A_63 : memref<40x128xf32, #tpu.memory_space<vmem_shared>>)
      tpu.yield
    }) : () -> ()
    %add3A_21 = arith.constant 40 : i32
    %add3A_22 = arith.addi %mul3A_2, %add3A_21 : i32
    "tpu.region"() ({
      %run_scoped3A = tpu.sem_alloc : memref<!tpu.dma_semaphore, #tpu.memory_space<semaphore_mem>>
      %dma_start3A_57 = arith.constant 0 : i32
      %dma_start3A_58 = tpu.memref_slice %arg13[%add3A_22, %dma_start3A_57] : memref<5120x128xf32, #tpu.memory_space<vmem_shared>> -> memref<40x128xf32, #tpu.memory_space<vmem_shared>>
      %dma_start3A_59 = arith.constant 0 : i32
      %dma_start3A_60 = tpu.memref_slice %arg13[%add3A_22, %dma_start3A_59] : memref<5120x128xf32, #tpu.memory_space<vmem_shared>> -> memref<40x128xf32, #tpu.memory_space<vmem_shared>>
      tpu.enqueue_dma source(%arg11 : memref<40x128xf32, #tpu.memory_space<vmem>>) target(%dma_start3A_60 : memref<40x128xf32, #tpu.memory_space<vmem_shared>>) target_semaphore(%run_scoped3A : memref<!tpu.dma_semaphore, #tpu.memory_space<semaphore_mem>>)
      %dma_wait3A = arith.constant 0 : i32
      %dma_wait3A_61 = tpu.memref_slice %arg13[%add3A_22, %dma_wait3A] : memref<5120x128xf32, #tpu.memory_space<vmem_shared>> -> memref<40x128xf32, #tpu.memory_space<vmem_shared>>
      %dma_wait3A_62 = arith.constant 0 : i32
      %dma_wait3A_63 = tpu.memref_slice %arg13[%add3A_22, %dma_wait3A_62] : memref<5120x128xf32, #tpu.memory_space<vmem_shared>> -> memref<40x128xf32, #tpu.memory_space<vmem_shared>>
      tpu.wait_dma2 semaphore(%run_scoped3A : memref<!tpu.dma_semaphore, #tpu.memory_space<semaphore_mem>>) src(%arg11 : memref<40x128xf32, #tpu.memory_space<vmem>>) dst(%dma_wait3A_63 : memref<40x128xf32, #tpu.memory_space<vmem_shared>>)
      tpu.yield
    }) : () -> ()
    %add3A_23 = arith.constant 80 : i32
    %add3A_24 = arith.addi %mul3A_2, %add3A_23 : i32
    "tpu.region"() ({
      %run_scoped3A = tpu.sem_alloc : memref<!tpu.dma_semaphore, #tpu.memory_space<semaphore_mem>>
      %dma_start3A_57 = arith.constant 0 : i32
      %dma_start3A_58 = tpu.memref_slice %arg12[%add3A_24, %dma_start3A_57] : memref<5120x128xf32, #tpu.memory_space<vmem_shared>> -> memref<40x128xf32, #tpu.memory_space<vmem_shared>>
      %dma_start3A_59 = arith.constant 0 : i32
      %dma_start3A_60 = tpu.memref_slice %arg12[%add3A_24, %dma_start3A_59] : memref<5120x128xf32, #tpu.memory_space<vmem_shared>> -> memref<40x128xf32, #tpu.memory_space<vmem_shared>>
      tpu.enqueue_dma source(%arg11 : memref<40x128xf32, #tpu.memory_space<vmem>>) target(%dma_start3A_60 : memref<40x128xf32, #tpu.memory_space<vmem_shared>>) target_semaphore(%run_scoped3A : memref<!tpu.dma_semaphore, #tpu.memory_space<semaphore_mem>>)
      %dma_wait3A = arith.constant 0 : i32
      %dma_wait3A_61 = tpu.memref_slice %arg12[%add3A_24, %dma_wait3A] : memref<5120x128xf32, #tpu.memory_space<vmem_shared>> -> memref<40x128xf32, #tpu.memory_space<vmem_shared>>
      %dma_wait3A_62 = arith.constant 0 : i32
      %dma_wait3A_63 = tpu.memref_slice %arg12[%add3A_24, %dma_wait3A_62] : memref<5120x128xf32, #tpu.memory_space<vmem_shared>> -> memref<40x128xf32, #tpu.memory_space<vmem_shared>>
      tpu.wait_dma2 semaphore(%run_scoped3A : memref<!tpu.dma_semaphore, #tpu.memory_space<semaphore_mem>>) src(%arg11 : memref<40x128xf32, #tpu.memory_space<vmem>>) dst(%dma_wait3A_63 : memref<40x128xf32, #tpu.memory_space<vmem_shared>>)
      tpu.yield
    }) : () -> ()
    %add3A_25 = arith.constant 80 : i32
    %add3A_26 = arith.addi %mul3A_2, %add3A_25 : i32
    "tpu.region"() ({
      %run_scoped3A = tpu.sem_alloc : memref<!tpu.dma_semaphore, #tpu.memory_space<semaphore_mem>>
      %dma_start3A_57 = arith.constant 0 : i32
      %dma_start3A_58 = tpu.memref_slice %arg13[%add3A_26, %dma_start3A_57] : memref<5120x128xf32, #tpu.memory_space<vmem_shared>> -> memref<40x128xf32, #tpu.memory_space<vmem_shared>>
      %dma_start3A_59 = arith.constant 0 : i32
      %dma_start3A_60 = tpu.memref_slice %arg13[%add3A_26, %dma_start3A_59] : memref<5120x128xf32, #tpu.memory_space<vmem_shared>> -> memref<40x128xf32, #tpu.memory_space<vmem_shared>>
      tpu.enqueue_dma source(%arg11 : memref<40x128xf32, #tpu.memory_space<vmem>>) target(%dma_start3A_60 : memref<40x128xf32, #tpu.memory_space<vmem_shared>>) target_semaphore(%run_scoped3A : memref<!tpu.dma_semaphore, #tpu.memory_space<semaphore_mem>>)
      %dma_wait3A = arith.constant 0 : i32
      %dma_wait3A_61 = tpu.memref_slice %arg13[%add3A_26, %dma_wait3A] : memref<5120x128xf32, #tpu.memory_space<vmem_shared>> -> memref<40x128xf32, #tpu.memory_space<vmem_shared>>
      %dma_wait3A_62 = arith.constant 0 : i32
      %dma_wait3A_63 = tpu.memref_slice %arg13[%add3A_26, %dma_wait3A_62] : memref<5120x128xf32, #tpu.memory_space<vmem_shared>> -> memref<40x128xf32, #tpu.memory_space<vmem_shared>>
      tpu.wait_dma2 semaphore(%run_scoped3A : memref<!tpu.dma_semaphore, #tpu.memory_space<semaphore_mem>>) src(%arg11 : memref<40x128xf32, #tpu.memory_space<vmem>>) dst(%dma_wait3A_63 : memref<40x128xf32, #tpu.memory_space<vmem_shared>>)
      tpu.yield
    }) : () -> ()
    %add3A_27 = arith.constant 120 : i32
    %add3A_28 = arith.addi %mul3A_2, %add3A_27 : i32
    "tpu.region"() ({
      %run_scoped3A = tpu.sem_alloc : memref<!tpu.dma_semaphore, #tpu.memory_space<semaphore_mem>>
      %dma_start3A_57 = arith.constant 0 : i32
      %dma_start3A_58 = tpu.memref_slice %arg12[%add3A_28, %dma_start3A_57] : memref<5120x128xf32, #tpu.memory_space<vmem_shared>> -> memref<40x128xf32, #tpu.memory_space<vmem_shared>>
      %dma_start3A_59 = arith.constant 0 : i32
      %dma_start3A_60 = tpu.memref_slice %arg12[%add3A_28, %dma_start3A_59] : memref<5120x128xf32, #tpu.memory_space<vmem_shared>> -> memref<40x128xf32, #tpu.memory_space<vmem_shared>>
      tpu.enqueue_dma source(%arg11 : memref<40x128xf32, #tpu.memory_space<vmem>>) target(%dma_start3A_60 : memref<40x128xf32, #tpu.memory_space<vmem_shared>>) target_semaphore(%run_scoped3A : memref<!tpu.dma_semaphore, #tpu.memory_space<semaphore_mem>>)
      %dma_wait3A = arith.constant 0 : i32
      %dma_wait3A_61 = tpu.memref_slice %arg12[%add3A_28, %dma_wait3A] : memref<5120x128xf32, #tpu.memory_space<vmem_shared>> -> memref<40x128xf32, #tpu.memory_space<vmem_shared>>
      %dma_wait3A_62 = arith.constant 0 : i32
      %dma_wait3A_63 = tpu.memref_slice %arg12[%add3A_28, %dma_wait3A_62] : memref<5120x128xf32, #tpu.memory_space<vmem_shared>> -> memref<40x128xf32, #tpu.memory_space<vmem_shared>>
      tpu.wait_dma2 semaphore(%run_scoped3A : memref<!tpu.dma_semaphore, #tpu.memory_space<semaphore_mem>>) src(%arg11 : memref<40x128xf32, #tpu.memory_space<vmem>>) dst(%dma_wait3A_63 : memref<40x128xf32, #tpu.memory_space<vmem_shared>>)
      tpu.yield
    }) : () -> ()
    %add3A_29 = arith.constant 120 : i32
    %add3A_30 = arith.addi %mul3A_2, %add3A_29 : i32
    "tpu.region"() ({
      %run_scoped3A = tpu.sem_alloc : memref<!tpu.dma_semaphore, #tpu.memory_space<semaphore_mem>>
      %dma_start3A_57 = arith.constant 0 : i32
      %dma_start3A_58 = tpu.memref_slice %arg13[%add3A_30, %dma_start3A_57] : memref<5120x128xf32, #tpu.memory_space<vmem_shared>> -> memref<40x128xf32, #tpu.memory_space<vmem_shared>>
      %dma_start3A_59 = arith.constant 0 : i32
      %dma_start3A_60 = tpu.memref_slice %arg13[%add3A_30, %dma_start3A_59] : memref<5120x128xf32, #tpu.memory_space<vmem_shared>> -> memref<40x128xf32, #tpu.memory_space<vmem_shared>>
      tpu.enqueue_dma source(%arg11 : memref<40x128xf32, #tpu.memory_space<vmem>>) target(%dma_start3A_60 : memref<40x128xf32, #tpu.memory_space<vmem_shared>>) target_semaphore(%run_scoped3A : memref<!tpu.dma_semaphore, #tpu.memory_space<semaphore_mem>>)
      %dma_wait3A = arith.constant 0 : i32
      %dma_wait3A_61 = tpu.memref_slice %arg13[%add3A_30, %dma_wait3A] : memref<5120x128xf32, #tpu.memory_space<vmem_shared>> -> memref<40x128xf32, #tpu.memory_space<vmem_shared>>
      %dma_wait3A_62 = arith.constant 0 : i32
      %dma_wait3A_63 = tpu.memref_slice %arg13[%add3A_30, %dma_wait3A_62] : memref<5120x128xf32, #tpu.memory_space<vmem_shared>> -> memref<40x128xf32, #tpu.memory_space<vmem_shared>>
      tpu.wait_dma2 semaphore(%run_scoped3A : memref<!tpu.dma_semaphore, #tpu.memory_space<semaphore_mem>>) src(%arg11 : memref<40x128xf32, #tpu.memory_space<vmem>>) dst(%dma_wait3A_63 : memref<40x128xf32, #tpu.memory_space<vmem_shared>>)
      tpu.yield
    }) : () -> ()
    %add3A_31 = arith.constant 160 : i32
    %add3A_32 = arith.addi %mul3A_2, %add3A_31 : i32
    "tpu.region"() ({
      %run_scoped3A = tpu.sem_alloc : memref<!tpu.dma_semaphore, #tpu.memory_space<semaphore_mem>>
      %dma_start3A_57 = arith.constant 0 : i32
      %dma_start3A_58 = tpu.memref_slice %arg12[%add3A_32, %dma_start3A_57] : memref<5120x128xf32, #tpu.memory_space<vmem_shared>> -> memref<40x128xf32, #tpu.memory_space<vmem_shared>>
      %dma_start3A_59 = arith.constant 0 : i32
      %dma_start3A_60 = tpu.memref_slice %arg12[%add3A_32, %dma_start3A_59] : memref<5120x128xf32, #tpu.memory_space<vmem_shared>> -> memref<40x128xf32, #tpu.memory_space<vmem_shared>>
      tpu.enqueue_dma source(%arg11 : memref<40x128xf32, #tpu.memory_space<vmem>>) target(%dma_start3A_60 : memref<40x128xf32, #tpu.memory_space<vmem_shared>>) target_semaphore(%run_scoped3A : memref<!tpu.dma_semaphore, #tpu.memory_space<semaphore_mem>>)
      %dma_wait3A = arith.constant 0 : i32
      %dma_wait3A_61 = tpu.memref_slice %arg12[%add3A_32, %dma_wait3A] : memref<5120x128xf32, #tpu.memory_space<vmem_shared>> -> memref<40x128xf32, #tpu.memory_space<vmem_shared>>
      %dma_wait3A_62 = arith.constant 0 : i32
      %dma_wait3A_63 = tpu.memref_slice %arg12[%add3A_32, %dma_wait3A_62] : memref<5120x128xf32, #tpu.memory_space<vmem_shared>> -> memref<40x128xf32, #tpu.memory_space<vmem_shared>>
      tpu.wait_dma2 semaphore(%run_scoped3A : memref<!tpu.dma_semaphore, #tpu.memory_space<semaphore_mem>>) src(%arg11 : memref<40x128xf32, #tpu.memory_space<vmem>>) dst(%dma_wait3A_63 : memref<40x128xf32, #tpu.memory_space<vmem_shared>>)
      tpu.yield
    }) : () -> ()
    %add3A_33 = arith.constant 160 : i32
    %add3A_34 = arith.addi %mul3A_2, %add3A_33 : i32
    "tpu.region"() ({
      %run_scoped3A = tpu.sem_alloc : memref<!tpu.dma_semaphore, #tpu.memory_space<semaphore_mem>>
      %dma_start3A_57 = arith.constant 0 : i32
      %dma_start3A_58 = tpu.memref_slice %arg13[%add3A_34, %dma_start3A_57] : memref<5120x128xf32, #tpu.memory_space<vmem_shared>> -> memref<40x128xf32, #tpu.memory_space<vmem_shared>>
      %dma_start3A_59 = arith.constant 0 : i32
      %dma_start3A_60 = tpu.memref_slice %arg13[%add3A_34, %dma_start3A_59] : memref<5120x128xf32, #tpu.memory_space<vmem_shared>> -> memref<40x128xf32, #tpu.memory_space<vmem_shared>>
      tpu.enqueue_dma source(%arg11 : memref<40x128xf32, #tpu.memory_space<vmem>>) target(%dma_start3A_60 : memref<40x128xf32, #tpu.memory_space<vmem_shared>>) target_semaphore(%run_scoped3A : memref<!tpu.dma_semaphore, #tpu.memory_space<semaphore_mem>>)
      %dma_wait3A = arith.constant 0 : i32
      %dma_wait3A_61 = tpu.memref_slice %arg13[%add3A_34, %dma_wait3A] : memref<5120x128xf32, #tpu.memory_space<vmem_shared>> -> memref<40x128xf32, #tpu.memory_space<vmem_shared>>
      %dma_wait3A_62 = arith.constant 0 : i32
      %dma_wait3A_63 = tpu.memref_slice %arg13[%add3A_34, %dma_wait3A_62] : memref<5120x128xf32, #tpu.memory_space<vmem_shared>> -> memref<40x128xf32, #tpu.memory_space<vmem_shared>>
      tpu.wait_dma2 semaphore(%run_scoped3A : memref<!tpu.dma_semaphore, #tpu.memory_space<semaphore_mem>>) src(%arg11 : memref<40x128xf32, #tpu.memory_space<vmem>>) dst(%dma_wait3A_63 : memref<40x128xf32, #tpu.memory_space<vmem_shared>>)
      tpu.yield
    }) : () -> ()
    %add3A_35 = arith.constant 200 : i32
    %add3A_36 = arith.addi %mul3A_2, %add3A_35 : i32
    "tpu.region"() ({
      %run_scoped3A = tpu.sem_alloc : memref<!tpu.dma_semaphore, #tpu.memory_space<semaphore_mem>>
      %dma_start3A_57 = arith.constant 0 : i32
      %dma_start3A_58 = tpu.memref_slice %arg12[%add3A_36, %dma_start3A_57] : memref<5120x128xf32, #tpu.memory_space<vmem_shared>> -> memref<40x128xf32, #tpu.memory_space<vmem_shared>>
      %dma_start3A_59 = arith.constant 0 : i32
      %dma_start3A_60 = tpu.memref_slice %arg12[%add3A_36, %dma_start3A_59] : memref<5120x128xf32, #tpu.memory_space<vmem_shared>> -> memref<40x128xf32, #tpu.memory_space<vmem_shared>>
      tpu.enqueue_dma source(%arg11 : memref<40x128xf32, #tpu.memory_space<vmem>>) target(%dma_start3A_60 : memref<40x128xf32, #tpu.memory_space<vmem_shared>>) target_semaphore(%run_scoped3A : memref<!tpu.dma_semaphore, #tpu.memory_space<semaphore_mem>>)
      %dma_wait3A = arith.constant 0 : i32
      %dma_wait3A_61 = tpu.memref_slice %arg12[%add3A_36, %dma_wait3A] : memref<5120x128xf32, #tpu.memory_space<vmem_shared>> -> memref<40x128xf32, #tpu.memory_space<vmem_shared>>
      %dma_wait3A_62 = arith.constant 0 : i32
      %dma_wait3A_63 = tpu.memref_slice %arg12[%add3A_36, %dma_wait3A_62] : memref<5120x128xf32, #tpu.memory_space<vmem_shared>> -> memref<40x128xf32, #tpu.memory_space<vmem_shared>>
      tpu.wait_dma2 semaphore(%run_scoped3A : memref<!tpu.dma_semaphore, #tpu.memory_space<semaphore_mem>>) src(%arg11 : memref<40x128xf32, #tpu.memory_space<vmem>>) dst(%dma_wait3A_63 : memref<40x128xf32, #tpu.memory_space<vmem_shared>>)
      tpu.yield
    }) : () -> ()
    %add3A_37 = arith.constant 200 : i32
    %add3A_38 = arith.addi %mul3A_2, %add3A_37 : i32
    "tpu.region"() ({
      %run_scoped3A = tpu.sem_alloc : memref<!tpu.dma_semaphore, #tpu.memory_space<semaphore_mem>>
      %dma_start3A_57 = arith.constant 0 : i32
      %dma_start3A_58 = tpu.memref_slice %arg13[%add3A_38, %dma_start3A_57] : memref<5120x128xf32, #tpu.memory_space<vmem_shared>> -> memref<40x128xf32, #tpu.memory_space<vmem_shared>>
      %dma_start3A_59 = arith.constant 0 : i32
      %dma_start3A_60 = tpu.memref_slice %arg13[%add3A_38, %dma_start3A_59] : memref<5120x128xf32, #tpu.memory_space<vmem_shared>> -> memref<40x128xf32, #tpu.memory_space<vmem_shared>>
      tpu.enqueue_dma source(%arg11 : memref<40x128xf32, #tpu.memory_space<vmem>>) target(%dma_start3A_60 : memref<40x128xf32, #tpu.memory_space<vmem_shared>>) target_semaphore(%run_scoped3A : memref<!tpu.dma_semaphore, #tpu.memory_space<semaphore_mem>>)
      %dma_wait3A = arith.constant 0 : i32
      %dma_wait3A_61 = tpu.memref_slice %arg13[%add3A_38, %dma_wait3A] : memref<5120x128xf32, #tpu.memory_space<vmem_shared>> -> memref<40x128xf32, #tpu.memory_space<vmem_shared>>
      %dma_wait3A_62 = arith.constant 0 : i32
      %dma_wait3A_63 = tpu.memref_slice %arg13[%add3A_38, %dma_wait3A_62] : memref<5120x128xf32, #tpu.memory_space<vmem_shared>> -> memref<40x128xf32, #tpu.memory_space<vmem_shared>>
      tpu.wait_dma2 semaphore(%run_scoped3A : memref<!tpu.dma_semaphore, #tpu.memory_space<semaphore_mem>>) src(%arg11 : memref<40x128xf32, #tpu.memory_space<vmem>>) dst(%dma_wait3A_63 : memref<40x128xf32, #tpu.memory_space<vmem_shared>>)
      tpu.yield
    }) : () -> ()
    %add3A_39 = arith.constant 240 : i32
    %add3A_40 = arith.addi %mul3A_2, %add3A_39 : i32
    "tpu.region"() ({
      %run_scoped3A = tpu.sem_alloc : memref<!tpu.dma_semaphore, #tpu.memory_space<semaphore_mem>>
      %dma_start3A_57 = arith.constant 0 : i32
      %dma_start3A_58 = tpu.memref_slice %arg12[%add3A_40, %dma_start3A_57] : memref<5120x128xf32, #tpu.memory_space<vmem_shared>> -> memref<40x128xf32, #tpu.memory_space<vmem_shared>>
      %dma_start3A_59 = arith.constant 0 : i32
      %dma_start3A_60 = tpu.memref_slice %arg12[%add3A_40, %dma_start3A_59] : memref<5120x128xf32, #tpu.memory_space<vmem_shared>> -> memref<40x128xf32, #tpu.memory_space<vmem_shared>>
      tpu.enqueue_dma source(%arg11 : memref<40x128xf32, #tpu.memory_space<vmem>>) target(%dma_start3A_60 : memref<40x128xf32, #tpu.memory_space<vmem_shared>>) target_semaphore(%run_scoped3A : memref<!tpu.dma_semaphore, #tpu.memory_space<semaphore_mem>>)
      %dma_wait3A = arith.constant 0 : i32
      %dma_wait3A_61 = tpu.memref_slice %arg12[%add3A_40, %dma_wait3A] : memref<5120x128xf32, #tpu.memory_space<vmem_shared>> -> memref<40x128xf32, #tpu.memory_space<vmem_shared>>
      %dma_wait3A_62 = arith.constant 0 : i32
      %dma_wait3A_63 = tpu.memref_slice %arg12[%add3A_40, %dma_wait3A_62] : memref<5120x128xf32, #tpu.memory_space<vmem_shared>> -> memref<40x128xf32, #tpu.memory_space<vmem_shared>>
      tpu.wait_dma2 semaphore(%run_scoped3A : memref<!tpu.dma_semaphore, #tpu.memory_space<semaphore_mem>>) src(%arg11 : memref<40x128xf32, #tpu.memory_space<vmem>>) dst(%dma_wait3A_63 : memref<40x128xf32, #tpu.memory_space<vmem_shared>>)
      tpu.yield
    }) : () -> ()
    %add3A_41 = arith.constant 240 : i32
    %add3A_42 = arith.addi %mul3A_2, %add3A_41 : i32
    "tpu.region"() ({
      %run_scoped3A = tpu.sem_alloc : memref<!tpu.dma_semaphore, #tpu.memory_space<semaphore_mem>>
      %dma_start3A_57 = arith.constant 0 : i32
      %dma_start3A_58 = tpu.memref_slice %arg13[%add3A_42, %dma_start3A_57] : memref<5120x128xf32, #tpu.memory_space<vmem_shared>> -> memref<40x128xf32, #tpu.memory_space<vmem_shared>>
      %dma_start3A_59 = arith.constant 0 : i32
      %dma_start3A_60 = tpu.memref_slice %arg13[%add3A_42, %dma_start3A_59] : memref<5120x128xf32, #tpu.memory_space<vmem_shared>> -> memref<40x128xf32, #tpu.memory_space<vmem_shared>>
      tpu.enqueue_dma source(%arg11 : memref<40x128xf32, #tpu.memory_space<vmem>>) target(%dma_start3A_60 : memref<40x128xf32, #tpu.memory_space<vmem_shared>>) target_semaphore(%run_scoped3A : memref<!tpu.dma_semaphore, #tpu.memory_space<semaphore_mem>>)
      %dma_wait3A = arith.constant 0 : i32
      %dma_wait3A_61 = tpu.memref_slice %arg13[%add3A_42, %dma_wait3A] : memref<5120x128xf32, #tpu.memory_space<vmem_shared>> -> memref<40x128xf32, #tpu.memory_space<vmem_shared>>
      %dma_wait3A_62 = arith.constant 0 : i32
      %dma_wait3A_63 = tpu.memref_slice %arg13[%add3A_42, %dma_wait3A_62] : memref<5120x128xf32, #tpu.memory_space<vmem_shared>> -> memref<40x128xf32, #tpu.memory_space<vmem_shared>>
      tpu.wait_dma2 semaphore(%run_scoped3A : memref<!tpu.dma_semaphore, #tpu.memory_space<semaphore_mem>>) src(%arg11 : memref<40x128xf32, #tpu.memory_space<vmem>>) dst(%dma_wait3A_63 : memref<40x128xf32, #tpu.memory_space<vmem_shared>>)
      tpu.yield
    }) : () -> ()
    %add3A_43 = arith.constant 280 : i32
    %add3A_44 = arith.addi %mul3A_2, %add3A_43 : i32
    "tpu.region"() ({
      %run_scoped3A = tpu.sem_alloc : memref<!tpu.dma_semaphore, #tpu.memory_space<semaphore_mem>>
      %dma_start3A_57 = arith.constant 0 : i32
      %dma_start3A_58 = tpu.memref_slice %arg12[%add3A_44, %dma_start3A_57] : memref<5120x128xf32, #tpu.memory_space<vmem_shared>> -> memref<40x128xf32, #tpu.memory_space<vmem_shared>>
      %dma_start3A_59 = arith.constant 0 : i32
      %dma_start3A_60 = tpu.memref_slice %arg12[%add3A_44, %dma_start3A_59] : memref<5120x128xf32, #tpu.memory_space<vmem_shared>> -> memref<40x128xf32, #tpu.memory_space<vmem_shared>>
      tpu.enqueue_dma source(%arg11 : memref<40x128xf32, #tpu.memory_space<vmem>>) target(%dma_start3A_60 : memref<40x128xf32, #tpu.memory_space<vmem_shared>>) target_semaphore(%run_scoped3A : memref<!tpu.dma_semaphore, #tpu.memory_space<semaphore_mem>>)
      %dma_wait3A = arith.constant 0 : i32
      %dma_wait3A_61 = tpu.memref_slice %arg12[%add3A_44, %dma_wait3A] : memref<5120x128xf32, #tpu.memory_space<vmem_shared>> -> memref<40x128xf32, #tpu.memory_space<vmem_shared>>
      %dma_wait3A_62 = arith.constant 0 : i32
      %dma_wait3A_63 = tpu.memref_slice %arg12[%add3A_44, %dma_wait3A_62] : memref<5120x128xf32, #tpu.memory_space<vmem_shared>> -> memref<40x128xf32, #tpu.memory_space<vmem_shared>>
      tpu.wait_dma2 semaphore(%run_scoped3A : memref<!tpu.dma_semaphore, #tpu.memory_space<semaphore_mem>>) src(%arg11 : memref<40x128xf32, #tpu.memory_space<vmem>>) dst(%dma_wait3A_63 : memref<40x128xf32, #tpu.memory_space<vmem_shared>>)
      tpu.yield
    }) : () -> ()
    %add3A_45 = arith.constant 280 : i32
    %add3A_46 = arith.addi %mul3A_2, %add3A_45 : i32
    "tpu.region"() ({
      %run_scoped3A = tpu.sem_alloc : memref<!tpu.dma_semaphore, #tpu.memory_space<semaphore_mem>>
      %dma_start3A_57 = arith.constant 0 : i32
      %dma_start3A_58 = tpu.memref_slice %arg13[%add3A_46, %dma_start3A_57] : memref<5120x128xf32, #tpu.memory_space<vmem_shared>> -> memref<40x128xf32, #tpu.memory_space<vmem_shared>>
      %dma_start3A_59 = arith.constant 0 : i32
      %dma_start3A_60 = tpu.memref_slice %arg13[%add3A_46, %dma_start3A_59] : memref<5120x128xf32, #tpu.memory_space<vmem_shared>> -> memref<40x128xf32, #tpu.memory_space<vmem_shared>>
      tpu.enqueue_dma source(%arg11 : memref<40x128xf32, #tpu.memory_space<vmem>>) target(%dma_start3A_60 : memref<40x128xf32, #tpu.memory_space<vmem_shared>>) target_semaphore(%run_scoped3A : memref<!tpu.dma_semaphore, #tpu.memory_space<semaphore_mem>>)
      %dma_wait3A = arith.constant 0 : i32
      %dma_wait3A_61 = tpu.memref_slice %arg13[%add3A_46, %dma_wait3A] : memref<5120x128xf32, #tpu.memory_space<vmem_shared>> -> memref<40x128xf32, #tpu.memory_space<vmem_shared>>
      %dma_wait3A_62 = arith.constant 0 : i32
      %dma_wait3A_63 = tpu.memref_slice %arg13[%add3A_46, %dma_wait3A_62] : memref<5120x128xf32, #tpu.memory_space<vmem_shared>> -> memref<40x128xf32, #tpu.memory_space<vmem_shared>>
      tpu.wait_dma2 semaphore(%run_scoped3A : memref<!tpu.dma_semaphore, #tpu.memory_space<semaphore_mem>>) src(%arg11 : memref<40x128xf32, #tpu.memory_space<vmem>>) dst(%dma_wait3A_63 : memref<40x128xf32, #tpu.memory_space<vmem_shared>>)
      tpu.yield
    }) : () -> ()
    %dma_start3A = arith.constant 0 : i32
    %dma_start3A_47 = tpu.memref_slice %arg2[%mul3A_0, %dma_start3A] : memref<153600x128xf32, #tpu.memory_space<hbm>> -> memref<80x128xf32, #tpu.memory_space<hbm>>
    %dma_start3A_48 = arith.constant 0 : i32
    %dma_start3A_49 = tpu.memref_slice %arg2[%mul3A_0, %dma_start3A_48] : memref<153600x128xf32, #tpu.memory_space<hbm>> -> memref<80x128xf32, #tpu.memory_space<hbm>>
    tpu.enqueue_dma source(%dma_start3A_49 : memref<80x128xf32, #tpu.memory_space<hbm>>) target(%arg8 : memref<80x128xf32, #tpu.memory_space<vmem>>) target_semaphore(%arg14 : memref<!tpu.dma_semaphore, #tpu.memory_space<semaphore_mem>>)
    %barrier3A = arith.constant 0 : index
    tpu.barrier barrier_id(%barrier3A)
    %scan3A_50 = arith.constant 0 : i32
    %scan3A_51 = arith.constant 0 : i32
    %scan3A_52 = arith.constant 60 : i32
    %scan3A_53 = arith.addi %scan3A_51, %scan3A_52 : i32
    %scan3A_54 = arith.constant 1 : i32
    scf.for %scan3A_57 = %scan3A_51 to %scan3A_53 step %scan3A_54  : i32 {
      %mul3A_58 = arith.constant 2 : i32
      %mul3A_59 = arith.muli %mul3A_58, %scan3A_57 : i32
      %add3A_60 = arith.constant 0 : i32
      %add3A_61 = arith.addi %mul3A_59, %add3A_60 : i32
      %add3A_62 = arith.constant 1 : i32
      %add3A_63 = arith.addi %add3A_61, %add3A_62 : i32
      %lt3A = arith.constant 120 : i32
      %lt3A_64 = arith.cmpi slt, %add3A_63, %lt3A : i32
      %add3A_65 = arith.constant 1 : i32
      %add3A_66 = arith.addi %add3A_61, %add3A_65 : i32
      %convert_element_type3A = arith.extui %lt3A_64 : i1 to i32
      %cond3A = arith.constant 0 : i32
      %cond3A_67 = arith.cmpi ne, %convert_element_type3A, %cond3A : i32
      scf.if %cond3A_67 {
        %mul3A_297 = arith.constant 80 : i32
        %mul3A_298 = arith.muli %add3A_66, %mul3A_297 : i32
        %add3A_299 = arith.addi %mul3A_0, %mul3A_298 : i32
        %dma_start3A_300 = arith.constant 0 : i32
        %dma_start3A_301 = tpu.memref_slice %arg2[%add3A_299, %dma_start3A_300] : memref<153600x128xf32, #tpu.memory_space<hbm>> -> memref<80x128xf32, #tpu.memory_space<hbm>>
        %dma_start3A_302 = arith.constant 0 : i32
        %dma_start3A_303 = tpu.memref_slice %arg2[%add3A_299, %dma_start3A_302] : memref<153600x128xf32, #tpu.memory_space<hbm>> -> memref<80x128xf32, #tpu.memory_space<hbm>>
        tpu.enqueue_dma source(%dma_start3A_303 : memref<80x128xf32, #tpu.memory_space<hbm>>) target(%arg9 : memref<80x128xf32, #tpu.memory_space<vmem>>) target_semaphore(%arg15 : memref<!tpu.dma_semaphore, #tpu.memory_space<semaphore_mem>>)
      } else {
      }
      %add3A_68 = arith.constant 166400 : i32
      %add3A_69 = arith.addi %add3A_68, %mul3A_0 : i32
      %mul3A_70 = arith.constant 80 : i32
      %mul3A_71 = arith.muli %add3A_61, %mul3A_70 : i32
      %add3A_72 = arith.addi %add3A_69, %mul3A_71 : i32
      "tpu.region"() ({
        %run_scoped3A = tpu.sem_alloc : memref<!tpu.dma_semaphore, #tpu.memory_space<semaphore_mem>>
        %dma_start3A_297 = tpu.memref_slice %arg3[%add3A_72] : memref<320000xi32, #tpu.memory_space<hbm>> -> memref<80xi32, #tpu.memory_space<hbm>>
        %dma_start3A_298 = tpu.memref_slice %arg3[%add3A_72] : memref<320000xi32, #tpu.memory_space<hbm>> -> memref<80xi32, #tpu.memory_space<hbm>>
        tpu.enqueue_dma source(%dma_start3A_298 : memref<80xi32, #tpu.memory_space<hbm>>) target(%arg6 : memref<80xi32, #tpu.memory_space<vmem>>) target_semaphore(%run_scoped3A : memref<!tpu.dma_semaphore, #tpu.memory_space<semaphore_mem>>)
        %dma_wait3A_299 = tpu.memref_slice %arg3[%add3A_72] : memref<320000xi32, #tpu.memory_space<hbm>> -> memref<80xi32, #tpu.memory_space<hbm>>
        %dma_wait3A_300 = tpu.memref_slice %arg3[%add3A_72] : memref<320000xi32, #tpu.memory_space<hbm>> -> memref<80xi32, #tpu.memory_space<hbm>>
        tpu.wait_dma2 semaphore(%run_scoped3A : memref<!tpu.dma_semaphore, #tpu.memory_space<semaphore_mem>>) src(%dma_wait3A_300 : memref<80xi32, #tpu.memory_space<hbm>>) dst(%arg6 : memref<80xi32, #tpu.memory_space<vmem>>)
        tpu.yield
      }) : () -> ()
      %get3A = arith.constant 0 : index
      %get3A_73 = tpu.vector_load %arg6[%get3A] {strides = array<i32>} : memref<80xi32, #tpu.memory_space<vmem>>, vector<16xi32>,
      %get3A_74 = vector.shape_cast %get3A_73 : vector<16xi32> to vector<16xi32>
      %sub3A = vector.broadcast %mul3A_4 : i32 to vector<16xi32>
      %sub3A_75 = arith.subi %get3A_74, %sub3A : vector<16xi32>
      %ge3A = arith.constant 0 : i32
      %ge3A_76 = vector.broadcast %ge3A : i32 to vector<16xi32>
      %ge3A_77 = arith.cmpi sge, %sub3A_75, %ge3A_76 : vector<16xi32>
      %lt3A_78 = arith.constant 5000 : i32
      %lt3A_79 = vector.broadcast %lt3A_78 : i32 to vector<16xi32>
      %lt3A_80 = arith.cmpi slt, %sub3A_75, %lt3A_79 : vector<16xi32>
      %and3A = arith.andi %ge3A_77, %lt3A_80 : vector<16xi1>
      %add3A_81 = arith.constant 5000 : i32
      %add3A_82 = arith.addi %add3A_81, %arg1 : i32
      %broadcast_in_dim3A = vector.broadcast %add3A_82 : i32 to vector<16xi32>
      %select_n3A = arith.select %and3A, %sub3A_75, %broadcast_in_dim3A : vector<16xi1>, vector<16xi32>
      %swap3A = arith.constant 0 : index
      %swap3A_83 = tpu.vector_load %arg7[%swap3A] {strides = array<i32>} : memref<80xi32, #tpu.memory_space<vmem>>, vector<16xi32>,
      %swap3A_84 = vector.shape_cast %swap3A_83 : vector<16xi32> to vector<16xi32>
      %swap3A_85 = vector.shape_cast %select_n3A : vector<16xi32> to vector<16xi32>
      tpu.vector_store %arg7[%swap3A], %swap3A_85 {strides = array<i32>} : memref<80xi32, #tpu.memory_space<vmem>>, vector<16xi32>,
      %get3A_86 = arith.constant 16 : index
      %get3A_87 = tpu.vector_load %arg6[%get3A_86] {strides = array<i32>} : memref<80xi32, #tpu.memory_space<vmem>>, vector<16xi32>,
      %get3A_88 = vector.shape_cast %get3A_87 : vector<16xi32> to vector<16xi32>
      %sub3A_89 = vector.broadcast %mul3A_4 : i32 to vector<16xi32>
      %sub3A_90 = arith.subi %get3A_88, %sub3A_89 : vector<16xi32>
      %ge3A_91 = arith.constant 0 : i32
      %ge3A_92 = vector.broadcast %ge3A_91 : i32 to vector<16xi32>
      %ge3A_93 = arith.cmpi sge, %sub3A_90, %ge3A_92 : vector<16xi32>
      %lt3A_94 = arith.constant 5000 : i32
      %lt3A_95 = vector.broadcast %lt3A_94 : i32 to vector<16xi32>
      %lt3A_96 = arith.cmpi slt, %sub3A_90, %lt3A_95 : vector<16xi32>
      %and3A_97 = arith.andi %ge3A_93, %lt3A_96 : vector<16xi1>
      %add3A_98 = arith.constant 5000 : i32
      %add3A_99 = arith.addi %add3A_98, %arg1 : i32
      %broadcast_in_dim3A_100 = vector.broadcast %add3A_99 : i32 to vector<16xi32>
      %select_n3A_101 = arith.select %and3A_97, %sub3A_90, %broadcast_in_dim3A_100 : vector<16xi1>, vector<16xi32>
      %swap3A_102 = arith.constant 16 : index
      %swap3A_103 = tpu.vector_load %arg7[%swap3A_102] {strides = array<i32>} : memref<80xi32, #tpu.memory_space<vmem>>, vector<16xi32>,
      %swap3A_104 = vector.shape_cast %swap3A_103 : vector<16xi32> to vector<16xi32>
      %swap3A_105 = vector.shape_cast %select_n3A_101 : vector<16xi32> to vector<16xi32>
      tpu.vector_store %arg7[%swap3A_102], %swap3A_105 {strides = array<i32>} : memref<80xi32, #tpu.memory_space<vmem>>, vector<16xi32>,
      %get3A_106 = arith.constant 32 : index
      %get3A_107 = tpu.vector_load %arg6[%get3A_106] {strides = array<i32>} : memref<80xi32, #tpu.memory_space<vmem>>, vector<16xi32>,
      %get3A_108 = vector.shape_cast %get3A_107 : vector<16xi32> to vector<16xi32>
      %sub3A_109 = vector.broadcast %mul3A_4 : i32 to vector<16xi32>
      %sub3A_110 = arith.subi %get3A_108, %sub3A_109 : vector<16xi32>
      %ge3A_111 = arith.constant 0 : i32
      %ge3A_112 = vector.broadcast %ge3A_111 : i32 to vector<16xi32>
      %ge3A_113 = arith.cmpi sge, %sub3A_110, %ge3A_112 : vector<16xi32>
      %lt3A_114 = arith.constant 5000 : i32
      %lt3A_115 = vector.broadcast %lt3A_114 : i32 to vector<16xi32>
      %lt3A_116 = arith.cmpi slt, %sub3A_110, %lt3A_115 : vector<16xi32>
      %and3A_117 = arith.andi %ge3A_113, %lt3A_116 : vector<16xi1>
      %add3A_118 = arith.constant 5000 : i32
      %add3A_119 = arith.addi %add3A_118, %arg1 : i32
      %broadcast_in_dim3A_120 = vector.broadcast %add3A_119 : i32 to vector<16xi32>
      %select_n3A_121 = arith.select %and3A_117, %sub3A_110, %broadcast_in_dim3A_120 : vector<16xi1>, vector<16xi32>
      %swap3A_122 = arith.constant 32 : index
      %swap3A_123 = tpu.vector_load %arg7[%swap3A_122] {strides = array<i32>} : memref<80xi32, #tpu.memory_space<vmem>>, vector<16xi32>,
      %swap3A_124 = vector.shape_cast %swap3A_123 : vector<16xi32> to vector<16xi32>
      %swap3A_125 = vector.shape_cast %select_n3A_121 : vector<16xi32> to vector<16xi32>
      tpu.vector_store %arg7[%swap3A_122], %swap3A_125 {strides = array<i32>} : memref<80xi32, #tpu.memory_space<vmem>>, vector<16xi32>,
      %get3A_126 = arith.constant 48 : index
      %get3A_127 = tpu.vector_load %arg6[%get3A_126] {strides = array<i32>} : memref<80xi32, #tpu.memory_space<vmem>>, vector<16xi32>,
      %get3A_128 = vector.shape_cast %get3A_127 : vector<16xi32> to vector<16xi32>
      %sub3A_129 = vector.broadcast %mul3A_4 : i32 to vector<16xi32>
      %sub3A_130 = arith.subi %get3A_128, %sub3A_129 : vector<16xi32>
      %ge3A_131 = arith.constant 0 : i32
      %ge3A_132 = vector.broadcast %ge3A_131 : i32 to vector<16xi32>
      %ge3A_133 = arith.cmpi sge, %sub3A_130, %ge3A_132 : vector<16xi32>
      %lt3A_134 = arith.constant 5000 : i32
      %lt3A_135 = vector.broadcast %lt3A_134 : i32 to vector<16xi32>
      %lt3A_136 = arith.cmpi slt, %sub3A_130, %lt3A_135 : vector<16xi32>
      %and3A_137 = arith.andi %ge3A_133, %lt3A_136 : vector<16xi1>
      %add3A_138 = arith.constant 5000 : i32
      %add3A_139 = arith.addi %add3A_138, %arg1 : i32
      %broadcast_in_dim3A_140 = vector.broadcast %add3A_139 : i32 to vector<16xi32>
      %select_n3A_141 = arith.select %and3A_137, %sub3A_130, %broadcast_in_dim3A_140 : vector<16xi1>, vector<16xi32>
      %swap3A_142 = arith.constant 48 : index
      %swap3A_143 = tpu.vector_load %arg7[%swap3A_142] {strides = array<i32>} : memref<80xi32, #tpu.memory_space<vmem>>, vector<16xi32>,
      %swap3A_144 = vector.shape_cast %swap3A_143 : vector<16xi32> to vector<16xi32>
      %swap3A_145 = vector.shape_cast %select_n3A_141 : vector<16xi32> to vector<16xi32>
      tpu.vector_store %arg7[%swap3A_142], %swap3A_145 {strides = array<i32>} : memref<80xi32, #tpu.memory_space<vmem>>, vector<16xi32>,
      %get3A_146 = arith.constant 64 : index
      %get3A_147 = tpu.vector_load %arg6[%get3A_146] {strides = array<i32>} : memref<80xi32, #tpu.memory_space<vmem>>, vector<16xi32>,
      %get3A_148 = vector.shape_cast %get3A_147 : vector<16xi32> to vector<16xi32>
      %sub3A_149 = vector.broadcast %mul3A_4 : i32 to vector<16xi32>
      %sub3A_150 = arith.subi %get3A_148, %sub3A_149 : vector<16xi32>
      %ge3A_151 = arith.constant 0 : i32
      %ge3A_152 = vector.broadcast %ge3A_151 : i32 to vector<16xi32>
      %ge3A_153 = arith.cmpi sge, %sub3A_150, %ge3A_152 : vector<16xi32>
      %lt3A_154 = arith.constant 5000 : i32
      %lt3A_155 = vector.broadcast %lt3A_154 : i32 to vector<16xi32>
      %lt3A_156 = arith.cmpi slt, %sub3A_150, %lt3A_155 : vector<16xi32>
      %and3A_157 = arith.andi %ge3A_153, %lt3A_156 : vector<16xi1>
      %add3A_158 = arith.constant 5000 : i32
      %add3A_159 = arith.addi %add3A_158, %arg1 : i32
      %broadcast_in_dim3A_160 = vector.broadcast %add3A_159 : i32 to vector<16xi32>
      %select_n3A_161 = arith.select %and3A_157, %sub3A_150, %broadcast_in_dim3A_160 : vector<16xi1>, vector<16xi32>
      %swap3A_162 = arith.constant 64 : index
      %swap3A_163 = tpu.vector_load %arg7[%swap3A_162] {strides = array<i32>} : memref<80xi32, #tpu.memory_space<vmem>>, vector<16xi32>,
      %swap3A_164 = vector.shape_cast %swap3A_163 : vector<16xi32> to vector<16xi32>
      %swap3A_165 = vector.shape_cast %select_n3A_161 : vector<16xi32> to vector<16xi32>
      tpu.vector_store %arg7[%swap3A_162], %swap3A_165 {strides = array<i32>} : memref<80xi32, #tpu.memory_space<vmem>>, vector<16xi32>,
      %mul3A_166 = arith.constant 80 : i32
      %mul3A_167 = arith.muli %add3A_61, %mul3A_166 : i32
      %add3A_168 = arith.addi %mul3A_0, %mul3A_167 : i32
      %dma_wait3A = arith.constant 0 : i32
      %dma_wait3A_169 = tpu.memref_slice %arg2[%add3A_168, %dma_wait3A] : memref<153600x128xf32, #tpu.memory_space<hbm>> -> memref<80x128xf32, #tpu.memory_space<hbm>>
      %dma_wait3A_170 = arith.constant 0 : i32
      %dma_wait3A_171 = tpu.memref_slice %arg2[%add3A_168, %dma_wait3A_170] : memref<153600x128xf32, #tpu.memory_space<hbm>> -> memref<80x128xf32, #tpu.memory_space<hbm>>
      tpu.wait_dma2 semaphore(%arg14 : memref<!tpu.dma_semaphore, #tpu.memory_space<semaphore_mem>>) src(%dma_wait3A_171 : memref<80x128xf32, #tpu.memory_space<hbm>>) dst(%arg8 : memref<80x128xf32, #tpu.memory_space<vmem>>)
      "tpu.region"() ({
        %run_scoped3A = tpu.sem_alloc : memref<!tpu.dma_semaphore, #tpu.memory_space<semaphore_mem>>
        %dma_start3A_297 = arith.constant 0 : i32
        %dma_start3A_298 = arith.constant 0 : i32
        %dma_start3A_299 = tpu.memref_slice %arg12[%dma_start3A_297, %dma_start3A_298] : memref<5120x128xf32, #tpu.memory_space<vmem_shared>> -> memref<5120x128xf32, #tpu.memory_space<vmem_shared>>
        tpu.enqueue_indirect_dma source(%arg8 : memref<80x128xf32, #tpu.memory_space<vmem>>) target(%dma_start3A_299 : memref<5120x128xf32, #tpu.memory_space<vmem_shared>>) offsets(%arg7 : memref<80xi32, #tpu.memory_space<vmem>>) semaphore(%run_scoped3A : memref<!tpu.dma_semaphore, #tpu.memory_space<semaphore_mem>>) {add = true}
        %dma_wait3A_300 = arith.constant 0 : i32
        %dma_wait3A_301 = arith.constant 0 : i32
        %dma_wait3A_302 = tpu.memref_slice %arg12[%dma_wait3A_300, %dma_wait3A_301] : memref<5120x128xf32, #tpu.memory_space<vmem_shared>> -> memref<5120x128xf32, #tpu.memory_space<vmem_shared>>
        tpu.wait_indirect_dma semaphore(%run_scoped3A : memref<!tpu.dma_semaphore, #tpu.memory_space<semaphore_mem>>) src(%arg8 : memref<80x128xf32, #tpu.memory_space<vmem>>) dst(%dma_wait3A_302 : memref<5120x128xf32, #tpu.memory_space<vmem_shared>>)
        tpu.yield
      }) : () -> ()
      "tpu.region"() ({
        %run_scoped3A = tpu.sem_alloc : memref<!tpu.dma_semaphore, #tpu.memory_space<semaphore_mem>>
        %dma_start3A_297 = arith.constant 0 : i32
        %dma_start3A_298 = arith.constant 0 : i32
        %dma_start3A_299 = tpu.memref_slice %arg13[%dma_start3A_297, %dma_start3A_298] : memref<5120x128xf32, #tpu.memory_space<vmem_shared>> -> memref<5120x128xf32, #tpu.memory_space<vmem_shared>>
        tpu.enqueue_indirect_dma source(%arg10 : memref<80x128xf32, #tpu.memory_space<vmem>>) target(%dma_start3A_299 : memref<5120x128xf32, #tpu.memory_space<vmem_shared>>) offsets(%arg7 : memref<80xi32, #tpu.memory_space<vmem>>) semaphore(%run_scoped3A : memref<!tpu.dma_semaphore, #tpu.memory_space<semaphore_mem>>) {add = true}
        %dma_wait3A_300 = arith.constant 0 : i32
        %dma_wait3A_301 = arith.constant 0 : i32
        %dma_wait3A_302 = tpu.memref_slice %arg13[%dma_wait3A_300, %dma_wait3A_301] : memref<5120x128xf32, #tpu.memory_space<vmem_shared>> -> memref<5120x128xf32, #tpu.memory_space<vmem_shared>>
        tpu.wait_indirect_dma semaphore(%run_scoped3A : memref<!tpu.dma_semaphore, #tpu.memory_space<semaphore_mem>>) src(%arg10 : memref<80x128xf32, #tpu.memory_space<vmem>>) dst(%dma_wait3A_302 : memref<5120x128xf32, #tpu.memory_space<vmem_shared>>)
        tpu.yield
      }) : () -> ()
      %mul3A_172 = arith.constant 2 : i32
      %mul3A_173 = arith.muli %mul3A_172, %scan3A_57 : i32
      %add3A_174 = arith.constant 1 : i32
      %add3A_175 = arith.addi %mul3A_173, %add3A_174 : i32
      %add3A_176 = arith.constant 1 : i32
      %add3A_177 = arith.addi %add3A_175, %add3A_176 : i32
      %lt3A_178 = arith.constant 120 : i32
      %lt3A_179 = arith.cmpi slt, %add3A_177, %lt3A_178 : i32
      %add3A_180 = arith.constant 1 : i32
      %add3A_181 = arith.addi %add3A_175, %add3A_180 : i32
      %convert_element_type3A_182 = arith.extui %lt3A_179 : i1 to i32
      %cond3A_183 = arith.constant 0 : i32
      %cond3A_184 = arith.cmpi ne, %convert_element_type3A_182, %cond3A_183 : i32
      scf.if %cond3A_184 {
        %mul3A_297 = arith.constant 80 : i32
        %mul3A_298 = arith.muli %add3A_181, %mul3A_297 : i32
        %add3A_299 = arith.addi %mul3A_0, %mul3A_298 : i32
        %dma_start3A_300 = arith.constant 0 : i32
        %dma_start3A_301 = tpu.memref_slice %arg2[%add3A_299, %dma_start3A_300] : memref<153600x128xf32, #tpu.memory_space<hbm>> -> memref<80x128xf32, #tpu.memory_space<hbm>>
        %dma_start3A_302 = arith.constant 0 : i32
        %dma_start3A_303 = tpu.memref_slice %arg2[%add3A_299, %dma_start3A_302] : memref<153600x128xf32, #tpu.memory_space<hbm>> -> memref<80x128xf32, #tpu.memory_space<hbm>>
        tpu.enqueue_dma source(%dma_start3A_303 : memref<80x128xf32, #tpu.memory_space<hbm>>) target(%arg8 : memref<80x128xf32, #tpu.memory_space<vmem>>) target_semaphore(%arg14 : memref<!tpu.dma_semaphore, #tpu.memory_space<semaphore_mem>>)
      } else {
      }
      %add3A_185 = arith.constant 166400 : i32
      %add3A_186 = arith.addi %add3A_185, %mul3A_0 : i32
      %mul3A_187 = arith.constant 80 : i32
      %mul3A_188 = arith.muli %add3A_175, %mul3A_187 : i32
      %add3A_189 = arith.addi %add3A_186, %mul3A_188 : i32
      "tpu.region"() ({
        %run_scoped3A = tpu.sem_alloc : memref<!tpu.dma_semaphore, #tpu.memory_space<semaphore_mem>>
        %dma_start3A_297 = tpu.memref_slice %arg3[%add3A_189] : memref<320000xi32, #tpu.memory_space<hbm>> -> memref<80xi32, #tpu.memory_space<hbm>>
        %dma_start3A_298 = tpu.memref_slice %arg3[%add3A_189] : memref<320000xi32, #tpu.memory_space<hbm>> -> memref<80xi32, #tpu.memory_space<hbm>>
        tpu.enqueue_dma source(%dma_start3A_298 : memref<80xi32, #tpu.memory_space<hbm>>) target(%arg6 : memref<80xi32, #tpu.memory_space<vmem>>) target_semaphore(%run_scoped3A : memref<!tpu.dma_semaphore, #tpu.memory_space<semaphore_mem>>)
        %dma_wait3A_299 = tpu.memref_slice %arg3[%add3A_189] : memref<320000xi32, #tpu.memory_space<hbm>> -> memref<80xi32, #tpu.memory_space<hbm>>
        %dma_wait3A_300 = tpu.memref_slice %arg3[%add3A_189] : memref<320000xi32, #tpu.memory_space<hbm>> -> memref<80xi32, #tpu.memory_space<hbm>>
        tpu.wait_dma2 semaphore(%run_scoped3A : memref<!tpu.dma_semaphore, #tpu.memory_space<semaphore_mem>>) src(%dma_wait3A_300 : memref<80xi32, #tpu.memory_space<hbm>>) dst(%arg6 : memref<80xi32, #tpu.memory_space<vmem>>)
        tpu.yield
      }) : () -> ()
      %get3A_190 = arith.constant 0 : index
      %get3A_191 = tpu.vector_load %arg6[%get3A_190] {strides = array<i32>} : memref<80xi32, #tpu.memory_space<vmem>>, vector<16xi32>,
      %get3A_192 = vector.shape_cast %get3A_191 : vector<16xi32> to vector<16xi32>
      %sub3A_193 = vector.broadcast %mul3A_4 : i32 to vector<16xi32>
      %sub3A_194 = arith.subi %get3A_192, %sub3A_193 : vector<16xi32>
      %ge3A_195 = arith.constant 0 : i32
      %ge3A_196 = vector.broadcast %ge3A_195 : i32 to vector<16xi32>
      %ge3A_197 = arith.cmpi sge, %sub3A_194, %ge3A_196 : vector<16xi32>
      %lt3A_198 = arith.constant 5000 : i32
      %lt3A_199 = vector.broadcast %lt3A_198 : i32 to vector<16xi32>
      %lt3A_200 = arith.cmpi slt, %sub3A_194, %lt3A_199 : vector<16xi32>
      %and3A_201 = arith.andi %ge3A_197, %lt3A_200 : vector<16xi1>
      %add3A_202 = arith.constant 5000 : i32
      %add3A_203 = arith.addi %add3A_202, %arg1 : i32
      %broadcast_in_dim3A_204 = vector.broadcast %add3A_203 : i32 to vector<16xi32>
      %select_n3A_205 = arith.select %and3A_201, %sub3A_194, %broadcast_in_dim3A_204 : vector<16xi1>, vector<16xi32>
      %swap3A_206 = arith.constant 0 : index
      %swap3A_207 = tpu.vector_load %arg7[%swap3A_206] {strides = array<i32>} : memref<80xi32, #tpu.memory_space<vmem>>, vector<16xi32>,
      %swap3A_208 = vector.shape_cast %swap3A_207 : vector<16xi32> to vector<16xi32>
      %swap3A_209 = vector.shape_cast %select_n3A_205 : vector<16xi32> to vector<16xi32>
      tpu.vector_store %arg7[%swap3A_206], %swap3A_209 {strides = array<i32>} : memref<80xi32, #tpu.memory_space<vmem>>, vector<16xi32>,
      %get3A_210 = arith.constant 16 : index
      %get3A_211 = tpu.vector_load %arg6[%get3A_210] {strides = array<i32>} : memref<80xi32, #tpu.memory_space<vmem>>, vector<16xi32>,
      %get3A_212 = vector.shape_cast %get3A_211 : vector<16xi32> to vector<16xi32>
      %sub3A_213 = vector.broadcast %mul3A_4 : i32 to vector<16xi32>
      %sub3A_214 = arith.subi %get3A_212, %sub3A_213 : vector<16xi32>
      %ge3A_215 = arith.constant 0 : i32
      %ge3A_216 = vector.broadcast %ge3A_215 : i32 to vector<16xi32>
      %ge3A_217 = arith.cmpi sge, %sub3A_214, %ge3A_216 : vector<16xi32>
      %lt3A_218 = arith.constant 5000 : i32
      %lt3A_219 = vector.broadcast %lt3A_218 : i32 to vector<16xi32>
      %lt3A_220 = arith.cmpi slt, %sub3A_214, %lt3A_219 : vector<16xi32>
      %and3A_221 = arith.andi %ge3A_217, %lt3A_220 : vector<16xi1>
      %add3A_222 = arith.constant 5000 : i32
      %add3A_223 = arith.addi %add3A_222, %arg1 : i32
      %broadcast_in_dim3A_224 = vector.broadcast %add3A_223 : i32 to vector<16xi32>
      %select_n3A_225 = arith.select %and3A_221, %sub3A_214, %broadcast_in_dim3A_224 : vector<16xi1>, vector<16xi32>
      %swap3A_226 = arith.constant 16 : index
      %swap3A_227 = tpu.vector_load %arg7[%swap3A_226] {strides = array<i32>} : memref<80xi32, #tpu.memory_space<vmem>>, vector<16xi32>,
      %swap3A_228 = vector.shape_cast %swap3A_227 : vector<16xi32> to vector<16xi32>
      %swap3A_229 = vector.shape_cast %select_n3A_225 : vector<16xi32> to vector<16xi32>
      tpu.vector_store %arg7[%swap3A_226], %swap3A_229 {strides = array<i32>} : memref<80xi32, #tpu.memory_space<vmem>>, vector<16xi32>,
      %get3A_230 = arith.constant 32 : index
      %get3A_231 = tpu.vector_load %arg6[%get3A_230] {strides = array<i32>} : memref<80xi32, #tpu.memory_space<vmem>>, vector<16xi32>,
      %get3A_232 = vector.shape_cast %get3A_231 : vector<16xi32> to vector<16xi32>
      %sub3A_233 = vector.broadcast %mul3A_4 : i32 to vector<16xi32>
      %sub3A_234 = arith.subi %get3A_232, %sub3A_233 : vector<16xi32>
      %ge3A_235 = arith.constant 0 : i32
      %ge3A_236 = vector.broadcast %ge3A_235 : i32 to vector<16xi32>
      %ge3A_237 = arith.cmpi sge, %sub3A_234, %ge3A_236 : vector<16xi32>
      %lt3A_238 = arith.constant 5000 : i32
      %lt3A_239 = vector.broadcast %lt3A_238 : i32 to vector<16xi32>
      %lt3A_240 = arith.cmpi slt, %sub3A_234, %lt3A_239 : vector<16xi32>
      %and3A_241 = arith.andi %ge3A_237, %lt3A_240 : vector<16xi1>
      %add3A_242 = arith.constant 5000 : i32
      %add3A_243 = arith.addi %add3A_242, %arg1 : i32
      %broadcast_in_dim3A_244 = vector.broadcast %add3A_243 : i32 to vector<16xi32>
      %select_n3A_245 = arith.select %and3A_241, %sub3A_234, %broadcast_in_dim3A_244 : vector<16xi1>, vector<16xi32>
      %swap3A_246 = arith.constant 32 : index
      %swap3A_247 = tpu.vector_load %arg7[%swap3A_246] {strides = array<i32>} : memref<80xi32, #tpu.memory_space<vmem>>, vector<16xi32>,
      %swap3A_248 = vector.shape_cast %swap3A_247 : vector<16xi32> to vector<16xi32>
      %swap3A_249 = vector.shape_cast %select_n3A_245 : vector<16xi32> to vector<16xi32>
      tpu.vector_store %arg7[%swap3A_246], %swap3A_249 {strides = array<i32>} : memref<80xi32, #tpu.memory_space<vmem>>, vector<16xi32>,
      %get3A_250 = arith.constant 48 : index
      %get3A_251 = tpu.vector_load %arg6[%get3A_250] {strides = array<i32>} : memref<80xi32, #tpu.memory_space<vmem>>, vector<16xi32>,
      %get3A_252 = vector.shape_cast %get3A_251 : vector<16xi32> to vector<16xi32>
      %sub3A_253 = vector.broadcast %mul3A_4 : i32 to vector<16xi32>
      %sub3A_254 = arith.subi %get3A_252, %sub3A_253 : vector<16xi32>
      %ge3A_255 = arith.constant 0 : i32
      %ge3A_256 = vector.broadcast %ge3A_255 : i32 to vector<16xi32>
      %ge3A_257 = arith.cmpi sge, %sub3A_254, %ge3A_256 : vector<16xi32>
      %lt3A_258 = arith.constant 5000 : i32
      %lt3A_259 = vector.broadcast %lt3A_258 : i32 to vector<16xi32>
      %lt3A_260 = arith.cmpi slt, %sub3A_254, %lt3A_259 : vector<16xi32>
      %and3A_261 = arith.andi %ge3A_257, %lt3A_260 : vector<16xi1>
      %add3A_262 = arith.constant 5000 : i32
      %add3A_263 = arith.addi %add3A_262, %arg1 : i32
      %broadcast_in_dim3A_264 = vector.broadcast %add3A_263 : i32 to vector<16xi32>
      %select_n3A_265 = arith.select %and3A_261, %sub3A_254, %broadcast_in_dim3A_264 : vector<16xi1>, vector<16xi32>
      %swap3A_266 = arith.constant 48 : index
      %swap3A_267 = tpu.vector_load %arg7[%swap3A_266] {strides = array<i32>} : memref<80xi32, #tpu.memory_space<vmem>>, vector<16xi32>,
      %swap3A_268 = vector.shape_cast %swap3A_267 : vector<16xi32> to vector<16xi32>
      %swap3A_269 = vector.shape_cast %select_n3A_265 : vector<16xi32> to vector<16xi32>
      tpu.vector_store %arg7[%swap3A_266], %swap3A_269 {strides = array<i32>} : memref<80xi32, #tpu.memory_space<vmem>>, vector<16xi32>,
      %get3A_270 = arith.constant 64 : index
      %get3A_271 = tpu.vector_load %arg6[%get3A_270] {strides = array<i32>} : memref<80xi32, #tpu.memory_space<vmem>>, vector<16xi32>,
      %get3A_272 = vector.shape_cast %get3A_271 : vector<16xi32> to vector<16xi32>
      %sub3A_273 = vector.broadcast %mul3A_4 : i32 to vector<16xi32>
      %sub3A_274 = arith.subi %get3A_272, %sub3A_273 : vector<16xi32>
      %ge3A_275 = arith.constant 0 : i32
      %ge3A_276 = vector.broadcast %ge3A_275 : i32 to vector<16xi32>
      %ge3A_277 = arith.cmpi sge, %sub3A_274, %ge3A_276 : vector<16xi32>
      %lt3A_278 = arith.constant 5000 : i32
      %lt3A_279 = vector.broadcast %lt3A_278 : i32 to vector<16xi32>
      %lt3A_280 = arith.cmpi slt, %sub3A_274, %lt3A_279 : vector<16xi32>
      %and3A_281 = arith.andi %ge3A_277, %lt3A_280 : vector<16xi1>
      %add3A_282 = arith.constant 5000 : i32
      %add3A_283 = arith.addi %add3A_282, %arg1 : i32
      %broadcast_in_dim3A_284 = vector.broadcast %add3A_283 : i32 to vector<16xi32>
      %select_n3A_285 = arith.select %and3A_281, %sub3A_274, %broadcast_in_dim3A_284 : vector<16xi1>, vector<16xi32>
      %swap3A_286 = arith.constant 64 : index
      %swap3A_287 = tpu.vector_load %arg7[%swap3A_286] {strides = array<i32>} : memref<80xi32, #tpu.memory_space<vmem>>, vector<16xi32>,
      %swap3A_288 = vector.shape_cast %swap3A_287 : vector<16xi32> to vector<16xi32>
      %swap3A_289 = vector.shape_cast %select_n3A_285 : vector<16xi32> to vector<16xi32>
      tpu.vector_store %arg7[%swap3A_286], %swap3A_289 {strides = array<i32>} : memref<80xi32, #tpu.memory_space<vmem>>, vector<16xi32>,
      %mul3A_290 = arith.constant 80 : i32
      %mul3A_291 = arith.muli %add3A_175, %mul3A_290 : i32
      %add3A_292 = arith.addi %mul3A_0, %mul3A_291 : i32
      %dma_wait3A_293 = arith.constant 0 : i32
      %dma_wait3A_294 = tpu.memref_slice %arg2[%add3A_292, %dma_wait3A_293] : memref<153600x128xf32, #tpu.memory_space<hbm>> -> memref<80x128xf32, #tpu.memory_space<hbm>>
      %dma_wait3A_295 = arith.constant 0 : i32
      %dma_wait3A_296 = tpu.memref_slice %arg2[%add3A_292, %dma_wait3A_295] : memref<153600x128xf32, #tpu.memory_space<hbm>> -> memref<80x128xf32, #tpu.memory_space<hbm>>
      tpu.wait_dma2 semaphore(%arg15 : memref<!tpu.dma_semaphore, #tpu.memory_space<semaphore_mem>>) src(%dma_wait3A_296 : memref<80x128xf32, #tpu.memory_space<hbm>>) dst(%arg9 : memref<80x128xf32, #tpu.memory_space<vmem>>)
      "tpu.region"() ({
        %run_scoped3A = tpu.sem_alloc : memref<!tpu.dma_semaphore, #tpu.memory_space<semaphore_mem>>
        %dma_start3A_297 = arith.constant 0 : i32
        %dma_start3A_298 = arith.constant 0 : i32
        %dma_start3A_299 = tpu.memref_slice %arg12[%dma_start3A_297, %dma_start3A_298] : memref<5120x128xf32, #tpu.memory_space<vmem_shared>> -> memref<5120x128xf32, #tpu.memory_space<vmem_shared>>
        tpu.enqueue_indirect_dma source(%arg9 : memref<80x128xf32, #tpu.memory_space<vmem>>) target(%dma_start3A_299 : memref<5120x128xf32, #tpu.memory_space<vmem_shared>>) offsets(%arg7 : memref<80xi32, #tpu.memory_space<vmem>>) semaphore(%run_scoped3A : memref<!tpu.dma_semaphore, #tpu.memory_space<semaphore_mem>>) {add = true}
        %dma_wait3A_300 = arith.constant 0 : i32
        %dma_wait3A_301 = arith.constant 0 : i32
        %dma_wait3A_302 = tpu.memref_slice %arg12[%dma_wait3A_300, %dma_wait3A_301] : memref<5120x128xf32, #tpu.memory_space<vmem_shared>> -> memref<5120x128xf32, #tpu.memory_space<vmem_shared>>
        tpu.wait_indirect_dma semaphore(%run_scoped3A : memref<!tpu.dma_semaphore, #tpu.memory_space<semaphore_mem>>) src(%arg9 : memref<80x128xf32, #tpu.memory_space<vmem>>) dst(%dma_wait3A_302 : memref<5120x128xf32, #tpu.memory_space<vmem_shared>>)
        tpu.yield
      }) : () -> ()
      "tpu.region"() ({
        %run_scoped3A = tpu.sem_alloc : memref<!tpu.dma_semaphore, #tpu.memory_space<semaphore_mem>>
        %dma_start3A_297 = arith.constant 0 : i32
        %dma_start3A_298 = arith.constant 0 : i32
        %dma_start3A_299 = tpu.memref_slice %arg13[%dma_start3A_297, %dma_start3A_298] : memref<5120x128xf32, #tpu.memory_space<vmem_shared>> -> memref<5120x128xf32, #tpu.memory_space<vmem_shared>>
        tpu.enqueue_indirect_dma source(%arg10 : memref<80x128xf32, #tpu.memory_space<vmem>>) target(%dma_start3A_299 : memref<5120x128xf32, #tpu.memory_space<vmem_shared>>) offsets(%arg7 : memref<80xi32, #tpu.memory_space<vmem>>) semaphore(%run_scoped3A : memref<!tpu.dma_semaphore, #tpu.memory_space<semaphore_mem>>) {add = true}
        %dma_wait3A_300 = arith.constant 0 : i32
        %dma_wait3A_301 = arith.constant 0 : i32
        %dma_wait3A_302 = tpu.memref_slice %arg13[%dma_wait3A_300, %dma_wait3A_301] : memref<5120x128xf32, #tpu.memory_space<vmem_shared>> -> memref<5120x128xf32, #tpu.memory_space<vmem_shared>>
        tpu.wait_indirect_dma semaphore(%run_scoped3A : memref<!tpu.dma_semaphore, #tpu.memory_space<semaphore_mem>>) src(%arg10 : memref<80x128xf32, #tpu.memory_space<vmem>>) dst(%dma_wait3A_302 : memref<5120x128xf32, #tpu.memory_space<vmem_shared>>)
        tpu.yield
      }) : () -> ()
    }
    %scan3A_55 = arith.constant 60 : i32
    %barrier3A_56 = arith.constant 0 : index
    tpu.barrier barrier_id(%barrier3A_56)
    "tpu.region"() ({
      %run_scoped3A = tpu.sem_alloc : memref<!tpu.dma_semaphore, #tpu.memory_space<semaphore_mem>>
      %dma_start3A_57 = arith.constant 0 : i32
      %dma_start3A_58 = tpu.memref_slice %arg4[%arg0, %mul3A_2, %dma_start3A_57] : memref<2x5120x128xf32, #tpu.memory_space<hbm>> -> memref<1x320x128xf32, #tpu.memory_space<hbm>>
      %dma_start3A_59 = tpu.memref_squeeze %dma_start3A_58 : memref<1x320x128xf32, #tpu.memory_space<hbm>> -> memref<320x128xf32, #tpu.memory_space<hbm>>
      %dma_start3A_60 = arith.constant 0 : i32
      %dma_start3A_61 = tpu.memref_slice %arg12[%mul3A_2, %dma_start3A_60] : memref<5120x128xf32, #tpu.memory_space<vmem_shared>> -> memref<320x128xf32, #tpu.memory_space<vmem_shared>>
      tpu.enqueue_dma source(%dma_start3A_61 : memref<320x128xf32, #tpu.memory_space<vmem_shared>>) target(%dma_start3A_59 : memref<320x128xf32, #tpu.memory_space<hbm>>) target_semaphore(%run_scoped3A : memref<!tpu.dma_semaphore, #tpu.memory_space<semaphore_mem>>)
      %dma_wait3A = arith.constant 0 : i32
      %dma_wait3A_62 = tpu.memref_slice %arg4[%arg0, %mul3A_2, %dma_wait3A] : memref<2x5120x128xf32, #tpu.memory_space<hbm>> -> memref<1x320x128xf32, #tpu.memory_space<hbm>>
      %dma_wait3A_63 = tpu.memref_squeeze %dma_wait3A_62 : memref<1x320x128xf32, #tpu.memory_space<hbm>> -> memref<320x128xf32, #tpu.memory_space<hbm>>
      %dma_wait3A_64 = arith.constant 0 : i32
      %dma_wait3A_65 = tpu.memref_slice %arg12[%mul3A_2, %dma_wait3A_64] : memref<5120x128xf32, #tpu.memory_space<vmem_shared>> -> memref<320x128xf32, #tpu.memory_space<vmem_shared>>
      tpu.wait_dma2 semaphore(%run_scoped3A : memref<!tpu.dma_semaphore, #tpu.memory_space<semaphore_mem>>) src(%dma_wait3A_65 : memref<320x128xf32, #tpu.memory_space<vmem_shared>>) dst(%dma_wait3A_63 : memref<320x128xf32, #tpu.memory_space<hbm>>)
      tpu.yield
    }) : () -> ()
    "tpu.region"() ({
      %run_scoped3A = tpu.sem_alloc : memref<!tpu.dma_semaphore, #tpu.memory_space<semaphore_mem>>
      %dma_start3A_57 = arith.constant 0 : i32
      %dma_start3A_58 = tpu.memref_slice %arg5[%arg0, %mul3A_2, %dma_start3A_57] : memref<2x5120x128xf32, #tpu.memory_space<hbm>> -> memref<1x320x128xf32, #tpu.memory_space<hbm>>
      %dma_start3A_59 = tpu.memref_squeeze %dma_start3A_58 : memref<1x320x128xf32, #tpu.memory_space<hbm>> -> memref<320x128xf32, #tpu.memory_space<hbm>>
      %dma_start3A_60 = arith.constant 0 : i32
      %dma_start3A_61 = tpu.memref_slice %arg13[%mul3A_2, %dma_start3A_60] : memref<5120x128xf32, #tpu.memory_space<vmem_shared>> -> memref<320x128xf32, #tpu.memory_space<vmem_shared>>
      tpu.enqueue_dma source(%dma_start3A_61 : memref<320x128xf32, #tpu.memory_space<vmem_shared>>) target(%dma_start3A_59 : memref<320x128xf32, #tpu.memory_space<hbm>>) target_semaphore(%run_scoped3A : memref<!tpu.dma_semaphore, #tpu.memory_space<semaphore_mem>>)
      %dma_wait3A = arith.constant 0 : i32
      %dma_wait3A_62 = tpu.memref_slice %arg5[%arg0, %mul3A_2, %dma_wait3A] : memref<2x5120x128xf32, #tpu.memory_space<hbm>> -> memref<1x320x128xf32, #tpu.memory_space<hbm>>
      %dma_wait3A_63 = tpu.memref_squeeze %dma_wait3A_62 : memref<1x320x128xf32, #tpu.memory_space<hbm>> -> memref<320x128xf32, #tpu.memory_space<hbm>>
      %dma_wait3A_64 = arith.constant 0 : i32
      %dma_wait3A_65 = tpu.memref_slice %arg13[%mul3A_2, %dma_wait3A_64] : memref<5120x128xf32, #tpu.memory_space<vmem_shared>> -> memref<320x128xf32, #tpu.memory_space<vmem_shared>>
      tpu.wait_dma2 semaphore(%run_scoped3A : memref<!tpu.dma_semaphore, #tpu.memory_space<semaphore_mem>>) src(%dma_wait3A_65 : memref<320x128xf32, #tpu.memory_space<vmem_shared>>) dst(%dma_wait3A_63 : memref<320x128xf32, #tpu.memory_space<hbm>>)
      tpu.yield
    }) : () -> ()
    return
  }
}

module attributes {stable_mosaic.version = 14 : i64} {
  func.func @body(%arg0: i32, %arg1: memref<1600x128xf32, #tpu.memory_space<vmem>>, %arg2: memref<1600x128xf32, #tpu.memory_space<vmem>>, %arg3: memref<1600x16xf32, #tpu.memory_space<vmem>>, %arg4: memref<128x272xf32, #tpu.memory_space<vmem>>, %arg5: memref<1x128xf32, #tpu.memory_space<vmem>>, %arg6: memref<128x128xf32, #tpu.memory_space<vmem>>, %arg7: memref<1x128xf32, #tpu.memory_space<vmem>>, %arg8: memref<1600x128xf32, #tpu.memory_space<vmem>>) attributes {dimension_semantics = [#tpu.dimension_semantics<arbitrary>], iteration_bounds = array<i64: 104>, scalar_prefetch = 0 : i64, scratch_operands = 0 : i64, tpu.core_type = #tpu.core_type<tc>, window_params = [{transform_indices = @transform_0, window_bounds = array<i64: 1600, 128>}, {transform_indices = @transform_1, window_bounds = array<i64: 1600, 128>}, {transform_indices = @transform_2, window_bounds = array<i64: 1600, 16>}, {pipeline_mode = #tpu.pipeline_mode<synchronous>, transform_indices = @transform_3, window_bounds = array<i64: 128, 272>}, {pipeline_mode = #tpu.pipeline_mode<synchronous>, transform_indices = @transform_4, window_bounds = array<i64: 1, 128>}, {pipeline_mode = #tpu.pipeline_mode<synchronous>, transform_indices = @transform_5, window_bounds = array<i64: 128, 128>}, {pipeline_mode = #tpu.pipeline_mode<synchronous>, transform_indices = @transform_6, window_bounds = array<i64: 1, 128>}, {transform_indices = @transform_7, window_bounds = array<i64: 1600, 128>}]} {
    %get3A = arith.constant 0 : index
    %get3A_0 = arith.constant 0 : index
    %get3A_1 = vector.load %arg4[%get3A, %get3A_0] : memref<128x272xf32, #tpu.memory_space<vmem>>, vector<128x272xf32>
    %get3A_2 = arith.constant 0 : index
    %get3A_3 = arith.constant 0 : index
    %get3A_4 = vector.load %arg1[%get3A_2, %get3A_3] : memref<1600x128xf32, #tpu.memory_space<vmem>>, vector<1600x128xf32>
    %slice3A = vector.extract_strided_slice %get3A_1 {offsets = [0, 0], sizes = [128, 128], strides = [1, 1]} : vector<128x272xf32> to vector<128x128xf32>
    %dot_general3A = arith.constant dense<0.000000e+00> : vector<1600x128xf32>
    %dot_general3A_5 = tpu.matmul %get3A_4, %slice3A, %dot_general3A {dimension_numbers = #tpu.dot_dimension_numbers<[1], [1], [0], [0], [0, 0, 1, 0], [], []>, transpose_lhs_hint = false} : vector<1600x128xf32>, vector<128x128xf32>, vector<1600x128xf32> -> vector<1600x128xf32>
    %get3A_6 = arith.constant 0 : index
    %get3A_7 = arith.constant 0 : index
    %get3A_8 = vector.load %arg2[%get3A_6, %get3A_7] : memref<1600x128xf32, #tpu.memory_space<vmem>>, vector<1600x128xf32>
    %slice3A_9 = vector.extract_strided_slice %get3A_1 {offsets = [0, 128], sizes = [128, 128], strides = [1, 1]} : vector<128x272xf32> to vector<128x128xf32>
    %dot_general3A_10 = arith.constant dense<0.000000e+00> : vector<1600x128xf32>
    %dot_general3A_11 = tpu.matmul %get3A_8, %slice3A_9, %dot_general3A_10 {dimension_numbers = #tpu.dot_dimension_numbers<[1], [1], [0], [0], [0, 0, 1, 0], [], []>, transpose_lhs_hint = false} : vector<1600x128xf32>, vector<128x128xf32>, vector<1600x128xf32> -> vector<1600x128xf32>
    %add3A = arith.addf %dot_general3A_5, %dot_general3A_11 : vector<1600x128xf32>
    %get3A_12 = arith.constant 0 : index
    %get3A_13 = arith.constant 0 : index
    %get3A_14 = vector.load %arg3[%get3A_12, %get3A_13] : memref<1600x16xf32, #tpu.memory_space<vmem>>, vector<1600x16xf32>
    %slice3A_15 = vector.extract_strided_slice %get3A_1 {offsets = [0, 256], sizes = [128, 16], strides = [1, 1]} : vector<128x272xf32> to vector<128x16xf32>
    %dot_general3A_16 = arith.constant dense<0.000000e+00> : vector<1600x128xf32>
    %dot_general3A_17 = tpu.matmul %get3A_14, %slice3A_15, %dot_general3A_16 {dimension_numbers = #tpu.dot_dimension_numbers<[1], [1], [0], [0], [0, 0, 1, 0], [], []>, transpose_lhs_hint = false} : vector<1600x16xf32>, vector<128x16xf32>, vector<1600x128xf32> -> vector<1600x128xf32>
    %add3A_18 = arith.addf %add3A, %dot_general3A_17 : vector<1600x128xf32>
    %get3A_19 = arith.constant 0 : index
    %get3A_20 = arith.constant 0 : index
    %get3A_21 = vector.load %arg5[%get3A_19, %get3A_20] : memref<1x128xf32, #tpu.memory_space<vmem>>, vector<1x128xf32>
    %add3A_22 = vector.broadcast %get3A_21 : vector<1x128xf32> to vector<1600x128xf32>
    %add3A_23 = arith.addf %add3A_18, %add3A_22 : vector<1600x128xf32>
    %logistic3A = arith.negf %add3A_23 : vector<1600x128xf32>
    %logistic3A_24 = math.exp %logistic3A : vector<1600x128xf32>
    %logistic3A_25 = arith.constant 1.000000e+00 : f32
    %logistic3A_26 = vector.broadcast %logistic3A_25 : f32 to vector<1600x128xf32>
    %logistic3A_27 = arith.addf %logistic3A_26, %logistic3A_24 : vector<1600x128xf32>
    %logistic3A_28 = arith.divf %logistic3A_26, %logistic3A_27 : vector<1600x128xf32>
    %mul3A = arith.mulf %add3A_23, %logistic3A_28 : vector<1600x128xf32>
    %get3A_29 = arith.constant 0 : index
    %get3A_30 = arith.constant 0 : index
    %get3A_31 = vector.load %arg6[%get3A_29, %get3A_30] : memref<128x128xf32, #tpu.memory_space<vmem>>, vector<128x128xf32>
    %dot_general3A_32 = arith.constant dense<0.000000e+00> : vector<1600x128xf32>
    %dot_general3A_33 = tpu.matmul %mul3A, %get3A_31, %dot_general3A_32 {dimension_numbers = #tpu.dot_dimension_numbers<[1], [1], [0], [0], [0, 0, 1, 0], [], []>, transpose_lhs_hint = false} : vector<1600x128xf32>, vector<128x128xf32>, vector<1600x128xf32> -> vector<1600x128xf32>
    %get3A_34 = arith.constant 0 : index
    %get3A_35 = arith.constant 0 : index
    %get3A_36 = vector.load %arg7[%get3A_34, %get3A_35] : memref<1x128xf32, #tpu.memory_space<vmem>>, vector<1x128xf32>
    %add3A_37 = vector.broadcast %get3A_36 : vector<1x128xf32> to vector<1600x128xf32>
    %add3A_38 = arith.addf %dot_general3A_33, %add3A_37 : vector<1600x128xf32>
    %logistic3A_39 = arith.negf %add3A_38 : vector<1600x128xf32>
    %logistic3A_40 = math.exp %logistic3A_39 : vector<1600x128xf32>
    %logistic3A_41 = arith.constant 1.000000e+00 : f32
    %logistic3A_42 = vector.broadcast %logistic3A_41 : f32 to vector<1600x128xf32>
    %logistic3A_43 = arith.addf %logistic3A_42, %logistic3A_40 : vector<1600x128xf32>
    %logistic3A_44 = arith.divf %logistic3A_42, %logistic3A_43 : vector<1600x128xf32>
    %mul3A_45 = arith.mulf %add3A_38, %logistic3A_44 : vector<1600x128xf32>
    %swap3A = arith.constant 0 : index
    %swap3A_46 = arith.constant 0 : index
    %swap3A_47 = vector.load %arg8[%swap3A, %swap3A_46] : memref<1600x128xf32, #tpu.memory_space<vmem>>, vector<1600x128xf32>
    tpu.vector_store %arg8[%swap3A, %swap3A_46], %mul3A_45 {strides = array<i32>} : memref<1600x128xf32, #tpu.memory_space<vmem>>, vector<1600x128xf32>,
    return
  }
  func.func @transform_0(%arg0: i32) -> (i32, i32) {
    %c0_i32 = arith.constant 0 : i32
    %c0_i32_0 = arith.constant 0 : i32
    return %arg0, %c0_i32 : i32, i32
  }
  func.func @transform_1(%arg0: i32) -> (i32, i32) {
    %c0_i32 = arith.constant 0 : i32
    %c0_i32_0 = arith.constant 0 : i32
    return %arg0, %c0_i32 : i32, i32
  }
  func.func @transform_2(%arg0: i32) -> (i32, i32) {
    %add3A = arith.constant 0 : i32
    %add3A_0 = arith.addi %arg0, %add3A : i32
    %c0_i32 = arith.constant 0 : i32
    %c0_i32_1 = arith.constant 0 : i32
    return %add3A_0, %c0_i32 : i32, i32
  }
  func.func @transform_3(%arg0: i32) -> (i32, i32) {
    %c0_i32 = arith.constant 0 : i32
    %c0_i32_0 = arith.constant 0 : i32
    %c0_i32_1 = arith.constant 0 : i32
    return %c0_i32, %c0_i32_0 : i32, i32
  }
  func.func @transform_4(%arg0: i32) -> (i32, i32) {
    %c0_i32 = arith.constant 0 : i32
    %c0_i32_0 = arith.constant 0 : i32
    %c0_i32_1 = arith.constant 0 : i32
    return %c0_i32, %c0_i32_0 : i32, i32
  }
  func.func @transform_5(%arg0: i32) -> (i32, i32) {
    %c0_i32 = arith.constant 0 : i32
    %c0_i32_0 = arith.constant 0 : i32
    %c0_i32_1 = arith.constant 0 : i32
    return %c0_i32, %c0_i32_0 : i32, i32
  }
  func.func @transform_6(%arg0: i32) -> (i32, i32) {
    %c0_i32 = arith.constant 0 : i32
    %c0_i32_0 = arith.constant 0 : i32
    %c0_i32_1 = arith.constant 0 : i32
    return %c0_i32, %c0_i32_0 : i32, i32
  }
  func.func @transform_7(%arg0: i32) -> (i32, i32) {
    %c0_i32 = arith.constant 0 : i32
    %c0_i32_0 = arith.constant 0 : i32
    return %arg0, %c0_i32 : i32, i32
  }
}

module attributes {stable_mosaic.version = 14 : i64} {
  func.func @body(%arg0: i32, %arg1: memref<1600x128xf32, #tpu.memory_space<vmem>>, %arg2: memref<1600x128xf32, #tpu.memory_space<vmem>>, %arg3: memref<1600x16xf32, #tpu.memory_space<vmem>>, %arg4: memref<128x272xf32, #tpu.memory_space<vmem>>, %arg5: memref<1x128xf32, #tpu.memory_space<vmem>>, %arg6: memref<128x128xf32, #tpu.memory_space<vmem>>, %arg7: memref<1x128xf32, #tpu.memory_space<vmem>>, %arg8: memref<1600x128xf32, #tpu.memory_space<vmem>>) attributes {dimension_semantics = [#tpu.dimension_semantics<arbitrary>], iteration_bounds = array<i64: 96>, scalar_prefetch = 0 : i64, scratch_operands = 0 : i64, tpu.core_type = #tpu.core_type<tc>, window_params = [{transform_indices = @transform_0, window_bounds = array<i64: 1600, 128>}, {transform_indices = @transform_1, window_bounds = array<i64: 1600, 128>}, {transform_indices = @transform_2, window_bounds = array<i64: 1600, 16>}, {pipeline_mode = #tpu.pipeline_mode<synchronous>, transform_indices = @transform_3, window_bounds = array<i64: 128, 272>}, {pipeline_mode = #tpu.pipeline_mode<synchronous>, transform_indices = @transform_4, window_bounds = array<i64: 1, 128>}, {pipeline_mode = #tpu.pipeline_mode<synchronous>, transform_indices = @transform_5, window_bounds = array<i64: 128, 128>}, {pipeline_mode = #tpu.pipeline_mode<synchronous>, transform_indices = @transform_6, window_bounds = array<i64: 1, 128>}, {transform_indices = @transform_7, window_bounds = array<i64: 1600, 128>}]} {
    %get3A = arith.constant 0 : index
    %get3A_0 = arith.constant 0 : index
    %get3A_1 = vector.load %arg4[%get3A, %get3A_0] : memref<128x272xf32, #tpu.memory_space<vmem>>, vector<128x272xf32>
    %get3A_2 = arith.constant 0 : index
    %get3A_3 = arith.constant 0 : index
    %get3A_4 = vector.load %arg1[%get3A_2, %get3A_3] : memref<1600x128xf32, #tpu.memory_space<vmem>>, vector<1600x128xf32>
    %slice3A = vector.extract_strided_slice %get3A_1 {offsets = [0, 0], sizes = [128, 128], strides = [1, 1]} : vector<128x272xf32> to vector<128x128xf32>
    %dot_general3A = arith.constant dense<0.000000e+00> : vector<1600x128xf32>
    %dot_general3A_5 = tpu.matmul %get3A_4, %slice3A, %dot_general3A {dimension_numbers = #tpu.dot_dimension_numbers<[1], [1], [0], [0], [0, 0, 1, 0], [], []>, transpose_lhs_hint = false} : vector<1600x128xf32>, vector<128x128xf32>, vector<1600x128xf32> -> vector<1600x128xf32>
    %get3A_6 = arith.constant 0 : index
    %get3A_7 = arith.constant 0 : index
    %get3A_8 = vector.load %arg2[%get3A_6, %get3A_7] : memref<1600x128xf32, #tpu.memory_space<vmem>>, vector<1600x128xf32>
    %slice3A_9 = vector.extract_strided_slice %get3A_1 {offsets = [0, 128], sizes = [128, 128], strides = [1, 1]} : vector<128x272xf32> to vector<128x128xf32>
    %dot_general3A_10 = arith.constant dense<0.000000e+00> : vector<1600x128xf32>
    %dot_general3A_11 = tpu.matmul %get3A_8, %slice3A_9, %dot_general3A_10 {dimension_numbers = #tpu.dot_dimension_numbers<[1], [1], [0], [0], [0, 0, 1, 0], [], []>, transpose_lhs_hint = false} : vector<1600x128xf32>, vector<128x128xf32>, vector<1600x128xf32> -> vector<1600x128xf32>
    %add3A = arith.addf %dot_general3A_5, %dot_general3A_11 : vector<1600x128xf32>
    %get3A_12 = arith.constant 0 : index
    %get3A_13 = arith.constant 0 : index
    %get3A_14 = vector.load %arg3[%get3A_12, %get3A_13] : memref<1600x16xf32, #tpu.memory_space<vmem>>, vector<1600x16xf32>
    %slice3A_15 = vector.extract_strided_slice %get3A_1 {offsets = [0, 256], sizes = [128, 16], strides = [1, 1]} : vector<128x272xf32> to vector<128x16xf32>
    %dot_general3A_16 = arith.constant dense<0.000000e+00> : vector<1600x128xf32>
    %dot_general3A_17 = tpu.matmul %get3A_14, %slice3A_15, %dot_general3A_16 {dimension_numbers = #tpu.dot_dimension_numbers<[1], [1], [0], [0], [0, 0, 1, 0], [], []>, transpose_lhs_hint = false} : vector<1600x16xf32>, vector<128x16xf32>, vector<1600x128xf32> -> vector<1600x128xf32>
    %add3A_18 = arith.addf %add3A, %dot_general3A_17 : vector<1600x128xf32>
    %get3A_19 = arith.constant 0 : index
    %get3A_20 = arith.constant 0 : index
    %get3A_21 = vector.load %arg5[%get3A_19, %get3A_20] : memref<1x128xf32, #tpu.memory_space<vmem>>, vector<1x128xf32>
    %add3A_22 = vector.broadcast %get3A_21 : vector<1x128xf32> to vector<1600x128xf32>
    %add3A_23 = arith.addf %add3A_18, %add3A_22 : vector<1600x128xf32>
    %logistic3A = arith.negf %add3A_23 : vector<1600x128xf32>
    %logistic3A_24 = math.exp %logistic3A : vector<1600x128xf32>
    %logistic3A_25 = arith.constant 1.000000e+00 : f32
    %logistic3A_26 = vector.broadcast %logistic3A_25 : f32 to vector<1600x128xf32>
    %logistic3A_27 = arith.addf %logistic3A_26, %logistic3A_24 : vector<1600x128xf32>
    %logistic3A_28 = arith.divf %logistic3A_26, %logistic3A_27 : vector<1600x128xf32>
    %mul3A = arith.mulf %add3A_23, %logistic3A_28 : vector<1600x128xf32>
    %get3A_29 = arith.constant 0 : index
    %get3A_30 = arith.constant 0 : index
    %get3A_31 = vector.load %arg6[%get3A_29, %get3A_30] : memref<128x128xf32, #tpu.memory_space<vmem>>, vector<128x128xf32>
    %dot_general3A_32 = arith.constant dense<0.000000e+00> : vector<1600x128xf32>
    %dot_general3A_33 = tpu.matmul %mul3A, %get3A_31, %dot_general3A_32 {dimension_numbers = #tpu.dot_dimension_numbers<[1], [1], [0], [0], [0, 0, 1, 0], [], []>, transpose_lhs_hint = false} : vector<1600x128xf32>, vector<128x128xf32>, vector<1600x128xf32> -> vector<1600x128xf32>
    %get3A_34 = arith.constant 0 : index
    %get3A_35 = arith.constant 0 : index
    %get3A_36 = vector.load %arg7[%get3A_34, %get3A_35] : memref<1x128xf32, #tpu.memory_space<vmem>>, vector<1x128xf32>
    %add3A_37 = vector.broadcast %get3A_36 : vector<1x128xf32> to vector<1600x128xf32>
    %add3A_38 = arith.addf %dot_general3A_33, %add3A_37 : vector<1600x128xf32>
    %logistic3A_39 = arith.negf %add3A_38 : vector<1600x128xf32>
    %logistic3A_40 = math.exp %logistic3A_39 : vector<1600x128xf32>
    %logistic3A_41 = arith.constant 1.000000e+00 : f32
    %logistic3A_42 = vector.broadcast %logistic3A_41 : f32 to vector<1600x128xf32>
    %logistic3A_43 = arith.addf %logistic3A_42, %logistic3A_40 : vector<1600x128xf32>
    %logistic3A_44 = arith.divf %logistic3A_42, %logistic3A_43 : vector<1600x128xf32>
    %mul3A_45 = arith.mulf %add3A_38, %logistic3A_44 : vector<1600x128xf32>
    %swap3A = arith.constant 0 : index
    %swap3A_46 = arith.constant 0 : index
    %swap3A_47 = vector.load %arg8[%swap3A, %swap3A_46] : memref<1600x128xf32, #tpu.memory_space<vmem>>, vector<1600x128xf32>
    tpu.vector_store %arg8[%swap3A, %swap3A_46], %mul3A_45 {strides = array<i32>} : memref<1600x128xf32, #tpu.memory_space<vmem>>, vector<1600x128xf32>,
    return
  }
  func.func @transform_0(%arg0: i32) -> (i32, i32) {
    %c0_i32 = arith.constant 0 : i32
    %c0_i32_0 = arith.constant 0 : i32
    return %arg0, %c0_i32 : i32, i32
  }
  func.func @transform_1(%arg0: i32) -> (i32, i32) {
    %c0_i32 = arith.constant 0 : i32
    %c0_i32_0 = arith.constant 0 : i32
    return %arg0, %c0_i32 : i32, i32
  }
  func.func @transform_2(%arg0: i32) -> (i32, i32) {
    %add3A = arith.constant 104 : i32
    %add3A_0 = arith.addi %arg0, %add3A : i32
    %c0_i32 = arith.constant 0 : i32
    %c0_i32_1 = arith.constant 0 : i32
    return %add3A_0, %c0_i32 : i32, i32
  }
  func.func @transform_3(%arg0: i32) -> (i32, i32) {
    %c0_i32 = arith.constant 0 : i32
    %c0_i32_0 = arith.constant 0 : i32
    %c0_i32_1 = arith.constant 0 : i32
    return %c0_i32, %c0_i32_0 : i32, i32
  }
  func.func @transform_4(%arg0: i32) -> (i32, i32) {
    %c0_i32 = arith.constant 0 : i32
    %c0_i32_0 = arith.constant 0 : i32
    %c0_i32_1 = arith.constant 0 : i32
    return %c0_i32, %c0_i32_0 : i32, i32
  }
  func.func @transform_5(%arg0: i32) -> (i32, i32) {
    %c0_i32 = arith.constant 0 : i32
    %c0_i32_0 = arith.constant 0 : i32
    %c0_i32_1 = arith.constant 0 : i32
    return %c0_i32, %c0_i32_0 : i32, i32
  }
  func.func @transform_6(%arg0: i32) -> (i32, i32) {
    %c0_i32 = arith.constant 0 : i32
    %c0_i32_0 = arith.constant 0 : i32
    %c0_i32_1 = arith.constant 0 : i32
    return %c0_i32, %c0_i32_0 : i32, i32
  }
  func.func @transform_7(%arg0: i32) -> (i32, i32) {
    %c0_i32 = arith.constant 0 : i32
    %c0_i32_0 = arith.constant 0 : i32
    return %arg0, %c0_i32 : i32, i32
  }
}

module attributes {stable_mosaic.version = 14 : i64} {
  func.func @body(%arg0: memref<2x5120x128xf32, #tpu.memory_space<vmem>>, %arg1: memref<2x5120x128xf32, #tpu.memory_space<vmem>>, %arg2: memref<2x5120x128xf32, #tpu.memory_space<vmem>>, %arg3: memref<2x5120x128xf32, #tpu.memory_space<vmem>>, %arg4: memref<128x128xf32, #tpu.memory_space<vmem>>, %arg5: memref<1x128xf32, #tpu.memory_space<vmem>>, %arg6: memref<3x128xf32, #tpu.memory_space<vmem>>, %arg7: memref<3x1xf32, #tpu.memory_space<vmem>>, %arg8: memref<128x128xf32, #tpu.memory_space<vmem>>, %arg9: memref<1x128xf32, #tpu.memory_space<vmem>>, %arg10: memref<3x128xf32, #tpu.memory_space<vmem>>, %arg11: memref<3x1xf32, #tpu.memory_space<vmem>>, %arg12: memref<9x10000xf32, #tpu.memory_space<vmem>>) attributes {dimension_semantics = [], scalar_prefetch = 0 : i64, scratch_operands = 0 : i64, tpu.core_type = #tpu.core_type<tc>} {
    %get3A = arith.constant 0 : index
    %get3A_0 = arith.constant 0 : index
    %get3A_1 = arith.constant 0 : index
    %get3A_2 = vector.load %arg0[%get3A, %get3A_0, %get3A_1] : memref<2x5120x128xf32, #tpu.memory_space<vmem>>, vector<1x5000x128xf32>
    %get3A_3 = vector.shape_cast %get3A_2 : vector<1x5000x128xf32> to vector<5000x128xf32>
    %get3A_4 = arith.constant 0 : index
    %get3A_5 = arith.constant 0 : index
    %get3A_6 = arith.constant 0 : index
    %get3A_7 = vector.load %arg2[%get3A_4, %get3A_5, %get3A_6] : memref<2x5120x128xf32, #tpu.memory_space<vmem>>, vector<1x5000x128xf32>
    %get3A_8 = vector.shape_cast %get3A_7 : vector<1x5000x128xf32> to vector<5000x128xf32>
    %add3A = arith.addf %get3A_3, %get3A_8 : vector<5000x128xf32>
    %get3A_9 = arith.constant 1 : index
    %get3A_10 = arith.constant 0 : index
    %get3A_11 = arith.constant 0 : index
    %get3A_12 = vector.load %arg0[%get3A_9, %get3A_10, %get3A_11] : memref<2x5120x128xf32, #tpu.memory_space<vmem>>, vector<1x5000x128xf32>
    %get3A_13 = vector.shape_cast %get3A_12 : vector<1x5000x128xf32> to vector<5000x128xf32>
    %get3A_14 = arith.constant 1 : index
    %get3A_15 = arith.constant 0 : index
    %get3A_16 = arith.constant 0 : index
    %get3A_17 = vector.load %arg2[%get3A_14, %get3A_15, %get3A_16] : memref<2x5120x128xf32, #tpu.memory_space<vmem>>, vector<1x5000x128xf32>
    %get3A_18 = vector.shape_cast %get3A_17 : vector<1x5000x128xf32> to vector<5000x128xf32>
    %add3A_19 = arith.addf %get3A_13, %get3A_18 : vector<5000x128xf32>
    %concatenate3A = tpu.concatenate %add3A, %add3A_19 in 0 : vector<5000x128xf32>, vector<5000x128xf32> -> vector<10000x128xf32>
    %get3A_20 = arith.constant 0 : index
    %get3A_21 = arith.constant 0 : index
    %get3A_22 = arith.constant 0 : index
    %get3A_23 = vector.load %arg1[%get3A_20, %get3A_21, %get3A_22] : memref<2x5120x128xf32, #tpu.memory_space<vmem>>, vector<1x5000x1xf32>
    %get3A_24 = vector.shape_cast %get3A_23 : vector<1x5000x1xf32> to vector<5000x1xf32>
    %get3A_25 = arith.constant 0 : index
    %get3A_26 = arith.constant 0 : index
    %get3A_27 = arith.constant 0 : index
    %get3A_28 = vector.load %arg3[%get3A_25, %get3A_26, %get3A_27] : memref<2x5120x128xf32, #tpu.memory_space<vmem>>, vector<1x5000x1xf32>
    %get3A_29 = vector.shape_cast %get3A_28 : vector<1x5000x1xf32> to vector<5000x1xf32>
    %add3A_30 = arith.addf %get3A_24, %get3A_29 : vector<5000x1xf32>
    %get3A_31 = arith.constant 1 : index
    %get3A_32 = arith.constant 0 : index
    %get3A_33 = arith.constant 0 : index
    %get3A_34 = vector.load %arg1[%get3A_31, %get3A_32, %get3A_33] : memref<2x5120x128xf32, #tpu.memory_space<vmem>>, vector<1x5000x1xf32>
    %get3A_35 = vector.shape_cast %get3A_34 : vector<1x5000x1xf32> to vector<5000x1xf32>
    %get3A_36 = arith.constant 1 : index
    %get3A_37 = arith.constant 0 : index
    %get3A_38 = arith.constant 0 : index
    %get3A_39 = vector.load %arg3[%get3A_36, %get3A_37, %get3A_38] : memref<2x5120x128xf32, #tpu.memory_space<vmem>>, vector<1x5000x1xf32>
    %get3A_40 = vector.shape_cast %get3A_39 : vector<1x5000x1xf32> to vector<5000x1xf32>
    %add3A_41 = arith.addf %get3A_35, %get3A_40 : vector<5000x1xf32>
    %concatenate3A_42 = tpu.concatenate %add3A_30, %add3A_41 in 0 : vector<5000x1xf32>, vector<5000x1xf32> -> vector<10000x1xf32>
    %max3A = arith.constant 1.000000e+00 : f32
    %max3A_43 = vector.broadcast %max3A : f32 to vector<10000x1xf32>
    %max3A_44 = arith.maximumf %concatenate3A_42, %max3A_43 : vector<10000x1xf32>
    %div3A = vector.broadcast %max3A_44 : vector<10000x1xf32> to vector<10000x128xf32>
    %div3A_45 = arith.divf %concatenate3A, %div3A : vector<10000x128xf32>
    %get3A_46 = arith.constant 0 : index
    %get3A_47 = arith.constant 0 : index
    %get3A_48 = vector.load %arg4[%get3A_46, %get3A_47] : memref<128x128xf32, #tpu.memory_space<vmem>>, vector<128x128xf32>
    %dot_general3A = arith.constant dense<0.000000e+00> : vector<10000x128xf32>
    %dot_general3A_49 = tpu.matmul %div3A_45, %get3A_48, %dot_general3A {dimension_numbers = #tpu.dot_dimension_numbers<[1], [1], [0], [0], [0, 0, 1, 0], [], []>, transpose_lhs_hint = false} : vector<10000x128xf32>, vector<128x128xf32>, vector<10000x128xf32> -> vector<10000x128xf32>
    %get3A_50 = arith.constant 0 : index
    %get3A_51 = arith.constant 0 : index
    %get3A_52 = vector.load %arg5[%get3A_50, %get3A_51] : memref<1x128xf32, #tpu.memory_space<vmem>>, vector<1x128xf32>
    %add3A_53 = vector.broadcast %get3A_52 : vector<1x128xf32> to vector<10000x128xf32>
    %add3A_54 = arith.addf %dot_general3A_49, %add3A_53 : vector<10000x128xf32>
    %logistic3A = arith.negf %add3A_54 : vector<10000x128xf32>
    %logistic3A_55 = math.exp %logistic3A : vector<10000x128xf32>
    %logistic3A_56 = arith.constant 1.000000e+00 : f32
    %logistic3A_57 = vector.broadcast %logistic3A_56 : f32 to vector<10000x128xf32>
    %logistic3A_58 = arith.addf %logistic3A_57, %logistic3A_55 : vector<10000x128xf32>
    %logistic3A_59 = arith.divf %logistic3A_57, %logistic3A_58 : vector<10000x128xf32>
    %mul3A = arith.mulf %add3A_54, %logistic3A_59 : vector<10000x128xf32>
    %get3A_60 = arith.constant 0 : index
    %get3A_61 = arith.constant 0 : index
    %get3A_62 = vector.load %arg6[%get3A_60, %get3A_61] : memref<3x128xf32, #tpu.memory_space<vmem>>, vector<3x128xf32>
    %dot_general3A_63 = arith.constant dense<0.000000e+00> : vector<3x10000xf32>
    %dot_general3A_64 = tpu.matmul %get3A_62, %mul3A, %dot_general3A_63 {dimension_numbers = #tpu.dot_dimension_numbers<[1], [1], [0], [0], [0, 0, 1, 0], [], []>, transpose_lhs_hint = false} : vector<3x128xf32>, vector<10000x128xf32>, vector<3x10000xf32> -> vector<3x10000xf32>
    %get3A_65 = arith.constant 0 : index
    %get3A_66 = arith.constant 0 : index
    %get3A_67 = vector.load %arg7[%get3A_65, %get3A_66] : memref<3x1xf32, #tpu.memory_space<vmem>>, vector<3x1xf32>
    %add3A_68 = vector.broadcast %get3A_67 : vector<3x1xf32> to vector<3x10000xf32>
    %add3A_69 = arith.addf %dot_general3A_64, %add3A_68 : vector<3x10000xf32>
    %get3A_70 = arith.constant 0 : index
    %get3A_71 = arith.constant 0 : index
    %get3A_72 = vector.load %arg8[%get3A_70, %get3A_71] : memref<128x128xf32, #tpu.memory_space<vmem>>, vector<128x128xf32>
    %dot_general3A_73 = arith.constant dense<0.000000e+00> : vector<10000x128xf32>
    %dot_general3A_74 = tpu.matmul %div3A_45, %get3A_72, %dot_general3A_73 {dimension_numbers = #tpu.dot_dimension_numbers<[1], [1], [0], [0], [0, 0, 1, 0], [], []>, transpose_lhs_hint = false} : vector<10000x128xf32>, vector<128x128xf32>, vector<10000x128xf32> -> vector<10000x128xf32>
    %get3A_75 = arith.constant 0 : index
    %get3A_76 = arith.constant 0 : index
    %get3A_77 = vector.load %arg9[%get3A_75, %get3A_76] : memref<1x128xf32, #tpu.memory_space<vmem>>, vector<1x128xf32>
    %add3A_78 = vector.broadcast %get3A_77 : vector<1x128xf32> to vector<10000x128xf32>
    %add3A_79 = arith.addf %dot_general3A_74, %add3A_78 : vector<10000x128xf32>
    %logistic3A_80 = arith.negf %add3A_79 : vector<10000x128xf32>
    %logistic3A_81 = math.exp %logistic3A_80 : vector<10000x128xf32>
    %logistic3A_82 = arith.constant 1.000000e+00 : f32
    %logistic3A_83 = vector.broadcast %logistic3A_82 : f32 to vector<10000x128xf32>
    %logistic3A_84 = arith.addf %logistic3A_83, %logistic3A_81 : vector<10000x128xf32>
    %logistic3A_85 = arith.divf %logistic3A_83, %logistic3A_84 : vector<10000x128xf32>
    %mul3A_86 = arith.mulf %add3A_79, %logistic3A_85 : vector<10000x128xf32>
    %get3A_87 = arith.constant 0 : index
    %get3A_88 = arith.constant 0 : index
    %get3A_89 = vector.load %arg10[%get3A_87, %get3A_88] : memref<3x128xf32, #tpu.memory_space<vmem>>, vector<3x128xf32>
    %dot_general3A_90 = arith.constant dense<0.000000e+00> : vector<3x10000xf32>
    %dot_general3A_91 = tpu.matmul %get3A_89, %mul3A_86, %dot_general3A_90 {dimension_numbers = #tpu.dot_dimension_numbers<[1], [1], [0], [0], [0, 0, 1, 0], [], []>, transpose_lhs_hint = false} : vector<3x128xf32>, vector<10000x128xf32>, vector<3x10000xf32> -> vector<3x10000xf32>
    %get3A_92 = arith.constant 0 : index
    %get3A_93 = arith.constant 0 : index
    %get3A_94 = vector.load %arg11[%get3A_92, %get3A_93] : memref<3x1xf32, #tpu.memory_space<vmem>>, vector<3x1xf32>
    %add3A_95 = vector.broadcast %get3A_94 : vector<3x1xf32> to vector<3x10000xf32>
    %add3A_96 = arith.addf %dot_general3A_91, %add3A_95 : vector<3x10000xf32>
    %mul3A_97 = arith.mulf %add3A_69, %add3A_69 : vector<3x10000xf32>
    %reduce_sum3A = arith.constant dense<0.000000e+00> : vector<10000xf32>
    %reduce_sum3A_98 = vector.multi_reduction <add>, %mul3A_97, %reduce_sum3A [0] : vector<3x10000xf32> to vector<10000xf32>
    %broadcast_in_dim3A = vector.shape_cast %reduce_sum3A_98 : vector<10000xf32> to vector<1x10000xf32>
    %sqrt3A = math.sqrt %broadcast_in_dim3A : vector<1x10000xf32>
    %max3A_99 = arith.constant 9.99999996E-13 : f32
    %max3A_100 = vector.broadcast %max3A_99 : f32 to vector<1x10000xf32>
    %max3A_101 = arith.maximumf %sqrt3A, %max3A_100 : vector<1x10000xf32>
    %div3A_102 = vector.broadcast %max3A_101 : vector<1x10000xf32> to vector<3x10000xf32>
    %div3A_103 = arith.divf %add3A_69, %div3A_102 : vector<3x10000xf32>
    %mul3A_104 = arith.mulf %add3A_96, %div3A_103 : vector<3x10000xf32>
    %reduce_sum3A_105 = arith.constant dense<0.000000e+00> : vector<10000xf32>
    %reduce_sum3A_106 = vector.multi_reduction <add>, %mul3A_104, %reduce_sum3A_105 [0] : vector<3x10000xf32> to vector<10000xf32>
    %broadcast_in_dim3A_107 = vector.shape_cast %reduce_sum3A_106 : vector<10000xf32> to vector<1x10000xf32>
    %mul3A_108 = vector.broadcast %broadcast_in_dim3A_107 : vector<1x10000xf32> to vector<3x10000xf32>
    %mul3A_109 = arith.mulf %mul3A_108, %div3A_103 : vector<3x10000xf32>
    %sub3A = arith.subf %add3A_96, %mul3A_109 : vector<3x10000xf32>
    %mul3A_110 = arith.mulf %sub3A, %sub3A : vector<3x10000xf32>
    %reduce_sum3A_111 = arith.constant dense<0.000000e+00> : vector<10000xf32>
    %reduce_sum3A_112 = vector.multi_reduction <add>, %mul3A_110, %reduce_sum3A_111 [0] : vector<3x10000xf32> to vector<10000xf32>
    %broadcast_in_dim3A_113 = vector.shape_cast %reduce_sum3A_112 : vector<10000xf32> to vector<1x10000xf32>
    %sqrt3A_114 = math.sqrt %broadcast_in_dim3A_113 : vector<1x10000xf32>
    %max3A_115 = arith.constant 9.99999996E-13 : f32
    %max3A_116 = vector.broadcast %max3A_115 : f32 to vector<1x10000xf32>
    %max3A_117 = arith.maximumf %sqrt3A_114, %max3A_116 : vector<1x10000xf32>
    %div3A_118 = vector.broadcast %max3A_117 : vector<1x10000xf32> to vector<3x10000xf32>
    %div3A_119 = arith.divf %sub3A, %div3A_118 : vector<3x10000xf32>
    %slice3A = vector.extract_strided_slice %div3A_103 {offsets = [1, 0], sizes = [1, 10000], strides = [1, 1]} : vector<3x10000xf32> to vector<1x10000xf32>
    %slice3A_120 = vector.extract_strided_slice %div3A_119 {offsets = [2, 0], sizes = [1, 10000], strides = [1, 1]} : vector<3x10000xf32> to vector<1x10000xf32>
    %mul3A_121 = arith.mulf %slice3A, %slice3A_120 : vector<1x10000xf32>
    %slice3A_122 = vector.extract_strided_slice %div3A_103 {offsets = [2, 0], sizes = [1, 10000], strides = [1, 1]} : vector<3x10000xf32> to vector<1x10000xf32>
    %slice3A_123 = vector.extract_strided_slice %div3A_119 {offsets = [1, 0], sizes = [1, 10000], strides = [1, 1]} : vector<3x10000xf32> to vector<1x10000xf32>
    %mul3A_124 = arith.mulf %slice3A_122, %slice3A_123 : vector<1x10000xf32>
    %sub3A_125 = arith.subf %mul3A_121, %mul3A_124 : vector<1x10000xf32>
    %slice3A_126 = vector.extract_strided_slice %div3A_103 {offsets = [2, 0], sizes = [1, 10000], strides = [1, 1]} : vector<3x10000xf32> to vector<1x10000xf32>
    %slice3A_127 = vector.extract_strided_slice %div3A_119 {offsets = [0, 0], sizes = [1, 10000], strides = [1, 1]} : vector<3x10000xf32> to vector<1x10000xf32>
    %mul3A_128 = arith.mulf %slice3A_126, %slice3A_127 : vector<1x10000xf32>
    %slice3A_129 = vector.extract_strided_slice %div3A_103 {offsets = [0, 0], sizes = [1, 10000], strides = [1, 1]} : vector<3x10000xf32> to vector<1x10000xf32>
    %slice3A_130 = vector.extract_strided_slice %div3A_119 {offsets = [2, 0], sizes = [1, 10000], strides = [1, 1]} : vector<3x10000xf32> to vector<1x10000xf32>
    %mul3A_131 = arith.mulf %slice3A_129, %slice3A_130 : vector<1x10000xf32>
    %sub3A_132 = arith.subf %mul3A_128, %mul3A_131 : vector<1x10000xf32>
    %slice3A_133 = vector.extract_strided_slice %div3A_103 {offsets = [0, 0], sizes = [1, 10000], strides = [1, 1]} : vector<3x10000xf32> to vector<1x10000xf32>
    %slice3A_134 = vector.extract_strided_slice %div3A_119 {offsets = [1, 0], sizes = [1, 10000], strides = [1, 1]} : vector<3x10000xf32> to vector<1x10000xf32>
    %mul3A_135 = arith.mulf %slice3A_133, %slice3A_134 : vector<1x10000xf32>
    %slice3A_136 = vector.extract_strided_slice %div3A_103 {offsets = [1, 0], sizes = [1, 10000], strides = [1, 1]} : vector<3x10000xf32> to vector<1x10000xf32>
    %slice3A_137 = vector.extract_strided_slice %div3A_119 {offsets = [0, 0], sizes = [1, 10000], strides = [1, 1]} : vector<3x10000xf32> to vector<1x10000xf32>
    %mul3A_138 = arith.mulf %slice3A_136, %slice3A_137 : vector<1x10000xf32>
    %sub3A_139 = arith.subf %mul3A_135, %mul3A_138 : vector<1x10000xf32>
    %concatenate3A_140 = tpu.concatenate %sub3A_125, %sub3A_132, %sub3A_139 in 0 : vector<1x10000xf32>, vector<1x10000xf32>, vector<1x10000xf32> -> vector<3x10000xf32>
    %slice3A_141 = vector.extract_strided_slice %div3A_103 {offsets = [0, 0], sizes = [1, 10000], strides = [1, 1]} : vector<3x10000xf32> to vector<1x10000xf32>
    %slice3A_142 = vector.extract_strided_slice %div3A_119 {offsets = [0, 0], sizes = [1, 10000], strides = [1, 1]} : vector<3x10000xf32> to vector<1x10000xf32>
    %slice3A_143 = vector.extract_strided_slice %concatenate3A_140 {offsets = [0, 0], sizes = [1, 10000], strides = [1, 1]} : vector<3x10000xf32> to vector<1x10000xf32>
    %slice3A_144 = vector.extract_strided_slice %div3A_103 {offsets = [1, 0], sizes = [1, 10000], strides = [1, 1]} : vector<3x10000xf32> to vector<1x10000xf32>
    %slice3A_145 = vector.extract_strided_slice %div3A_119 {offsets = [1, 0], sizes = [1, 10000], strides = [1, 1]} : vector<3x10000xf32> to vector<1x10000xf32>
    %slice3A_146 = vector.extract_strided_slice %concatenate3A_140 {offsets = [1, 0], sizes = [1, 10000], strides = [1, 1]} : vector<3x10000xf32> to vector<1x10000xf32>
    %slice3A_147 = vector.extract_strided_slice %div3A_103 {offsets = [2, 0], sizes = [1, 10000], strides = [1, 1]} : vector<3x10000xf32> to vector<1x10000xf32>
    %slice3A_148 = vector.extract_strided_slice %div3A_119 {offsets = [2, 0], sizes = [1, 10000], strides = [1, 1]} : vector<3x10000xf32> to vector<1x10000xf32>
    %slice3A_149 = vector.extract_strided_slice %concatenate3A_140 {offsets = [2, 0], sizes = [1, 10000], strides = [1, 1]} : vector<3x10000xf32> to vector<1x10000xf32>
    %concatenate3A_150 = tpu.concatenate %slice3A_141, %slice3A_142, %slice3A_143, %slice3A_144, %slice3A_145, %slice3A_146, %slice3A_147, %slice3A_148, %slice3A_149 in 0 : vector<1x10000xf32>, vector<1x10000xf32>, vector<1x10000xf32>, vector<1x10000xf32>, vector<1x10000xf32>, vector<1x10000xf32>, vector<1x10000xf32>, vector<1x10000xf32>, vector<1x10000xf32> -> vector<9x10000xf32>
    %swap3A = arith.constant 0 : index
    %swap3A_151 = arith.constant 0 : index
    %swap3A_152 = vector.load %arg12[%swap3A, %swap3A_151] : memref<9x10000xf32, #tpu.memory_space<vmem>>, vector<9x10000xf32>
    tpu.vector_store %arg12[%swap3A, %swap3A_151], %concatenate3A_150 {strides = array<i32>} : memref<9x10000xf32, #tpu.memory_space<vmem>>, vector<9x10000xf32>,
    return
  }
}

</mosaic_0001>

<sc_bundles>
// kernel: kernel.12.cloned.1.call-start
scs
__scs_entry_jumppad:
0x0: {  	(pc) =	sbr.rel $0x88, $3  }
0x1: {  	(tag) =	ssettag $0x0;
	lr =	simm.s32 $0x1  }
0x2: {  	[smem:$0x3F92] =	sst lr;
	_ =	strace $0xD0000000  }
0x3: {  	_ = 	snop  }
0x4: {  	_ = 	snop  }
0x5: {  	_ = 	snop  }
0x6: {  	_ = 	snop  }
0x7: {  	_ = 	snop  }
__scs_overlays_trampoline_lowered:
0x8: {  	[smem:$0x3FA1] =	sst s0  }
0x9: {  	[smem:$0x3FA2] =	sst s1  }
0xa: {  	[smem:$0x3FA3] =	sst s2  }
0xb: {  	[smem:$0x3FA4] =	sst s3  }
0xc: {  	[smem:$0x3FA5] =	sst s4  }
0xd: {  	[smem:$0x3FA6] =	sst s5  }
0xe: {  	[smem:$0x3FA7] =	sst s6  }
0xf: {  	[smem:$0x3FA8] =	sst s7  }
0x10: {  	[smem:$0x3FA9] =	sst s8  }
0x11: {  	[smem:$0x3FAA] =	sst s9;
	s0 =	simm.s32 @!p0 $0x0  }
0x12: {  	s1 =	sld [smem:$0x3F90];
	s0 =	simm.s32 @p0 $0x1  }
0x13: {  	[smem:$0x3FAB] =	sst s0;
	s0 =	simm.s32 @!p1 $0x0  }
0x14: {  	s2 =	sld [smem:$0x3F8F];
	s0 =	simm.s32 @p1 $0x1  }
0x15: {  	[smem:$0x3FAC] =	sst s0;
	s0 =	simm.s32 @!p2 $0x0  }
0x16: {  	s3 =	sld [smem:$0x3FDB];
	s0 =	simm.s32 @p2 $0x1  }
0x17: {  	s4 =	simm.s32 $0x1BF5;
	[smem:$0x3FAE] =	sst s0  }
0x18: {  	s0 =	sld [smem:$0x3F91];
	_ =	swait.ge [sflag:s4], $0x0  }
0x19: {  	s7 =	sld [smem:$0x3F92]  }
0x1a: {  	s8 =	sadd.s32 $0xFFFFE003, lr  }
0x1b: {  	s9 =	sadd.s32 $0xFFFFFEF7, lr;
	s5 =	simm.s32 $0xFFFFFFFF;
	p2 =	slt.u32 s8, $0xFFFFF086  }
0x1c: {  	p1 =	slt.u32 s9, $0xF7A;
	s5 =	simm.s32 @!p2 $0x0  }
0x1d: {  	s5 =	simm.s32 @p1 $0x1;
	p0 =	seq.s32 s7, s2  }
0x1e: {  	s7 =	smul.u32 @!p0 $0xF7A, s2;
	p2 =	seq.s32 @!p0 s5, $0x0  }
0x1f: {  	s9 =	smul.u32 $0xF7A, s1;
	s8 =	simm.s32 @!p0 $0x1BF5;
	p2 =	por !p2, p0  }
0x20: {  	[sflag:s8] =	ssyncset.s32 @!p0 $0xFFFFF086;
	s6 =	sadd.s32 @!p0 s3, s7;
	s7 =	simm.s32 @!p0 $0x108  }
0x21: {  	s3 =	sadd.s32 s3, s9;
	s6 =	sadd.s32 @!p0 $0x88, s6;
	s7 =	simm.s32 @p2 $0x1082  }
0x22: {  	[simem:s7], [sflag:s8] =	dma.local @!p0 [hbm:s6], $0xF7A  }
0x23: {  	s9 =	sor.u32 $0xD0000000, s2;
	s6 =	simm.s32 $0x108;
	_ =	swait.ge @!p0 [sflag:s8], $0x0  }
0x24: {  	s3 =	sadd.s32 $0x88, s3;
	s6 =	simm.s32 @!p1 $0x1082;
	[sflag:s4] =	ssyncset.s32 $0xFFFFF086  }
0x25: {  	[simem:s6], [sflag:s4] =	dma.local [hbm:s3], $0xF7A  }
0x26: {  	[smem:$0x3F92] =	sst s1;
	(tag) =	ssettag s2;
	_ =	strace s9  }
0x27: {  	s1 =	sld [smem:$0x3FA2]  }
0x28: {  	s2 =	sld [smem:$0x3FA3]  }
0x29: {  	s4 =	sld [smem:$0x3FA5]  }
0x2a: {  	p0 =	seq.s32 s5, $0x0;
	s5 =	sld [smem:$0x3FA6]  }
0x2b: {  	s6 =	sld [smem:$0x3FA7]  }
0x2c: {  	s7 =	sld [smem:$0x3FA8]  }
0x2d: {  	s3 =	simm.s32 $0x108;
	s8 =	sld [smem:$0x3FA9]  }
0x2e: {  	s3 =	simm.s32 @!p0 $0x1082;
	s9 =	sld [smem:$0x3FAA]  }
0x2f: {  	lr =	sadd.s32 s0, s3;
	s0 =	sld [smem:$0x3FA1]  }
0x30: {  	s3 =	sld [smem:$0x3FA4]  }
0x31: {  	[smem:$0x3FAD] =	sst s10  }
0x32: {  	s10 =	sld [smem:$0x3FAB];
	_ =	sdelay $0x3  }
0x33: {  	p0 =	seq.s32 s10, $0x1;
	s10 =	sld [smem:$0x3FAD];
	_ =	sdelay $0x3  }
0x34: {  	[smem:$0x3FAD] =	sst s10  }
0x35: {  	s10 =	sld [smem:$0x3FAC];
	_ =	sdelay $0x3  }
0x36: {  	p1 =	seq.s32 s10, $0x1;
	s10 =	sld [smem:$0x3FAD];
	_ =	sdelay $0x3  }
0x37: {  	[smem:$0x3FAD] =	sst s10  }
0x38: {  	s10 =	sld [smem:$0x3FAE]  }
0x39: {  	_ = 	snop;
	(pc) =	sbr.ind lr, $3  }
0x3a: {  	_ = 	snop  }
0x3b: {  	_ = 	snop  }
0x3c: {  	p2 =	seq.s32 s10, $0x1;
	s10 =	sld [smem:$0x3FAD]  }
0x3d: {  	_ =	shalt  }
0x3e: {  	_ =	shalt  }
0x3f: {  	_ =	shalt  }
0x40: {  	_ =	shalt  }
0x41: {  	_ =	shalt  }
0x42: {  	_ =	shalt  }
0x43: {  	_ =	shalt  }
0x44: {  	_ =	shalt  }
0x45: {  	_ =	shalt  }
0x46: {  	_ =	shalt  }
0x47: {  	_ =	shalt  }
0x48: {  	_ =	shalt  }
0x49: {  	_ =	shalt  }
0x4a: {  	_ =	shalt  }
0x4b: {  	_ =	shalt  }
0x4c: {  	_ =	shalt  }
0x4d: {  	_ =	shalt  }
0x4e: {  	_ =	shalt  }
0x4f: {  	_ =	shalt  }
0x50: {  	_ =	shalt  }
0x51: {  	_ =	shalt  }
0x52: {  	_ =	shalt  }
0x53: {  	_ =	shalt  }
0x54: {  	_ =	shalt  }
0x55: {  	_ =	shalt  }
0x56: {  	_ =	shalt  }
0x57: {  	_ =	shalt  }
0x58: {  	_ =	shalt  }
0x59: {  	_ =	shalt  }
0x5a: {  	_ =	shalt  }
0x5b: {  	_ =	shalt  }
0x5c: {  	_ =	shalt  }
0x5d: {  	_ =	shalt  }
0x5e: {  	_ =	shalt  }
0x5f: {  	_ =	shalt  }
0x60: {  	_ =	shalt  }
0x61: {  	_ =	shalt  }
0x62: {  	_ =	shalt  }
0x63: {  	_ =	shalt  }
0x64: {  	_ =	shalt  }
0x65: {  	_ =	shalt  }
0x66: {  	_ =	shalt  }
0x67: {  	_ =	shalt  }
0x68: {  	_ =	shalt  }
0x69: {  	_ =	shalt  }
0x6a: {  	_ =	shalt  }
0x6b: {  	_ =	shalt  }
0x6c: {  	_ =	shalt  }
0x6d: {  	_ =	shalt  }
0x6e: {  	_ =	shalt  }
0x6f: {  	_ =	shalt  }
0x70: {  	_ =	shalt  }
0x71: {  	_ =	shalt  }
0x72: {  	_ =	shalt  }
0x73: {  	_ =	shalt  }
0x74: {  	_ =	shalt  }
0x75: {  	_ =	shalt  }
0x76: {  	_ =	shalt  }
0x77: {  	_ =	shalt  }
0x78: {  	_ =	shalt  }
0x79: {  	_ =	shalt  }
0x7a: {  	_ =	shalt  }
0x7b: {  	_ =	shalt  }
0x7c: {  	_ =	shalt  }
0x7d: {  	_ =	shalt  }
0x7e: {  	_ =	shalt  }
0x7f: {  	_ =	shalt  }
0x80: {  	_ =	shalt  }
0x81: {  	_ =	shalt  }
0x82: {  	_ =	shalt  }
0x83: {  	_ =	shalt  }
0x84: {  	_ =	shalt  }
0x85: {  	_ =	shalt  }
0x86: {  	_ =	shalt  }
0x87: {  	_ =	shalt  }
.Lfunc_end0:
.L_simem_size_0:
called_computation.1_lowered:
.L_overlay_start_0:
0x88: {  	s2 =	sld [smem:$0x3FD9]  }
0x89: {  	s3 =	sld [smem:$0x3FFE];
	_ =	sdelay $0x1  }
0x8a: {  	s1 =	srdreg.scid  }
0x8b: {  	s0 =	sand.u32 $0x1, s1  }
0x8c: {  	s17 =	sshll.u32 s0, $0xA;
	s2 =	sadd.s32 s3, s2  }
0x8d: {  	s2 =	sadd.s32 s2, s17  }
0x8e: {  	[smem:$0x3FB9] =	sst s2  }
0x8f: {  	_ = 	snop  }
0x90: {  	s18 =	sld [smem:$0x3FC9];
	(tm) =	ssettm $0x1  }
0x91: {  	s19 =	sld [smem:$0x3FFB];
	_ =	sdelay $0x3  }
0x92: {  	_ =	strace s19  }
0x93: {  	s2 =	sld [smem:$0x3FFC];
	_ =	sdelay $0x3  }
0x94: {  	_ =	strace s2  }
0x95: {  	s2 =	sld [smem:$0x3FFD];
	_ =	sdelay $0x3  }
0x96: {  	_ =	strace s2  }
0x97: {  	_ =	strace $0x8FFFFFFF  }
0x98: {  	s20 =	sld [smem:$0x3FDB];
	_ =	sdelay $0x1  }
0x99: {  	s4 =	simm.s32 $_scs_section_size  }
0x9a: {  	s5 =	simm.s32 $_size__tile_overlayer_lowered;
	s6 =	simm.s32 $_tile_overlayer_lowered  }
0x9b: {  	s7 =	simm.s32 $0x1BFF;
	s21 =	sshll.u32 s6, $0x1;
	s4 =	sadd.s32 s4, s20  }
0x9c: {  	s22 =	simm.s32 $0x0;
	s5 =	sshll.u32 s5, $0x1;
	s6 =	sadd.s32 s21, s4  }
0x9d: {  	[timem:s22], [sflag:s7] =	dma.local [hbm:s6], s5  }
0x9e: {  	_ =	swait.ge [sflag:s7], s5  }
0x9f: {  	s5 =	ssub.s32 $0x0, s5;
	[sflag:s7] =	ssyncset.done $0x0  }
0xa0: {  	[sflag:s7] =	ssyncadd.s32 s5;
	_ =	sdelay $0x1  }
0xa1: {  	s23 =	simm.s32 $0x1B8B  }
0xa2: {  	_ =	swait.ge [sflag:s23], $0x1  }
0xa3: {  	[sflag:s23] =	ssyncset.done $0x0  }
0xa4: {  	[sflag:s23] =	ssyncadd.s32 $0xFFFFFFFF  }
0xa5: {  	s5 =	sld [smem:$0x0]  }
0xa6: {  	s6 =	sand.u32 $0xFFFFFFFE, s1  }
0xa7: {  	p0 =	sne.s32 s1, s6  }
0xa8: {  	s6 =	sshll.u32 @p0 s6, $0xE  }
0xa9: {  	s6 =	sadd.s32 @p0 $0x11B8D, s6;
	s7 =	sshll.u32 @p0 s5, $0x11  }
0xaa: {  	s6 =	sor.u32 @p0 s7, s6  }
0xab: {  	[sflag:s6] =	ssyncadd.remote.s32 @p0 $0x1;
	_ =	sdelay $0x1  }
0xac: {  	s6 =	simm.s32 @p0 $0x1B8D  }
0xad: {  	_ =	swait.eq @p0 [sflag:s6], $0x1  }
0xae: {  	[sflag:s6] =	ssyncadd.s32 @p0 $0xFFFFFFFF  }
0xaf: {  	s7 =	sshll.u32 @!p0 s1, $0xE  }
0xb0: {  	s7 =	sor.u32 @!p0 $0x4000, s7;
	s6 =	simm.s32 @!p0 $0x1B8D  }
0xb1: {  	s5 =	sshll.u32 @!p0 s5, $0x11;
	s7 =	sadd.s32 @!p0 $0x11B8D, s7;
	_ =	swait.eq @!p0 [sflag:s6], $0x1  }
0xb2: {  	s5 =	sor.u32 @!p0 s5, s7;
	[sflag:s6] =	ssyncadd.s32 @!p0 $0xFFFFFFFF  }
0xb3: {  	s25 =	simm.s32 $0x1B8E;
	s24 =	sld [smem:$0x3FFE];
	[sflag:s5] =	ssyncadd.remote.s32 @!p0 $0x1  }
0xb4: {  	s26 =	simm.s32 $execute0_lowered;
	[smem:$0x3FD2] =	sst s25  }
0xb5: {  	s6 =	sshll.u32 s26, $0x1;
	_ =	strace $0x80000049;
	[dreg:$0x1] =	wrdreg $0xFFFFFFFF  }
0xb6: {  	s28 =	simm.s32 $_size_execute0_lowered;
	s4 =	sadd.s32 s4, s6;
	[dreg:$0x0] =	wrdreg $0x0  }
0xb7: {  	s6 =	sshll.u32 s28, $0x1;
	[dreg:$0x2] =	wrdreg s4  }
0xb8: {  	[dreg:$0x3] =	wrdreg s6  }
0xb9: {  	[dreg:$0x4] =	wrdreg $0xC0  }
0xba: {  	_ =	task [dreg:s22], $0x5FFFF  }
0xbb: {  	[dreg:$0x1] =	wrdreg $0xFFFFFFFF  }
0xbc: {  	[dreg:$0x0] =	wrdreg $0x60  }
0xbd: {  	[dreg:$0x2] =	wrdreg s18  }
0xbe: {  	[dreg:$0x3] =	wrdreg s24  }
0xbf: {  	[dreg:$0x4] =	wrdreg $0x9  }
0xc0: {  	_ =	task.clear_ibuf [dreg:s22], $0x5FFFF;
	_ =	strace $0x90000049  }
0xc1: {  	s29 =	simm.s32 $0x9;
	_ =	strace $0x8000004B  }
0xc2: {  	_ =	swait.ge [sflag:s29], $0x1  }
0xc3: {  	[sflag:s29] =	ssyncadd.s32 $0xFFFFFFFF  }
0xc4: {  	_ =	strace $0x9000004B  }
0xc5: {  	_ =	sfence  }
0xc6: {  	s30 =	sld [smem:$0x0];
	_ =	sdelay $0x2  }
0xc7: {  	s31 =	sshll.u32 s1, $0xD;
	s1 =	sshrl.u32 s1, $0x2  }
0xc8: {  	s4 =	sand.u32 $0x4000, s31;
	s1 =	sadd.s32 s1, s30  }
0xc9: {  	s0 =	sor.u32 s4, s0;
	s1 =	sshll.u32 s1, $0x11  }
0xca: {  	s0 =	sor.u32 s1, s0  }
0xcb: {  	s0 =	sadd.s32 $0x8F2B, s0  }
0xcc: {  	[sflag:s0] =	ssyncadd.remote.s32 $0x1  }
0xcd: {  	_ =	sfence.sel $0xFFFF  }
0xce: {  	[dreg:$0x0] =	wrdreg $0xFFFFFFFF;
	(pc) =	sbr.abs _section_cstart, $3  }
0xcf: {  	[dreg:$0x1] =	wrdreg $0xFFFFFFFF  }
0xd0: {  	_ =	task.clear_ibuf [dreg:s22], $0x2FFFF;
	_ =	strace $0x9FFFFFFF  }
0xd1: {  	(tm) =	ssettm $0x7FFFFFFF  }
tec
execute0_lowered:
.L_overlay_start_1:
0x0: {  	(tag) =	ssettag $0x1  }
0x1: {  	s2 =	rddreg [dreg:$0x0]  }
0x2: {  	s0 =	rddreg [dreg:$0x1]  }
0x3: {  	s1 =	srdreg.scid;
	s13 =	stileid.u32;
	s3 =	simm.s32 $0x0  }
0x4: {  	s14 =	simm.s32 $0x1300;
	s15 =	simm.s32 $0x50;
	s16 =	simm.s32 $0x2600  }
0x5: {  	s17 =	simm.s32 $0x4E00;
	s18 =	simm.s32 $0x7600;
	s20 =	simm.s32 $0x9E00  }
0x6: {  	s21 =	simm.s32 $0x1;
	s22 =	simm.s32 $0x2;
	s23 =	simm.s32 $0x5  }
0x7: {  	s28 =	simm.s32 $0x7;
	s29 =	simm.s32 $0x8;
	s1 =	sand.u32 $0x1, s1  }
0x8: {  	s4 =	sshll.u32 s13, $0x1;
	s10 =	sadd.s32 $0x52C800, s0;
	s13 =	smul.u32 $0x25800, s13  }
0x9: {  	s4 =	sor.u32 s1, s4;
	s6 =	ssub.s32 $0x2, s1;
	s1 =	smul.u32 $0x12C00, s1  }
0xa: {  	[smem:$0x7FF] =	sst s3;
	s12 =	sadd.s32 $0x784800, s0;
	s5 =	smul.u32 $0x12C0, s4  }
0xb: {  	s30 =	simm.s32 $0x0;
	_ =	strace $0x8000004A;
	s7 =	smul.u32 $0x12C00, s4  }
0xc: {  	s8 =	sshrl.u32 s6, $0x1;
	s9 =	smul.u32 $0x96000, s4;
	s5 =	sshrl.u32 s5, $0x3  }
0xd: {  	s26 =	sadd.s32 s13, s10;
	s31 =	sadd.s32 s13, s12;
	s0 =	sadd.s32 s0, s5  }
0xe: {  	s13 =	simm.s32 $0x9;
	s11 =	ssub.s32 s6, s8;
	s24 =	sadd.s32 $0x13B40, s0  }
0xf: {  	s6 =	sadd.s32 s10, s7;
	s0 =	sadd.s32 $0x9D40, s0;
	[dreg:$0x3] =	wrdreg s24  }
0x10: {  	s25 =	sshrl.u32 s9, $0x3;
	s7 =	sadd.s32 s12, s7;
	[dreg:$0x4] =	wrdreg s0  }
0x11: {  	s0 =	sadd.s32 $0x12700, s25;
	s24 =	simm.s32 $0x6;
	s25 =	simm.s32 $0x3  }
0x12: {  	s8 =	sadd.s32 s10, s0;
	s9 =	sadd.s32 s12, s0;
	s10 =	smax.u32 s11, $0x1  }
0x13: {  	s11 =	sadd.s32 s1, s26;
	s12 =	sadd.s32 s1, s31;
	s26 =	simm.s32 $0x4  }
.LBB2_1:
0x14: {  	s0 =	rddreg [dreg:$0x3]  }
0x15: {  	[tilespmem:s3], [sflag:$0x9] =	stream.linear.gather [hbm4b:s0+s3], $0x12C0, $0x38;
	[tilespmem:$0xC600] =	vst v63  }
0x16: {  	_ =	swait.ge [sflag:s13], $0x12C0  }
0x17: {  	[sflag:s13] =	ssyncset.done $0x0  }
0x18: {  	s5 =	rddreg [dreg:$0x4];
	[sflag:s13] =	ssyncadd.s32 $0xFFFFED40  }
0x19: {  	[tilespmem:s14], [sflag:$0x9] =	stream.linear.gather [hbm4b:s5+s3], $0x12C0, $0x38;
	[tilespmem:$0xC600] =	vst v63  }
0x1a: {  	_ =	swait.ge [sflag:s13], $0x12C0  }
0x1b: {  	[sflag:s13] =	ssyncset.done $0x0  }
0x1c: {  	[sflag:s13] =	ssyncadd.s32 $0xFFFFED40  }
0x1d: {  	[tilespmem:s16], [sflag:$0x1] =	stream.indirect.gather [hbm4b:s2+s15], $0x80, s3, s15, $0xb8;
	[tilespmem:$0xC600] =	vst v63  }
0x1e: {  	_ = 	snop  }
0x1f: {  	[tilespmem:s17], [sflag:$0x2] =	stream.indirect.gather [hbm4b:s2+s15], $0x80, s14, s15, $0xb8;
	[tilespmem:$0xC600] =	vst v63  }
0x20: {  	_ = 	snop  }
0x21: {  	[tilespmem:s18], [sflag:$0x3] =	stream.indirect.gather [hbm4b:s2+s15], $0x80, s15, s15, $0xb8;
	[tilespmem:$0xC600] =	vst v63  }
0x22: {  	s19 =	simm.s32 $0x1350  }
0x23: {  	[tilespmem:s20], [sflag:$0x4] =	stream.indirect.gather [hbm4b:s2+s15], $0x80, s19, s15, $0xb8;
	[tilespmem:$0xC600] =	vst v63  }
0x24: {  	_ =	swait.ge [sflag:s21], $0x2800  }
0x25: {  	[sflag:s21] =	ssyncset.done $0x0  }
0x26: {  	[sflag:s21] =	ssyncadd.s32 $0xFFFFD800  }
0x27: {  	_ =	swait.ge [sflag:s22], $0x2800  }
0x28: {  	[sflag:s22] =	ssyncset.done $0x0  }
0x29: {  	[sflag:s22] =	ssyncadd.s32 $0xFFFFD800  }
0x2a: {  	[hbm4b:s6+s3] =	stream.linear.scatter [tilespmem:s16], [sflag:$0x5], $0x2800, $0x38;
	[tilespmem:$0xC600] =	vst v63  }
0x2b: {  	_ = 	snop  }
0x2c: {  	[hbm4b:s7+s3] =	stream.linear.scatter [tilespmem:s17], [sflag:$0x6], $0x2800, $0x38;
	[tilespmem:$0xC600] =	vst v63  }
0x2d: {  	_ =	swait.ge [sflag:s23], $0x2800  }
0x2e: {  	[sflag:s23] =	ssyncset.done $0x0  }
0x2f: {  	[sflag:s23] =	ssyncadd.s32 $0xFFFFD800  }
0x30: {  	_ =	swait.ge [sflag:s24], $0x2800  }
0x31: {  	[sflag:s24] =	ssyncset.done $0x0  }
0x32: {  	s1 =	simm.s32 $0xA0;
	[sflag:s24] =	ssyncadd.s32 $0xFFFFD800  }
0x33: {  	[tilespmem:s16], [sflag:$0x1] =	stream.indirect.gather [hbm4b:s2+s15], $0x80, s1, s15, $0xb8;
	[tilespmem:$0xC600] =	vst v63  }
0x34: {  	s4 =	simm.s32 $0x13A0  }
0x35: {  	[tilespmem:s17], [sflag:$0x2] =	stream.indirect.gather [hbm4b:s2+s15], $0x80, s4, s15, $0xb8;
	[tilespmem:$0xC600] =	vst v63  }
0x36: {  	_ =	swait.ge [sflag:s25], $0x2800  }
0x37: {  	[sflag:s25] =	ssyncset.done $0x0  }
0x38: {  	[sflag:s25] =	ssyncadd.s32 $0xFFFFD800  }
0x39: {  	_ =	swait.ge [sflag:s26], $0x2800  }
0x3a: {  	s0 =	sadd.s32 $0x0, s11;
	[sflag:s26] =	ssyncset.done $0x0  }
0x3b: {  	s19 =	sadd.s32 $0x0, s12;
	s1 =	sadd.s32 $0x500, s0;
	[sflag:s26] =	ssyncadd.s32 $0xFFFFD800  }
0x3c: {  	[hbm4b:s1+s3] =	stream.linear.scatter [tilespmem:s18], [sflag:$0x7], $0x2800, $0x38;
	[tilespmem:$0xC600] =	vst v63  }
0x3d: {  	s5 =	sadd.s32 $0x500, s19  }
0x3e: {  	[hbm4b:s5+s3] =	stream.linear.scatter [tilespmem:s20], [sflag:$0x8], $0x2800, $0x38;
	[tilespmem:$0xC600] =	vst v63  }
0x3f: {  	_ =	swait.ge [sflag:s28], $0x2800  }
0x40: {  	[sflag:s28] =	ssyncset.done $0x0  }
0x41: {  	[sflag:s28] =	ssyncadd.s32 $0xFFFFD800  }
0x42: {  	_ =	swait.ge [sflag:s29], $0x2800  }
0x43: {  	[sflag:s29] =	ssyncset.done $0x0  }
0x44: {  	s4 =	simm.s32 $0xF0;
	[sflag:s29] =	ssyncadd.s32 $0xFFFFD800  }
0x45: {  	[tilespmem:s18], [sflag:$0x3] =	stream.indirect.gather [hbm4b:s2+s15], $0x80, s4, s15, $0xb8;
	[tilespmem:$0xC600] =	vst v63  }
0x46: {  	s5 =	simm.s32 $0x13F0  }
0x47: {  	[tilespmem:s20], [sflag:$0x4] =	stream.indirect.gather [hbm4b:s2+s15], $0x80, s5, s15, $0xb8;
	[tilespmem:$0xC600] =	vst v63  }
0x48: {  	_ =	swait.ge [sflag:s21], $0x2800  }
0x49: {  	[sflag:s21] =	ssyncset.done $0x0  }
0x4a: {  	[sflag:s21] =	ssyncadd.s32 $0xFFFFD800  }
0x4b: {  	_ =	swait.ge [sflag:s22], $0x2800  }
0x4c: {  	[sflag:s22] =	ssyncset.done $0x0  }
0x4d: {  	s31 =	simm.s32 $0xA00;
	s0 =	sadd.s32 $0xA00, s0;
	[sflag:s22] =	ssyncadd.s32 $0xFFFFD800  }
0x4e: {  	[hbm4b:s0+s3] =	stream.linear.scatter [tilespmem:s16], [sflag:$0x5], $0x2800, $0x38;
	[tilespmem:$0xC600] =	vst v63  }
0x4f: {  	s19 =	sadd.s32 $0xA00, s19;
	s1 =	simm.s32 $0x1490;
	s0 =	simm.s32 $0x190  }
.LBB2_2:
0x50: {  	[hbm4b:s19+s3] =	stream.linear.scatter [tilespmem:s17], [sflag:$0x6], $0x2800, $0x38;
	[tilespmem:$0xC600] =	vst v63  }
0x51: {  	s19 =	smov.u32 s31  }
0x52: {  	p0 =	sne.s32 s31, $0x11800;
	s31 =	sadd.s32 $0xA00, s31;
	_ =	swait.ge [sflag:s23], $0x2800  }
0x53: {  	[sflag:s23] =	ssyncset.done $0x0  }
0x54: {  	[sflag:s23] =	ssyncadd.s32 $0xFFFFD800  }
0x55: {  	_ =	swait.ge [sflag:s24], $0x2800  }
0x56: {  	[sflag:s24] =	ssyncset.done $0x0  }
0x57: {  	s4 =	sadd.s32 $0xFFFFFFB0, s0;
	[sflag:s24] =	ssyncadd.s32 $0xFFFFD800  }
0x58: {  	[tilespmem:s16], [sflag:$0x1] =	stream.indirect.gather [hbm4b:s2+s15], $0x80, s4, s15, $0xb8;
	[tilespmem:$0xC600] =	vst v63  }
0x59: {  	s4 =	sadd.s32 $0xFFFFFFB0, s1  }
0x5a: {  	[tilespmem:s17], [sflag:$0x2] =	stream.indirect.gather [hbm4b:s2+s15], $0x80, s4, s15, $0xb8;
	[tilespmem:$0xC600] =	vst v63  }
0x5b: {  	_ =	swait.ge [sflag:s25], $0x2800  }
0x5c: {  	[sflag:s25] =	ssyncset.done $0x0  }
0x5d: {  	[sflag:s25] =	ssyncadd.s32 $0xFFFFD800  }
0x5e: {  	_ =	swait.ge [sflag:s26], $0x2800  }
0x5f: {  	s4 =	sadd.s32 s19, s11;
	[sflag:s26] =	ssyncset.done $0x0  }
0x60: {  	s19 =	sadd.s32 s19, s12;
	s5 =	sadd.s32 $0x500, s4;
	[sflag:s26] =	ssyncadd.s32 $0xFFFFD800  }
0x61: {  	[hbm4b:s5+s3] =	stream.linear.scatter [tilespmem:s18], [sflag:$0x7], $0x2800, $0x38;
	[tilespmem:$0xC600] =	vst v63  }
0x62: {  	s5 =	sadd.s32 $0x500, s19  }
0x63: {  	[hbm4b:s5+s3] =	stream.linear.scatter [tilespmem:s20], [sflag:$0x8], $0x2800, $0x38;
	[tilespmem:$0xC600] =	vst v63  }
0x64: {  	_ =	swait.ge [sflag:s28], $0x2800  }
0x65: {  	[sflag:s28] =	ssyncset.done $0x0  }
0x66: {  	[sflag:s28] =	ssyncadd.s32 $0xFFFFD800  }
0x67: {  	_ =	swait.ge [sflag:s29], $0x2800  }
0x68: {  	[sflag:s29] =	ssyncset.done $0x0  }
0x69: {  	[sflag:s29] =	ssyncadd.s32 $0xFFFFD800  }
0x6a: {  	[tilespmem:s18], [sflag:$0x3] =	stream.indirect.gather [hbm4b:s2+s15], $0x80, s0, s15, $0xb8;
	[tilespmem:$0xC600] =	vst v63  }
0x6b: {  	_ = 	snop  }
0x6c: {  	[tilespmem:s20], [sflag:$0x4] =	stream.indirect.gather [hbm4b:s2+s15], $0x80, s1, s15, $0xb8;
	[tilespmem:$0xC600] =	vst v63  }
0x6d: {  	_ =	swait.ge [sflag:s21], $0x2800  }
0x6e: {  	[sflag:s21] =	ssyncset.done $0x0  }
0x6f: {  	[sflag:s21] =	ssyncadd.s32 $0xFFFFD800  }
.Ltmp0:
0x70: {  	_ =	swait.ge [sflag:s22], $0x2800;
	(pc) =	sbr.rel @p0 .LBB2_2-.Ltmp0, $4  }
0x71: {  	[sflag:s22] =	ssyncset.done $0x0  }
0x72: {  	s4 =	sadd.s32 $0xA00, s4;
	[sflag:s22] =	ssyncadd.s32 $0xFFFFD800  }
0x73: {  	[hbm4b:s4+s3] =	stream.linear.scatter [tilespmem:s16], [sflag:$0x5], $0x2800, $0x38;
	[tilespmem:$0xC600] =	vst v63  }
0x74: {  	s19 =	sadd.s32 $0xA00, s19;
	s0 =	sadd.s32 $0xA0, s0;
	s1 =	sadd.s32 $0xA0, s1  }
0x75: {  	[hbm4b:s19+s3] =	stream.linear.scatter [tilespmem:s17], [sflag:$0x6], $0x2800, $0x38;
	[tilespmem:$0xC600] =	vst v63  }
0x76: {  	_ =	swait.ge [sflag:s25], $0x2800  }
0x77: {  	[sflag:s25] =	ssyncset.done $0x0  }
0x78: {  	[sflag:s25] =	ssyncadd.s32 $0xFFFFD800  }
0x79: {  	_ =	swait.ge [sflag:s26], $0x2800  }
0x7a: {  	[sflag:s26] =	ssyncset.done $0x0  }
0x7b: {  	[sflag:s26] =	ssyncadd.s32 $0xFFFFD800  }
0x7c: {  	[hbm4b:s8+s3] =	stream.linear.scatter [tilespmem:s18], [sflag:$0x7], $0x2800, $0x38;
	[tilespmem:$0xC600] =	vst v63  }
0x7d: {  	_ = 	snop  }
0x7e: {  	[hbm4b:s9+s3] =	stream.linear.scatter [tilespmem:s20], [sflag:$0x8], $0x2800, $0x38;
	[tilespmem:$0xC600] =	vst v63  }
0x7f: {  	_ =	swait.ge [sflag:s23], $0x2800  }
0x80: {  	[sflag:s23] =	ssyncset.done $0x0  }
0x81: {  	[sflag:s23] =	ssyncadd.s32 $0xFFFFD800  }
0x82: {  	_ =	swait.ge [sflag:s24], $0x2800  }
0x83: {  	[sflag:s24] =	ssyncset.done $0x0  }
0x84: {  	s30 =	sadd.s32 $0x1, s30;
	[sflag:s24] =	ssyncadd.s32 $0xFFFFD800  }
0x85: {  	p0 =	sne.s32 s30, s10;
	_ =	swait.ge [sflag:s28], $0x2800  }
.Ltmp1:
0x86: {  	[sflag:s28] =	ssyncset.done $0x0;
	(pc) =	sbr.rel @p0 .LBB2_1-.Ltmp1, $4  }
0x87: {  	[sflag:s28] =	ssyncadd.s32 $0xFFFFD800  }
0x88: {  	_ =	swait.ge [sflag:s29], $0x2800  }
0x89: {  	[sflag:s29] =	ssyncset.done $0x0  }
0x8a: {  	[sflag:s29] =	ssyncadd.s32 $0xFFFFD800  }
0x8b: {  	_ =	sfence.sel $0x180000  }
0x8c: {  	[bflag:$0x0] =	sbarrier.arrive $0xFFFF  }
0x8d: {  	_ =	strace $0x9000004A  }
0x8e: {  	s0 =	stileid.u32;
	[bflag:$0x2] =	sbarrier.arrive $0xFFFF  }
0x8f: {  	p0 =	sne.s32 s0, $0x0;
	s0 =	rddreg [dreg:$0x2]  }
0x90: {  	s0 =	sadd.s32 @!p0 $0x100000, s0  }
0x91: {  	[sflag:s0] =	ssyncadd.tile.s32 @!p0 $0x1;
	_ =	shalt  }
.Lfunc_end2:
_tile_overlayer_lowered:
.L_overlay_start_2:
0x92: {  	(tag) =	ssettag $0x2  }
0x93: {  	s0 =	rddreg [dreg:$0x0];
	s2 =	stileid.u32  }
0x94: {  	s1 =	rddreg [dreg:$0x1];
	p0 =	sne.s32 s2, $0x0  }
0x95: {  	s3 =	rddreg [dreg:$0x2];
	[bflag:$0x3] =	sbarrier.arrive $0xFFFF;
	s2 =	simm.s32 @!p0 $0x1C09  }
0x96: {  	[timem:s3], [sflag:s2] =	dma.local @!p0 [hbm:s0], s1  }
0x97: {  	s0 =	simm.s32 @!p0 $0x9  }
0x98: {  	_ =	swait.ge @!p0 [sflag:s0], s1  }
0x99: {  	s1 =	ssub.s32 @!p0 $0x0, s1;
	[sflag:s0] =	ssyncset.done @!p0 $0x0  }
0x9a: {  	[sflag:s0] =	ssyncadd.s32 @!p0 s1  }
0x9b: {  	[bflag:$0x3] =	sbarrier.arrive $0xFFFF  }
0x9c: {  	_ =	shalt  }

// kernel: kernel.15.cloned.1.call-start
scs
__scs_entry_jumppad:
0x0: {  	(pc) =	sbr.rel $0x88, $3  }
0x1: {  	(tag) =	ssettag $0x0;
	lr =	simm.s32 $0x1  }
0x2: {  	[smem:$0x3F92] =	sst lr;
	_ =	strace $0xD0000000  }
0x3: {  	_ = 	snop  }
0x4: {  	_ = 	snop  }
0x5: {  	_ = 	snop  }
0x6: {  	_ = 	snop  }
0x7: {  	_ = 	snop  }
__scs_overlays_trampoline_lowered:
0x8: {  	[smem:$0x3FA1] =	sst s0  }
0x9: {  	[smem:$0x3FA2] =	sst s1  }
0xa: {  	[smem:$0x3FA3] =	sst s2  }
0xb: {  	[smem:$0x3FA4] =	sst s3  }
0xc: {  	[smem:$0x3FA5] =	sst s4  }
0xd: {  	[smem:$0x3FA6] =	sst s5  }
0xe: {  	[smem:$0x3FA7] =	sst s6  }
0xf: {  	[smem:$0x3FA8] =	sst s7  }
0x10: {  	[smem:$0x3FA9] =	sst s8  }
0x11: {  	[smem:$0x3FAA] =	sst s9;
	s0 =	simm.s32 @!p0 $0x0  }
0x12: {  	s1 =	sld [smem:$0x3F90];
	s0 =	simm.s32 @p0 $0x1  }
0x13: {  	[smem:$0x3FAB] =	sst s0;
	s0 =	simm.s32 @!p1 $0x0  }
0x14: {  	s2 =	sld [smem:$0x3F8F];
	s0 =	simm.s32 @p1 $0x1  }
0x15: {  	[smem:$0x3FAC] =	sst s0;
	s0 =	simm.s32 @!p2 $0x0  }
0x16: {  	s3 =	sld [smem:$0x3FDB];
	s0 =	simm.s32 @p2 $0x1  }
0x17: {  	s4 =	simm.s32 $0x1BF5;
	[smem:$0x3FAE] =	sst s0  }
0x18: {  	s0 =	sld [smem:$0x3F91];
	_ =	swait.ge [sflag:s4], $0x0  }
0x19: {  	s7 =	sld [smem:$0x3F92]  }
0x1a: {  	s8 =	sadd.s32 $0xFFFFE003, lr  }
0x1b: {  	s9 =	sadd.s32 $0xFFFFFEF7, lr;
	s5 =	simm.s32 $0xFFFFFFFF;
	p2 =	slt.u32 s8, $0xFFFFF086  }
0x1c: {  	p1 =	slt.u32 s9, $0xF7A;
	s5 =	simm.s32 @!p2 $0x0  }
0x1d: {  	s5 =	simm.s32 @p1 $0x1;
	p0 =	seq.s32 s7, s2  }
0x1e: {  	s7 =	smul.u32 @!p0 $0xF7A, s2;
	p2 =	seq.s32 @!p0 s5, $0x0  }
0x1f: {  	s9 =	smul.u32 $0xF7A, s1;
	s8 =	simm.s32 @!p0 $0x1BF5;
	p2 =	por !p2, p0  }
0x20: {  	[sflag:s8] =	ssyncset.s32 @!p0 $0xFFFFF086;
	s6 =	sadd.s32 @!p0 s3, s7;
	s7 =	simm.s32 @!p0 $0x108  }
0x21: {  	s3 =	sadd.s32 s3, s9;
	s6 =	sadd.s32 @!p0 $0x88, s6;
	s7 =	simm.s32 @p2 $0x1082  }
0x22: {  	[simem:s7], [sflag:s8] =	dma.local @!p0 [hbm:s6], $0xF7A  }
0x23: {  	s9 =	sor.u32 $0xD0000000, s2;
	s6 =	simm.s32 $0x108;
	_ =	swait.ge @!p0 [sflag:s8], $0x0  }
0x24: {  	s3 =	sadd.s32 $0x88, s3;
	s6 =	simm.s32 @!p1 $0x1082;
	[sflag:s4] =	ssyncset.s32 $0xFFFFF086  }
0x25: {  	[simem:s6], [sflag:s4] =	dma.local [hbm:s3], $0xF7A  }
0x26: {  	[smem:$0x3F92] =	sst s1;
	(tag) =	ssettag s2;
	_ =	strace s9  }
0x27: {  	s1 =	sld [smem:$0x3FA2]  }
0x28: {  	s2 =	sld [smem:$0x3FA3]  }
0x29: {  	s4 =	sld [smem:$0x3FA5]  }
0x2a: {  	p0 =	seq.s32 s5, $0x0;
	s5 =	sld [smem:$0x3FA6]  }
0x2b: {  	s6 =	sld [smem:$0x3FA7]  }
0x2c: {  	s7 =	sld [smem:$0x3FA8]  }
0x2d: {  	s3 =	simm.s32 $0x108;
	s8 =	sld [smem:$0x3FA9]  }
0x2e: {  	s3 =	simm.s32 @!p0 $0x1082;
	s9 =	sld [smem:$0x3FAA]  }
0x2f: {  	lr =	sadd.s32 s0, s3;
	s0 =	sld [smem:$0x3FA1]  }
0x30: {  	s3 =	sld [smem:$0x3FA4]  }
0x31: {  	[smem:$0x3FAD] =	sst s10  }
0x32: {  	s10 =	sld [smem:$0x3FAB];
	_ =	sdelay $0x3  }
0x33: {  	p0 =	seq.s32 s10, $0x1;
	s10 =	sld [smem:$0x3FAD];
	_ =	sdelay $0x3  }
0x34: {  	[smem:$0x3FAD] =	sst s10  }
0x35: {  	s10 =	sld [smem:$0x3FAC];
	_ =	sdelay $0x3  }
0x36: {  	p1 =	seq.s32 s10, $0x1;
	s10 =	sld [smem:$0x3FAD];
	_ =	sdelay $0x3  }
0x37: {  	[smem:$0x3FAD] =	sst s10  }
0x38: {  	s10 =	sld [smem:$0x3FAE]  }
0x39: {  	_ = 	snop;
	(pc) =	sbr.ind lr, $3  }
0x3a: {  	_ = 	snop  }
0x3b: {  	_ = 	snop  }
0x3c: {  	p2 =	seq.s32 s10, $0x1;
	s10 =	sld [smem:$0x3FAD]  }
0x3d: {  	_ =	shalt  }
0x3e: {  	_ =	shalt  }
0x3f: {  	_ =	shalt  }
0x40: {  	_ =	shalt  }
0x41: {  	_ =	shalt  }
0x42: {  	_ =	shalt  }
0x43: {  	_ =	shalt  }
0x44: {  	_ =	shalt  }
0x45: {  	_ =	shalt  }
0x46: {  	_ =	shalt  }
0x47: {  	_ =	shalt  }
0x48: {  	_ =	shalt  }
0x49: {  	_ =	shalt  }
0x4a: {  	_ =	shalt  }
0x4b: {  	_ =	shalt  }
0x4c: {  	_ =	shalt  }
0x4d: {  	_ =	shalt  }
0x4e: {  	_ =	shalt  }
0x4f: {  	_ =	shalt  }
0x50: {  	_ =	shalt  }
0x51: {  	_ =	shalt  }
0x52: {  	_ =	shalt  }
0x53: {  	_ =	shalt  }
0x54: {  	_ =	shalt  }
0x55: {  	_ =	shalt  }
0x56: {  	_ =	shalt  }
0x57: {  	_ =	shalt  }
0x58: {  	_ =	shalt  }
0x59: {  	_ =	shalt  }
0x5a: {  	_ =	shalt  }
0x5b: {  	_ =	shalt  }
0x5c: {  	_ =	shalt  }
0x5d: {  	_ =	shalt  }
0x5e: {  	_ =	shalt  }
0x5f: {  	_ =	shalt  }
0x60: {  	_ =	shalt  }
0x61: {  	_ =	shalt  }
0x62: {  	_ =	shalt  }
0x63: {  	_ =	shalt  }
0x64: {  	_ =	shalt  }
0x65: {  	_ =	shalt  }
0x66: {  	_ =	shalt  }
0x67: {  	_ =	shalt  }
0x68: {  	_ =	shalt  }
0x69: {  	_ =	shalt  }
0x6a: {  	_ =	shalt  }
0x6b: {  	_ =	shalt  }
0x6c: {  	_ =	shalt  }
0x6d: {  	_ =	shalt  }
0x6e: {  	_ =	shalt  }
0x6f: {  	_ =	shalt  }
0x70: {  	_ =	shalt  }
0x71: {  	_ =	shalt  }
0x72: {  	_ =	shalt  }
0x73: {  	_ =	shalt  }
0x74: {  	_ =	shalt  }
0x75: {  	_ =	shalt  }
0x76: {  	_ =	shalt  }
0x77: {  	_ =	shalt  }
0x78: {  	_ =	shalt  }
0x79: {  	_ =	shalt  }
0x7a: {  	_ =	shalt  }
0x7b: {  	_ =	shalt  }
0x7c: {  	_ =	shalt  }
0x7d: {  	_ =	shalt  }
0x7e: {  	_ =	shalt  }
0x7f: {  	_ =	shalt  }
0x80: {  	_ =	shalt  }
0x81: {  	_ =	shalt  }
0x82: {  	_ =	shalt  }
0x83: {  	_ =	shalt  }
0x84: {  	_ =	shalt  }
0x85: {  	_ =	shalt  }
0x86: {  	_ =	shalt  }
0x87: {  	_ =	shalt  }
.Lfunc_end0:
.L_simem_size_0:
called_computation.2_lowered:
.L_overlay_start_0:
0x88: {  	s2 =	sld [smem:$0x3FD9]  }
0x89: {  	s3 =	sld [smem:$0x3FFE];
	_ =	sdelay $0x1  }
0x8a: {  	s1 =	srdreg.scid  }
0x8b: {  	s0 =	sand.u32 $0x1, s1  }
0x8c: {  	s17 =	sshll.u32 s0, $0xA;
	s2 =	sadd.s32 s3, s2  }
0x8d: {  	s2 =	sadd.s32 s2, s17  }
0x8e: {  	[smem:$0x3FB9] =	sst s2  }
0x8f: {  	_ = 	snop  }
0x90: {  	(tm) =	ssettm $0x1  }
0x91: {  	s18 =	sld [smem:$0x3FFB];
	_ =	sdelay $0x3  }
0x92: {  	_ =	strace s18  }
0x93: {  	s2 =	sld [smem:$0x3FFC];
	_ =	sdelay $0x3  }
0x94: {  	_ =	strace s2  }
0x95: {  	s2 =	sld [smem:$0x3FFD];
	_ =	sdelay $0x3  }
0x96: {  	_ =	strace s2  }
0x97: {  	_ =	strace $0x8FFFFFFF  }
0x98: {  	s19 =	sld [smem:$0x3FDB];
	_ =	sdelay $0x1  }
0x99: {  	s20 =	simm.s32 $_scs_section_size  }
0x9a: {  	s4 =	simm.s32 $_size__tile_overlayer_lowered;
	s5 =	simm.s32 $_tile_overlayer_lowered  }
0x9b: {  	s6 =	simm.s32 $0x1BFF;
	s21 =	sshll.u32 s5, $0x1;
	s3 =	sadd.s32 s20, s19  }
0x9c: {  	s22 =	simm.s32 $0x0;
	s4 =	sshll.u32 s4, $0x1;
	s5 =	sadd.s32 s21, s3  }
0x9d: {  	[timem:s22], [sflag:s6] =	dma.local [hbm:s5], s4  }
0x9e: {  	_ =	swait.ge [sflag:s6], s4  }
0x9f: {  	s4 =	ssub.s32 $0x0, s4;
	[sflag:s6] =	ssyncset.done $0x0  }
0xa0: {  	[sflag:s6] =	ssyncadd.s32 s4;
	_ =	sdelay $0x1  }
0xa1: {  	s23 =	simm.s32 $0x1B8B  }
0xa2: {  	_ =	swait.ge [sflag:s23], $0x1  }
0xa3: {  	[sflag:s23] =	ssyncset.done $0x0  }
0xa4: {  	[sflag:s23] =	ssyncadd.s32 $0xFFFFFFFF  }
0xa5: {  	s4 =	sld [smem:$0x0]  }
0xa6: {  	s5 =	sand.u32 $0xFFFFFFFE, s1  }
0xa7: {  	p0 =	sne.s32 s1, s5  }
0xa8: {  	s5 =	sshll.u32 @p0 s5, $0xE  }
0xa9: {  	s5 =	sadd.s32 @p0 $0x11B8D, s5;
	s6 =	sshll.u32 @p0 s4, $0x11  }
0xaa: {  	s5 =	sor.u32 @p0 s6, s5  }
0xab: {  	[sflag:s5] =	ssyncadd.remote.s32 @p0 $0x1;
	_ =	sdelay $0x1  }
0xac: {  	s5 =	simm.s32 @p0 $0x1B8D  }
0xad: {  	_ =	swait.eq @p0 [sflag:s5], $0x1  }
0xae: {  	[sflag:s5] =	ssyncadd.s32 @p0 $0xFFFFFFFF  }
0xaf: {  	s6 =	sshll.u32 @!p0 s1, $0xE  }
0xb0: {  	s6 =	sor.u32 @!p0 $0x4000, s6;
	s5 =	simm.s32 @!p0 $0x1B8D  }
0xb1: {  	s4 =	sshll.u32 @!p0 s4, $0x11;
	s6 =	sadd.s32 @!p0 $0x11B8D, s6;
	_ =	swait.eq @!p0 [sflag:s5], $0x1  }
0xb2: {  	s4 =	sor.u32 @!p0 s4, s6;
	[sflag:s5] =	ssyncadd.s32 @!p0 $0xFFFFFFFF  }
0xb3: {  	s25 =	simm.s32 $0x1B8E;
	s24 =	sld [smem:$0x3FFE];
	[sflag:s4] =	ssyncadd.remote.s32 @!p0 $0x1  }
0xb4: {  	s26 =	simm.s32 $execute0_lowered;
	[smem:$0x3FD2] =	sst s25  }
0xb5: {  	s5 =	sshll.u32 s26, $0x1;
	_ =	strace $0x8000004C;
	[dreg:$0x1] =	wrdreg $0xFFFFFFFF  }
0xb6: {  	s28 =	simm.s32 $_size_execute0_lowered;
	s3 =	sadd.s32 s3, s5;
	[dreg:$0x0] =	wrdreg $0x0  }
0xb7: {  	s5 =	sshll.u32 s28, $0x1;
	[dreg:$0x2] =	wrdreg s3  }
0xb8: {  	[dreg:$0x3] =	wrdreg s5  }
0xb9: {  	[dreg:$0x4] =	wrdreg $0xC0  }
0xba: {  	_ =	task [dreg:s22], $0x5FFFF  }
0xbb: {  	[dreg:$0x1] =	wrdreg $0xFFFFFFFF  }
0xbc: {  	[dreg:$0x0] =	wrdreg $0x60  }
0xbd: {  	[dreg:$0x2] =	wrdreg s24  }
0xbe: {  	[dreg:$0x3] =	wrdreg $0x8D000  }
0xbf: {  	[dreg:$0x4] =	wrdreg $0x12D000  }
0xc0: {  	[dreg:$0x5] =	wrdreg $0xA  }
0xc1: {  	_ =	task.clear_ibuf [dreg:s22], $0x6FFFF;
	_ =	strace $0x9000004C  }
0xc2: {  	s29 =	simm.s32 $0xA;
	_ =	strace $0x8000004E  }
0xc3: {  	_ =	swait.ge [sflag:s29], $0x1  }
0xc4: {  	[sflag:s29] =	ssyncadd.s32 $0xFFFFFFFF  }
0xc5: {  	_ =	strace $0x9000004E  }
0xc6: {  	_ =	sfence  }
0xc7: {  	s30 =	sld [smem:$0x0];
	_ =	sdelay $0x2  }
0xc8: {  	s31 =	sshll.u32 s1, $0xD;
	s1 =	sshrl.u32 s1, $0x2  }
0xc9: {  	s4 =	sand.u32 $0x4000, s31;
	s1 =	sadd.s32 s1, s30  }
0xca: {  	s0 =	sor.u32 s4, s0;
	s1 =	sshll.u32 s1, $0x11  }
0xcb: {  	s0 =	sor.u32 s1, s0  }
0xcc: {  	s0 =	sadd.s32 $0x8F2B, s0  }
0xcd: {  	[sflag:s0] =	ssyncadd.remote.s32 $0x1  }
0xce: {  	_ =	sfence.sel $0xFFFF  }
0xcf: {  	[dreg:$0x0] =	wrdreg $0xFFFFFFFF;
	(pc) =	sbr.abs _section_cstart, $3  }
0xd0: {  	[dreg:$0x1] =	wrdreg $0xFFFFFFFF  }
0xd1: {  	_ =	task.clear_ibuf [dreg:s22], $0x2FFFF;
	_ =	strace $0x9FFFFFFF  }
0xd2: {  	(tm) =	ssettm $0x7FFFFFFF  }
0xd3: {  	_ =	shalt  }
tec
execute0_lowered:
.L_overlay_start_1:
0x0: {  	(tag) =	ssettag $0x1  }
0x1: {  	s0 =	rddreg [dreg:$0x0]  }
0x2: {  	s2 =	rddreg [dreg:$0x1];
	s13 =	stileid.u32  }
0x3: {  	s1 =	srdreg.scid;
	s3 =	rddreg [dreg:$0x2]  }
0x4: {  	s4 =	simm.s32 $0x0;
	s28 =	simm.s32 $0x7900;
	s7 =	smul.u32 $0xA000, s13  }
0x5: {  	s29 =	simm.s32 $0x3;
	s30 =	simm.s32 $0x100;
	s6 =	smul.u32 $0x28A00, s13  }
0x6: {  	s31 =	simm.s32 $0x2900;
	s1 =	sand.u32 $0x1, s1;
	s8 =	smul.u32 $0x514, s13  }
0x7: {  	[smem:$0x7FF] =	sst s4;
	s26 =	sadd.s32 $0x1388, s13;
	s5 =	smul.u32 $0xA0000, s1  }
0x8: {  	_ =	strace $0x8000004D;
	s15 =	ssub.s32 $0x2, s1;
	s1 =	smul.u32 $0x1388, s1  }
0x9: {  	s9 =	sadd.s32 s6, s0;
	s8 =	sadd.s32 s8, s0;
	s16 =	sshrl.u32 s15, $0x1  }
0xa: {  	s11 =	sor.u32 $0x1400, s7;
	s6 =	sadd.s32 s7, s3;
	s17 =	sadd.s32 $0x2800, s7  }
0xb: {  	s18 =	sadd.s32 $0x3C00, s7;
	s21 =	sadd.s32 $0x5000, s7;
	s22 =	sadd.s32 $0x6400, s7  }
0xc: {  	s25 =	sadd.s32 $0x7800, s7;
	s5 =	sadd.s32 s7, s5;
	s12 =	sadd.s32 s11, s2  }
0xd: {  	s10 =	ssub.s32 s15, s16;
	s11 =	sadd.s32 s11, s3;
	[dreg:$0x4] =	wrdreg s12  }
0xe: {  	s14 =	sadd.s32 s17, s2;
	s19 =	sadd.s32 s18, s2;
	[dreg:$0x5] =	wrdreg s11  }
0xf: {  	s20 =	sadd.s32 s18, s3;
	s23 =	sadd.s32 s21, s2;
	[dreg:$0x6] =	wrdreg s14  }
0x10: {  	s24 =	sadd.s32 s22, s2;
	s16 =	sadd.s32 s22, s3;
	[dreg:$0x8] =	wrdreg s19  }
0x11: {  	s18 =	sadd.s32 s25, s3;
	v0 =	vmov s1;
	s1 =	simm.s32 $0x1;
	[dreg:$0x9] =	wrdreg s20  }
0x12: {  	s5 =	sshrl.u32 s5, $0x3;
	s11 =	sadd.s32 s17, s3;
	[dreg:$0xa] =	wrdreg s23  }
0x13: {  	[dreg:$0xc] =	wrdreg s24;
	s17 =	sadd.s32 s25, s2;
	s24 =	sadd.s32 $0xEA00, s8  }
0x14: {  	s23 =	smax.u32 s10, $0x1;
	s25 =	sadd.s32 $0xEBE800, s9;
	s12 =	sadd.s32 $0xEBF200, s9  }
0x15: {  	s8 =	simm.s32 $0x5100;
	s9 =	simm.s32 $0x2;
	s10 =	simm.s32 $0x0  }
0x16: {  	s0 =	sadd.s32 s5, s0;
	[dreg:$0x7] =	wrdreg s11;
	s11 =	sadd.s32 s21, s3  }
0x17: {  	s5 =	sadd.s32 s7, s2;
	s7 =	sadd.s32 $0x8C00, s7;
	[dreg:$0xb] =	wrdreg s11  }
0x18: {  	s19 =	sadd.s32 s7, s2;
	s20 =	sadd.s32 s7, s3;
	s21 =	sadd.s32 $0x18800, s0  }
0x19: {  	v2 =	vimm.f32 $0.0e+00;
	v3 =	vimm.f32 $1.000000000e+00;
	v1 =	vmov s26;
	s22 =	sadd.s32 $0x40800, s0;
	s0 =	simm.s32 $0x50;
	s7 =	simm.s32 $0x80  }
.LBB2_1:
0x1a: {  	s11 =	simm.s32 $0x0;
	s13 =	simm.s32 $0x0  }
.LBB2_2:
0x1b: {  	p0 =	sne.s32 s13, $0x4FC0  }
.Ltmp0:
0x1c: {  	_ = 	snop;
	(pc) =	sbr.rel @p0 .LBB2_2-.Ltmp0, $4  }
0x1d: {  	s14 =	sand.u32 $0x7E00, s13  }
0x1e: {  	s26 =	sand.u32 $0x70, s11;
	s14 =	sshrl.u32 s14, $0x2  }
0x1f: {  	s14 =	sor.u32 s26, s14  }
0x20: {  	s11 =	sadd.s32 $0x10, s11;
	s13 =	sadd.s32 $0x40, s13;
	[tilespmem:s14+$0x7900] =	vst v2  }
0x21: {  	s11 =	simm.s32 $0x0  }
0x22: {  	s13 =	sand.u32 $0xFE00, s11  }
0x23: {  	s14 =	sand.u32 $0x70, s11;
	s26 =	sshrl.u32 s13, $0x2  }
0x24: {  	s13 =	simm.s32 $0x40;
	s14 =	sor.u32 s14, s26  }
.LBB2_4:
0x25: {  	p0 =	sne.s32 s13, $0x9FC0  }
0x26: {  	[tilespmem:s14+$0x5100] =	vst v3;
	s11 =	sadd.s32 $0x10, s11;
	s14 =	smov.u32 s13;
	s13 =	sadd.s32 $0x40, s13  }
.Ltmp1:
0x27: {  	(pc) =	sbr.rel @p0 .LBB2_4-.Ltmp1, $4  }
0x28: {  	_ = 	snop  }
0x29: {  	s14 =	sand.u32 $0xFE00, s14  }
0x2a: {  	s26 =	sand.u32 $0x70, s11;
	s14 =	sshrl.u32 s14, $0x2  }
0x2b: {  	s14 =	sor.u32 s26, s14  }
0x2c: {  	[tilespmem:s14+$0x5100] =	vst v3  }
0x2d: {  	[spmem:s5] =	stream.linear.scatter [tilespmem:s28], [sflag:$0x3], $0x1400, $0x38;
	[tilespmem:$0x1CD00] =	vst v63  }
0x2e: {  	_ =	swait.ge [sflag:s29], $0x1400  }
0x2f: {  	[sflag:s29] =	ssyncset.done $0x0  }
0x30: {  	[sflag:s29] =	ssyncadd.s32 $0xFFFFEC00  }
0x31: {  	[spmem:s6] =	stream.linear.scatter [tilespmem:s28], [sflag:$0x3], $0x1400, $0x38;
	[tilespmem:$0x1CD00] =	vst v63  }
0x32: {  	_ =	swait.ge [sflag:s29], $0x1400  }
0x33: {  	[sflag:s29] =	ssyncset.done $0x0  }
0x34: {  	s11 =	rddreg [dreg:$0x4];
	[sflag:s29] =	ssyncadd.s32 $0xFFFFEC00  }
0x35: {  	[spmem:s11] =	stream.linear.scatter [tilespmem:s28], [sflag:$0x3], $0x1400, $0x38;
	[tilespmem:$0x1CD00] =	vst v63  }
0x36: {  	_ =	swait.ge [sflag:s29], $0x1400  }
0x37: {  	[sflag:s29] =	ssyncset.done $0x0  }
0x38: {  	s14 =	rddreg [dreg:$0x5];
	[sflag:s29] =	ssyncadd.s32 $0xFFFFEC00  }
0x39: {  	[spmem:s14] =	stream.linear.scatter [tilespmem:s28], [sflag:$0x3], $0x1400, $0x38;
	[tilespmem:$0x1CD00] =	vst v63  }
0x3a: {  	_ =	swait.ge [sflag:s29], $0x1400  }
0x3b: {  	[sflag:s29] =	ssyncset.done $0x0  }
0x3c: {  	s15 =	rddreg [dreg:$0x6];
	[sflag:s29] =	ssyncadd.s32 $0xFFFFEC00  }
0x3d: {  	[spmem:s15] =	stream.linear.scatter [tilespmem:s28], [sflag:$0x3], $0x1400, $0x38;
	[tilespmem:$0x1CD00] =	vst v63  }
0x3e: {  	_ =	swait.ge [sflag:s29], $0x1400  }
0x3f: {  	[sflag:s29] =	ssyncset.done $0x0  }
0x40: {  	s26 =	rddreg [dreg:$0x7];
	[sflag:s29] =	ssyncadd.s32 $0xFFFFEC00  }
0x41: {  	[spmem:s26] =	stream.linear.scatter [tilespmem:s28], [sflag:$0x3], $0x1400, $0x38;
	[tilespmem:$0x1CD00] =	vst v63  }
0x42: {  	_ =	swait.ge [sflag:s29], $0x1400  }
0x43: {  	[sflag:s29] =	ssyncset.done $0x0  }
0x44: {  	s13 =	rddreg [dreg:$0x8];
	[sflag:s29] =	ssyncadd.s32 $0xFFFFEC00  }
0x45: {  	[spmem:s13] =	stream.linear.scatter [tilespmem:s28], [sflag:$0x3], $0x1400, $0x38;
	[tilespmem:$0x1CD00] =	vst v63  }
0x46: {  	_ =	swait.ge [sflag:s29], $0x1400  }
0x47: {  	[sflag:s29] =	ssyncset.done $0x0  }
0x48: {  	s14 =	rddreg [dreg:$0x9];
	[sflag:s29] =	ssyncadd.s32 $0xFFFFEC00  }
0x49: {  	[spmem:s14] =	stream.linear.scatter [tilespmem:s28], [sflag:$0x3], $0x1400, $0x38;
	[tilespmem:$0x1CD00] =	vst v63  }
0x4a: {  	_ =	swait.ge [sflag:s29], $0x1400  }
0x4b: {  	[sflag:s29] =	ssyncset.done $0x0  }
0x4c: {  	s15 =	rddreg [dreg:$0xa];
	[sflag:s29] =	ssyncadd.s32 $0xFFFFEC00  }
0x4d: {  	[spmem:s15] =	stream.linear.scatter [tilespmem:s28], [sflag:$0x3], $0x1400, $0x38;
	[tilespmem:$0x1CD00] =	vst v63  }
0x4e: {  	_ =	swait.ge [sflag:s29], $0x1400  }
0x4f: {  	[sflag:s29] =	ssyncset.done $0x0  }
0x50: {  	s26 =	rddreg [dreg:$0xb];
	[sflag:s29] =	ssyncadd.s32 $0xFFFFEC00  }
0x51: {  	[spmem:s26] =	stream.linear.scatter [tilespmem:s28], [sflag:$0x3], $0x1400, $0x38;
	[tilespmem:$0x1CD00] =	vst v63  }
0x52: {  	_ =	swait.ge [sflag:s29], $0x1400  }
0x53: {  	[sflag:s29] =	ssyncset.done $0x0  }
0x54: {  	s13 =	rddreg [dreg:$0xc];
	[sflag:s29] =	ssyncadd.s32 $0xFFFFEC00  }
0x55: {  	[spmem:s13] =	stream.linear.scatter [tilespmem:s28], [sflag:$0x3], $0x1400, $0x38;
	[tilespmem:$0x1CD00] =	vst v63  }
0x56: {  	_ =	swait.ge [sflag:s29], $0x1400  }
0x57: {  	[sflag:s29] =	ssyncset.done $0x0  }
0x58: {  	[sflag:s29] =	ssyncadd.s32 $0xFFFFEC00  }
0x59: {  	[spmem:s16] =	stream.linear.scatter [tilespmem:s28], [sflag:$0x3], $0x1400, $0x38;
	[tilespmem:$0x1CD00] =	vst v63  }
0x5a: {  	_ =	swait.ge [sflag:s29], $0x1400  }
0x5b: {  	[sflag:s29] =	ssyncset.done $0x0  }
0x5c: {  	[sflag:s29] =	ssyncadd.s32 $0xFFFFEC00  }
0x5d: {  	[spmem:s17] =	stream.linear.scatter [tilespmem:s28], [sflag:$0x3], $0x1400, $0x38;
	[tilespmem:$0x1CD00] =	vst v63  }
0x5e: {  	_ =	swait.ge [sflag:s29], $0x1400  }
0x5f: {  	[sflag:s29] =	ssyncset.done $0x0  }
0x60: {  	[sflag:s29] =	ssyncadd.s32 $0xFFFFEC00  }
0x61: {  	[spmem:s18] =	stream.linear.scatter [tilespmem:s28], [sflag:$0x3], $0x1400, $0x38;
	[tilespmem:$0x1CD00] =	vst v63  }
0x62: {  	_ =	swait.ge [sflag:s29], $0x1400  }
0x63: {  	[sflag:s29] =	ssyncset.done $0x0  }
0x64: {  	[sflag:s29] =	ssyncadd.s32 $0xFFFFEC00  }
0x65: {  	[spmem:s19] =	stream.linear.scatter [tilespmem:s28], [sflag:$0x3], $0x1400, $0x38;
	[tilespmem:$0x1CD00] =	vst v63  }
0x66: {  	_ =	swait.ge [sflag:s29], $0x1400  }
0x67: {  	[sflag:s29] =	ssyncset.done $0x0  }
0x68: {  	[sflag:s29] =	ssyncadd.s32 $0xFFFFEC00  }
0x69: {  	[spmem:s20] =	stream.linear.scatter [tilespmem:s28], [sflag:$0x3], $0x1400, $0x38;
	[tilespmem:$0x1CD00] =	vst v63  }
0x6a: {  	_ =	swait.ge [sflag:s29], $0x1400  }
0x6b: {  	[sflag:s29] =	ssyncset.done $0x0  }
0x6c: {  	s14 =	simm.s32 $0x0;
	[sflag:s29] =	ssyncadd.s32 $0xFFFFEC00  }
0x6d: {  	[tilespmem:s30], [sflag:$0x1] =	stream.linear.gather [hbm4b:s25+s14], $0x2800, $0x38;
	[tilespmem:$0x1CD00] =	vst v63  }
0x6e: {  	s15 =	sadd.s32 $0xFFFFFB00, s12;
	[bflag:$0x0] =	sbarrier.arrive $0xFFFF  }
0x6f: {  	[tilespmem:s31], [sflag:$0x2] =	stream.linear.gather [hbm4b:s15+s4], $0x2800, $0x38;
	[tilespmem:$0x1CD00] =	vst v63  }
0x70: {  	s26 =	sadd.s32 $0x0, s24  }
0x71: {  	[tilespmem:s4], [sflag:$0x3] =	stream.linear.gather [hbm4b:s26+s4], $0x50, $0x38;
	[tilespmem:$0x1CD00] =	vst v63  }
0x72: {  	_ =	swait.ge [sflag:s29], $0x50  }
0x73: {  	[sflag:s29] =	ssyncset.done $0x0  }
0x74: {  	[sflag:s29] =	ssyncadd.s32 $0xFFFFFFB0  }
0x75: {  	v4 =	vld [tilespmem:$0x30]  }
0x76: {  	v5 =	vld [tilespmem:$0x20]  }
0x77: {  	v7 =	vld [tilespmem:$0x10]  }
0x78: {  	v6 =	vld [tilespmem:$0x40]  }
0x79: {  	v8 =	vld [tilespmem:$0x0]  }
0x7a: {  	v4 =	vsub.s32 v4, v0  }
0x7b: {  	v5 =	vsub.s32 v5, v0;
	vm0 =	vlt.u32 v4, $0x1388  }
0x7c: {  	v7 =	vsub.s32 v7, v0;
	vm1 =	vlt.u32 v5, $0x1388;
	v4 =	vsel vm0, v4, v1  }
0x7d: {  	v6 =	vsub.s32 v6, v0;
	vm14 =	vlt.u32 v7, $0x1388;
	v5 =	vsel vm1, v5, v1;
	[tilespmem:$0xB0] =	vst v4  }
0x7e: {  	vm13 =	vlt.u32 v6, $0x1388;
	v63 =	vsel vm14, v7, v1;
	v4 =	vsub.s32 v8, v0;
	[tilespmem:$0xA0] =	vst v5  }
0x7f: {  	v5 =	vsel vm13, v6, v1;
	[tilespmem:$0x90] =	vst v63;
	vm15 =	vlt.u32 v4, $0x1388  }
0x80: {  	[tilespmem:$0xC0] =	vst v5;
	v4 =	vsel vm15, v4, v1  }
0x81: {  	[tilespmem:$0x80] =	vst v4  }
0x82: {  	_ =	swait.ge [sflag:s1], $0x2800  }
0x83: {  	[sflag:s1] =	ssyncset.done $0x0  }
0x84: {  	[sflag:s1] =	ssyncadd.s32 $0xFFFFD800  }
0x85: {  	[spmem:s2] =	stream.indirect.scatter.add.f32 [tilespmem:s30], [sflag:$0x3], $0x80, s7, s0, $0xb8;
	[tilespmem:$0x1CD00] =	vst v63  }
0x86: {  	_ =	swait.ge [sflag:s29], $0x2800  }
0x87: {  	[sflag:s29] =	ssyncset.done $0x0  }
0x88: {  	[sflag:s29] =	ssyncadd.s32 $0xFFFFD800  }
0x89: {  	[spmem:s3] =	stream.indirect.scatter.add.f32 [tilespmem:s8], [sflag:$0x3], $0x80, s7, s0, $0xb8;
	[tilespmem:$0x1CD00] =	vst v63  }
0x8a: {  	_ =	swait.ge [sflag:s29], $0x2800  }
0x8b: {  	p0 =	por $0x0, $0x0;
	[sflag:s29] =	ssyncset.done $0x0  }
0x8c: {  	s13 =	simm.s32 @!p0 $0x0;
	s14 =	simm.s32 @!p0 $0x100;
	[sflag:s29] =	ssyncadd.s32 $0xFFFFD800  }
0x8d: {  	[tilespmem:s14], [sflag:$0x1] =	stream.linear.gather @!p0 [hbm4b:s12+s13], $0x2800, $0x38;
	[tilespmem:$0x1CD00] =	vst v63  }
0x8e: {  	s11 =	sadd.s32 $0xA, s26  }
0x8f: {  	[tilespmem:s4], [sflag:$0x3] =	stream.linear.gather [hbm4b:s11+s4], $0x50, $0x38;
	[tilespmem:$0x1CD00] =	vst v63  }
0x90: {  	_ =	swait.ge [sflag:s29], $0x50  }
0x91: {  	[sflag:s29] =	ssyncset.done $0x0  }
0x92: {  	s26 =	smov.u32 s12;
	s11 =	simm.s32 $0x14;
	[sflag:s29] =	ssyncadd.s32 $0xFFFFFFB0  }
.LBB2_6:
0x93: {  	v4 =	vld [tilespmem:$0x40];
	s26 =	sadd.s32 $0xA00, s26;
	s13 =	smov.u32 s11;
	s11 =	sadd.s32 $0x14, s11  }
0x94: {  	p0 =	sne.s32 s11, $0x514;
	v5 =	vld [tilespmem:$0x30]  }
0x95: {  	v6 =	vld [tilespmem:$0x20]  }
0x96: {  	v7 =	vld [tilespmem:$0x10]  }
0x97: {  	v8 =	vld [tilespmem:$0x0]  }
0x98: {  	v4 =	vsub.s32 v4, v0  }
0x99: {  	v5 =	vsub.s32 v5, v0;
	vm0 =	vlt.u32 v4, $0x1388  }
0x9a: {  	v6 =	vsub.s32 v6, v0;
	vm1 =	vlt.u32 v5, $0x1388;
	v4 =	vsel vm0, v4, v1  }
0x9b: {  	v7 =	vsub.s32 v7, v0;
	vm0 =	vlt.u32 v6, $0x1388;
	v5 =	vsel vm1, v5, v1;
	[tilespmem:$0xC0] =	vst v4  }
0x9c: {  	v4 =	vsub.s32 v8, v0;
	vm1 =	vlt.u32 v7, $0x1388;
	v6 =	vsel vm0, v6, v1;
	[tilespmem:$0xB0] =	vst v5  }
0x9d: {  	vm0 =	vlt.u32 v4, $0x1388;
	v5 =	vsel vm1, v7, v1;
	[tilespmem:$0xA0] =	vst v6  }
0x9e: {  	v4 =	vsel vm0, v4, v1;
	[tilespmem:$0x90] =	vst v5  }
0x9f: {  	[tilespmem:$0x80] =	vst v4  }
0xa0: {  	_ =	swait.ge [sflag:s9], $0x2800  }
0xa1: {  	[sflag:s9] =	ssyncset.done $0x0  }
0xa2: {  	[sflag:s9] =	ssyncadd.s32 $0xFFFFD800  }
0xa3: {  	[spmem:s2] =	stream.indirect.scatter.add.f32 [tilespmem:s31], [sflag:$0x3], $0x80, s7, s0, $0xb8;
	[tilespmem:$0x1CD00] =	vst v63  }
0xa4: {  	_ =	swait.ge [sflag:s29], $0x2800  }
0xa5: {  	[sflag:s29] =	ssyncset.done $0x0  }
0xa6: {  	[sflag:s29] =	ssyncadd.s32 $0xFFFFD800  }
0xa7: {  	[spmem:s3] =	stream.indirect.scatter.add.f32 [tilespmem:s8], [sflag:$0x3], $0x80, s7, s0, $0xb8;
	[tilespmem:$0x1CD00] =	vst v63  }
0xa8: {  	_ =	swait.ge [sflag:s29], $0x2800  }
0xa9: {  	[sflag:s29] =	ssyncset.done $0x0  }
0xaa: {  	s14 =	sadd.s32 $0xFFFFFB00, s26;
	[sflag:s29] =	ssyncadd.s32 $0xFFFFD800  }
0xab: {  	[tilespmem:s31], [sflag:$0x2] =	stream.linear.gather [hbm4b:s14+s4], $0x2800, $0x38;
	[tilespmem:$0x1CD00] =	vst v63  }
0xac: {  	s14 =	sadd.s32 s13, s24  }
0xad: {  	[tilespmem:s4], [sflag:$0x3] =	stream.linear.gather [hbm4b:s14+s4], $0x50, $0x38;
	[tilespmem:$0x1CD00] =	vst v63  }
0xae: {  	_ =	swait.ge [sflag:s29], $0x50  }
0xaf: {  	[sflag:s29] =	ssyncset.done $0x0  }
0xb0: {  	[sflag:s29] =	ssyncadd.s32 $0xFFFFFFB0  }
0xb1: {  	v4 =	vld [tilespmem:$0x30]  }
0xb2: {  	v5 =	vld [tilespmem:$0x20]  }
0xb3: {  	v6 =	vld [tilespmem:$0x40]  }
0xb4: {  	v7 =	vld [tilespmem:$0x10]  }
0xb5: {  	v8 =	vld [tilespmem:$0x0]  }
0xb6: {  	v4 =	vsub.s32 v4, v0  }
0xb7: {  	v5 =	vsub.s32 v5, v0;
	vm0 =	vlt.u32 v4, $0x1388  }
0xb8: {  	vm1 =	vlt.u32 v5, $0x1388;
	v4 =	vsel vm0, v4, v1;
	v6 =	vsub.s32 v6, v0  }
0xb9: {  	v7 =	vsub.s32 v7, v0;
	v5 =	vsel vm1, v5, v1;
	[tilespmem:$0xB0] =	vst v4;
	vm0 =	vlt.u32 v6, $0x1388  }
0xba: {  	v4 =	vsub.s32 v8, v0;
	vm1 =	vlt.u32 v7, $0x1388;
	[tilespmem:$0xA0] =	vst v5;
	v5 =	vsel vm0, v6, v1  }
0xbb: {  	vm0 =	vlt.u32 v4, $0x1388;
	v6 =	vsel vm1, v7, v1;
	[tilespmem:$0xC0] =	vst v5  }
0xbc: {  	v4 =	vsel vm0, v4, v1;
	[tilespmem:$0x90] =	vst v6  }
0xbd: {  	[tilespmem:$0x80] =	vst v4  }
0xbe: {  	_ =	swait.ge [sflag:s1], $0x2800  }
0xbf: {  	[sflag:s1] =	ssyncset.done $0x0  }
0xc0: {  	[sflag:s1] =	ssyncadd.s32 $0xFFFFD800  }
0xc1: {  	[spmem:s2] =	stream.indirect.scatter.add.f32 [tilespmem:s30], [sflag:$0x3], $0x80, s7, s0, $0xb8;
	[tilespmem:$0x1CD00] =	vst v63  }
0xc2: {  	_ =	swait.ge [sflag:s29], $0x2800  }
0xc3: {  	[sflag:s29] =	ssyncset.done $0x0  }
0xc4: {  	[sflag:s29] =	ssyncadd.s32 $0xFFFFD800  }
0xc5: {  	[spmem:s3] =	stream.indirect.scatter.add.f32 [tilespmem:s8], [sflag:$0x3], $0x80, s7, s0, $0xb8;
	[tilespmem:$0x1CD00] =	vst v63  }
0xc6: {  	_ =	swait.ge [sflag:s29], $0x2800  }
0xc7: {  	p1 =	seq.s32 s13, $0x500;
	[sflag:s29] =	ssyncset.done $0x0  }
0xc8: {  	s15 =	simm.s32 @!p1 $0x100;
	s13 =	simm.s32 @!p1 $0x0;
	[sflag:s29] =	ssyncadd.s32 $0xFFFFD800  }
0xc9: {  	[tilespmem:s15], [sflag:$0x1] =	stream.linear.gather @!p1 [hbm4b:s26+s13], $0x2800, $0x38;
	[tilespmem:$0x1CD00] =	vst v63  }
.Ltmp2:
0xca: {  	s13 =	sadd.s32 $0xA, s14;
	(pc) =	sbr.rel @p0 .LBB2_6-.Ltmp2, $4  }
0xcb: {  	[tilespmem:s4], [sflag:$0x3] =	stream.linear.gather [hbm4b:s13+s4], $0x50, $0x38;
	[tilespmem:$0x1CD00] =	vst v63  }
0xcc: {  	_ =	swait.ge [sflag:s29], $0x50  }
0xcd: {  	[sflag:s29] =	ssyncset.done $0x0  }
0xce: {  	[sflag:s29] =	ssyncadd.s32 $0xFFFFFFB0  }
0xcf: {  	v4 =	vld [tilespmem:$0x40]  }
0xd0: {  	v5 =	vld [tilespmem:$0x30]  }
0xd1: {  	v6 =	vld [tilespmem:$0x20]  }
0xd2: {  	v7 =	vld [tilespmem:$0x10]  }
0xd3: {  	v8 =	vld [tilespmem:$0x0]  }
0xd4: {  	v4 =	vsub.s32 v4, v0  }
0xd5: {  	v5 =	vsub.s32 v5, v0;
	vm0 =	vlt.u32 v4, $0x1388  }
0xd6: {  	v6 =	vsub.s32 v6, v0;
	vm1 =	vlt.u32 v5, $0x1388;
	v4 =	vsel vm0, v4, v1  }
0xd7: {  	v7 =	vsub.s32 v7, v0;
	vm13 =	vlt.u32 v6, $0x1388;
	v5 =	vsel vm1, v5, v1;
	[tilespmem:$0xC0] =	vst v4  }
0xd8: {  	vm14 =	vlt.u32 v7, $0x1388;
	v6 =	vsel vm13, v6, v1;
	v4 =	vsub.s32 v8, v0;
	[tilespmem:$0xB0] =	vst v5  }
0xd9: {  	v5 =	vsel vm14, v7, v1;
	[tilespmem:$0xA0] =	vst v6;
	vm15 =	vlt.u32 v4, $0x1388  }
0xda: {  	[tilespmem:$0x90] =	vst v5;
	v4 =	vsel vm15, v4, v1  }
0xdb: {  	[tilespmem:$0x80] =	vst v4  }
0xdc: {  	_ =	swait.ge [sflag:s9], $0x2800  }
0xdd: {  	[sflag:s9] =	ssyncset.done $0x0  }
0xde: {  	[sflag:s9] =	ssyncadd.s32 $0xFFFFD800  }
0xdf: {  	[spmem:s2] =	stream.indirect.scatter.add.f32 [tilespmem:s31], [sflag:$0x3], $0x80, s7, s0, $0xb8;
	[tilespmem:$0x1CD00] =	vst v63  }
0xe0: {  	_ =	swait.ge [sflag:s29], $0x2800  }
0xe1: {  	[sflag:s29] =	ssyncset.done $0x0  }
0xe2: {  	[sflag:s29] =	ssyncadd.s32 $0xFFFFD800  }
0xe3: {  	[spmem:s3] =	stream.indirect.scatter.add.f32 [tilespmem:s8], [sflag:$0x3], $0x80, s7, s0, $0xb8;
	[tilespmem:$0x1CD00] =	vst v63  }
0xe4: {  	_ =	swait.ge [sflag:s29], $0x2800  }
0xe5: {  	s11 =	stileid.u32;
	[sflag:s29] =	ssyncset.done $0x0  }
0xe6: {  	s11 =	sshll.u32 s11, $0x6;
	[sflag:s29] =	ssyncadd.s32 $0xFFFFD800  }
0xe7: {  	s13 =	sshrl.u32 s5, $0x3;
	s11 =	sor.u32 $0x1C03, s11;
	[bflag:$0x0] =	sbarrier.arrive $0xFFFF  }
0xe8: {  	[hbm:s21], [sflag:s11] =	dma.local [spmem:s13], $0x1400  }
0xe9: {  	s10 =	sadd.s32 $0x1, s10;
	_ =	swait.ge [sflag:s29], $0x1400  }
0xea: {  	p0 =	sne.s32 s10, s23;
	[sflag:s29] =	ssyncset.done $0x0  }
.Ltmp3:
0xeb: {  	s26 =	sshrl.u32 s6, $0x3;
	[sflag:s29] =	ssyncadd.s32 $0xFFFFEC00;
	(pc) =	sbr.rel @p0 .LBB2_1-.Ltmp3, $4  }
0xec: {  	[hbm:s22], [sflag:s11] =	dma.local [spmem:s26], $0x1400  }
0xed: {  	_ =	swait.ge [sflag:s29], $0x1400  }
0xee: {  	[sflag:s29] =	ssyncset.done $0x0  }
0xef: {  	[sflag:s29] =	ssyncadd.s32 $0xFFFFEC00  }
0xf0: {  	_ =	sfence.sel $0x180000  }
0xf1: {  	[bflag:$0x0] =	sbarrier.arrive $0xFFFF  }
0xf2: {  	_ =	strace $0x9000004D  }
0xf3: {  	s0 =	stileid.u32;
	[bflag:$0x2] =	sbarrier.arrive $0xFFFF  }
0xf4: {  	p0 =	sne.s32 s0, $0x0;
	s0 =	rddreg [dreg:$0x3]  }
0xf5: {  	s0 =	sadd.s32 @!p0 $0x100000, s0  }
0xf6: {  	[sflag:s0] =	ssyncadd.tile.s32 @!p0 $0x1;
	_ =	shalt  }
.Lfunc_end2:
_tile_overlayer_lowered:
.L_overlay_start_2:
0xf7: {  	(tag) =	ssettag $0x2  }
0xf8: {  	s0 =	rddreg [dreg:$0x0];
	s2 =	stileid.u32  }
0xf9: {  	s1 =	rddreg [dreg:$0x1];
	p0 =	sne.s32 s2, $0x0  }
0xfa: {  	s3 =	rddreg [dreg:$0x2];
	[bflag:$0x3] =	sbarrier.arrive $0xFFFF;
	s2 =	simm.s32 @!p0 $0x1C03  }
0xfb: {  	[timem:s3], [sflag:s2] =	dma.local @!p0 [hbm:s0], s1  }
0xfc: {  	s0 =	simm.s32 @!p0 $0x3  }
0xfd: {  	_ =	swait.ge @!p0 [sflag:s0], s1  }
0xfe: {  	s1 =	ssub.s32 @!p0 $0x0, s1;
	[sflag:s0] =	ssyncset.done @!p0 $0x0  }
0xff: {  	[sflag:s0] =	ssyncadd.s32 @!p0 s1  }
0x100: {  	[bflag:$0x3] =	sbarrier.arrive $0xFFFF  }
0x101: {  	_ =	shalt  }

// kernel: kernel.18.cloned.1.call-start
scs
__scs_entry_jumppad:
0x0: {  	(pc) =	sbr.rel $0x88, $3  }
0x1: {  	(tag) =	ssettag $0x0;
	lr =	simm.s32 $0x1  }
0x2: {  	[smem:$0x3F92] =	sst lr;
	_ =	strace $0xD0000000  }
0x3: {  	_ = 	snop  }
0x4: {  	_ = 	snop  }
0x5: {  	_ = 	snop  }
0x6: {  	_ = 	snop  }
0x7: {  	_ = 	snop  }
__scs_overlays_trampoline_lowered:
0x8: {  	[smem:$0x3FA1] =	sst s0  }
0x9: {  	[smem:$0x3FA2] =	sst s1  }
0xa: {  	[smem:$0x3FA3] =	sst s2  }
0xb: {  	[smem:$0x3FA4] =	sst s3  }
0xc: {  	[smem:$0x3FA5] =	sst s4  }
0xd: {  	[smem:$0x3FA6] =	sst s5  }
0xe: {  	[smem:$0x3FA7] =	sst s6  }
0xf: {  	[smem:$0x3FA8] =	sst s7  }
0x10: {  	[smem:$0x3FA9] =	sst s8  }
0x11: {  	[smem:$0x3FAA] =	sst s9;
	s0 =	simm.s32 @!p0 $0x0  }
0x12: {  	s1 =	sld [smem:$0x3F90];
	s0 =	simm.s32 @p0 $0x1  }
0x13: {  	[smem:$0x3FAB] =	sst s0;
	s0 =	simm.s32 @!p1 $0x0  }
0x14: {  	s2 =	sld [smem:$0x3F8F];
	s0 =	simm.s32 @p1 $0x1  }
0x15: {  	[smem:$0x3FAC] =	sst s0;
	s0 =	simm.s32 @!p2 $0x0  }
0x16: {  	s3 =	sld [smem:$0x3FDB];
	s0 =	simm.s32 @p2 $0x1  }
0x17: {  	s4 =	simm.s32 $0x1BF5;
	[smem:$0x3FAE] =	sst s0  }
0x18: {  	s0 =	sld [smem:$0x3F91];
	_ =	swait.ge [sflag:s4], $0x0  }
0x19: {  	s7 =	sld [smem:$0x3F92]  }
0x1a: {  	s8 =	sadd.s32 $0xFFFFE003, lr  }
0x1b: {  	s9 =	sadd.s32 $0xFFFFFEF7, lr;
	s5 =	simm.s32 $0xFFFFFFFF;
	p2 =	slt.u32 s8, $0xFFFFF086  }
0x1c: {  	p1 =	slt.u32 s9, $0xF7A;
	s5 =	simm.s32 @!p2 $0x0  }
0x1d: {  	s5 =	simm.s32 @p1 $0x1;
	p0 =	seq.s32 s7, s2  }
0x1e: {  	s7 =	smul.u32 @!p0 $0xF7A, s2;
	p2 =	seq.s32 @!p0 s5, $0x0  }
0x1f: {  	s9 =	smul.u32 $0xF7A, s1;
	s8 =	simm.s32 @!p0 $0x1BF5;
	p2 =	por !p2, p0  }
0x20: {  	[sflag:s8] =	ssyncset.s32 @!p0 $0xFFFFF086;
	s6 =	sadd.s32 @!p0 s3, s7;
	s7 =	simm.s32 @!p0 $0x108  }
0x21: {  	s3 =	sadd.s32 s3, s9;
	s6 =	sadd.s32 @!p0 $0x88, s6;
	s7 =	simm.s32 @p2 $0x1082  }
0x22: {  	[simem:s7], [sflag:s8] =	dma.local @!p0 [hbm:s6], $0xF7A  }
0x23: {  	s9 =	sor.u32 $0xD0000000, s2;
	s6 =	simm.s32 $0x108;
	_ =	swait.ge @!p0 [sflag:s8], $0x0  }
0x24: {  	s3 =	sadd.s32 $0x88, s3;
	s6 =	simm.s32 @!p1 $0x1082;
	[sflag:s4] =	ssyncset.s32 $0xFFFFF086  }
0x25: {  	[simem:s6], [sflag:s4] =	dma.local [hbm:s3], $0xF7A  }
0x26: {  	[smem:$0x3F92] =	sst s1;
	(tag) =	ssettag s2;
	_ =	strace s9  }
0x27: {  	s1 =	sld [smem:$0x3FA2]  }
0x28: {  	s2 =	sld [smem:$0x3FA3]  }
0x29: {  	s4 =	sld [smem:$0x3FA5]  }
0x2a: {  	p0 =	seq.s32 s5, $0x0;
	s5 =	sld [smem:$0x3FA6]  }
0x2b: {  	s6 =	sld [smem:$0x3FA7]  }
0x2c: {  	s7 =	sld [smem:$0x3FA8]  }
0x2d: {  	s3 =	simm.s32 $0x108;
	s8 =	sld [smem:$0x3FA9]  }
0x2e: {  	s3 =	simm.s32 @!p0 $0x1082;
	s9 =	sld [smem:$0x3FAA]  }
0x2f: {  	lr =	sadd.s32 s0, s3;
	s0 =	sld [smem:$0x3FA1]  }
0x30: {  	s3 =	sld [smem:$0x3FA4]  }
0x31: {  	[smem:$0x3FAD] =	sst s10  }
0x32: {  	s10 =	sld [smem:$0x3FAB];
	_ =	sdelay $0x3  }
0x33: {  	p0 =	seq.s32 s10, $0x1;
	s10 =	sld [smem:$0x3FAD];
	_ =	sdelay $0x3  }
0x34: {  	[smem:$0x3FAD] =	sst s10  }
0x35: {  	s10 =	sld [smem:$0x3FAC];
	_ =	sdelay $0x3  }
0x36: {  	p1 =	seq.s32 s10, $0x1;
	s10 =	sld [smem:$0x3FAD];
	_ =	sdelay $0x3  }
0x37: {  	[smem:$0x3FAD] =	sst s10  }
0x38: {  	s10 =	sld [smem:$0x3FAE]  }
0x39: {  	_ = 	snop;
	(pc) =	sbr.ind lr, $3  }
0x3a: {  	_ = 	snop  }
0x3b: {  	_ = 	snop  }
0x3c: {  	p2 =	seq.s32 s10, $0x1;
	s10 =	sld [smem:$0x3FAD]  }
0x3d: {  	_ =	shalt  }
0x3e: {  	_ =	shalt  }
0x3f: {  	_ =	shalt  }
0x40: {  	_ =	shalt  }
0x41: {  	_ =	shalt  }
0x42: {  	_ =	shalt  }
0x43: {  	_ =	shalt  }
0x44: {  	_ =	shalt  }
0x45: {  	_ =	shalt  }
0x46: {  	_ =	shalt  }
0x47: {  	_ =	shalt  }
0x48: {  	_ =	shalt  }
0x49: {  	_ =	shalt  }
0x4a: {  	_ =	shalt  }
0x4b: {  	_ =	shalt  }
0x4c: {  	_ =	shalt  }
0x4d: {  	_ =	shalt  }
0x4e: {  	_ =	shalt  }
0x4f: {  	_ =	shalt  }
0x50: {  	_ =	shalt  }
0x51: {  	_ =	shalt  }
0x52: {  	_ =	shalt  }
0x53: {  	_ =	shalt  }
0x54: {  	_ =	shalt  }
0x55: {  	_ =	shalt  }
0x56: {  	_ =	shalt  }
0x57: {  	_ =	shalt  }
0x58: {  	_ =	shalt  }
0x59: {  	_ =	shalt  }
0x5a: {  	_ =	shalt  }
0x5b: {  	_ =	shalt  }
0x5c: {  	_ =	shalt  }
0x5d: {  	_ =	shalt  }
0x5e: {  	_ =	shalt  }
0x5f: {  	_ =	shalt  }
0x60: {  	_ =	shalt  }
0x61: {  	_ =	shalt  }
0x62: {  	_ =	shalt  }
0x63: {  	_ =	shalt  }
0x64: {  	_ =	shalt  }
0x65: {  	_ =	shalt  }
0x66: {  	_ =	shalt  }
0x67: {  	_ =	shalt  }
0x68: {  	_ =	shalt  }
0x69: {  	_ =	shalt  }
0x6a: {  	_ =	shalt  }
0x6b: {  	_ =	shalt  }
0x6c: {  	_ =	shalt  }
0x6d: {  	_ =	shalt  }
0x6e: {  	_ =	shalt  }
0x6f: {  	_ =	shalt  }
0x70: {  	_ =	shalt  }
0x71: {  	_ =	shalt  }
0x72: {  	_ =	shalt  }
0x73: {  	_ =	shalt  }
0x74: {  	_ =	shalt  }
0x75: {  	_ =	shalt  }
0x76: {  	_ =	shalt  }
0x77: {  	_ =	shalt  }
0x78: {  	_ =	shalt  }
0x79: {  	_ =	shalt  }
0x7a: {  	_ =	shalt  }
0x7b: {  	_ =	shalt  }
0x7c: {  	_ =	shalt  }
0x7d: {  	_ =	shalt  }
0x7e: {  	_ =	shalt  }
0x7f: {  	_ =	shalt  }
0x80: {  	_ =	shalt  }
0x81: {  	_ =	shalt  }
0x82: {  	_ =	shalt  }
0x83: {  	_ =	shalt  }
0x84: {  	_ =	shalt  }
0x85: {  	_ =	shalt  }
0x86: {  	_ =	shalt  }
0x87: {  	_ =	shalt  }
.Lfunc_end0:
.L_simem_size_0:
called_computation.3_lowered:
.L_overlay_start_0:
0x88: {  	s2 =	sld [smem:$0x3FD9]  }
0x89: {  	s3 =	sld [smem:$0x3FFE];
	_ =	sdelay $0x1  }
0x8a: {  	s1 =	srdreg.scid  }
0x8b: {  	s0 =	sand.u32 $0x1, s1  }
0x8c: {  	s17 =	sshll.u32 s0, $0xA;
	s2 =	sadd.s32 s3, s2  }
0x8d: {  	s2 =	sadd.s32 s2, s17  }
0x8e: {  	[smem:$0x3FB9] =	sst s2  }
0x8f: {  	_ = 	snop  }
0x90: {  	(tm) =	ssettm $0x1  }
0x91: {  	s18 =	sld [smem:$0x3FFB];
	_ =	sdelay $0x3  }
0x92: {  	_ =	strace s18  }
0x93: {  	s2 =	sld [smem:$0x3FFC];
	_ =	sdelay $0x3  }
0x94: {  	_ =	strace s2  }
0x95: {  	s2 =	sld [smem:$0x3FFD];
	_ =	sdelay $0x3  }
0x96: {  	_ =	strace s2  }
0x97: {  	_ =	strace $0x8FFFFFFF  }
0x98: {  	s19 =	sld [smem:$0x3FDB];
	_ =	sdelay $0x1  }
0x99: {  	s20 =	simm.s32 $_scs_section_size  }
0x9a: {  	s4 =	simm.s32 $_size__tile_overlayer_lowered;
	s5 =	simm.s32 $_tile_overlayer_lowered  }
0x9b: {  	s6 =	simm.s32 $0x1BFF;
	s21 =	sshll.u32 s5, $0x1;
	s3 =	sadd.s32 s20, s19  }
0x9c: {  	s22 =	simm.s32 $0x0;
	s4 =	sshll.u32 s4, $0x1;
	s5 =	sadd.s32 s21, s3  }
0x9d: {  	[timem:s22], [sflag:s6] =	dma.local [hbm:s5], s4  }
0x9e: {  	_ =	swait.ge [sflag:s6], s4  }
0x9f: {  	s4 =	ssub.s32 $0x0, s4;
	[sflag:s6] =	ssyncset.done $0x0  }
0xa0: {  	[sflag:s6] =	ssyncadd.s32 s4;
	_ =	sdelay $0x1  }
0xa1: {  	s23 =	simm.s32 $0x1B8B  }
0xa2: {  	_ =	swait.ge [sflag:s23], $0x1  }
0xa3: {  	[sflag:s23] =	ssyncset.done $0x0  }
0xa4: {  	[sflag:s23] =	ssyncadd.s32 $0xFFFFFFFF  }
0xa5: {  	s4 =	sld [smem:$0x0]  }
0xa6: {  	s5 =	sand.u32 $0xFFFFFFFE, s1  }
0xa7: {  	p0 =	sne.s32 s1, s5  }
0xa8: {  	s5 =	sshll.u32 @p0 s5, $0xE  }
0xa9: {  	s5 =	sadd.s32 @p0 $0x11B8D, s5;
	s6 =	sshll.u32 @p0 s4, $0x11  }
0xaa: {  	s5 =	sor.u32 @p0 s6, s5  }
0xab: {  	[sflag:s5] =	ssyncadd.remote.s32 @p0 $0x1;
	_ =	sdelay $0x1  }
0xac: {  	s5 =	simm.s32 @p0 $0x1B8D  }
0xad: {  	_ =	swait.eq @p0 [sflag:s5], $0x1  }
0xae: {  	[sflag:s5] =	ssyncadd.s32 @p0 $0xFFFFFFFF  }
0xaf: {  	s6 =	sshll.u32 @!p0 s1, $0xE  }
0xb0: {  	s6 =	sor.u32 @!p0 $0x4000, s6;
	s5 =	simm.s32 @!p0 $0x1B8D  }
0xb1: {  	s4 =	sshll.u32 @!p0 s4, $0x11;
	s6 =	sadd.s32 @!p0 $0x11B8D, s6;
	_ =	swait.eq @!p0 [sflag:s5], $0x1  }
0xb2: {  	s4 =	sor.u32 @!p0 s4, s6;
	[sflag:s5] =	ssyncadd.s32 @!p0 $0xFFFFFFFF  }
0xb3: {  	s25 =	simm.s32 $0x1B8E;
	s24 =	sld [smem:$0x3FFE];
	[sflag:s4] =	ssyncadd.remote.s32 @!p0 $0x1  }
0xb4: {  	s26 =	simm.s32 $execute0_lowered;
	[smem:$0x3FD2] =	sst s25  }
0xb5: {  	s5 =	sshll.u32 s26, $0x1;
	_ =	strace $0x8000004F;
	[dreg:$0x1] =	wrdreg $0xFFFFFFFF  }
0xb6: {  	s28 =	simm.s32 $_size_execute0_lowered;
	s3 =	sadd.s32 s3, s5;
	[dreg:$0x0] =	wrdreg $0x0  }
0xb7: {  	s5 =	sshll.u32 s28, $0x1;
	[dreg:$0x2] =	wrdreg s3  }
0xb8: {  	[dreg:$0x3] =	wrdreg s5  }
0xb9: {  	[dreg:$0x4] =	wrdreg $0xC0  }
0xba: {  	_ =	task [dreg:s22], $0x5FFFF  }
0xbb: {  	[dreg:$0x1] =	wrdreg $0xFFFFFFFF  }
0xbc: {  	[dreg:$0x0] =	wrdreg $0x60  }
0xbd: {  	[dreg:$0x2] =	wrdreg s24  }
0xbe: {  	[dreg:$0x3] =	wrdreg $0x8D000  }
0xbf: {  	[dreg:$0x4] =	wrdreg $0x12D000  }
0xc0: {  	[dreg:$0x5] =	wrdreg $0x9  }
0xc1: {  	_ =	task.clear_ibuf [dreg:s22], $0x6FFFF;
	_ =	strace $0x9000004F  }
0xc2: {  	s29 =	simm.s32 $0x9;
	_ =	strace $0x80000051  }
0xc3: {  	_ =	swait.ge [sflag:s29], $0x1  }
0xc4: {  	[sflag:s29] =	ssyncadd.s32 $0xFFFFFFFF  }
0xc5: {  	_ =	strace $0x90000051  }
0xc6: {  	_ =	sfence  }
0xc7: {  	s30 =	sld [smem:$0x0];
	_ =	sdelay $0x2  }
0xc8: {  	s31 =	sshll.u32 s1, $0xD;
	s1 =	sshrl.u32 s1, $0x2  }
0xc9: {  	s4 =	sand.u32 $0x4000, s31;
	s1 =	sadd.s32 s1, s30  }
0xca: {  	s0 =	sor.u32 s4, s0;
	s1 =	sshll.u32 s1, $0x11  }
0xcb: {  	s0 =	sor.u32 s1, s0  }
0xcc: {  	s0 =	sadd.s32 $0x8F2B, s0  }
0xcd: {  	[sflag:s0] =	ssyncadd.remote.s32 $0x1  }
0xce: {  	_ =	sfence.sel $0xFFFF  }
0xcf: {  	[dreg:$0x0] =	wrdreg $0xFFFFFFFF;
	(pc) =	sbr.abs _section_cstart, $3  }
0xd0: {  	[dreg:$0x1] =	wrdreg $0xFFFFFFFF  }
0xd1: {  	_ =	task.clear_ibuf [dreg:s22], $0x2FFFF;
	_ =	strace $0x9FFFFFFF  }
0xd2: {  	(tm) =	ssettm $0x7FFFFFFF  }
0xd3: {  	_ =	shalt  }
tec
execute0_lowered:
.L_overlay_start_1:
0x0: {  	(tag) =	ssettag $0x1  }
0x1: {  	s0 =	rddreg [dreg:$0x0]  }
0x2: {  	s2 =	rddreg [dreg:$0x1];
	s13 =	stileid.u32  }
0x3: {  	s1 =	srdreg.scid;
	s3 =	rddreg [dreg:$0x2]  }
0x4: {  	s4 =	simm.s32 $0x0;
	s28 =	simm.s32 $0x7900;
	s7 =	smul.u32 $0xA000, s13  }
0x5: {  	s29 =	simm.s32 $0x3;
	s30 =	simm.s32 $0x100;
	s6 =	smul.u32 $0x25800, s13  }
0x6: {  	s31 =	simm.s32 $0x2900;
	s1 =	sand.u32 $0x1, s1;
	s8 =	smul.u32 $0x4B0, s13  }
0x7: {  	[smem:$0x7FF] =	sst s4;
	s26 =	sadd.s32 $0x1388, s13;
	s5 =	smul.u32 $0xA0000, s1  }
0x8: {  	_ =	strace $0x80000050;
	s15 =	ssub.s32 $0x2, s1;
	s1 =	smul.u32 $0x1388, s1  }
0x9: {  	s9 =	sadd.s32 s6, s0;
	s8 =	sadd.s32 s8, s0;
	s16 =	sshrl.u32 s15, $0x1  }
0xa: {  	s11 =	sor.u32 $0x1400, s7;
	s6 =	sadd.s32 s7, s3;
	s17 =	sadd.s32 $0x2800, s7  }
0xb: {  	s18 =	sadd.s32 $0x3C00, s7;
	s21 =	sadd.s32 $0x5000, s7;
	s22 =	sadd.s32 $0x6400, s7  }
0xc: {  	s25 =	sadd.s32 $0x7800, s7;
	s5 =	sadd.s32 s7, s5;
	s12 =	sadd.s32 s11, s2  }
0xd: {  	s10 =	ssub.s32 s15, s16;
	s11 =	sadd.s32 s11, s3;
	[dreg:$0x4] =	wrdreg s12  }
0xe: {  	s14 =	sadd.s32 s17, s2;
	s19 =	sadd.s32 s18, s2;
	[dreg:$0x5] =	wrdreg s11  }
0xf: {  	s20 =	sadd.s32 s18, s3;
	s23 =	sadd.s32 s21, s2;
	[dreg:$0x6] =	wrdreg s14  }
0x10: {  	s24 =	sadd.s32 s22, s2;
	s16 =	sadd.s32 s22, s3;
	[dreg:$0x8] =	wrdreg s19  }
0x11: {  	s18 =	sadd.s32 s25, s3;
	v0 =	vmov s1;
	s1 =	simm.s32 $0x1;
	[dreg:$0x9] =	wrdreg s20  }
0x12: {  	s5 =	sshrl.u32 s5, $0x3;
	s11 =	sadd.s32 s17, s3;
	[dreg:$0xa] =	wrdreg s23  }
0x13: {  	[dreg:$0xc] =	wrdreg s24;
	s17 =	sadd.s32 s25, s2;
	s23 =	smax.u32 s10, $0x1  }
0x14: {  	s24 =	sadd.s32 $0xEA00, s8;
	s25 =	sadd.s32 $0x68800, s9;
	s12 =	sadd.s32 $0x69200, s9  }
0x15: {  	s8 =	simm.s32 $0x5100;
	s9 =	simm.s32 $0x2;
	s10 =	simm.s32 $0x0  }
0x16: {  	s0 =	sadd.s32 s5, s0;
	[dreg:$0x7] =	wrdreg s11;
	s11 =	sadd.s32 s21, s3  }
0x17: {  	s5 =	sadd.s32 s7, s2;
	s7 =	sadd.s32 $0x8C00, s7;
	[dreg:$0xb] =	wrdreg s11  }
0x18: {  	s19 =	sadd.s32 s7, s2;
	s20 =	sadd.s32 s7, s3;
	s21 =	sadd.s32 $0x2C0800, s0  }
0x19: {  	v2 =	vimm.f32 $0.0e+00;
	v3 =	vimm.f32 $1.000000000e+00;
	v1 =	vmov s26;
	s22 =	sadd.s32 $0x2E8800, s0;
	s0 =	simm.s32 $0x50;
	s7 =	simm.s32 $0x80  }
.LBB2_1:
0x1a: {  	s11 =	simm.s32 $0x0;
	s13 =	simm.s32 $0x0  }
.LBB2_2:
0x1b: {  	p0 =	sne.s32 s13, $0x4FC0  }
.Ltmp0:
0x1c: {  	_ = 	snop;
	(pc) =	sbr.rel @p0 .LBB2_2-.Ltmp0, $4  }
0x1d: {  	s14 =	sand.u32 $0x7E00, s13  }
0x1e: {  	s26 =	sand.u32 $0x70, s11;
	s14 =	sshrl.u32 s14, $0x2  }
0x1f: {  	s14 =	sor.u32 s26, s14  }
0x20: {  	s11 =	sadd.s32 $0x10, s11;
	s13 =	sadd.s32 $0x40, s13;
	[tilespmem:s14+$0x7900] =	vst v2  }
0x21: {  	s11 =	simm.s32 $0x0  }
0x22: {  	s13 =	sand.u32 $0xFE00, s11  }
0x23: {  	s14 =	sand.u32 $0x70, s11;
	s26 =	sshrl.u32 s13, $0x2  }
0x24: {  	s13 =	simm.s32 $0x40;
	s14 =	sor.u32 s14, s26  }
.LBB2_4:
0x25: {  	p0 =	sne.s32 s13, $0x9FC0  }
0x26: {  	[tilespmem:s14+$0x5100] =	vst v3;
	s11 =	sadd.s32 $0x10, s11;
	s14 =	smov.u32 s13;
	s13 =	sadd.s32 $0x40, s13  }
.Ltmp1:
0x27: {  	(pc) =	sbr.rel @p0 .LBB2_4-.Ltmp1, $4  }
0x28: {  	_ = 	snop  }
0x29: {  	s14 =	sand.u32 $0xFE00, s14  }
0x2a: {  	s26 =	sand.u32 $0x70, s11;
	s14 =	sshrl.u32 s14, $0x2  }
0x2b: {  	s14 =	sor.u32 s26, s14  }
0x2c: {  	[tilespmem:s14+$0x5100] =	vst v3  }
0x2d: {  	[spmem:s5] =	stream.linear.scatter [tilespmem:s28], [sflag:$0x3], $0x1400, $0x38;
	[tilespmem:$0x1CD00] =	vst v63  }
0x2e: {  	_ =	swait.ge [sflag:s29], $0x1400  }
0x2f: {  	[sflag:s29] =	ssyncset.done $0x0  }
0x30: {  	[sflag:s29] =	ssyncadd.s32 $0xFFFFEC00  }
0x31: {  	[spmem:s6] =	stream.linear.scatter [tilespmem:s28], [sflag:$0x3], $0x1400, $0x38;
	[tilespmem:$0x1CD00] =	vst v63  }
0x32: {  	_ =	swait.ge [sflag:s29], $0x1400  }
0x33: {  	[sflag:s29] =	ssyncset.done $0x0  }
0x34: {  	s11 =	rddreg [dreg:$0x4];
	[sflag:s29] =	ssyncadd.s32 $0xFFFFEC00  }
0x35: {  	[spmem:s11] =	stream.linear.scatter [tilespmem:s28], [sflag:$0x3], $0x1400, $0x38;
	[tilespmem:$0x1CD00] =	vst v63  }
0x36: {  	_ =	swait.ge [sflag:s29], $0x1400  }
0x37: {  	[sflag:s29] =	ssyncset.done $0x0  }
0x38: {  	s13 =	rddreg [dreg:$0x5];
	[sflag:s29] =	ssyncadd.s32 $0xFFFFEC00  }
0x39: {  	[spmem:s13] =	stream.linear.scatter [tilespmem:s28], [sflag:$0x3], $0x1400, $0x38;
	[tilespmem:$0x1CD00] =	vst v63  }
0x3a: {  	_ =	swait.ge [sflag:s29], $0x1400  }
0x3b: {  	[sflag:s29] =	ssyncset.done $0x0  }
0x3c: {  	s14 =	rddreg [dreg:$0x6];
	[sflag:s29] =	ssyncadd.s32 $0xFFFFEC00  }
0x3d: {  	[spmem:s14] =	stream.linear.scatter [tilespmem:s28], [sflag:$0x3], $0x1400, $0x38;
	[tilespmem:$0x1CD00] =	vst v63  }
0x3e: {  	_ =	swait.ge [sflag:s29], $0x1400  }
0x3f: {  	[sflag:s29] =	ssyncset.done $0x0  }
0x40: {  	s15 =	rddreg [dreg:$0x7];
	[sflag:s29] =	ssyncadd.s32 $0xFFFFEC00  }
0x41: {  	[spmem:s15] =	stream.linear.scatter [tilespmem:s28], [sflag:$0x3], $0x1400, $0x38;
	[tilespmem:$0x1CD00] =	vst v63  }
0x42: {  	_ =	swait.ge [sflag:s29], $0x1400  }
0x43: {  	[sflag:s29] =	ssyncset.done $0x0  }
0x44: {  	s26 =	rddreg [dreg:$0x8];
	[sflag:s29] =	ssyncadd.s32 $0xFFFFEC00  }
0x45: {  	[spmem:s26] =	stream.linear.scatter [tilespmem:s28], [sflag:$0x3], $0x1400, $0x38;
	[tilespmem:$0x1CD00] =	vst v63  }
0x46: {  	_ =	swait.ge [sflag:s29], $0x1400  }
0x47: {  	[sflag:s29] =	ssyncset.done $0x0  }
0x48: {  	s13 =	rddreg [dreg:$0x9];
	[sflag:s29] =	ssyncadd.s32 $0xFFFFEC00  }
0x49: {  	[spmem:s13] =	stream.linear.scatter [tilespmem:s28], [sflag:$0x3], $0x1400, $0x38;
	[tilespmem:$0x1CD00] =	vst v63  }
0x4a: {  	_ =	swait.ge [sflag:s29], $0x1400  }
0x4b: {  	[sflag:s29] =	ssyncset.done $0x0  }
0x4c: {  	s14 =	rddreg [dreg:$0xa];
	[sflag:s29] =	ssyncadd.s32 $0xFFFFEC00  }
0x4d: {  	[spmem:s14] =	stream.linear.scatter [tilespmem:s28], [sflag:$0x3], $0x1400, $0x38;
	[tilespmem:$0x1CD00] =	vst v63  }
0x4e: {  	_ =	swait.ge [sflag:s29], $0x1400  }
0x4f: {  	[sflag:s29] =	ssyncset.done $0x0  }
0x50: {  	s15 =	rddreg [dreg:$0xb];
	[sflag:s29] =	ssyncadd.s32 $0xFFFFEC00  }
0x51: {  	[spmem:s15] =	stream.linear.scatter [tilespmem:s28], [sflag:$0x3], $0x1400, $0x38;
	[tilespmem:$0x1CD00] =	vst v63  }
0x52: {  	_ =	swait.ge [sflag:s29], $0x1400  }
0x53: {  	[sflag:s29] =	ssyncset.done $0x0  }
0x54: {  	s26 =	rddreg [dreg:$0xc];
	[sflag:s29] =	ssyncadd.s32 $0xFFFFEC00  }
0x55: {  	[spmem:s26] =	stream.linear.scatter [tilespmem:s28], [sflag:$0x3], $0x1400, $0x38;
	[tilespmem:$0x1CD00] =	vst v63  }
0x56: {  	_ =	swait.ge [sflag:s29], $0x1400  }
0x57: {  	[sflag:s29] =	ssyncset.done $0x0  }
0x58: {  	[sflag:s29] =	ssyncadd.s32 $0xFFFFEC00  }
0x59: {  	[spmem:s16] =	stream.linear.scatter [tilespmem:s28], [sflag:$0x3], $0x1400, $0x38;
	[tilespmem:$0x1CD00] =	vst v63  }
0x5a: {  	_ =	swait.ge [sflag:s29], $0x1400  }
0x5b: {  	[sflag:s29] =	ssyncset.done $0x0  }
0x5c: {  	[sflag:s29] =	ssyncadd.s32 $0xFFFFEC00  }
0x5d: {  	[spmem:s17] =	stream.linear.scatter [tilespmem:s28], [sflag:$0x3], $0x1400, $0x38;
	[tilespmem:$0x1CD00] =	vst v63  }
0x5e: {  	_ =	swait.ge [sflag:s29], $0x1400  }
0x5f: {  	[sflag:s29] =	ssyncset.done $0x0  }
0x60: {  	[sflag:s29] =	ssyncadd.s32 $0xFFFFEC00  }
0x61: {  	[spmem:s18] =	stream.linear.scatter [tilespmem:s28], [sflag:$0x3], $0x1400, $0x38;
	[tilespmem:$0x1CD00] =	vst v63  }
0x62: {  	_ =	swait.ge [sflag:s29], $0x1400  }
0x63: {  	[sflag:s29] =	ssyncset.done $0x0  }
0x64: {  	[sflag:s29] =	ssyncadd.s32 $0xFFFFEC00  }
0x65: {  	[spmem:s19] =	stream.linear.scatter [tilespmem:s28], [sflag:$0x3], $0x1400, $0x38;
	[tilespmem:$0x1CD00] =	vst v63  }
0x66: {  	_ =	swait.ge [sflag:s29], $0x1400  }
0x67: {  	[sflag:s29] =	ssyncset.done $0x0  }
0x68: {  	[sflag:s29] =	ssyncadd.s32 $0xFFFFEC00  }
0x69: {  	[spmem:s20] =	stream.linear.scatter [tilespmem:s28], [sflag:$0x3], $0x1400, $0x38;
	[tilespmem:$0x1CD00] =	vst v63  }
0x6a: {  	_ =	swait.ge [sflag:s29], $0x1400  }
0x6b: {  	[sflag:s29] =	ssyncset.done $0x0  }
0x6c: {  	s13 =	simm.s32 $0x0;
	[sflag:s29] =	ssyncadd.s32 $0xFFFFEC00  }
0x6d: {  	[tilespmem:s30], [sflag:$0x1] =	stream.linear.gather [hbm4b:s25+s13], $0x2800, $0x38;
	[tilespmem:$0x1CD00] =	vst v63  }
0x6e: {  	s14 =	sadd.s32 $0xFFFFFB00, s12;
	s13 =	sadd.s32 $0x0, s24;
	[bflag:$0x0] =	sbarrier.arrive $0xFFFF  }
0x6f: {  	[tilespmem:s31], [sflag:$0x2] =	stream.linear.gather [hbm4b:s14+s4], $0x2800, $0x38;
	[tilespmem:$0x1CD00] =	vst v63  }
0x70: {  	s15 =	sadd.s32 $0x5140, s13  }
0x71: {  	[tilespmem:s4], [sflag:$0x3] =	stream.linear.gather [hbm4b:s15+s4], $0x50, $0x38;
	[tilespmem:$0x1CD00] =	vst v63  }
0x72: {  	_ =	swait.ge [sflag:s29], $0x50  }
0x73: {  	[sflag:s29] =	ssyncset.done $0x0  }
0x74: {  	[sflag:s29] =	ssyncadd.s32 $0xFFFFFFB0  }
0x75: {  	v4 =	vld [tilespmem:$0x20]  }
0x76: {  	v5 =	vld [tilespmem:$0x30]  }
0x77: {  	v6 =	vld [tilespmem:$0x10];
	_ =	sdelay $0x1  }
0x78: {  	v7 =	vld [tilespmem:$0x40]  }
0x79: {  	v8 =	vld [tilespmem:$0x0]  }
0x7a: {  	v4 =	vsub.s32 v4, v0  }
0x7b: {  	v5 =	vsub.s32 v5, v0;
	v6 =	vsub.s32 v6, v0;
	vm0 =	vlt.u32 v4, $0x1388  }
0x7c: {  	vm13 =	vlt.u32 v5, $0x1388;
	vm1 =	vlt.u32 v6, $0x1388;
	v4 =	vsel vm0, v4, v1  }
0x7d: {  	v6 =	vsel vm1, v6, v1;
	[tilespmem:$0xA0] =	vst v4;
	v4 =	vsel vm13, v5, v1;
	v5 =	vsub.s32 v7, v0  }
0x7e: {  	v63 =	vsub.s32 v8, v0;
	[tilespmem:$0x90] =	vst v6;
	vm14 =	vlt.u32 v5, $0x1388  }
0x7f: {  	vm15 =	vlt.u32 v63, $0x1388;
	[tilespmem:$0xB0] =	vst v4;
	v4 =	vsel vm14, v5, v1  }
0x80: {  	v5 =	vsel vm15, v63, v1;
	[tilespmem:$0xC0] =	vst v4  }
0x81: {  	[tilespmem:$0x80] =	vst v5  }
0x82: {  	_ =	swait.ge [sflag:s1], $0x2800  }
0x83: {  	[sflag:s1] =	ssyncset.done $0x0  }
0x84: {  	[sflag:s1] =	ssyncadd.s32 $0xFFFFD800  }
0x85: {  	[spmem:s2] =	stream.indirect.scatter.add.f32 [tilespmem:s30], [sflag:$0x3], $0x80, s7, s0, $0xb8;
	[tilespmem:$0x1CD00] =	vst v63  }
0x86: {  	_ =	swait.ge [sflag:s29], $0x2800  }
0x87: {  	[sflag:s29] =	ssyncset.done $0x0  }
0x88: {  	[sflag:s29] =	ssyncadd.s32 $0xFFFFD800  }
0x89: {  	[spmem:s3] =	stream.indirect.scatter.add.f32 [tilespmem:s8], [sflag:$0x3], $0x80, s7, s0, $0xb8;
	[tilespmem:$0x1CD00] =	vst v63  }
0x8a: {  	_ =	swait.ge [sflag:s29], $0x2800  }
0x8b: {  	p0 =	por $0x0, $0x0;
	[sflag:s29] =	ssyncset.done $0x0  }
0x8c: {  	s11 =	simm.s32 @!p0 $0x0;
	s14 =	simm.s32 @!p0 $0x100;
	[sflag:s29] =	ssyncadd.s32 $0xFFFFD800  }
0x8d: {  	[tilespmem:s14], [sflag:$0x1] =	stream.linear.gather @!p0 [hbm4b:s12+s11], $0x2800, $0x38;
	[tilespmem:$0x1CD00] =	vst v63  }
0x8e: {  	s26 =	sadd.s32 $0x514A, s13  }
0x8f: {  	[tilespmem:s4], [sflag:$0x3] =	stream.linear.gather [hbm4b:s26+s4], $0x50, $0x38;
	[tilespmem:$0x1CD00] =	vst v63  }
0x90: {  	_ =	swait.ge [sflag:s29], $0x50  }
0x91: {  	[sflag:s29] =	ssyncset.done $0x0  }
0x92: {  	s11 =	simm.s32 $0x14;
	s26 =	smov.u32 s12;
	[sflag:s29] =	ssyncadd.s32 $0xFFFFFFB0  }
.LBB2_6:
0x93: {  	v4 =	vld [tilespmem:$0x40];
	s26 =	sadd.s32 $0xA00, s26;
	s13 =	smov.u32 s11;
	s11 =	sadd.s32 $0x14, s11  }
0x94: {  	p0 =	sne.s32 s11, $0x4B0;
	v5 =	vld [tilespmem:$0x30]  }
0x95: {  	v6 =	vld [tilespmem:$0x20]  }
0x96: {  	v7 =	vld [tilespmem:$0x10]  }
0x97: {  	v8 =	vld [tilespmem:$0x0]  }
0x98: {  	v4 =	vsub.s32 v4, v0  }
0x99: {  	v5 =	vsub.s32 v5, v0;
	vm0 =	vlt.u32 v4, $0x1388  }
0x9a: {  	v6 =	vsub.s32 v6, v0;
	vm1 =	vlt.u32 v5, $0x1388;
	v4 =	vsel vm0, v4, v1  }
0x9b: {  	v7 =	vsub.s32 v7, v0;
	vm0 =	vlt.u32 v6, $0x1388;
	v5 =	vsel vm1, v5, v1;
	[tilespmem:$0xC0] =	vst v4  }
0x9c: {  	v4 =	vsub.s32 v8, v0;
	vm1 =	vlt.u32 v7, $0x1388;
	v6 =	vsel vm0, v6, v1;
	[tilespmem:$0xB0] =	vst v5  }
0x9d: {  	vm0 =	vlt.u32 v4, $0x1388;
	v5 =	vsel vm1, v7, v1;
	[tilespmem:$0xA0] =	vst v6  }
0x9e: {  	v4 =	vsel vm0, v4, v1;
	[tilespmem:$0x90] =	vst v5  }
0x9f: {  	[tilespmem:$0x80] =	vst v4  }
0xa0: {  	_ =	swait.ge [sflag:s9], $0x2800  }
0xa1: {  	[sflag:s9] =	ssyncset.done $0x0  }
0xa2: {  	[sflag:s9] =	ssyncadd.s32 $0xFFFFD800  }
0xa3: {  	[spmem:s2] =	stream.indirect.scatter.add.f32 [tilespmem:s31], [sflag:$0x3], $0x80, s7, s0, $0xb8;
	[tilespmem:$0x1CD00] =	vst v63  }
0xa4: {  	_ =	swait.ge [sflag:s29], $0x2800  }
0xa5: {  	[sflag:s29] =	ssyncset.done $0x0  }
0xa6: {  	[sflag:s29] =	ssyncadd.s32 $0xFFFFD800  }
0xa7: {  	[spmem:s3] =	stream.indirect.scatter.add.f32 [tilespmem:s8], [sflag:$0x3], $0x80, s7, s0, $0xb8;
	[tilespmem:$0x1CD00] =	vst v63  }
0xa8: {  	_ =	swait.ge [sflag:s29], $0x2800  }
0xa9: {  	[sflag:s29] =	ssyncset.done $0x0  }
0xaa: {  	s15 =	sadd.s32 $0xFFFFFB00, s26;
	s14 =	sadd.s32 s13, s24;
	[sflag:s29] =	ssyncadd.s32 $0xFFFFD800  }
0xab: {  	[tilespmem:s31], [sflag:$0x2] =	stream.linear.gather [hbm4b:s15+s4], $0x2800, $0x38;
	[tilespmem:$0x1CD00] =	vst v63  }
0xac: {  	s15 =	sadd.s32 $0x5140, s14  }
0xad: {  	[tilespmem:s4], [sflag:$0x3] =	stream.linear.gather [hbm4b:s15+s4], $0x50, $0x38;
	[tilespmem:$0x1CD00] =	vst v63  }
0xae: {  	_ =	swait.ge [sflag:s29], $0x50  }
0xaf: {  	[sflag:s29] =	ssyncset.done $0x0  }
0xb0: {  	[sflag:s29] =	ssyncadd.s32 $0xFFFFFFB0  }
0xb1: {  	v4 =	vld [tilespmem:$0x20]  }
0xb2: {  	v5 =	vld [tilespmem:$0x30]  }
0xb3: {  	v6 =	vld [tilespmem:$0x10]  }
0xb4: {  	v7 =	vld [tilespmem:$0x40]  }
0xb5: {  	v8 =	vld [tilespmem:$0x0]  }
0xb6: {  	v4 =	vsub.s32 v4, v0  }
0xb7: {  	vm0 =	vlt.u32 v4, $0x1388;
	v5 =	vsub.s32 v5, v0  }
0xb8: {  	v6 =	vsub.s32 v6, v0;
	v4 =	vsel vm0, v4, v1;
	vm0 =	vlt.u32 v5, $0x1388  }
0xb9: {  	vm1 =	vlt.u32 v6, $0x1388;
	[tilespmem:$0xA0] =	vst v4;
	v4 =	vsel vm0, v5, v1;
	v5 =	vsub.s32 v7, v0  }
0xba: {  	v7 =	vsub.s32 v8, v0;
	v6 =	vsel vm1, v6, v1;
	[tilespmem:$0xB0] =	vst v4;
	vm0 =	vlt.u32 v5, $0x1388  }
0xbb: {  	vm1 =	vlt.u32 v7, $0x1388;
	[tilespmem:$0x90] =	vst v6;
	v4 =	vsel vm0, v5, v1  }
0xbc: {  	v5 =	vsel vm1, v7, v1;
	[tilespmem:$0xC0] =	vst v4  }
0xbd: {  	[tilespmem:$0x80] =	vst v5  }
0xbe: {  	_ =	swait.ge [sflag:s1], $0x2800  }
0xbf: {  	[sflag:s1] =	ssyncset.done $0x0  }
0xc0: {  	[sflag:s1] =	ssyncadd.s32 $0xFFFFD800  }
0xc1: {  	[spmem:s2] =	stream.indirect.scatter.add.f32 [tilespmem:s30], [sflag:$0x3], $0x80, s7, s0, $0xb8;
	[tilespmem:$0x1CD00] =	vst v63  }
0xc2: {  	_ =	swait.ge [sflag:s29], $0x2800  }
0xc3: {  	[sflag:s29] =	ssyncset.done $0x0  }
0xc4: {  	[sflag:s29] =	ssyncadd.s32 $0xFFFFD800  }
0xc5: {  	[spmem:s3] =	stream.indirect.scatter.add.f32 [tilespmem:s8], [sflag:$0x3], $0x80, s7, s0, $0xb8;
	[tilespmem:$0x1CD00] =	vst v63  }
0xc6: {  	_ =	swait.ge [sflag:s29], $0x2800  }
0xc7: {  	p1 =	seq.s32 s13, $0x49C;
	[sflag:s29] =	ssyncset.done $0x0  }
0xc8: {  	s13 =	simm.s32 @!p1 $0x0;
	s15 =	simm.s32 @!p1 $0x100;
	[sflag:s29] =	ssyncadd.s32 $0xFFFFD800  }
0xc9: {  	[tilespmem:s15], [sflag:$0x1] =	stream.linear.gather @!p1 [hbm4b:s26+s13], $0x2800, $0x38;
	[tilespmem:$0x1CD00] =	vst v63  }
.Ltmp2:
0xca: {  	s13 =	sadd.s32 $0x514A, s14;
	(pc) =	sbr.rel @p0 .LBB2_6-.Ltmp2, $4  }
0xcb: {  	[tilespmem:s4], [sflag:$0x3] =	stream.linear.gather [hbm4b:s13+s4], $0x50, $0x38;
	[tilespmem:$0x1CD00] =	vst v63  }
0xcc: {  	_ =	swait.ge [sflag:s29], $0x50  }
0xcd: {  	[sflag:s29] =	ssyncset.done $0x0  }
0xce: {  	[sflag:s29] =	ssyncadd.s32 $0xFFFFFFB0  }
0xcf: {  	v4 =	vld [tilespmem:$0x40]  }
0xd0: {  	v5 =	vld [tilespmem:$0x30]  }
0xd1: {  	v6 =	vld [tilespmem:$0x20]  }
0xd2: {  	v7 =	vld [tilespmem:$0x10]  }
0xd3: {  	v8 =	vld [tilespmem:$0x0]  }
0xd4: {  	v4 =	vsub.s32 v4, v0  }
0xd5: {  	v5 =	vsub.s32 v5, v0;
	vm0 =	vlt.u32 v4, $0x1388  }
0xd6: {  	v6 =	vsub.s32 v6, v0;
	vm1 =	vlt.u32 v5, $0x1388;
	v4 =	vsel vm0, v4, v1  }
0xd7: {  	v7 =	vsub.s32 v7, v0;
	vm13 =	vlt.u32 v6, $0x1388;
	v5 =	vsel vm1, v5, v1;
	[tilespmem:$0xC0] =	vst v4  }
0xd8: {  	vm14 =	vlt.u32 v7, $0x1388;
	v6 =	vsel vm13, v6, v1;
	v4 =	vsub.s32 v8, v0;
	[tilespmem:$0xB0] =	vst v5  }
0xd9: {  	v5 =	vsel vm14, v7, v1;
	[tilespmem:$0xA0] =	vst v6;
	vm15 =	vlt.u32 v4, $0x1388  }
0xda: {  	[tilespmem:$0x90] =	vst v5;
	v4 =	vsel vm15, v4, v1  }
0xdb: {  	[tilespmem:$0x80] =	vst v4  }
0xdc: {  	_ =	swait.ge [sflag:s9], $0x2800  }
0xdd: {  	[sflag:s9] =	ssyncset.done $0x0  }
0xde: {  	[sflag:s9] =	ssyncadd.s32 $0xFFFFD800  }
0xdf: {  	[spmem:s2] =	stream.indirect.scatter.add.f32 [tilespmem:s31], [sflag:$0x3], $0x80, s7, s0, $0xb8;
	[tilespmem:$0x1CD00] =	vst v63  }
0xe0: {  	_ =	swait.ge [sflag:s29], $0x2800  }
0xe1: {  	[sflag:s29] =	ssyncset.done $0x0  }
0xe2: {  	[sflag:s29] =	ssyncadd.s32 $0xFFFFD800  }
0xe3: {  	[spmem:s3] =	stream.indirect.scatter.add.f32 [tilespmem:s8], [sflag:$0x3], $0x80, s7, s0, $0xb8;
	[tilespmem:$0x1CD00] =	vst v63  }
0xe4: {  	_ =	swait.ge [sflag:s29], $0x2800  }
0xe5: {  	s11 =	stileid.u32;
	[sflag:s29] =	ssyncset.done $0x0  }
0xe6: {  	s11 =	sshll.u32 s11, $0x6;
	[sflag:s29] =	ssyncadd.s32 $0xFFFFD800  }
0xe7: {  	s13 =	sshrl.u32 s5, $0x3;
	s11 =	sor.u32 $0x1C03, s11;
	[bflag:$0x0] =	sbarrier.arrive $0xFFFF  }
0xe8: {  	[hbm:s21], [sflag:s11] =	dma.local [spmem:s13], $0x1400  }
0xe9: {  	s10 =	sadd.s32 $0x1, s10;
	_ =	swait.ge [sflag:s29], $0x1400  }
0xea: {  	p0 =	sne.s32 s10, s23;
	[sflag:s29] =	ssyncset.done $0x0  }
.Ltmp3:
0xeb: {  	s26 =	sshrl.u32 s6, $0x3;
	[sflag:s29] =	ssyncadd.s32 $0xFFFFEC00;
	(pc) =	sbr.rel @p0 .LBB2_1-.Ltmp3, $4  }
0xec: {  	[hbm:s22], [sflag:s11] =	dma.local [spmem:s26], $0x1400  }
0xed: {  	_ =	swait.ge [sflag:s29], $0x1400  }
0xee: {  	[sflag:s29] =	ssyncset.done $0x0  }
0xef: {  	[sflag:s29] =	ssyncadd.s32 $0xFFFFEC00  }
0xf0: {  	_ =	sfence.sel $0x180000  }
0xf1: {  	[bflag:$0x0] =	sbarrier.arrive $0xFFFF  }
0xf2: {  	_ =	strace $0x90000050  }
0xf3: {  	s0 =	stileid.u32;
	[bflag:$0x2] =	sbarrier.arrive $0xFFFF  }
0xf4: {  	p0 =	sne.s32 s0, $0x0;
	s0 =	rddreg [dreg:$0x3]  }
0xf5: {  	s0 =	sadd.s32 @!p0 $0x100000, s0  }
0xf6: {  	[sflag:s0] =	ssyncadd.tile.s32 @!p0 $0x1;
	_ =	shalt  }
.Lfunc_end2:
_tile_overlayer_lowered:
.L_overlay_start_2:
0xf7: {  	(tag) =	ssettag $0x2  }
0xf8: {  	s0 =	rddreg [dreg:$0x0];
	s2 =	stileid.u32  }
0xf9: {  	s1 =	rddreg [dreg:$0x1];
	p0 =	sne.s32 s2, $0x0  }
0xfa: {  	s3 =	rddreg [dreg:$0x2];
	[bflag:$0x3] =	sbarrier.arrive $0xFFFF;
	s2 =	simm.s32 @!p0 $0x1C03  }
0xfb: {  	[timem:s3], [sflag:s2] =	dma.local @!p0 [hbm:s0], s1  }
0xfc: {  	s0 =	simm.s32 @!p0 $0x3  }
0xfd: {  	_ =	swait.ge @!p0 [sflag:s0], s1  }
0xfe: {  	s1 =	ssub.s32 @!p0 $0x0, s1;
	[sflag:s0] =	ssyncset.done @!p0 $0x0  }
0xff: {  	[sflag:s0] =	ssyncadd.s32 @!p0 s1  }
0x100: {  	[bflag:$0x3] =	sbarrier.arrive $0xFFFF  }
0x101: {  	_ =	shalt  }

// kernel: kernel.9.cloned.1.call-start
scs
__scs_entry_jumppad:
0x0: {  	(pc) =	sbr.rel $0x88, $3  }
0x1: {  	(tag) =	ssettag $0x0;
	lr =	simm.s32 $0x1  }
0x2: {  	[smem:$0x3F92] =	sst lr;
	_ =	strace $0xD0000000  }
0x3: {  	_ = 	snop  }
0x4: {  	_ = 	snop  }
0x5: {  	_ = 	snop  }
0x6: {  	_ = 	snop  }
0x7: {  	_ = 	snop  }
__scs_overlays_trampoline_lowered:
0x8: {  	[smem:$0x3FA1] =	sst s0  }
0x9: {  	[smem:$0x3FA2] =	sst s1  }
0xa: {  	[smem:$0x3FA3] =	sst s2  }
0xb: {  	[smem:$0x3FA4] =	sst s3  }
0xc: {  	[smem:$0x3FA5] =	sst s4  }
0xd: {  	[smem:$0x3FA6] =	sst s5  }
0xe: {  	[smem:$0x3FA7] =	sst s6  }
0xf: {  	[smem:$0x3FA8] =	sst s7  }
0x10: {  	[smem:$0x3FA9] =	sst s8  }
0x11: {  	[smem:$0x3FAA] =	sst s9;
	s0 =	simm.s32 @!p0 $0x0  }
0x12: {  	s1 =	sld [smem:$0x3F90];
	s0 =	simm.s32 @p0 $0x1  }
0x13: {  	[smem:$0x3FAB] =	sst s0;
	s0 =	simm.s32 @!p1 $0x0  }
0x14: {  	s2 =	sld [smem:$0x3F8F];
	s0 =	simm.s32 @p1 $0x1  }
0x15: {  	[smem:$0x3FAC] =	sst s0;
	s0 =	simm.s32 @!p2 $0x0  }
0x16: {  	s3 =	sld [smem:$0x3FDB];
	s0 =	simm.s32 @p2 $0x1  }
0x17: {  	s4 =	simm.s32 $0x1BF5;
	[smem:$0x3FAE] =	sst s0  }
0x18: {  	s0 =	sld [smem:$0x3F91];
	_ =	swait.ge [sflag:s4], $0x0  }
0x19: {  	s7 =	sld [smem:$0x3F92]  }
0x1a: {  	s8 =	sadd.s32 $0xFFFFE003, lr  }
0x1b: {  	s9 =	sadd.s32 $0xFFFFFEF7, lr;
	s5 =	simm.s32 $0xFFFFFFFF;
	p2 =	slt.u32 s8, $0xFFFFF086  }
0x1c: {  	p1 =	slt.u32 s9, $0xF7A;
	s5 =	simm.s32 @!p2 $0x0  }
0x1d: {  	s5 =	simm.s32 @p1 $0x1;
	p0 =	seq.s32 s7, s2  }
0x1e: {  	s7 =	smul.u32 @!p0 $0xF7A, s2;
	p2 =	seq.s32 @!p0 s5, $0x0  }
0x1f: {  	s9 =	smul.u32 $0xF7A, s1;
	s8 =	simm.s32 @!p0 $0x1BF5;
	p2 =	por !p2, p0  }
0x20: {  	[sflag:s8] =	ssyncset.s32 @!p0 $0xFFFFF086;
	s6 =	sadd.s32 @!p0 s3, s7;
	s7 =	simm.s32 @!p0 $0x108  }
0x21: {  	s3 =	sadd.s32 s3, s9;
	s6 =	sadd.s32 @!p0 $0x88, s6;
	s7 =	simm.s32 @p2 $0x1082  }
0x22: {  	[simem:s7], [sflag:s8] =	dma.local @!p0 [hbm:s6], $0xF7A  }
0x23: {  	s9 =	sor.u32 $0xD0000000, s2;
	s6 =	simm.s32 $0x108;
	_ =	swait.ge @!p0 [sflag:s8], $0x0  }
0x24: {  	s3 =	sadd.s32 $0x88, s3;
	s6 =	simm.s32 @!p1 $0x1082;
	[sflag:s4] =	ssyncset.s32 $0xFFFFF086  }
0x25: {  	[simem:s6], [sflag:s4] =	dma.local [hbm:s3], $0xF7A  }
0x26: {  	[smem:$0x3F92] =	sst s1;
	(tag) =	ssettag s2;
	_ =	strace s9  }
0x27: {  	s1 =	sld [smem:$0x3FA2]  }
0x28: {  	s2 =	sld [smem:$0x3FA3]  }
0x29: {  	s4 =	sld [smem:$0x3FA5]  }
0x2a: {  	p0 =	seq.s32 s5, $0x0;
	s5 =	sld [smem:$0x3FA6]  }
0x2b: {  	s6 =	sld [smem:$0x3FA7]  }
0x2c: {  	s7 =	sld [smem:$0x3FA8]  }
0x2d: {  	s3 =	simm.s32 $0x108;
	s8 =	sld [smem:$0x3FA9]  }
0x2e: {  	s3 =	simm.s32 @!p0 $0x1082;
	s9 =	sld [smem:$0x3FAA]  }
0x2f: {  	lr =	sadd.s32 s0, s3;
	s0 =	sld [smem:$0x3FA1]  }
0x30: {  	s3 =	sld [smem:$0x3FA4]  }
0x31: {  	[smem:$0x3FAD] =	sst s10  }
0x32: {  	s10 =	sld [smem:$0x3FAB];
	_ =	sdelay $0x3  }
0x33: {  	p0 =	seq.s32 s10, $0x1;
	s10 =	sld [smem:$0x3FAD];
	_ =	sdelay $0x3  }
0x34: {  	[smem:$0x3FAD] =	sst s10  }
0x35: {  	s10 =	sld [smem:$0x3FAC];
	_ =	sdelay $0x3  }
0x36: {  	p1 =	seq.s32 s10, $0x1;
	s10 =	sld [smem:$0x3FAD];
	_ =	sdelay $0x3  }
0x37: {  	[smem:$0x3FAD] =	sst s10  }
0x38: {  	s10 =	sld [smem:$0x3FAE]  }
0x39: {  	_ = 	snop;
	(pc) =	sbr.ind lr, $3  }
0x3a: {  	_ = 	snop  }
0x3b: {  	_ = 	snop  }
0x3c: {  	p2 =	seq.s32 s10, $0x1;
	s10 =	sld [smem:$0x3FAD]  }
0x3d: {  	_ =	shalt  }
0x3e: {  	_ =	shalt  }
0x3f: {  	_ =	shalt  }
0x40: {  	_ =	shalt  }
0x41: {  	_ =	shalt  }
0x42: {  	_ =	shalt  }
0x43: {  	_ =	shalt  }
0x44: {  	_ =	shalt  }
0x45: {  	_ =	shalt  }
0x46: {  	_ =	shalt  }
0x47: {  	_ =	shalt  }
0x48: {  	_ =	shalt  }
0x49: {  	_ =	shalt  }
0x4a: {  	_ =	shalt  }
0x4b: {  	_ =	shalt  }
0x4c: {  	_ =	shalt  }
0x4d: {  	_ =	shalt  }
0x4e: {  	_ =	shalt  }
0x4f: {  	_ =	shalt  }
0x50: {  	_ =	shalt  }
0x51: {  	_ =	shalt  }
0x52: {  	_ =	shalt  }
0x53: {  	_ =	shalt  }
0x54: {  	_ =	shalt  }
0x55: {  	_ =	shalt  }
0x56: {  	_ =	shalt  }
0x57: {  	_ =	shalt  }
0x58: {  	_ =	shalt  }
0x59: {  	_ =	shalt  }
0x5a: {  	_ =	shalt  }
0x5b: {  	_ =	shalt  }
0x5c: {  	_ =	shalt  }
0x5d: {  	_ =	shalt  }
0x5e: {  	_ =	shalt  }
0x5f: {  	_ =	shalt  }
0x60: {  	_ =	shalt  }
0x61: {  	_ =	shalt  }
0x62: {  	_ =	shalt  }
0x63: {  	_ =	shalt  }
0x64: {  	_ =	shalt  }
0x65: {  	_ =	shalt  }
0x66: {  	_ =	shalt  }
0x67: {  	_ =	shalt  }
0x68: {  	_ =	shalt  }
0x69: {  	_ =	shalt  }
0x6a: {  	_ =	shalt  }
0x6b: {  	_ =	shalt  }
0x6c: {  	_ =	shalt  }
0x6d: {  	_ =	shalt  }
0x6e: {  	_ =	shalt  }
0x6f: {  	_ =	shalt  }
0x70: {  	_ =	shalt  }
0x71: {  	_ =	shalt  }
0x72: {  	_ =	shalt  }
0x73: {  	_ =	shalt  }
0x74: {  	_ =	shalt  }
0x75: {  	_ =	shalt  }
0x76: {  	_ =	shalt  }
0x77: {  	_ =	shalt  }
0x78: {  	_ =	shalt  }
0x79: {  	_ =	shalt  }
0x7a: {  	_ =	shalt  }
0x7b: {  	_ =	shalt  }
0x7c: {  	_ =	shalt  }
0x7d: {  	_ =	shalt  }
0x7e: {  	_ =	shalt  }
0x7f: {  	_ =	shalt  }
0x80: {  	_ =	shalt  }
0x81: {  	_ =	shalt  }
0x82: {  	_ =	shalt  }
0x83: {  	_ =	shalt  }
0x84: {  	_ =	shalt  }
0x85: {  	_ =	shalt  }
0x86: {  	_ =	shalt  }
0x87: {  	_ =	shalt  }
.Lfunc_end0:
.L_simem_size_0:
called_computation_lowered:
.L_overlay_start_0:
0x88: {  	s2 =	sld [smem:$0x3FD9]  }
0x89: {  	s3 =	sld [smem:$0x3FFE];
	_ =	sdelay $0x1  }
0x8a: {  	s1 =	srdreg.scid  }
0x8b: {  	s0 =	sand.u32 $0x1, s1  }
0x8c: {  	s17 =	sshll.u32 s0, $0xA;
	s2 =	sadd.s32 s3, s2  }
0x8d: {  	s2 =	sadd.s32 s2, s17  }
0x8e: {  	[smem:$0x3FB9] =	sst s2  }
0x8f: {  	_ = 	snop  }
0x90: {  	s2 =	sld [smem:$0x3FC9];
	(tm) =	ssettm $0x1  }
0x91: {  	s18 =	sld [smem:$0x3FFB];
	_ =	sdelay $0x3  }
0x92: {  	_ =	strace s18  }
0x93: {  	s3 =	sld [smem:$0x3FFC];
	_ =	sdelay $0x3  }
0x94: {  	_ =	strace s3  }
0x95: {  	s3 =	sld [smem:$0x3FFD];
	_ =	sdelay $0x3  }
0x96: {  	_ =	strace s3  }
0x97: {  	_ =	strace $0x8FFFFFFF  }
0x98: {  	s19 =	sld [smem:$0x3FDB];
	_ =	sdelay $0x1  }
0x99: {  	s4 =	simm.s32 $_scs_section_size  }
0x9a: {  	s5 =	simm.s32 $_size__tile_overlayer_lowered;
	s6 =	simm.s32 $_tile_overlayer_lowered  }
0x9b: {  	s22 =	simm.s32 $0x1BFF;
	s21 =	sshll.u32 s6, $0x1;
	s3 =	sadd.s32 s4, s19  }
0x9c: {  	s7 =	simm.s32 $0x0;
	s20 =	sshll.u32 s5, $0x1;
	s5 =	sadd.s32 s21, s3  }
0x9d: {  	[timem:s7], [sflag:s22] =	dma.local [hbm:s5], s20  }
0x9e: {  	_ =	swait.ge [sflag:s22], s20  }
0x9f: {  	s4 =	ssub.s32 $0x0, s20;
	[sflag:s22] =	ssyncset.done $0x0  }
0xa0: {  	[sflag:s22] =	ssyncadd.s32 s4;
	_ =	sdelay $0x1  }
0xa1: {  	s23 =	simm.s32 $0x1B8B  }
0xa2: {  	_ =	swait.ge [sflag:s23], $0x1  }
0xa3: {  	[sflag:s23] =	ssyncset.done $0x0  }
0xa4: {  	s25 =	simm.s32 $0x1B8E;
	s24 =	sld [smem:$0x3FFE];
	[sflag:s23] =	ssyncadd.s32 $0xFFFFFFFF  }
0xa5: {  	s26 =	simm.s32 $execute0_lowered;
	[smem:$0x3FD2] =	sst s25  }
0xa6: {  	s5 =	sshll.u32 s26, $0x1;
	_ =	strace $0x80000046;
	[dreg:$0x1] =	wrdreg $0xFFFFFFFF  }
0xa7: {  	s28 =	simm.s32 $_size_execute0_lowered;
	s3 =	sadd.s32 s3, s5;
	[dreg:$0x0] =	wrdreg $0x0  }
0xa8: {  	s5 =	sshll.u32 s28, $0x1;
	[dreg:$0x2] =	wrdreg s3  }
0xa9: {  	[dreg:$0x3] =	wrdreg s5  }
0xaa: {  	[dreg:$0x4] =	wrdreg $0xC0  }
0xab: {  	_ =	task [dreg:s7], $0x5FFFF  }
0xac: {  	[dreg:$0x1] =	wrdreg $0xFFFFFFFF  }
0xad: {  	[dreg:$0x0] =	wrdreg $0x60  }
0xae: {  	[dreg:$0x2] =	wrdreg s2  }
0xaf: {  	[dreg:$0x3] =	wrdreg s24  }
0xb0: {  	[dreg:$0x4] =	wrdreg $0xA  }
0xb1: {  	_ =	task.clear_ibuf [dreg:s7], $0x5FFFF;
	_ =	strace $0x90000046  }
0xb2: {  	s29 =	simm.s32 $0xA;
	_ =	strace $0x80000048  }
0xb3: {  	_ =	swait.ge [sflag:s29], $0x1  }
0xb4: {  	[sflag:s29] =	ssyncadd.s32 $0xFFFFFFFF  }
0xb5: {  	_ =	strace $0x90000048  }
0xb6: {  	_ =	sfence  }
0xb7: {  	s30 =	sld [smem:$0x0];
	_ =	sdelay $0x2  }
0xb8: {  	s31 =	sshll.u32 s1, $0xD;
	s1 =	sshrl.u32 s1, $0x2  }
0xb9: {  	s3 =	sand.u32 $0x4000, s31;
	s1 =	sadd.s32 s1, s30  }
0xba: {  	s0 =	sor.u32 s3, s0;
	s1 =	sshll.u32 s1, $0x11  }
0xbb: {  	s0 =	sor.u32 s1, s0  }
0xbc: {  	s0 =	sadd.s32 $0x8F2B, s0  }
0xbd: {  	[sflag:s0] =	ssyncadd.remote.s32 $0x1  }
0xbe: {  	_ =	sfence.sel $0xFFFF  }
0xbf: {  	[dreg:$0x0] =	wrdreg $0xFFFFFFFF;
	(pc) =	sbr.abs _section_cstart, $3  }
0xc0: {  	[dreg:$0x1] =	wrdreg $0xFFFFFFFF  }
0xc1: {  	_ =	task.clear_ibuf [dreg:s7], $0x2FFFF;
	_ =	strace $0x9FFFFFFF  }
0xc2: {  	(tm) =	ssettm $0x7FFFFFFF  }
0xc3: {  	_ =	shalt  }
tec
execute0_lowered:
.L_overlay_start_1:
0x0: {  	(tag) =	ssettag $0x1  }
0x1: {  	s0 =	srdreg.scid;
	s2 =	rddreg [dreg:$0x0]  }
0x2: {  	s11 =	stileid.u32;
	s4 =	rddreg [dreg:$0x1]  }
0x3: {  	s3 =	simm.s32 $0x0;
	s15 =	simm.s32 $0x9;
	s16 =	simm.s32 $0x1480  }
0x4: {  	s17 =	simm.s32 $0x50;
	s18 =	simm.s32 $0x2900;
	s19 =	simm.s32 $0x5100  }
0x5: {  	s20 =	simm.s32 $0x7900;
	s28 =	simm.s32 $0x3;
	s29 =	simm.s32 $0x4  }
0x6: {  	s0 =	sand.u32 $0x1, s0;
	s1 =	sshll.u32 s11, $0x1;
	s25 =	smul.u32 $0x28A00, s11  }
0x7: {  	s1 =	sor.u32 s0, s1;
	s6 =	ssub.s32 $0x2, s0;
	s0 =	smul.u32 $0x14500, s0  }
0x8: {  	s30 =	simm.s32 $0x7;
	s31 =	simm.s32 $0x8;
	s5 =	smul.u32 $0x1450, s1  }
0x9: {  	[smem:$0x7FF] =	sst s3;
	s13 =	sadd.s32 $0x18800, s4;
	s7 =	smul.u32 $0xA2800, s1  }
0xa: {  	_ =	strace $0x80000047;
	s8 =	sshrl.u32 s6, $0x1;
	s1 =	smul.u32 $0x14500, s1  }
0xb: {  	s26 =	sadd.s32 s25, s13;
	s12 =	ssub.s32 s6, s8;
	s5 =	sshrl.u32 s5, $0x3  }
0xc: {  	s10 =	sshrl.u32 s7, $0x3;
	s23 =	sadd.s32 s13, s1;
	s12 =	smax.u32 s12, $0x1  }
0xd: {  	s5 =	sadd.s32 s5, s4;
	s4 =	sadd.s32 $0x2A2800, s4;
	s22 =	sadd.s32 $0x13B00, s10  }
0xe: {  	[dreg:$0x5] =	wrdreg s23;
	s24 =	sadd.s32 $0x14000, s10;
	s23 =	simm.s32 $0x1  }
0xf: {  	s21 =	sadd.s32 $0xEA00, s5;
	s5 =	sadd.s32 $0x4C00, s5;
	s1 =	sadd.s32 s4, s1  }
0x10: {  	s8 =	sadd.s32 s13, s22;
	s9 =	sadd.s32 s4, s22;
	s10 =	sadd.s32 s13, s24  }
0x11: {  	s11 =	sadd.s32 s4, s24;
	s4 =	sadd.s32 s25, s4;
	s13 =	sadd.s32 s0, s26  }
0x12: {  	s22 =	simm.s32 $0xA100;
	s24 =	simm.s32 $0x2;
	[dreg:$0x3] =	wrdreg s21  }
0x13: {  	s25 =	simm.s32 $0x5;
	s26 =	simm.s32 $0x6;
	[dreg:$0x4] =	wrdreg s5  }
0x14: {  	[dreg:$0x6] =	wrdreg s1;
	s14 =	sadd.s32 s0, s4;
	s21 =	simm.s32 $0x0  }
.LBB2_1:
0x15: {  	s0 =	rddreg [dreg:$0x3]  }
0x16: {  	[tilespmem:s3], [sflag:$0x9] =	stream.linear.gather [hbm4b:s0+s3], $0x1450, $0x38;
	[tilespmem:$0xC900] =	vst v63  }
0x17: {  	_ =	swait.ge [sflag:s15], $0x1450  }
0x18: {  	[sflag:s15] =	ssyncset.done $0x0  }
0x19: {  	s4 =	rddreg [dreg:$0x4];
	[sflag:s15] =	ssyncadd.s32 $0xFFFFEBB0  }
0x1a: {  	[tilespmem:s16], [sflag:$0x9] =	stream.linear.gather [hbm4b:s4+s3], $0x1450, $0x38;
	[tilespmem:$0xC900] =	vst v63  }
0x1b: {  	_ =	swait.ge [sflag:s15], $0x1450  }
0x1c: {  	[sflag:s15] =	ssyncset.done $0x0  }
0x1d: {  	[sflag:s15] =	ssyncadd.s32 $0xFFFFEBB0  }
0x1e: {  	[tilespmem:s18], [sflag:$0x1] =	stream.indirect.gather [hbm4b:s2+s17], $0x80, s3, s17, $0xb8;
	[tilespmem:$0xC900] =	vst v63  }
0x1f: {  	_ = 	snop  }
0x20: {  	[tilespmem:s19], [sflag:$0x2] =	stream.indirect.gather [hbm4b:s2+s17], $0x80, s16, s17, $0xb8;
	[tilespmem:$0xC900] =	vst v63  }
0x21: {  	_ = 	snop  }
0x22: {  	[tilespmem:s20], [sflag:$0x3] =	stream.indirect.gather [hbm4b:s2+s17], $0x80, s17, s17, $0xb8;
	[tilespmem:$0xC900] =	vst v63  }
0x23: {  	s5 =	simm.s32 $0x14D0  }
0x24: {  	[tilespmem:s22], [sflag:$0x4] =	stream.indirect.gather [hbm4b:s2+s17], $0x80, s5, s17, $0xb8;
	[tilespmem:$0xC900] =	vst v63  }
0x25: {  	_ =	swait.ge [sflag:s23], $0x2800  }
0x26: {  	[sflag:s23] =	ssyncset.done $0x0  }
0x27: {  	[sflag:s23] =	ssyncadd.s32 $0xFFFFD800  }
0x28: {  	_ =	swait.ge [sflag:s24], $0x2800  }
0x29: {  	[sflag:s24] =	ssyncset.done $0x0  }
0x2a: {  	s6 =	rddreg [dreg:$0x5];
	[sflag:s24] =	ssyncadd.s32 $0xFFFFD800  }
0x2b: {  	[hbm4b:s6+s3] =	stream.linear.scatter [tilespmem:s18], [sflag:$0x5], $0x2800, $0x38;
	[tilespmem:$0xC900] =	vst v63  }
0x2c: {  	s7 =	rddreg [dreg:$0x6]  }
0x2d: {  	[hbm4b:s7+s3] =	stream.linear.scatter [tilespmem:s19], [sflag:$0x6], $0x2800, $0x38;
	[tilespmem:$0xC900] =	vst v63  }
0x2e: {  	_ =	swait.ge [sflag:s25], $0x2800  }
0x2f: {  	[sflag:s25] =	ssyncset.done $0x0  }
0x30: {  	[sflag:s25] =	ssyncadd.s32 $0xFFFFD800  }
0x31: {  	_ =	swait.ge [sflag:s26], $0x2800  }
0x32: {  	[sflag:s26] =	ssyncset.done $0x0  }
0x33: {  	s1 =	simm.s32 $0xA0;
	[sflag:s26] =	ssyncadd.s32 $0xFFFFD800  }
0x34: {  	[tilespmem:s18], [sflag:$0x1] =	stream.indirect.gather [hbm4b:s2+s17], $0x80, s1, s17, $0xb8;
	[tilespmem:$0xC900] =	vst v63  }
0x35: {  	s4 =	simm.s32 $0x1520  }
0x36: {  	[tilespmem:s19], [sflag:$0x2] =	stream.indirect.gather [hbm4b:s2+s17], $0x80, s4, s17, $0xb8;
	[tilespmem:$0xC900] =	vst v63  }
0x37: {  	_ =	swait.ge [sflag:s28], $0x2800  }
0x38: {  	[sflag:s28] =	ssyncset.done $0x0  }
0x39: {  	[sflag:s28] =	ssyncadd.s32 $0xFFFFD800  }
0x3a: {  	_ =	swait.ge [sflag:s29], $0x2800  }
0x3b: {  	s0 =	sadd.s32 $0x0, s13;
	[sflag:s29] =	ssyncset.done $0x0  }
0x3c: {  	s1 =	sadd.s32 $0x500, s0;
	s4 =	sadd.s32 $0x0, s14;
	[sflag:s29] =	ssyncadd.s32 $0xFFFFD800  }
0x3d: {  	[hbm4b:s1+s3] =	stream.linear.scatter [tilespmem:s20], [sflag:$0x7], $0x2800, $0x38;
	[tilespmem:$0xC900] =	vst v63  }
0x3e: {  	s5 =	sadd.s32 $0x500, s4  }
0x3f: {  	[hbm4b:s5+s3] =	stream.linear.scatter [tilespmem:s22], [sflag:$0x8], $0x2800, $0x38;
	[tilespmem:$0xC900] =	vst v63  }
0x40: {  	_ =	swait.ge [sflag:s30], $0x2800  }
0x41: {  	[sflag:s30] =	ssyncset.done $0x0  }
0x42: {  	[sflag:s30] =	ssyncadd.s32 $0xFFFFD800  }
0x43: {  	_ =	swait.ge [sflag:s31], $0x2800  }
0x44: {  	[sflag:s31] =	ssyncset.done $0x0  }
0x45: {  	s6 =	simm.s32 $0xF0;
	[sflag:s31] =	ssyncadd.s32 $0xFFFFD800  }
0x46: {  	[tilespmem:s20], [sflag:$0x3] =	stream.indirect.gather [hbm4b:s2+s17], $0x80, s6, s17, $0xb8;
	[tilespmem:$0xC900] =	vst v63  }
0x47: {  	s7 =	simm.s32 $0x1570  }
0x48: {  	[tilespmem:s22], [sflag:$0x4] =	stream.indirect.gather [hbm4b:s2+s17], $0x80, s7, s17, $0xb8;
	[tilespmem:$0xC900] =	vst v63  }
0x49: {  	_ =	swait.ge [sflag:s23], $0x2800  }
0x4a: {  	[sflag:s23] =	ssyncset.done $0x0  }
0x4b: {  	[sflag:s23] =	ssyncadd.s32 $0xFFFFD800  }
0x4c: {  	_ =	swait.ge [sflag:s24], $0x2800  }
0x4d: {  	[sflag:s24] =	ssyncset.done $0x0  }
0x4e: {  	s0 =	sadd.s32 $0xA00, s0;
	s1 =	simm.s32 $0xA00;
	[sflag:s24] =	ssyncadd.s32 $0xFFFFD800  }
0x4f: {  	[hbm4b:s0+s3] =	stream.linear.scatter [tilespmem:s18], [sflag:$0x5], $0x2800, $0x38;
	[tilespmem:$0xC900] =	vst v63  }
0x50: {  	s5 =	sadd.s32 $0xA00, s4;
	s4 =	simm.s32 $0x1610;
	s0 =	simm.s32 $0x190  }
.LBB2_2:
0x51: {  	[hbm4b:s5+s3] =	stream.linear.scatter [tilespmem:s19], [sflag:$0x6], $0x2800, $0x38;
	[tilespmem:$0xC900] =	vst v63  }
0x52: {  	s5 =	smov.u32 s1  }
0x53: {  	p0 =	sne.s32 s1, $0x12C00;
	s1 =	sadd.s32 $0xA00, s1;
	_ =	swait.ge [sflag:s25], $0x2800  }
0x54: {  	[sflag:s25] =	ssyncset.done $0x0  }
0x55: {  	[sflag:s25] =	ssyncadd.s32 $0xFFFFD800  }
0x56: {  	_ =	swait.ge [sflag:s26], $0x2800  }
0x57: {  	[sflag:s26] =	ssyncset.done $0x0  }
0x58: {  	s6 =	sadd.s32 $0xFFFFFFB0, s0;
	[sflag:s26] =	ssyncadd.s32 $0xFFFFD800  }
0x59: {  	[tilespmem:s18], [sflag:$0x1] =	stream.indirect.gather [hbm4b:s2+s17], $0x80, s6, s17, $0xb8;
	[tilespmem:$0xC900] =	vst v63  }
0x5a: {  	s6 =	sadd.s32 $0xFFFFFFB0, s4  }
0x5b: {  	[tilespmem:s19], [sflag:$0x2] =	stream.indirect.gather [hbm4b:s2+s17], $0x80, s6, s17, $0xb8;
	[tilespmem:$0xC900] =	vst v63  }
0x5c: {  	_ =	swait.ge [sflag:s28], $0x2800  }
0x5d: {  	[sflag:s28] =	ssyncset.done $0x0  }
0x5e: {  	[sflag:s28] =	ssyncadd.s32 $0xFFFFD800  }
0x5f: {  	_ =	swait.ge [sflag:s29], $0x2800  }
0x60: {  	s6 =	sadd.s32 s5, s13;
	[sflag:s29] =	ssyncset.done $0x0  }
0x61: {  	s5 =	sadd.s32 s5, s14;
	s7 =	sadd.s32 $0x500, s6;
	[sflag:s29] =	ssyncadd.s32 $0xFFFFD800  }
0x62: {  	[hbm4b:s7+s3] =	stream.linear.scatter [tilespmem:s20], [sflag:$0x7], $0x2800, $0x38;
	[tilespmem:$0xC900] =	vst v63  }
0x63: {  	s7 =	sadd.s32 $0x500, s5  }
0x64: {  	[hbm4b:s7+s3] =	stream.linear.scatter [tilespmem:s22], [sflag:$0x8], $0x2800, $0x38;
	[tilespmem:$0xC900] =	vst v63  }
0x65: {  	_ =	swait.ge [sflag:s30], $0x2800  }
0x66: {  	[sflag:s30] =	ssyncset.done $0x0  }
0x67: {  	[sflag:s30] =	ssyncadd.s32 $0xFFFFD800  }
0x68: {  	_ =	swait.ge [sflag:s31], $0x2800  }
0x69: {  	[sflag:s31] =	ssyncset.done $0x0  }
0x6a: {  	[sflag:s31] =	ssyncadd.s32 $0xFFFFD800  }
0x6b: {  	[tilespmem:s20], [sflag:$0x3] =	stream.indirect.gather [hbm4b:s2+s17], $0x80, s0, s17, $0xb8;
	[tilespmem:$0xC900] =	vst v63  }
0x6c: {  	_ = 	snop  }
0x6d: {  	[tilespmem:s22], [sflag:$0x4] =	stream.indirect.gather [hbm4b:s2+s17], $0x80, s4, s17, $0xb8;
	[tilespmem:$0xC900] =	vst v63  }
0x6e: {  	_ =	swait.ge [sflag:s23], $0x2800  }
0x6f: {  	[sflag:s23] =	ssyncset.done $0x0  }
0x70: {  	[sflag:s23] =	ssyncadd.s32 $0xFFFFD800  }
.Ltmp0:
0x71: {  	_ =	swait.ge [sflag:s24], $0x2800;
	(pc) =	sbr.rel @p0 .LBB2_2-.Ltmp0, $4  }
0x72: {  	[sflag:s24] =	ssyncset.done $0x0  }
0x73: {  	s6 =	sadd.s32 $0xA00, s6;
	[sflag:s24] =	ssyncadd.s32 $0xFFFFD800  }
0x74: {  	[hbm4b:s6+s3] =	stream.linear.scatter [tilespmem:s18], [sflag:$0x5], $0x2800, $0x38;
	[tilespmem:$0xC900] =	vst v63  }
0x75: {  	s5 =	sadd.s32 $0xA00, s5;
	s0 =	sadd.s32 $0xA0, s0;
	s4 =	sadd.s32 $0xA0, s4  }
0x76: {  	[hbm4b:s5+s3] =	stream.linear.scatter [tilespmem:s19], [sflag:$0x6], $0x2800, $0x38;
	[tilespmem:$0xC900] =	vst v63  }
0x77: {  	_ =	swait.ge [sflag:s25], $0x2800  }
0x78: {  	[sflag:s25] =	ssyncset.done $0x0  }
0x79: {  	[sflag:s25] =	ssyncadd.s32 $0xFFFFD800  }
0x7a: {  	_ =	swait.ge [sflag:s26], $0x2800  }
0x7b: {  	[sflag:s26] =	ssyncset.done $0x0  }
0x7c: {  	s0 =	simm.s32 $0x1400;
	[sflag:s26] =	ssyncadd.s32 $0xFFFFD800  }
0x7d: {  	[tilespmem:s18], [sflag:$0x1] =	stream.indirect.gather [hbm4b:s2+s17], $0x80, s0, s17, $0xb8;
	[tilespmem:$0xC900] =	vst v63  }
0x7e: {  	s7 =	simm.s32 $0x2880  }
0x7f: {  	[tilespmem:s19], [sflag:$0x2] =	stream.indirect.gather [hbm4b:s2+s17], $0x80, s7, s17, $0xb8;
	[tilespmem:$0xC900] =	vst v63  }
0x80: {  	_ =	swait.ge [sflag:s28], $0x2800  }
0x81: {  	[sflag:s28] =	ssyncset.done $0x0  }
0x82: {  	[sflag:s28] =	ssyncadd.s32 $0xFFFFD800  }
0x83: {  	_ =	swait.ge [sflag:s29], $0x2800  }
0x84: {  	[sflag:s29] =	ssyncset.done $0x0  }
0x85: {  	[sflag:s29] =	ssyncadd.s32 $0xFFFFD800  }
0x86: {  	[hbm4b:s8+s3] =	stream.linear.scatter [tilespmem:s20], [sflag:$0x7], $0x2800, $0x38;
	[tilespmem:$0xC900] =	vst v63  }
0x87: {  	_ = 	snop  }
0x88: {  	[hbm4b:s9+s3] =	stream.linear.scatter [tilespmem:s22], [sflag:$0x8], $0x2800, $0x38;
	[tilespmem:$0xC900] =	vst v63  }
0x89: {  	_ =	swait.ge [sflag:s23], $0x2800  }
0x8a: {  	[sflag:s23] =	ssyncset.done $0x0  }
0x8b: {  	[sflag:s23] =	ssyncadd.s32 $0xFFFFD800  }
0x8c: {  	_ =	swait.ge [sflag:s24], $0x2800  }
0x8d: {  	[sflag:s24] =	ssyncset.done $0x0  }
0x8e: {  	[sflag:s24] =	ssyncadd.s32 $0xFFFFD800  }
0x8f: {  	[hbm4b:s10+s3] =	stream.linear.scatter [tilespmem:s18], [sflag:$0x5], $0x2800, $0x38;
	[tilespmem:$0xC900] =	vst v63  }
0x90: {  	_ = 	snop  }
0x91: {  	[hbm4b:s11+s3] =	stream.linear.scatter [tilespmem:s19], [sflag:$0x6], $0x2800, $0x38;
	[tilespmem:$0xC900] =	vst v63  }
0x92: {  	_ =	swait.ge [sflag:s30], $0x2800  }
0x93: {  	[sflag:s30] =	ssyncset.done $0x0  }
0x94: {  	[sflag:s30] =	ssyncadd.s32 $0xFFFFD800  }
0x95: {  	_ =	swait.ge [sflag:s31], $0x2800  }
0x96: {  	[sflag:s31] =	ssyncset.done $0x0  }
0x97: {  	s21 =	sadd.s32 $0x1, s21;
	[sflag:s31] =	ssyncadd.s32 $0xFFFFD800  }
0x98: {  	p0 =	sne.s32 s21, s12;
	_ =	swait.ge [sflag:s25], $0x2800  }
.Ltmp1:
0x99: {  	[sflag:s25] =	ssyncset.done $0x0;
	(pc) =	sbr.rel @p0 .LBB2_1-.Ltmp1, $4  }
0x9a: {  	[sflag:s25] =	ssyncadd.s32 $0xFFFFD800  }
0x9b: {  	_ =	swait.ge [sflag:s26], $0x2800  }
0x9c: {  	[sflag:s26] =	ssyncset.done $0x0  }
0x9d: {  	[sflag:s26] =	ssyncadd.s32 $0xFFFFD800  }
0x9e: {  	_ =	sfence.sel $0x180000  }
0x9f: {  	[bflag:$0x0] =	sbarrier.arrive $0xFFFF  }
0xa0: {  	_ =	strace $0x90000047  }
0xa1: {  	s0 =	stileid.u32;
	[bflag:$0x2] =	sbarrier.arrive $0xFFFF  }
0xa2: {  	p0 =	sne.s32 s0, $0x0;
	s0 =	rddreg [dreg:$0x2]  }
0xa3: {  	s0 =	sadd.s32 @!p0 $0x100000, s0  }
0xa4: {  	[sflag:s0] =	ssyncadd.tile.s32 @!p0 $0x1;
	_ =	shalt  }
.Lfunc_end2:
_tile_overlayer_lowered:
.L_overlay_start_2:
0xa5: {  	(tag) =	ssettag $0x2  }
0xa6: {  	s0 =	rddreg [dreg:$0x0];
	s2 =	stileid.u32  }
0xa7: {  	s1 =	rddreg [dreg:$0x1];
	p0 =	sne.s32 s2, $0x0  }
0xa8: {  	s3 =	rddreg [dreg:$0x2];
	[bflag:$0x3] =	sbarrier.arrive $0xFFFF;
	s2 =	simm.s32 @!p0 $0x1C09  }
0xa9: {  	[timem:s3], [sflag:s2] =	dma.local @!p0 [hbm:s0], s1  }
0xaa: {  	s0 =	simm.s32 @!p0 $0x9  }
0xab: {  	_ =	swait.ge @!p0 [sflag:s0], s1  }
0xac: {  	s1 =	ssub.s32 @!p0 $0x0, s1;
	[sflag:s0] =	ssyncset.done @!p0 $0x0  }
0xad: {  	[sflag:s0] =	ssyncadd.s32 @!p0 s1  }
0xae: {  	[bflag:$0x3] =	sbarrier.arrive $0xFFFF  }
0xaf: {  	_ =	shalt  }

</sc_bundles>
